<compile_context>
chip_gen: v7x
topology: tpu7x:2x2x1
jax: 0.10.2.dev20260603
libtpu: 0.0.44.dev20260713+nightly
codegen_flags: <defaults>
</compile_context>

<pallas_src>
import functools
import math

import jax
import jax.numpy as jnp
from jax import lax
from jax.experimental import pallas as pl
from jax.experimental.pallas import tpu as pltpu
from jax.experimental.pallas import tpu_sc as plsc

SIZE = 32000
PAD_IDX = 0
N_TOKENS = 4096

_SMOOTH = 0.1
_CONF = 1.0 - _SMOOTH
_EPS = _SMOOTH / (SIZE - 2)
_C_ROW = (SIZE - 2) * _EPS * math.log(_EPS) + _CONF * math.log(_CONF)

L = 16
NC = 2
NS = 16
NW = NC * NS

R_TC = 2560
SPT = (N_TOKENS - R_TC) // NW
NCH_S = SPT // L

_U = 16
_KITERS = SIZE // (L * _U)

_GDN = lax.GatherDimensionNumbers(
    offset_dims=(), collapsed_slice_dims=(0,), start_index_map=(0,))


def _bcast_lane(vec, lane):
    idx = jnp.full((L, 1), lane, jnp.int32)
    return lax.gather(vec, idx, _GDN, slice_sizes=(1,),
                      mode=lax.GatherScatterMode.PROMISE_IN_BOUNDS)



_BR = 64


def _tc_body(x_ref, t_ref, s_ref, g_ref, z_ref):
    xb = x_ref[...]
    tb = t_ref[...]
    colid = lax.broadcasted_iota(jnp.int32, (_BR, SIZE), 1)
    s_ref[...] = jnp.sum(xb, axis=1, keepdims=True)
    g_ref[...] = jnp.sum(jnp.where(colid == tb, xb, 0.0), axis=1,
                         keepdims=True)
    z_ref[...] = xb[:, 0:1]


def _tc_part(x, t2d):
    return pl.pallas_call(
        _tc_body,
        grid=(R_TC // _BR,),
        in_specs=[
            pl.BlockSpec((_BR, SIZE), lambda r: (r, 0)),
            pl.BlockSpec((_BR, 1), lambda r: (r, 0)),
        ],
        out_specs=[
            pl.BlockSpec((_BR, 1), lambda r: (r, 0)),
            pl.BlockSpec((_BR, 1), lambda r: (r, 0)),
            pl.BlockSpec((_BR, 1), lambda r: (r, 0)),
        ],
        out_shape=[
            jax.ShapeDtypeStruct((R_TC, 1), jnp.float32),
            jax.ShapeDtypeStruct((R_TC, 1), jnp.float32),
            jax.ShapeDtypeStruct((R_TC, 1), jnp.float32),
        ],
    )(x, t2d)




@functools.lru_cache(maxsize=1)
def _build_sc_loss():
    mesh = plsc.VectorSubcoreMesh(
        core_axis_name="c", subcore_axis_name="s",
        num_cores=NC, num_subcores=NS,
    )

    @functools.partial(
        pl.kernel,
        out_type=jax.ShapeDtypeStruct((NW, L), jnp.float32),
        mesh=mesh,
        scratch_types=[
            pltpu.VMEM((SPT,), jnp.int32),
            pltpu.VMEM((SPT,), jnp.float32),
            pltpu.VMEM((SIZE,), jnp.float32),
            pltpu.VMEM((SIZE,), jnp.float32),
            pltpu.VMEM((L,), jnp.float32),
            pltpu.SemaphoreType.DMA,
            pltpu.SemaphoreType.DMA,
        ],
    )
    def sc_loss(x_hbm, t_hbm, out_hbm,
                ts_v, mfs_v, buf0, buf1, acc_v, sem_b0, sem_b1):
        cid = lax.axis_index("c")
        sid = lax.axis_index("s")
        wid = cid * NS + sid
        sbase = R_TC + wid * SPT

        pltpu.sync_copy(t_hbm.at[pl.ds(sbase, SPT)], ts_v)
        for c in range(NCH_S):
            t = ts_v[pl.ds(c * L, L)]
            mfs_v[pl.ds(c * L, L)] = jnp.where(t != PAD_IDX, jnp.float32(1.0),
                                               jnp.float32(0.0))

        bufs = (buf0, buf1)
        sems = (sem_b0, sem_b1)
        iota = lax.iota(jnp.int32, L)

        def start_row(row, b):
            @pl.when(row < SPT)
            def _():
                pltpu.async_copy(x_hbm.at[sbase + row], bufs[b], sems[b])

        def wait_buf(b):
            pltpu.make_async_copy(x_hbm.at[0], bufs[b], sems[b]).wait()

        def reduce_row(b):
            def step(k, accs):
                new = list(accs)
                for u in range(_U):
                    v = bufs[b][pl.ds(k * (L * _U) + u * L, L)]
                    new[u % 4] = new[u % 4] + v
                return tuple(new)

            z = jnp.zeros((L,), jnp.float32)
            a0, a1, a2, a3 = lax.fori_loop(0, _KITERS, step, (z, z, z, z))
            return (a0 + a1) + (a2 + a3)

        start_row(0, 0)
        start_row(1, 1)

        def group(g, acc_s):
            mf = mfs_v[pl.ds(g * L, L)]
            tch = ts_v[pl.ds(g * L, L)]
            for i in range(L):
                b = i % 2
                wait_buf(b)
                rowacc = reduce_row(b)
                tj = tch[i]
                vbase = (tj >> 4) << 4
                lane = tj & (L - 1)
                vt = bufs[b][pl.ds(vbase, L)]
                v0 = bufs[b][pl.ds(0, L)]
                extra = (jnp.where(iota == lane,
                                   jnp.float32(_EPS - _CONF) * vt,
                                   jnp.float32(0.0))
                         + jnp.where(iota == 0,
                                     jnp.float32(_C_ROW)
                                     + jnp.float32(_EPS) * v0,
                                     jnp.float32(0.0)))
                start_row(g * L + i + 2, b)
                acc_s = acc_s + _bcast_lane(mf, i) * (
                    extra - jnp.float32(_EPS) * rowacc)
            return acc_s

        acc_s = lax.fori_loop(0, NCH_S, group, jnp.zeros((L,), jnp.float32))

        acc_v[...] = acc_s
        pltpu.sync_copy(acc_v, out_hbm.at[wid])

    return sc_loss




def _final_body(p_ref, s_ref, g_ref, z_ref, t_ref, o_ref):
    m = t_ref[...] != PAD_IDX
    contrib = (jnp.float32(_C_ROW)
               - jnp.float32(_EPS) * s_ref[...]
               + jnp.float32(_EPS) * z_ref[...]
               + jnp.float32(_EPS - _CONF) * g_ref[...])
    o_ref[0, 0] = (jnp.sum(p_ref[...])
                   + jnp.sum(jnp.where(m, contrib, 0.0)))


def _final_sum(partials, s, g, z, t2d):
    return pl.pallas_call(
        _final_body,
        out_specs=pl.BlockSpec(memory_space=pltpu.SMEM),
        out_shape=jax.ShapeDtypeStruct((1, 1), jnp.float32),
    )(partials, s, g, z, t2d)


@jax.jit
def kernel(x, target):
    tgt = target.astype(jnp.int32)
    t2d = tgt[:R_TC].reshape(R_TC, 1)
    partials = _build_sc_loss()(x, tgt)
    s, g, z = _tc_part(x, t2d)
    loss = _final_sum(partials, s, g, z, t2d)
    return loss[0, 0]

# --- scband reference (transcript-rebuilt; emitter-appended) ---
"""Pipeline reference for scband-label-smoothing-41008347742807 (READ-ONLY COPY).

The authoritative reference and input builder live on the scoring server;
editing this copy changes nothing except your own understanding.
"""

import jax, jax.numpy as jnp
import numpy as np

SIZE = 32000
PAD_IDX = 0
SMOOTHING = 0.1
CONFIDENCE = 1.0 - SMOOTHING
N_TOKENS = 4096


def setup_inputs(seed: int = 0) -> dict:
    key = jax.random.key(seed)
    k1, k2 = jax.random.split(key)
    x = jax.random.normal(k1, (N_TOKENS, SIZE), dtype=jnp.float32)
    target = jax.random.randint(k2, (N_TOKENS,), 0, SIZE, dtype=jnp.int64 if jax.config.jax_enable_x64 else jnp.int32)
    return {"x": x, "target": target}


def reference(x, target):
    # Build smoothed true distribution, mirroring the torch module exactly.
    true_dist = jnp.full(x.shape, SMOOTHING / (SIZE - 2), dtype=x.dtype)
    rows = jnp.arange(x.shape[0])
    # scatter_(1, target.unsqueeze(1), confidence)
    true_dist = true_dist.at[rows, target].set(CONFIDENCE)
    # true_dist[:, padding_idx] = 0
    true_dist = true_dist.at[:, PAD_IDX].set(0.0)
    # zero out rows where target == padding_idx (index_fill_ on nonzero mask)
    pad_rows = (target == PAD_IDX)
    true_dist = jnp.where(pad_rows[:, None], 0.0, true_dist)
    # nn.KLDivLoss(size_average=False): sum over all elements of
    #   target * (log(target) - input), with 0 contribution where target == 0
    loss = jnp.sum(jnp.where(true_dist > 0,
                             true_dist * (jnp.log(jnp.where(true_dist > 0, true_dist, 1.0)) - x),
                             0.0))
    return loss

if __name__ == "__main__":
    import jax
    _d = setup_inputs()
    print(jax.jit(kernel)(*tuple(_d.values())))

</pallas_src>

<mosaic_0001>
#map = affine_map<(d0, d1) -> (0, 0)>
#map1 = affine_map<(d0, d1) -> (0)>
module attributes {stable_mosaic.version = 14 : i64} {
  func.func @sc_loss(%arg0: i32, %arg1: i32, %arg2: memref<4096x32000xf32, #tpu.memory_space<hbm>>, %arg3: memref<4096xi32, #tpu.memory_space<hbm>>, %arg4: memref<32x16xf32, #tpu.memory_space<hbm>>, %arg5: memref<48xi32, #tpu.memory_space<vmem>>, %arg6: memref<48xf32, #tpu.memory_space<vmem>>, %arg7: memref<32000xf32, #tpu.memory_space<vmem>>, %arg8: memref<32000xf32, #tpu.memory_space<vmem>>, %arg9: memref<16xf32, #tpu.memory_space<vmem>>, %arg10: memref<!tpu.dma_semaphore, #tpu.memory_space<semaphore_mem>>, %arg11: memref<!tpu.dma_semaphore, #tpu.memory_space<semaphore_mem>>) attributes {dimension_semantics = [#tpu.dimension_semantics<core_parallel>, #tpu.dimension_semantics<subcore_parallel>], iteration_bounds = array<i64: 2, 16>, scalar_prefetch = 0 : i64, scratch_operands = 7 : i64, tpu.core_type = #tpu.core_type<sc_vector_subcore>, window_params = [{transform_indices = #map}, {transform_indices = #map1}, {transform_indices = #map}]} {
    %mul3A = arith.constant 16 : i32
    %mul3A_0 = arith.muli %arg0, %mul3A : i32
    %add3A = arith.addi %mul3A_0, %arg1 : i32
    %mul3A_1 = arith.constant 48 : i32
    %mul3A_2 = arith.muli %add3A, %mul3A_1 : i32
    %add3A_3 = arith.constant 2560 : i32
    %add3A_4 = arith.addi %add3A_3, %mul3A_2 : i32
    "tpu.region"() ({
      %run_scoped3A = tpu.sem_alloc : memref<!tpu.dma_semaphore, #tpu.memory_space<semaphore_mem>>
      %dma_start3A_70 = tpu.memref_slice %arg3[%add3A_4] : memref<4096xi32, #tpu.memory_space<hbm>> -> memref<48xi32, #tpu.memory_space<hbm>>
      %dma_start3A_71 = tpu.memref_slice %arg3[%add3A_4] : memref<4096xi32, #tpu.memory_space<hbm>> -> memref<48xi32, #tpu.memory_space<hbm>>
      tpu.enqueue_dma source(%dma_start3A_71 : memref<48xi32, #tpu.memory_space<hbm>>) target(%arg5 : memref<48xi32, #tpu.memory_space<vmem>>) target_semaphore(%run_scoped3A : memref<!tpu.dma_semaphore, #tpu.memory_space<semaphore_mem>>)
      %dma_wait3A = tpu.memref_slice %arg3[%add3A_4] : memref<4096xi32, #tpu.memory_space<hbm>> -> memref<48xi32, #tpu.memory_space<hbm>>
      %dma_wait3A_72 = tpu.memref_slice %arg3[%add3A_4] : memref<4096xi32, #tpu.memory_space<hbm>> -> memref<48xi32, #tpu.memory_space<hbm>>
      tpu.wait_dma2 semaphore(%run_scoped3A : memref<!tpu.dma_semaphore, #tpu.memory_space<semaphore_mem>>) src(%dma_wait3A_72 : memref<48xi32, #tpu.memory_space<hbm>>) dst(%arg5 : memref<48xi32, #tpu.memory_space<vmem>>)
      tpu.yield
    }) : () -> ()
    %get3A = arith.constant 0 : index
    %get3A_5 = tpu.vector_load %arg5[%get3A] {strides = array<i32>} : memref<48xi32, #tpu.memory_space<vmem>>, vector<16xi32>,
    %get3A_6 = vector.shape_cast %get3A_5 : vector<16xi32> to vector<16xi32>
    %ne3A = arith.constant 0 : i32
    %ne3A_7 = vector.broadcast %ne3A : i32 to vector<16xi32>
    %ne3A_8 = arith.cmpi ne, %get3A_6, %ne3A_7 : vector<16xi32>
    %jit3A = arith.constant 1.000000e+00 : f32
    %jit3A_9 = arith.constant 0.000000e+00 : f32
    %broadcast_in_dim3A = vector.broadcast %jit3A : f32 to vector<16xf32>
    %broadcast_in_dim3A_10 = vector.broadcast %jit3A_9 : f32 to vector<16xf32>
    %select_n3A = arith.select %ne3A_8, %broadcast_in_dim3A, %broadcast_in_dim3A_10 : vector<16xi1>, vector<16xf32>
    %swap3A = arith.constant 0 : index
    %swap3A_11 = tpu.vector_load %arg6[%swap3A] {strides = array<i32>} : memref<48xf32, #tpu.memory_space<vmem>>, vector<16xf32>,
    %swap3A_12 = vector.shape_cast %swap3A_11 : vector<16xf32> to vector<16xf32>
    %swap3A_13 = vector.shape_cast %select_n3A : vector<16xf32> to vector<16xf32>
    tpu.vector_store %arg6[%swap3A], %swap3A_13 {strides = array<i32>} : memref<48xf32, #tpu.memory_space<vmem>>, vector<16xf32>,
    %get3A_14 = arith.constant 16 : index
    %get3A_15 = tpu.vector_load %arg5[%get3A_14] {strides = array<i32>} : memref<48xi32, #tpu.memory_space<vmem>>, vector<16xi32>,
    %get3A_16 = vector.shape_cast %get3A_15 : vector<16xi32> to vector<16xi32>
    %ne3A_17 = arith.constant 0 : i32
    %ne3A_18 = vector.broadcast %ne3A_17 : i32 to vector<16xi32>
    %ne3A_19 = arith.cmpi ne, %get3A_16, %ne3A_18 : vector<16xi32>
    %jit3A_20 = arith.constant 1.000000e+00 : f32
    %jit3A_21 = arith.constant 0.000000e+00 : f32
    %broadcast_in_dim3A_22 = vector.broadcast %jit3A_20 : f32 to vector<16xf32>
    %broadcast_in_dim3A_23 = vector.broadcast %jit3A_21 : f32 to vector<16xf32>
    %select_n3A_24 = arith.select %ne3A_19, %broadcast_in_dim3A_22, %broadcast_in_dim3A_23 : vector<16xi1>, vector<16xf32>
    %swap3A_25 = arith.constant 16 : index
    %swap3A_26 = tpu.vector_load %arg6[%swap3A_25] {strides = array<i32>} : memref<48xf32, #tpu.memory_space<vmem>>, vector<16xf32>,
    %swap3A_27 = vector.shape_cast %swap3A_26 : vector<16xf32> to vector<16xf32>
    %swap3A_28 = vector.shape_cast %select_n3A_24 : vector<16xf32> to vector<16xf32>
    tpu.vector_store %arg6[%swap3A_25], %swap3A_28 {strides = array<i32>} : memref<48xf32, #tpu.memory_space<vmem>>, vector<16xf32>,
    %get3A_29 = arith.constant 32 : index
    %get3A_30 = tpu.vector_load %arg5[%get3A_29] {strides = array<i32>} : memref<48xi32, #tpu.memory_space<vmem>>, vector<16xi32>,
    %get3A_31 = vector.shape_cast %get3A_30 : vector<16xi32> to vector<16xi32>
    %ne3A_32 = arith.constant 0 : i32
    %ne3A_33 = vector.broadcast %ne3A_32 : i32 to vector<16xi32>
    %ne3A_34 = arith.cmpi ne, %get3A_31, %ne3A_33 : vector<16xi32>
    %jit3A_35 = arith.constant 1.000000e+00 : f32
    %jit3A_36 = arith.constant 0.000000e+00 : f32
    %broadcast_in_dim3A_37 = vector.broadcast %jit3A_35 : f32 to vector<16xf32>
    %broadcast_in_dim3A_38 = vector.broadcast %jit3A_36 : f32 to vector<16xf32>
    %select_n3A_39 = arith.select %ne3A_34, %broadcast_in_dim3A_37, %broadcast_in_dim3A_38 : vector<16xi1>, vector<16xf32>
    %swap3A_40 = arith.constant 32 : index
    %swap3A_41 = tpu.vector_load %arg6[%swap3A_40] {strides = array<i32>} : memref<48xf32, #tpu.memory_space<vmem>>, vector<16xf32>,
    %swap3A_42 = vector.shape_cast %swap3A_41 : vector<16xf32> to vector<16xf32>
    %swap3A_43 = vector.shape_cast %select_n3A_39 : vector<16xf32> to vector<16xf32>
    tpu.vector_store %arg6[%swap3A_40], %swap3A_43 {strides = array<i32>} : memref<48xf32, #tpu.memory_space<vmem>>, vector<16xf32>,
    %iota3A = tpu.iota {dimensions = array<i32: 0>} : vector<16xi32>
    %add3A_44 = arith.constant 0 : i32
    %add3A_45 = arith.addi %add3A_4, %add3A_44 : i32
    %dma_start3A = arith.constant 0 : i32
    %dma_start3A_46 = tpu.memref_slice %arg2[%add3A_45, %dma_start3A] : memref<4096x32000xf32, #tpu.memory_space<hbm>> -> memref<1x32000xf32, #tpu.memory_space<hbm>>
    %dma_start3A_47 = tpu.memref_squeeze %dma_start3A_46 : memref<1x32000xf32, #tpu.memory_space<hbm>> -> memref<32000xf32, #tpu.memory_space<hbm>>
    %dma_start3A_48 = arith.constant 0 : i32
    %dma_start3A_49 = tpu.memref_slice %arg2[%add3A_45, %dma_start3A_48] : memref<4096x32000xf32, #tpu.memory_space<hbm>> -> memref<1x32000xf32, #tpu.memory_space<hbm>>
    %dma_start3A_50 = tpu.memref_squeeze %dma_start3A_49 : memref<1x32000xf32, #tpu.memory_space<hbm>> -> memref<32000xf32, #tpu.memory_space<hbm>>
    tpu.enqueue_dma source(%dma_start3A_50 : memref<32000xf32, #tpu.memory_space<hbm>>) target(%arg7 : memref<32000xf32, #tpu.memory_space<vmem>>) target_semaphore(%arg10 : memref<!tpu.dma_semaphore, #tpu.memory_space<semaphore_mem>>)
    %add3A_51 = arith.constant 1 : i32
    %add3A_52 = arith.addi %add3A_4, %add3A_51 : i32
    %dma_start3A_53 = arith.constant 0 : i32
    %dma_start3A_54 = tpu.memref_slice %arg2[%add3A_52, %dma_start3A_53] : memref<4096x32000xf32, #tpu.memory_space<hbm>> -> memref<1x32000xf32, #tpu.memory_space<hbm>>
    %dma_start3A_55 = tpu.memref_squeeze %dma_start3A_54 : memref<1x32000xf32, #tpu.memory_space<hbm>> -> memref<32000xf32, #tpu.memory_space<hbm>>
    %dma_start3A_56 = arith.constant 0 : i32
    %dma_start3A_57 = tpu.memref_slice %arg2[%add3A_52, %dma_start3A_56] : memref<4096x32000xf32, #tpu.memory_space<hbm>> -> memref<1x32000xf32, #tpu.memory_space<hbm>>
    %dma_start3A_58 = tpu.memref_squeeze %dma_start3A_57 : memref<1x32000xf32, #tpu.memory_space<hbm>> -> memref<32000xf32, #tpu.memory_space<hbm>>
    tpu.enqueue_dma source(%dma_start3A_58 : memref<32000xf32, #tpu.memory_space<hbm>>) target(%arg8 : memref<32000xf32, #tpu.memory_space<vmem>>) target_semaphore(%arg11 : memref<!tpu.dma_semaphore, #tpu.memory_space<semaphore_mem>>)
    %broadcast_in_dim3A_59 = arith.constant 0.000000e+00 : f32
    %broadcast_in_dim3A_60 = vector.broadcast %broadcast_in_dim3A_59 : f32 to vector<16xf32>
    %scan3A = arith.constant 0 : i32
    %scan3A_61 = arith.constant 3 : i32
    %scan3A_62 = arith.addi %scan3A, %scan3A_61 : i32
    %scan3A_63 = arith.constant 1 : i32
    %scan3A_64 = scf.for %scan3A_70 = %scan3A to %scan3A_62 step %scan3A_63 iter_args(%scan3A_71 = %broadcast_in_dim3A_60) -> (vector<16xf32>)  : i32 {
      %mul3A_72 = arith.constant 16 : i32
      %mul3A_73 = arith.muli %scan3A_70, %mul3A_72 : i32
      %get3A_74 = arith.index_cast %mul3A_73 : i32 to index
      %get3A_75 = tpu.vector_load %arg6[%get3A_74] {strides = array<i32>} : memref<48xf32, #tpu.memory_space<vmem>>, vector<16xf32>,
      %get3A_76 = vector.shape_cast %get3A_75 : vector<16xf32> to vector<16xf32>
      %mul3A_77 = arith.constant 16 : i32
      %mul3A_78 = arith.muli %scan3A_70, %mul3A_77 : i32
      %get3A_79 = arith.index_cast %mul3A_78 : i32 to index
      %get3A_80 = tpu.vector_load %arg5[%get3A_79] {strides = array<i32>} : memref<48xi32, #tpu.memory_space<vmem>>, vector<16xi32>,
      %get3A_81 = vector.shape_cast %get3A_80 : vector<16xi32> to vector<16xi32>
      %dma_wait3A = arith.constant 0 : i32
      %dma_wait3A_82 = arith.constant 0 : i32
      %dma_wait3A_83 = tpu.memref_slice %arg2[%dma_wait3A, %dma_wait3A_82] : memref<4096x32000xf32, #tpu.memory_space<hbm>> -> memref<1x32000xf32, #tpu.memory_space<hbm>>
      %dma_wait3A_84 = tpu.memref_squeeze %dma_wait3A_83 : memref<1x32000xf32, #tpu.memory_space<hbm>> -> memref<32000xf32, #tpu.memory_space<hbm>>
      %dma_wait3A_85 = arith.constant 0 : i32
      %dma_wait3A_86 = tpu.memref_slice %arg2[%dma_wait3A, %dma_wait3A_85] : memref<4096x32000xf32, #tpu.memory_space<hbm>> -> memref<1x32000xf32, #tpu.memory_space<hbm>>
      %dma_wait3A_87 = tpu.memref_squeeze %dma_wait3A_86 : memref<1x32000xf32, #tpu.memory_space<hbm>> -> memref<32000xf32, #tpu.memory_space<hbm>>
      tpu.wait_dma2 semaphore(%arg10 : memref<!tpu.dma_semaphore, #tpu.memory_space<semaphore_mem>>) src(%dma_wait3A_87 : memref<32000xf32, #tpu.memory_space<hbm>>) dst(%arg7 : memref<32000xf32, #tpu.memory_space<vmem>>)
      %broadcast_in_dim3A_88 = arith.constant 0.000000e+00 : f32
      %broadcast_in_dim3A_89 = vector.broadcast %broadcast_in_dim3A_88 : f32 to vector<16xf32>
      %scan3A_90 = arith.constant 0 : i32
      %scan3A_91 = arith.constant 125 : i32
      %scan3A_92 = arith.addi %scan3A_90, %scan3A_91 : i32
      %scan3A_93 = arith.constant 1 : i32
      %scan3A_94:4 = scf.for %scan3A_1254 = %scan3A_90 to %scan3A_92 step %scan3A_93 iter_args(%scan3A_1255 = %broadcast_in_dim3A_89, %scan3A_1256 = %broadcast_in_dim3A_89, %scan3A_1257 = %broadcast_in_dim3A_89, %scan3A_1258 = %broadcast_in_dim3A_89) -> (vector<16xf32>, vector<16xf32>, vector<16xf32>, vector<16xf32>)  : i32 {
        %mul3A_1259 = arith.constant 256 : i32
        %mul3A_1260 = arith.muli %scan3A_1254, %mul3A_1259 : i32
        %add3A_1261 = arith.constant 0 : i32
        %add3A_1262 = arith.addi %mul3A_1260, %add3A_1261 : i32
        %get3A_1263 = arith.index_cast %add3A_1262 : i32 to index
        %get3A_1264 = tpu.vector_load %arg7[%get3A_1263] {strides = array<i32>} : memref<32000xf32, #tpu.memory_space<vmem>>, vector<16xf32>,
        %get3A_1265 = vector.shape_cast %get3A_1264 : vector<16xf32> to vector<16xf32>
        %add3A_1266 = arith.addf %scan3A_1255, %get3A_1265 : vector<16xf32>
        %mul3A_1267 = arith.constant 256 : i32
        %mul3A_1268 = arith.muli %scan3A_1254, %mul3A_1267 : i32
        %add3A_1269 = arith.constant 16 : i32
        %add3A_1270 = arith.addi %mul3A_1268, %add3A_1269 : i32
        %get3A_1271 = arith.index_cast %add3A_1270 : i32 to index
        %get3A_1272 = tpu.vector_load %arg7[%get3A_1271] {strides = array<i32>} : memref<32000xf32, #tpu.memory_space<vmem>>, vector<16xf32>,
        %get3A_1273 = vector.shape_cast %get3A_1272 : vector<16xf32> to vector<16xf32>
        %add3A_1274 = arith.addf %scan3A_1256, %get3A_1273 : vector<16xf32>
        %mul3A_1275 = arith.constant 256 : i32
        %mul3A_1276 = arith.muli %scan3A_1254, %mul3A_1275 : i32
        %add3A_1277 = arith.constant 32 : i32
        %add3A_1278 = arith.addi %mul3A_1276, %add3A_1277 : i32
        %get3A_1279 = arith.index_cast %add3A_1278 : i32 to index
        %get3A_1280 = tpu.vector_load %arg7[%get3A_1279] {strides = array<i32>} : memref<32000xf32, #tpu.memory_space<vmem>>, vector<16xf32>,
        %get3A_1281 = vector.shape_cast %get3A_1280 : vector<16xf32> to vector<16xf32>
        %add3A_1282 = arith.addf %scan3A_1257, %get3A_1281 : vector<16xf32>
        %mul3A_1283 = arith.constant 256 : i32
        %mul3A_1284 = arith.muli %scan3A_1254, %mul3A_1283 : i32
        %add3A_1285 = arith.constant 48 : i32
        %add3A_1286 = arith.addi %mul3A_1284, %add3A_1285 : i32
        %get3A_1287 = arith.index_cast %add3A_1286 : i32 to index
        %get3A_1288 = tpu.vector_load %arg7[%get3A_1287] {strides = array<i32>} : memref<32000xf32, #tpu.memory_space<vmem>>, vector<16xf32>,
        %get3A_1289 = vector.shape_cast %get3A_1288 : vector<16xf32> to vector<16xf32>
        %add3A_1290 = arith.addf %scan3A_1258, %get3A_1289 : vector<16xf32>
        %mul3A_1291 = arith.constant 256 : i32
        %mul3A_1292 = arith.muli %scan3A_1254, %mul3A_1291 : i32
        %add3A_1293 = arith.constant 64 : i32
        %add3A_1294 = arith.addi %mul3A_1292, %add3A_1293 : i32
        %get3A_1295 = arith.index_cast %add3A_1294 : i32 to index
        %get3A_1296 = tpu.vector_load %arg7[%get3A_1295] {strides = array<i32>} : memref<32000xf32, #tpu.memory_space<vmem>>, vector<16xf32>,
        %get3A_1297 = vector.shape_cast %get3A_1296 : vector<16xf32> to vector<16xf32>
        %add3A_1298 = arith.addf %add3A_1266, %get3A_1297 : vector<16xf32>
        %mul3A_1299 = arith.constant 256 : i32
        %mul3A_1300 = arith.muli %scan3A_1254, %mul3A_1299 : i32
        %add3A_1301 = arith.constant 80 : i32
        %add3A_1302 = arith.addi %mul3A_1300, %add3A_1301 : i32
        %get3A_1303 = arith.index_cast %add3A_1302 : i32 to index
        %get3A_1304 = tpu.vector_load %arg7[%get3A_1303] {strides = array<i32>} : memref<32000xf32, #tpu.memory_space<vmem>>, vector<16xf32>,
        %get3A_1305 = vector.shape_cast %get3A_1304 : vector<16xf32> to vector<16xf32>
        %add3A_1306 = arith.addf %add3A_1274, %get3A_1305 : vector<16xf32>
        %mul3A_1307 = arith.constant 256 : i32
        %mul3A_1308 = arith.muli %scan3A_1254, %mul3A_1307 : i32
        %add3A_1309 = arith.constant 96 : i32
        %add3A_1310 = arith.addi %mul3A_1308, %add3A_1309 : i32
        %get3A_1311 = arith.index_cast %add3A_1310 : i32 to index
        %get3A_1312 = tpu.vector_load %arg7[%get3A_1311] {strides = array<i32>} : memref<32000xf32, #tpu.memory_space<vmem>>, vector<16xf32>,
        %get3A_1313 = vector.shape_cast %get3A_1312 : vector<16xf32> to vector<16xf32>
        %add3A_1314 = arith.addf %add3A_1282, %get3A_1313 : vector<16xf32>
        %mul3A_1315 = arith.constant 256 : i32
        %mul3A_1316 = arith.muli %scan3A_1254, %mul3A_1315 : i32
        %add3A_1317 = arith.constant 112 : i32
        %add3A_1318 = arith.addi %mul3A_1316, %add3A_1317 : i32
        %get3A_1319 = arith.index_cast %add3A_1318 : i32 to index
        %get3A_1320 = tpu.vector_load %arg7[%get3A_1319] {strides = array<i32>} : memref<32000xf32, #tpu.memory_space<vmem>>, vector<16xf32>,
        %get3A_1321 = vector.shape_cast %get3A_1320 : vector<16xf32> to vector<16xf32>
        %add3A_1322 = arith.addf %add3A_1290, %get3A_1321 : vector<16xf32>
        %mul3A_1323 = arith.constant 256 : i32
        %mul3A_1324 = arith.muli %scan3A_1254, %mul3A_1323 : i32
        %add3A_1325 = arith.constant 128 : i32
        %add3A_1326 = arith.addi %mul3A_1324, %add3A_1325 : i32
        %get3A_1327 = arith.index_cast %add3A_1326 : i32 to index
        %get3A_1328 = tpu.vector_load %arg7[%get3A_1327] {strides = array<i32>} : memref<32000xf32, #tpu.memory_space<vmem>>, vector<16xf32>,
        %get3A_1329 = vector.shape_cast %get3A_1328 : vector<16xf32> to vector<16xf32>
        %add3A_1330 = arith.addf %add3A_1298, %get3A_1329 : vector<16xf32>
        %mul3A_1331 = arith.constant 256 : i32
        %mul3A_1332 = arith.muli %scan3A_1254, %mul3A_1331 : i32
        %add3A_1333 = arith.constant 144 : i32
        %add3A_1334 = arith.addi %mul3A_1332, %add3A_1333 : i32
        %get3A_1335 = arith.index_cast %add3A_1334 : i32 to index
        %get3A_1336 = tpu.vector_load %arg7[%get3A_1335] {strides = array<i32>} : memref<32000xf32, #tpu.memory_space<vmem>>, vector<16xf32>,
        %get3A_1337 = vector.shape_cast %get3A_1336 : vector<16xf32> to vector<16xf32>
        %add3A_1338 = arith.addf %add3A_1306, %get3A_1337 : vector<16xf32>
        %mul3A_1339 = arith.constant 256 : i32
        %mul3A_1340 = arith.muli %scan3A_1254, %mul3A_1339 : i32
        %add3A_1341 = arith.constant 160 : i32
        %add3A_1342 = arith.addi %mul3A_1340, %add3A_1341 : i32
        %get3A_1343 = arith.index_cast %add3A_1342 : i32 to index
        %get3A_1344 = tpu.vector_load %arg7[%get3A_1343] {strides = array<i32>} : memref<32000xf32, #tpu.memory_space<vmem>>, vector<16xf32>,
        %get3A_1345 = vector.shape_cast %get3A_1344 : vector<16xf32> to vector<16xf32>
        %add3A_1346 = arith.addf %add3A_1314, %get3A_1345 : vector<16xf32>
        %mul3A_1347 = arith.constant 256 : i32
        %mul3A_1348 = arith.muli %scan3A_1254, %mul3A_1347 : i32
        %add3A_1349 = arith.constant 176 : i32
        %add3A_1350 = arith.addi %mul3A_1348, %add3A_1349 : i32
        %get3A_1351 = arith.index_cast %add3A_1350 : i32 to index
        %get3A_1352 = tpu.vector_load %arg7[%get3A_1351] {strides = array<i32>} : memref<32000xf32, #tpu.memory_space<vmem>>, vector<16xf32>,
        %get3A_1353 = vector.shape_cast %get3A_1352 : vector<16xf32> to vector<16xf32>
        %add3A_1354 = arith.addf %add3A_1322, %get3A_1353 : vector<16xf32>
        %mul3A_1355 = arith.constant 256 : i32
        %mul3A_1356 = arith.muli %scan3A_1254, %mul3A_1355 : i32
        %add3A_1357 = arith.constant 192 : i32
        %add3A_1358 = arith.addi %mul3A_1356, %add3A_1357 : i32
        %get3A_1359 = arith.index_cast %add3A_1358 : i32 to index
        %get3A_1360 = tpu.vector_load %arg7[%get3A_1359] {strides = array<i32>} : memref<32000xf32, #tpu.memory_space<vmem>>, vector<16xf32>,
        %get3A_1361 = vector.shape_cast %get3A_1360 : vector<16xf32> to vector<16xf32>
        %add3A_1362 = arith.addf %add3A_1330, %get3A_1361 : vector<16xf32>
        %mul3A_1363 = arith.constant 256 : i32
        %mul3A_1364 = arith.muli %scan3A_1254, %mul3A_1363 : i32
        %add3A_1365 = arith.constant 208 : i32
        %add3A_1366 = arith.addi %mul3A_1364, %add3A_1365 : i32
        %get3A_1367 = arith.index_cast %add3A_1366 : i32 to index
        %get3A_1368 = tpu.vector_load %arg7[%get3A_1367] {strides = array<i32>} : memref<32000xf32, #tpu.memory_space<vmem>>, vector<16xf32>,
        %get3A_1369 = vector.shape_cast %get3A_1368 : vector<16xf32> to vector<16xf32>
        %add3A_1370 = arith.addf %add3A_1338, %get3A_1369 : vector<16xf32>
        %mul3A_1371 = arith.constant 256 : i32
        %mul3A_1372 = arith.muli %scan3A_1254, %mul3A_1371 : i32
        %add3A_1373 = arith.constant 224 : i32
        %add3A_1374 = arith.addi %mul3A_1372, %add3A_1373 : i32
        %get3A_1375 = arith.index_cast %add3A_1374 : i32 to index
        %get3A_1376 = tpu.vector_load %arg7[%get3A_1375] {strides = array<i32>} : memref<32000xf32, #tpu.memory_space<vmem>>, vector<16xf32>,
        %get3A_1377 = vector.shape_cast %get3A_1376 : vector<16xf32> to vector<16xf32>
        %add3A_1378 = arith.addf %add3A_1346, %get3A_1377 : vector<16xf32>
        %mul3A_1379 = arith.constant 256 : i32
        %mul3A_1380 = arith.muli %scan3A_1254, %mul3A_1379 : i32
        %add3A_1381 = arith.constant 240 : i32
        %add3A_1382 = arith.addi %mul3A_1380, %add3A_1381 : i32
        %get3A_1383 = arith.index_cast %add3A_1382 : i32 to index
        %get3A_1384 = tpu.vector_load %arg7[%get3A_1383] {strides = array<i32>} : memref<32000xf32, #tpu.memory_space<vmem>>, vector<16xf32>,
        %get3A_1385 = vector.shape_cast %get3A_1384 : vector<16xf32> to vector<16xf32>
        %add3A_1386 = arith.addf %add3A_1354, %get3A_1385 : vector<16xf32>
        scf.yield %add3A_1362, %add3A_1370, %add3A_1378, %add3A_1386 : vector<16xf32>, vector<16xf32>, vector<16xf32>, vector<16xf32>
      }
      %scan3A_95 = arith.constant 125 : i32
      %add3A_96 = arith.addf %scan3A_94#0, %scan3A_94#1 : vector<16xf32>
      %add3A_97 = arith.addf %scan3A_94#2, %scan3A_94#3 : vector<16xf32>
      %add3A_98 = arith.addf %add3A_96, %add3A_97 : vector<16xf32>
      %slice3A = vector.extract_strided_slice %get3A_81 {offsets = [0], sizes = [1], strides = [1]} : vector<16xi32> to vector<1xi32>
      %squeeze3A = vector.extract %slice3A[0] : i32 from vector<1xi32>
      %shift_right_arithmetic3A = arith.constant 4 : i32
      %shift_right_arithmetic3A_99 = arith.shrsi %squeeze3A, %shift_right_arithmetic3A : i32
      %shift_left3A = arith.constant 4 : i32
      %shift_left3A_100 = arith.shli %shift_right_arithmetic3A_99, %shift_left3A : i32
      %and3A = arith.constant 15 : i32
      %and3A_101 = arith.andi %squeeze3A, %and3A : i32
      %get3A_102 = arith.index_cast %shift_left3A_100 : i32 to index
      %get3A_103 = tpu.vector_load %arg7[%get3A_102] {strides = array<i32>} : memref<32000xf32, #tpu.memory_space<vmem>>, vector<16xf32>,
      %get3A_104 = vector.shape_cast %get3A_103 : vector<16xf32> to vector<16xf32>
      %get3A_105 = arith.constant 0 : index
      %get3A_106 = tpu.vector_load %arg7[%get3A_105] {strides = array<i32>} : memref<32000xf32, #tpu.memory_space<vmem>>, vector<16xf32>,
      %get3A_107 = vector.shape_cast %get3A_106 : vector<16xf32> to vector<16xf32>
      %eq3A = vector.broadcast %and3A_101 : i32 to vector<16xi32>
      %eq3A_108 = arith.cmpi eq, %iota3A, %eq3A : vector<16xi32>
      %mul3A_109 = arith.constant -0.899996876 : f32
      %mul3A_110 = vector.broadcast %mul3A_109 : f32 to vector<16xf32>
      %mul3A_111 = arith.mulf %mul3A_110, %get3A_104 : vector<16xf32>
      %jit3A_112 = arith.constant 0.000000e+00 : f32
      %broadcast_in_dim3A_113 = vector.broadcast %jit3A_112 : f32 to vector<16xf32>
      %select_n3A_114 = arith.select %eq3A_108, %mul3A_111, %broadcast_in_dim3A_113 : vector<16xi1>, vector<16xf32>
      %eq3A_115 = arith.constant 0 : i32
      %eq3A_116 = vector.broadcast %eq3A_115 : i32 to vector<16xi32>
      %eq3A_117 = arith.cmpi eq, %iota3A, %eq3A_116 : vector<16xi32>
      %mul3A_118 = arith.constant 3.12519524E-6 : f32
      %mul3A_119 = vector.broadcast %mul3A_118 : f32 to vector<16xf32>
      %mul3A_120 = arith.mulf %mul3A_119, %get3A_107 : vector<16xf32>
      %add3A_121 = arith.constant -1.3624258 : f32
      %add3A_122 = vector.broadcast %add3A_121 : f32 to vector<16xf32>
      %add3A_123 = arith.addf %add3A_122, %mul3A_120 : vector<16xf32>
      %jit3A_124 = arith.constant 0.000000e+00 : f32
      %broadcast_in_dim3A_125 = vector.broadcast %jit3A_124 : f32 to vector<16xf32>
      %select_n3A_126 = arith.select %eq3A_117, %add3A_123, %broadcast_in_dim3A_125 : vector<16xi1>, vector<16xf32>
      %add3A_127 = arith.addf %select_n3A_114, %select_n3A_126 : vector<16xf32>
      %mul3A_128 = arith.constant 16 : i32
      %mul3A_129 = arith.muli %scan3A_70, %mul3A_128 : i32
      %add3A_130 = arith.constant 0 : i32
      %add3A_131 = arith.addi %mul3A_129, %add3A_130 : i32
      %add3A_132 = arith.constant 2 : i32
      %add3A_133 = arith.addi %add3A_131, %add3A_132 : i32
      %lt3A = arith.constant 48 : i32
      %lt3A_134 = arith.cmpi slt, %add3A_133, %lt3A : i32
      %convert_element_type3A = arith.extui %lt3A_134 : i1 to i32
      %cond3A = arith.constant 0 : i32
      %cond3A_135 = arith.cmpi ne, %convert_element_type3A, %cond3A : i32
      scf.if %cond3A_135 {
        %add3A_1254 = arith.addi %add3A_4, %add3A_133 : i32
        %dma_start3A_1255 = arith.constant 0 : i32
        %dma_start3A_1256 = tpu.memref_slice %arg2[%add3A_1254, %dma_start3A_1255] : memref<4096x32000xf32, #tpu.memory_space<hbm>> -> memref<1x32000xf32, #tpu.memory_space<hbm>>
        %dma_start3A_1257 = tpu.memref_squeeze %dma_start3A_1256 : memref<1x32000xf32, #tpu.memory_space<hbm>> -> memref<32000xf32, #tpu.memory_space<hbm>>
        %dma_start3A_1258 = arith.constant 0 : i32
        %dma_start3A_1259 = tpu.memref_slice %arg2[%add3A_1254, %dma_start3A_1258] : memref<4096x32000xf32, #tpu.memory_space<hbm>> -> memref<1x32000xf32, #tpu.memory_space<hbm>>
        %dma_start3A_1260 = tpu.memref_squeeze %dma_start3A_1259 : memref<1x32000xf32, #tpu.memory_space<hbm>> -> memref<32000xf32, #tpu.memory_space<hbm>>
        tpu.enqueue_dma source(%dma_start3A_1260 : memref<32000xf32, #tpu.memory_space<hbm>>) target(%arg7 : memref<32000xf32, #tpu.memory_space<vmem>>) target_semaphore(%arg10 : memref<!tpu.dma_semaphore, #tpu.memory_space<semaphore_mem>>)
      } else {
      }
      %broadcast_in_dim3A_136 = arith.constant 0 : i32
      %broadcast_in_dim3A_137 = vector.broadcast %broadcast_in_dim3A_136 : i32 to vector<16x1xi32>
      %gather3A = vector.shape_cast %broadcast_in_dim3A_137 : vector<16x1xi32> to vector<16xi32>
      %gather3A_138 = tpu.dynamic_gather %get3A_76[%gather3A] in [0] : vector<16xf32>, vector<16xi32> -> vector<16xf32>
      %mul3A_139 = arith.constant 3.12519524E-6 : f32
      %mul3A_140 = vector.broadcast %mul3A_139 : f32 to vector<16xf32>
      %mul3A_141 = arith.mulf %mul3A_140, %add3A_98 : vector<16xf32>
      %sub3A = arith.subf %add3A_127, %mul3A_141 : vector<16xf32>
      %mul3A_142 = arith.mulf %gather3A_138, %sub3A : vector<16xf32>
      %add3A_143 = arith.addf %scan3A_71, %mul3A_142 : vector<16xf32>
      %dma_wait3A_144 = arith.constant 0 : i32
      %dma_wait3A_145 = arith.constant 0 : i32
      %dma_wait3A_146 = tpu.memref_slice %arg2[%dma_wait3A_144, %dma_wait3A_145] : memref<4096x32000xf32, #tpu.memory_space<hbm>> -> memref<1x32000xf32, #tpu.memory_space<hbm>>
      %dma_wait3A_147 = tpu.memref_squeeze %dma_wait3A_146 : memref<1x32000xf32, #tpu.memory_space<hbm>> -> memref<32000xf32, #tpu.memory_space<hbm>>
      %dma_wait3A_148 = arith.constant 0 : i32
      %dma_wait3A_149 = tpu.memref_slice %arg2[%dma_wait3A_144, %dma_wait3A_148] : memref<4096x32000xf32, #tpu.memory_space<hbm>> -> memref<1x32000xf32, #tpu.memory_space<hbm>>
      %dma_wait3A_150 = tpu.memref_squeeze %dma_wait3A_149 : memref<1x32000xf32, #tpu.memory_space<hbm>> -> memref<32000xf32, #tpu.memory_space<hbm>>
      tpu.wait_dma2 semaphore(%arg11 : memref<!tpu.dma_semaphore, #tpu.memory_space<semaphore_mem>>) src(%dma_wait3A_150 : memref<32000xf32, #tpu.memory_space<hbm>>) dst(%arg8 : memref<32000xf32, #tpu.memory_space<vmem>>)
      %broadcast_in_dim3A_151 = arith.constant 0.000000e+00 : f32
      %broadcast_in_dim3A_152 = vector.broadcast %broadcast_in_dim3A_151 : f32 to vector<16xf32>
      %scan3A_153 = arith.constant 0 : i32
      %scan3A_154 = arith.constant 125 : i32
      %scan3A_155 = arith.addi %scan3A_153, %scan3A_154 : i32
      %scan3A_156 = arith.constant 1 : i32
      %scan3A_157:4 = scf.for %scan3A_1254 = %scan3A_153 to %scan3A_155 step %scan3A_156 iter_args(%scan3A_1255 = %broadcast_in_dim3A_152, %scan3A_1256 = %broadcast_in_dim3A_152, %scan3A_1257 = %broadcast_in_dim3A_152, %scan3A_1258 = %broadcast_in_dim3A_152) -> (vector<16xf32>, vector<16xf32>, vector<16xf32>, vector<16xf32>)  : i32 {
        %mul3A_1259 = arith.constant 256 : i32
        %mul3A_1260 = arith.muli %scan3A_1254, %mul3A_1259 : i32
        %add3A_1261 = arith.constant 0 : i32
        %add3A_1262 = arith.addi %mul3A_1260, %add3A_1261 : i32
        %get3A_1263 = arith.index_cast %add3A_1262 : i32 to index
        %get3A_1264 = tpu.vector_load %arg8[%get3A_1263] {strides = array<i32>} : memref<32000xf32, #tpu.memory_space<vmem>>, vector<16xf32>,
        %get3A_1265 = vector.shape_cast %get3A_1264 : vector<16xf32> to vector<16xf32>
        %add3A_1266 = arith.addf %scan3A_1255, %get3A_1265 : vector<16xf32>
        %mul3A_1267 = arith.constant 256 : i32
        %mul3A_1268 = arith.muli %scan3A_1254, %mul3A_1267 : i32
        %add3A_1269 = arith.constant 16 : i32
        %add3A_1270 = arith.addi %mul3A_1268, %add3A_1269 : i32
        %get3A_1271 = arith.index_cast %add3A_1270 : i32 to index
        %get3A_1272 = tpu.vector_load %arg8[%get3A_1271] {strides = array<i32>} : memref<32000xf32, #tpu.memory_space<vmem>>, vector<16xf32>,
        %get3A_1273 = vector.shape_cast %get3A_1272 : vector<16xf32> to vector<16xf32>
        %add3A_1274 = arith.addf %scan3A_1256, %get3A_1273 : vector<16xf32>
        %mul3A_1275 = arith.constant 256 : i32
        %mul3A_1276 = arith.muli %scan3A_1254, %mul3A_1275 : i32
        %add3A_1277 = arith.constant 32 : i32
        %add3A_1278 = arith.addi %mul3A_1276, %add3A_1277 : i32
        %get3A_1279 = arith.index_cast %add3A_1278 : i32 to index
        %get3A_1280 = tpu.vector_load %arg8[%get3A_1279] {strides = array<i32>} : memref<32000xf32, #tpu.memory_space<vmem>>, vector<16xf32>,
        %get3A_1281 = vector.shape_cast %get3A_1280 : vector<16xf32> to vector<16xf32>
        %add3A_1282 = arith.addf %scan3A_1257, %get3A_1281 : vector<16xf32>
        %mul3A_1283 = arith.constant 256 : i32
        %mul3A_1284 = arith.muli %scan3A_1254, %mul3A_1283 : i32
        %add3A_1285 = arith.constant 48 : i32
        %add3A_1286 = arith.addi %mul3A_1284, %add3A_1285 : i32
        %get3A_1287 = arith.index_cast %add3A_1286 : i32 to index
        %get3A_1288 = tpu.vector_load %arg8[%get3A_1287] {strides = array<i32>} : memref<32000xf32, #tpu.memory_space<vmem>>, vector<16xf32>,
        %get3A_1289 = vector.shape_cast %get3A_1288 : vector<16xf32> to vector<16xf32>
        %add3A_1290 = arith.addf %scan3A_1258, %get3A_1289 : vector<16xf32>
        %mul3A_1291 = arith.constant 256 : i32
        %mul3A_1292 = arith.muli %scan3A_1254, %mul3A_1291 : i32
        %add3A_1293 = arith.constant 64 : i32
        %add3A_1294 = arith.addi %mul3A_1292, %add3A_1293 : i32
        %get3A_1295 = arith.index_cast %add3A_1294 : i32 to index
        %get3A_1296 = tpu.vector_load %arg8[%get3A_1295] {strides = array<i32>} : memref<32000xf32, #tpu.memory_space<vmem>>, vector<16xf32>,
        %get3A_1297 = vector.shape_cast %get3A_1296 : vector<16xf32> to vector<16xf32>
        %add3A_1298 = arith.addf %add3A_1266, %get3A_1297 : vector<16xf32>
        %mul3A_1299 = arith.constant 256 : i32
        %mul3A_1300 = arith.muli %scan3A_1254, %mul3A_1299 : i32
        %add3A_1301 = arith.constant 80 : i32
        %add3A_1302 = arith.addi %mul3A_1300, %add3A_1301 : i32
        %get3A_1303 = arith.index_cast %add3A_1302 : i32 to index
        %get3A_1304 = tpu.vector_load %arg8[%get3A_1303] {strides = array<i32>} : memref<32000xf32, #tpu.memory_space<vmem>>, vector<16xf32>,
        %get3A_1305 = vector.shape_cast %get3A_1304 : vector<16xf32> to vector<16xf32>
        %add3A_1306 = arith.addf %add3A_1274, %get3A_1305 : vector<16xf32>
        %mul3A_1307 = arith.constant 256 : i32
        %mul3A_1308 = arith.muli %scan3A_1254, %mul3A_1307 : i32
        %add3A_1309 = arith.constant 96 : i32
        %add3A_1310 = arith.addi %mul3A_1308, %add3A_1309 : i32
        %get3A_1311 = arith.index_cast %add3A_1310 : i32 to index
        %get3A_1312 = tpu.vector_load %arg8[%get3A_1311] {strides = array<i32>} : memref<32000xf32, #tpu.memory_space<vmem>>, vector<16xf32>,
        %get3A_1313 = vector.shape_cast %get3A_1312 : vector<16xf32> to vector<16xf32>
        %add3A_1314 = arith.addf %add3A_1282, %get3A_1313 : vector<16xf32>
        %mul3A_1315 = arith.constant 256 : i32
        %mul3A_1316 = arith.muli %scan3A_1254, %mul3A_1315 : i32
        %add3A_1317 = arith.constant 112 : i32
        %add3A_1318 = arith.addi %mul3A_1316, %add3A_1317 : i32
        %get3A_1319 = arith.index_cast %add3A_1318 : i32 to index
        %get3A_1320 = tpu.vector_load %arg8[%get3A_1319] {strides = array<i32>} : memref<32000xf32, #tpu.memory_space<vmem>>, vector<16xf32>,
        %get3A_1321 = vector.shape_cast %get3A_1320 : vector<16xf32> to vector<16xf32>
        %add3A_1322 = arith.addf %add3A_1290, %get3A_1321 : vector<16xf32>
        %mul3A_1323 = arith.constant 256 : i32
        %mul3A_1324 = arith.muli %scan3A_1254, %mul3A_1323 : i32
        %add3A_1325 = arith.constant 128 : i32
        %add3A_1326 = arith.addi %mul3A_1324, %add3A_1325 : i32
        %get3A_1327 = arith.index_cast %add3A_1326 : i32 to index
        %get3A_1328 = tpu.vector_load %arg8[%get3A_1327] {strides = array<i32>} : memref<32000xf32, #tpu.memory_space<vmem>>, vector<16xf32>,
        %get3A_1329 = vector.shape_cast %get3A_1328 : vector<16xf32> to vector<16xf32>
        %add3A_1330 = arith.addf %add3A_1298, %get3A_1329 : vector<16xf32>
        %mul3A_1331 = arith.constant 256 : i32
        %mul3A_1332 = arith.muli %scan3A_1254, %mul3A_1331 : i32
        %add3A_1333 = arith.constant 144 : i32
        %add3A_1334 = arith.addi %mul3A_1332, %add3A_1333 : i32
        %get3A_1335 = arith.index_cast %add3A_1334 : i32 to index
        %get3A_1336 = tpu.vector_load %arg8[%get3A_1335] {strides = array<i32>} : memref<32000xf32, #tpu.memory_space<vmem>>, vector<16xf32>,
        %get3A_1337 = vector.shape_cast %get3A_1336 : vector<16xf32> to vector<16xf32>
        %add3A_1338 = arith.addf %add3A_1306, %get3A_1337 : vector<16xf32>
        %mul3A_1339 = arith.constant 256 : i32
        %mul3A_1340 = arith.muli %scan3A_1254, %mul3A_1339 : i32
        %add3A_1341 = arith.constant 160 : i32
        %add3A_1342 = arith.addi %mul3A_1340, %add3A_1341 : i32
        %get3A_1343 = arith.index_cast %add3A_1342 : i32 to index
        %get3A_1344 = tpu.vector_load %arg8[%get3A_1343] {strides = array<i32>} : memref<32000xf32, #tpu.memory_space<vmem>>, vector<16xf32>,
        %get3A_1345 = vector.shape_cast %get3A_1344 : vector<16xf32> to vector<16xf32>
        %add3A_1346 = arith.addf %add3A_1314, %get3A_1345 : vector<16xf32>
        %mul3A_1347 = arith.constant 256 : i32
        %mul3A_1348 = arith.muli %scan3A_1254, %mul3A_1347 : i32
        %add3A_1349 = arith.constant 176 : i32
        %add3A_1350 = arith.addi %mul3A_1348, %add3A_1349 : i32
        %get3A_1351 = arith.index_cast %add3A_1350 : i32 to index
        %get3A_1352 = tpu.vector_load %arg8[%get3A_1351] {strides = array<i32>} : memref<32000xf32, #tpu.memory_space<vmem>>, vector<16xf32>,
        %get3A_1353 = vector.shape_cast %get3A_1352 : vector<16xf32> to vector<16xf32>
        %add3A_1354 = arith.addf %add3A_1322, %get3A_1353 : vector<16xf32>
        %mul3A_1355 = arith.constant 256 : i32
        %mul3A_1356 = arith.muli %scan3A_1254, %mul3A_1355 : i32
        %add3A_1357 = arith.constant 192 : i32
        %add3A_1358 = arith.addi %mul3A_1356, %add3A_1357 : i32
        %get3A_1359 = arith.index_cast %add3A_1358 : i32 to index
        %get3A_1360 = tpu.vector_load %arg8[%get3A_1359] {strides = array<i32>} : memref<32000xf32, #tpu.memory_space<vmem>>, vector<16xf32>,
        %get3A_1361 = vector.shape_cast %get3A_1360 : vector<16xf32> to vector<16xf32>
        %add3A_1362 = arith.addf %add3A_1330, %get3A_1361 : vector<16xf32>
        %mul3A_1363 = arith.constant 256 : i32
        %mul3A_1364 = arith.muli %scan3A_1254, %mul3A_1363 : i32
        %add3A_1365 = arith.constant 208 : i32
        %add3A_1366 = arith.addi %mul3A_1364, %add3A_1365 : i32
        %get3A_1367 = arith.index_cast %add3A_1366 : i32 to index
        %get3A_1368 = tpu.vector_load %arg8[%get3A_1367] {strides = array<i32>} : memref<32000xf32, #tpu.memory_space<vmem>>, vector<16xf32>,
        %get3A_1369 = vector.shape_cast %get3A_1368 : vector<16xf32> to vector<16xf32>
        %add3A_1370 = arith.addf %add3A_1338, %get3A_1369 : vector<16xf32>
        %mul3A_1371 = arith.constant 256 : i32
        %mul3A_1372 = arith.muli %scan3A_1254, %mul3A_1371 : i32
        %add3A_1373 = arith.constant 224 : i32
        %add3A_1374 = arith.addi %mul3A_1372, %add3A_1373 : i32
        %get3A_1375 = arith.index_cast %add3A_1374 : i32 to index
        %get3A_1376 = tpu.vector_load %arg8[%get3A_1375] {strides = array<i32>} : memref<32000xf32, #tpu.memory_space<vmem>>, vector<16xf32>,
        %get3A_1377 = vector.shape_cast %get3A_1376 : vector<16xf32> to vector<16xf32>
        %add3A_1378 = arith.addf %add3A_1346, %get3A_1377 : vector<16xf32>
        %mul3A_1379 = arith.constant 256 : i32
        %mul3A_1380 = arith.muli %scan3A_1254, %mul3A_1379 : i32
        %add3A_1381 = arith.constant 240 : i32
        %add3A_1382 = arith.addi %mul3A_1380, %add3A_1381 : i32
        %get3A_1383 = arith.index_cast %add3A_1382 : i32 to index
        %get3A_1384 = tpu.vector_load %arg8[%get3A_1383] {strides = array<i32>} : memref<32000xf32, #tpu.memory_space<vmem>>, vector<16xf32>,
        %get3A_1385 = vector.shape_cast %get3A_1384 : vector<16xf32> to vector<16xf32>
        %add3A_1386 = arith.addf %add3A_1354, %get3A_1385 : vector<16xf32>
        scf.yield %add3A_1362, %add3A_1370, %add3A_1378, %add3A_1386 : vector<16xf32>, vector<16xf32>, vector<16xf32>, vector<16xf32>
      }
      %scan3A_158 = arith.constant 125 : i32
      %add3A_159 = arith.addf %scan3A_157#0, %scan3A_157#1 : vector<16xf32>
      %add3A_160 = arith.addf %scan3A_157#2, %scan3A_157#3 : vector<16xf32>
      %add3A_161 = arith.addf %add3A_159, %add3A_160 : vector<16xf32>
      %slice3A_162 = vector.extract_strided_slice %get3A_81 {offsets = [1], sizes = [1], strides = [1]} : vector<16xi32> to vector<1xi32>
      %squeeze3A_163 = vector.extract %slice3A_162[0] : i32 from vector<1xi32>
      %shift_right_arithmetic3A_164 = arith.constant 4 : i32
      %shift_right_arithmetic3A_165 = arith.shrsi %squeeze3A_163, %shift_right_arithmetic3A_164 : i32
      %shift_left3A_166 = arith.constant 4 : i32
      %shift_left3A_167 = arith.shli %shift_right_arithmetic3A_165, %shift_left3A_166 : i32
      %and3A_168 = arith.constant 15 : i32
      %and3A_169 = arith.andi %squeeze3A_163, %and3A_168 : i32
      %get3A_170 = arith.index_cast %shift_left3A_167 : i32 to index
      %get3A_171 = tpu.vector_load %arg8[%get3A_170] {strides = array<i32>} : memref<32000xf32, #tpu.memory_space<vmem>>, vector<16xf32>,
      %get3A_172 = vector.shape_cast %get3A_171 : vector<16xf32> to vector<16xf32>
      %get3A_173 = arith.constant 0 : index
      %get3A_174 = tpu.vector_load %arg8[%get3A_173] {strides = array<i32>} : memref<32000xf32, #tpu.memory_space<vmem>>, vector<16xf32>,
      %get3A_175 = vector.shape_cast %get3A_174 : vector<16xf32> to vector<16xf32>
      %eq3A_176 = vector.broadcast %and3A_169 : i32 to vector<16xi32>
      %eq3A_177 = arith.cmpi eq, %iota3A, %eq3A_176 : vector<16xi32>
      %mul3A_178 = arith.constant -0.899996876 : f32
      %mul3A_179 = vector.broadcast %mul3A_178 : f32 to vector<16xf32>
      %mul3A_180 = arith.mulf %mul3A_179, %get3A_172 : vector<16xf32>
      %jit3A_181 = arith.constant 0.000000e+00 : f32
      %broadcast_in_dim3A_182 = vector.broadcast %jit3A_181 : f32 to vector<16xf32>
      %select_n3A_183 = arith.select %eq3A_177, %mul3A_180, %broadcast_in_dim3A_182 : vector<16xi1>, vector<16xf32>
      %eq3A_184 = arith.constant 0 : i32
      %eq3A_185 = vector.broadcast %eq3A_184 : i32 to vector<16xi32>
      %eq3A_186 = arith.cmpi eq, %iota3A, %eq3A_185 : vector<16xi32>
      %mul3A_187 = arith.constant 3.12519524E-6 : f32
      %mul3A_188 = vector.broadcast %mul3A_187 : f32 to vector<16xf32>
      %mul3A_189 = arith.mulf %mul3A_188, %get3A_175 : vector<16xf32>
      %add3A_190 = arith.constant -1.3624258 : f32
      %add3A_191 = vector.broadcast %add3A_190 : f32 to vector<16xf32>
      %add3A_192 = arith.addf %add3A_191, %mul3A_189 : vector<16xf32>
      %jit3A_193 = arith.constant 0.000000e+00 : f32
      %broadcast_in_dim3A_194 = vector.broadcast %jit3A_193 : f32 to vector<16xf32>
      %select_n3A_195 = arith.select %eq3A_186, %add3A_192, %broadcast_in_dim3A_194 : vector<16xi1>, vector<16xf32>
      %add3A_196 = arith.addf %select_n3A_183, %select_n3A_195 : vector<16xf32>
      %mul3A_197 = arith.constant 16 : i32
      %mul3A_198 = arith.muli %scan3A_70, %mul3A_197 : i32
      %add3A_199 = arith.constant 1 : i32
      %add3A_200 = arith.addi %mul3A_198, %add3A_199 : i32
      %add3A_201 = arith.constant 2 : i32
      %add3A_202 = arith.addi %add3A_200, %add3A_201 : i32
      %lt3A_203 = arith.constant 48 : i32
      %lt3A_204 = arith.cmpi slt, %add3A_202, %lt3A_203 : i32
      %convert_element_type3A_205 = arith.extui %lt3A_204 : i1 to i32
      %cond3A_206 = arith.constant 0 : i32
      %cond3A_207 = arith.cmpi ne, %convert_element_type3A_205, %cond3A_206 : i32
      scf.if %cond3A_207 {
        %add3A_1254 = arith.addi %add3A_4, %add3A_202 : i32
        %dma_start3A_1255 = arith.constant 0 : i32
        %dma_start3A_1256 = tpu.memref_slice %arg2[%add3A_1254, %dma_start3A_1255] : memref<4096x32000xf32, #tpu.memory_space<hbm>> -> memref<1x32000xf32, #tpu.memory_space<hbm>>
        %dma_start3A_1257 = tpu.memref_squeeze %dma_start3A_1256 : memref<1x32000xf32, #tpu.memory_space<hbm>> -> memref<32000xf32, #tpu.memory_space<hbm>>
        %dma_start3A_1258 = arith.constant 0 : i32
        %dma_start3A_1259 = tpu.memref_slice %arg2[%add3A_1254, %dma_start3A_1258] : memref<4096x32000xf32, #tpu.memory_space<hbm>> -> memref<1x32000xf32, #tpu.memory_space<hbm>>
        %dma_start3A_1260 = tpu.memref_squeeze %dma_start3A_1259 : memref<1x32000xf32, #tpu.memory_space<hbm>> -> memref<32000xf32, #tpu.memory_space<hbm>>
        tpu.enqueue_dma source(%dma_start3A_1260 : memref<32000xf32, #tpu.memory_space<hbm>>) target(%arg8 : memref<32000xf32, #tpu.memory_space<vmem>>) target_semaphore(%arg11 : memref<!tpu.dma_semaphore, #tpu.memory_space<semaphore_mem>>)
      } else {
      }
      %broadcast_in_dim3A_208 = arith.constant 1 : i32
      %broadcast_in_dim3A_209 = vector.broadcast %broadcast_in_dim3A_208 : i32 to vector<16x1xi32>
      %gather3A_210 = vector.shape_cast %broadcast_in_dim3A_209 : vector<16x1xi32> to vector<16xi32>
      %gather3A_211 = tpu.dynamic_gather %get3A_76[%gather3A_210] in [0] : vector<16xf32>, vector<16xi32> -> vector<16xf32>
      %mul3A_212 = arith.constant 3.12519524E-6 : f32
      %mul3A_213 = vector.broadcast %mul3A_212 : f32 to vector<16xf32>
      %mul3A_214 = arith.mulf %mul3A_213, %add3A_161 : vector<16xf32>
      %sub3A_215 = arith.subf %add3A_196, %mul3A_214 : vector<16xf32>
      %mul3A_216 = arith.mulf %gather3A_211, %sub3A_215 : vector<16xf32>
      %add3A_217 = arith.addf %add3A_143, %mul3A_216 : vector<16xf32>
      %dma_wait3A_218 = arith.constant 0 : i32
      %dma_wait3A_219 = arith.constant 0 : i32
      %dma_wait3A_220 = tpu.memref_slice %arg2[%dma_wait3A_218, %dma_wait3A_219] : memref<4096x32000xf32, #tpu.memory_space<hbm>> -> memref<1x32000xf32, #tpu.memory_space<hbm>>
      %dma_wait3A_221 = tpu.memref_squeeze %dma_wait3A_220 : memref<1x32000xf32, #tpu.memory_space<hbm>> -> memref<32000xf32, #tpu.memory_space<hbm>>
      %dma_wait3A_222 = arith.constant 0 : i32
      %dma_wait3A_223 = tpu.memref_slice %arg2[%dma_wait3A_218, %dma_wait3A_222] : memref<4096x32000xf32, #tpu.memory_space<hbm>> -> memref<1x32000xf32, #tpu.memory_space<hbm>>
      %dma_wait3A_224 = tpu.memref_squeeze %dma_wait3A_223 : memref<1x32000xf32, #tpu.memory_space<hbm>> -> memref<32000xf32, #tpu.memory_space<hbm>>
      tpu.wait_dma2 semaphore(%arg10 : memref<!tpu.dma_semaphore, #tpu.memory_space<semaphore_mem>>) src(%dma_wait3A_224 : memref<32000xf32, #tpu.memory_space<hbm>>) dst(%arg7 : memref<32000xf32, #tpu.memory_space<vmem>>)
      %broadcast_in_dim3A_225 = arith.constant 0.000000e+00 : f32
      %broadcast_in_dim3A_226 = vector.broadcast %broadcast_in_dim3A_225 : f32 to vector<16xf32>
      %scan3A_227 = arith.constant 0 : i32
      %scan3A_228 = arith.constant 125 : i32
      %scan3A_229 = arith.addi %scan3A_227, %scan3A_228 : i32
      %scan3A_230 = arith.constant 1 : i32
      %scan3A_231:4 = scf.for %scan3A_1254 = %scan3A_227 to %scan3A_229 step %scan3A_230 iter_args(%scan3A_1255 = %broadcast_in_dim3A_226, %scan3A_1256 = %broadcast_in_dim3A_226, %scan3A_1257 = %broadcast_in_dim3A_226, %scan3A_1258 = %broadcast_in_dim3A_226) -> (vector<16xf32>, vector<16xf32>, vector<16xf32>, vector<16xf32>)  : i32 {
        %mul3A_1259 = arith.constant 256 : i32
        %mul3A_1260 = arith.muli %scan3A_1254, %mul3A_1259 : i32
        %add3A_1261 = arith.constant 0 : i32
        %add3A_1262 = arith.addi %mul3A_1260, %add3A_1261 : i32
        %get3A_1263 = arith.index_cast %add3A_1262 : i32 to index
        %get3A_1264 = tpu.vector_load %arg7[%get3A_1263] {strides = array<i32>} : memref<32000xf32, #tpu.memory_space<vmem>>, vector<16xf32>,
        %get3A_1265 = vector.shape_cast %get3A_1264 : vector<16xf32> to vector<16xf32>
        %add3A_1266 = arith.addf %scan3A_1255, %get3A_1265 : vector<16xf32>
        %mul3A_1267 = arith.constant 256 : i32
        %mul3A_1268 = arith.muli %scan3A_1254, %mul3A_1267 : i32
        %add3A_1269 = arith.constant 16 : i32
        %add3A_1270 = arith.addi %mul3A_1268, %add3A_1269 : i32
        %get3A_1271 = arith.index_cast %add3A_1270 : i32 to index
        %get3A_1272 = tpu.vector_load %arg7[%get3A_1271] {strides = array<i32>} : memref<32000xf32, #tpu.memory_space<vmem>>, vector<16xf32>,
        %get3A_1273 = vector.shape_cast %get3A_1272 : vector<16xf32> to vector<16xf32>
        %add3A_1274 = arith.addf %scan3A_1256, %get3A_1273 : vector<16xf32>
        %mul3A_1275 = arith.constant 256 : i32
        %mul3A_1276 = arith.muli %scan3A_1254, %mul3A_1275 : i32
        %add3A_1277 = arith.constant 32 : i32
        %add3A_1278 = arith.addi %mul3A_1276, %add3A_1277 : i32
        %get3A_1279 = arith.index_cast %add3A_1278 : i32 to index
        %get3A_1280 = tpu.vector_load %arg7[%get3A_1279] {strides = array<i32>} : memref<32000xf32, #tpu.memory_space<vmem>>, vector<16xf32>,
        %get3A_1281 = vector.shape_cast %get3A_1280 : vector<16xf32> to vector<16xf32>
        %add3A_1282 = arith.addf %scan3A_1257, %get3A_1281 : vector<16xf32>
        %mul3A_1283 = arith.constant 256 : i32
        %mul3A_1284 = arith.muli %scan3A_1254, %mul3A_1283 : i32
        %add3A_1285 = arith.constant 48 : i32
        %add3A_1286 = arith.addi %mul3A_1284, %add3A_1285 : i32
        %get3A_1287 = arith.index_cast %add3A_1286 : i32 to index
        %get3A_1288 = tpu.vector_load %arg7[%get3A_1287] {strides = array<i32>} : memref<32000xf32, #tpu.memory_space<vmem>>, vector<16xf32>,
        %get3A_1289 = vector.shape_cast %get3A_1288 : vector<16xf32> to vector<16xf32>
        %add3A_1290 = arith.addf %scan3A_1258, %get3A_1289 : vector<16xf32>
        %mul3A_1291 = arith.constant 256 : i32
        %mul3A_1292 = arith.muli %scan3A_1254, %mul3A_1291 : i32
        %add3A_1293 = arith.constant 64 : i32
        %add3A_1294 = arith.addi %mul3A_1292, %add3A_1293 : i32
        %get3A_1295 = arith.index_cast %add3A_1294 : i32 to index
        %get3A_1296 = tpu.vector_load %arg7[%get3A_1295] {strides = array<i32>} : memref<32000xf32, #tpu.memory_space<vmem>>, vector<16xf32>,
        %get3A_1297 = vector.shape_cast %get3A_1296 : vector<16xf32> to vector<16xf32>
        %add3A_1298 = arith.addf %add3A_1266, %get3A_1297 : vector<16xf32>
        %mul3A_1299 = arith.constant 256 : i32
        %mul3A_1300 = arith.muli %scan3A_1254, %mul3A_1299 : i32
        %add3A_1301 = arith.constant 80 : i32
        %add3A_1302 = arith.addi %mul3A_1300, %add3A_1301 : i32
        %get3A_1303 = arith.index_cast %add3A_1302 : i32 to index
        %get3A_1304 = tpu.vector_load %arg7[%get3A_1303] {strides = array<i32>} : memref<32000xf32, #tpu.memory_space<vmem>>, vector<16xf32>,
        %get3A_1305 = vector.shape_cast %get3A_1304 : vector<16xf32> to vector<16xf32>
        %add3A_1306 = arith.addf %add3A_1274, %get3A_1305 : vector<16xf32>
        %mul3A_1307 = arith.constant 256 : i32
        %mul3A_1308 = arith.muli %scan3A_1254, %mul3A_1307 : i32
        %add3A_1309 = arith.constant 96 : i32
        %add3A_1310 = arith.addi %mul3A_1308, %add3A_1309 : i32
        %get3A_1311 = arith.index_cast %add3A_1310 : i32 to index
        %get3A_1312 = tpu.vector_load %arg7[%get3A_1311] {strides = array<i32>} : memref<32000xf32, #tpu.memory_space<vmem>>, vector<16xf32>,
        %get3A_1313 = vector.shape_cast %get3A_1312 : vector<16xf32> to vector<16xf32>
        %add3A_1314 = arith.addf %add3A_1282, %get3A_1313 : vector<16xf32>
        %mul3A_1315 = arith.constant 256 : i32
        %mul3A_1316 = arith.muli %scan3A_1254, %mul3A_1315 : i32
        %add3A_1317 = arith.constant 112 : i32
        %add3A_1318 = arith.addi %mul3A_1316, %add3A_1317 : i32
        %get3A_1319 = arith.index_cast %add3A_1318 : i32 to index
        %get3A_1320 = tpu.vector_load %arg7[%get3A_1319] {strides = array<i32>} : memref<32000xf32, #tpu.memory_space<vmem>>, vector<16xf32>,
        %get3A_1321 = vector.shape_cast %get3A_1320 : vector<16xf32> to vector<16xf32>
        %add3A_1322 = arith.addf %add3A_1290, %get3A_1321 : vector<16xf32>
        %mul3A_1323 = arith.constant 256 : i32
        %mul3A_1324 = arith.muli %scan3A_1254, %mul3A_1323 : i32
        %add3A_1325 = arith.constant 128 : i32
        %add3A_1326 = arith.addi %mul3A_1324, %add3A_1325 : i32
        %get3A_1327 = arith.index_cast %add3A_1326 : i32 to index
        %get3A_1328 = tpu.vector_load %arg7[%get3A_1327] {strides = array<i32>} : memref<32000xf32, #tpu.memory_space<vmem>>, vector<16xf32>,
        %get3A_1329 = vector.shape_cast %get3A_1328 : vector<16xf32> to vector<16xf32>
        %add3A_1330 = arith.addf %add3A_1298, %get3A_1329 : vector<16xf32>
        %mul3A_1331 = arith.constant 256 : i32
        %mul3A_1332 = arith.muli %scan3A_1254, %mul3A_1331 : i32
        %add3A_1333 = arith.constant 144 : i32
        %add3A_1334 = arith.addi %mul3A_1332, %add3A_1333 : i32
        %get3A_1335 = arith.index_cast %add3A_1334 : i32 to index
        %get3A_1336 = tpu.vector_load %arg7[%get3A_1335] {strides = array<i32>} : memref<32000xf32, #tpu.memory_space<vmem>>, vector<16xf32>,
        %get3A_1337 = vector.shape_cast %get3A_1336 : vector<16xf32> to vector<16xf32>
        %add3A_1338 = arith.addf %add3A_1306, %get3A_1337 : vector<16xf32>
        %mul3A_1339 = arith.constant 256 : i32
        %mul3A_1340 = arith.muli %scan3A_1254, %mul3A_1339 : i32
        %add3A_1341 = arith.constant 160 : i32
        %add3A_1342 = arith.addi %mul3A_1340, %add3A_1341 : i32
        %get3A_1343 = arith.index_cast %add3A_1342 : i32 to index
        %get3A_1344 = tpu.vector_load %arg7[%get3A_1343] {strides = array<i32>} : memref<32000xf32, #tpu.memory_space<vmem>>, vector<16xf32>,
        %get3A_1345 = vector.shape_cast %get3A_1344 : vector<16xf32> to vector<16xf32>
        %add3A_1346 = arith.addf %add3A_1314, %get3A_1345 : vector<16xf32>
        %mul3A_1347 = arith.constant 256 : i32
        %mul3A_1348 = arith.muli %scan3A_1254, %mul3A_1347 : i32
        %add3A_1349 = arith.constant 176 : i32
        %add3A_1350 = arith.addi %mul3A_1348, %add3A_1349 : i32
        %get3A_1351 = arith.index_cast %add3A_1350 : i32 to index
        %get3A_1352 = tpu.vector_load %arg7[%get3A_1351] {strides = array<i32>} : memref<32000xf32, #tpu.memory_space<vmem>>, vector<16xf32>,
        %get3A_1353 = vector.shape_cast %get3A_1352 : vector<16xf32> to vector<16xf32>
        %add3A_1354 = arith.addf %add3A_1322, %get3A_1353 : vector<16xf32>
        %mul3A_1355 = arith.constant 256 : i32
        %mul3A_1356 = arith.muli %scan3A_1254, %mul3A_1355 : i32
        %add3A_1357 = arith.constant 192 : i32
        %add3A_1358 = arith.addi %mul3A_1356, %add3A_1357 : i32
        %get3A_1359 = arith.index_cast %add3A_1358 : i32 to index
        %get3A_1360 = tpu.vector_load %arg7[%get3A_1359] {strides = array<i32>} : memref<32000xf32, #tpu.memory_space<vmem>>, vector<16xf32>,
        %get3A_1361 = vector.shape_cast %get3A_1360 : vector<16xf32> to vector<16xf32>
        %add3A_1362 = arith.addf %add3A_1330, %get3A_1361 : vector<16xf32>
        %mul3A_1363 = arith.constant 256 : i32
        %mul3A_1364 = arith.muli %scan3A_1254, %mul3A_1363 : i32
        %add3A_1365 = arith.constant 208 : i32
        %add3A_1366 = arith.addi %mul3A_1364, %add3A_1365 : i32
        %get3A_1367 = arith.index_cast %add3A_1366 : i32 to index
        %get3A_1368 = tpu.vector_load %arg7[%get3A_1367] {strides = array<i32>} : memref<32000xf32, #tpu.memory_space<vmem>>, vector<16xf32>,
        %get3A_1369 = vector.shape_cast %get3A_1368 : vector<16xf32> to vector<16xf32>
        %add3A_1370 = arith.addf %add3A_1338, %get3A_1369 : vector<16xf32>
        %mul3A_1371 = arith.constant 256 : i32
        %mul3A_1372 = arith.muli %scan3A_1254, %mul3A_1371 : i32
        %add3A_1373 = arith.constant 224 : i32
        %add3A_1374 = arith.addi %mul3A_1372, %add3A_1373 : i32
        %get3A_1375 = arith.index_cast %add3A_1374 : i32 to index
        %get3A_1376 = tpu.vector_load %arg7[%get3A_1375] {strides = array<i32>} : memref<32000xf32, #tpu.memory_space<vmem>>, vector<16xf32>,
        %get3A_1377 = vector.shape_cast %get3A_1376 : vector<16xf32> to vector<16xf32>
        %add3A_1378 = arith.addf %add3A_1346, %get3A_1377 : vector<16xf32>
        %mul3A_1379 = arith.constant 256 : i32
        %mul3A_1380 = arith.muli %scan3A_1254, %mul3A_1379 : i32
        %add3A_1381 = arith.constant 240 : i32
        %add3A_1382 = arith.addi %mul3A_1380, %add3A_1381 : i32
        %get3A_1383 = arith.index_cast %add3A_1382 : i32 to index
        %get3A_1384 = tpu.vector_load %arg7[%get3A_1383] {strides = array<i32>} : memref<32000xf32, #tpu.memory_space<vmem>>, vector<16xf32>,
        %get3A_1385 = vector.shape_cast %get3A_1384 : vector<16xf32> to vector<16xf32>
        %add3A_1386 = arith.addf %add3A_1354, %get3A_1385 : vector<16xf32>
        scf.yield %add3A_1362, %add3A_1370, %add3A_1378, %add3A_1386 : vector<16xf32>, vector<16xf32>, vector<16xf32>, vector<16xf32>
      }
      %scan3A_232 = arith.constant 125 : i32
      %add3A_233 = arith.addf %scan3A_231#0, %scan3A_231#1 : vector<16xf32>
      %add3A_234 = arith.addf %scan3A_231#2, %scan3A_231#3 : vector<16xf32>
      %add3A_235 = arith.addf %add3A_233, %add3A_234 : vector<16xf32>
      %slice3A_236 = vector.extract_strided_slice %get3A_81 {offsets = [2], sizes = [1], strides = [1]} : vector<16xi32> to vector<1xi32>
      %squeeze3A_237 = vector.extract %slice3A_236[0] : i32 from vector<1xi32>
      %shift_right_arithmetic3A_238 = arith.constant 4 : i32
      %shift_right_arithmetic3A_239 = arith.shrsi %squeeze3A_237, %shift_right_arithmetic3A_238 : i32
      %shift_left3A_240 = arith.constant 4 : i32
      %shift_left3A_241 = arith.shli %shift_right_arithmetic3A_239, %shift_left3A_240 : i32
      %and3A_242 = arith.constant 15 : i32
      %and3A_243 = arith.andi %squeeze3A_237, %and3A_242 : i32
      %get3A_244 = arith.index_cast %shift_left3A_241 : i32 to index
      %get3A_245 = tpu.vector_load %arg7[%get3A_244] {strides = array<i32>} : memref<32000xf32, #tpu.memory_space<vmem>>, vector<16xf32>,
      %get3A_246 = vector.shape_cast %get3A_245 : vector<16xf32> to vector<16xf32>
      %get3A_247 = arith.constant 0 : index
      %get3A_248 = tpu.vector_load %arg7[%get3A_247] {strides = array<i32>} : memref<32000xf32, #tpu.memory_space<vmem>>, vector<16xf32>,
      %get3A_249 = vector.shape_cast %get3A_248 : vector<16xf32> to vector<16xf32>
      %eq3A_250 = vector.broadcast %and3A_243 : i32 to vector<16xi32>
      %eq3A_251 = arith.cmpi eq, %iota3A, %eq3A_250 : vector<16xi32>
      %mul3A_252 = arith.constant -0.899996876 : f32
      %mul3A_253 = vector.broadcast %mul3A_252 : f32 to vector<16xf32>
      %mul3A_254 = arith.mulf %mul3A_253, %get3A_246 : vector<16xf32>
      %jit3A_255 = arith.constant 0.000000e+00 : f32
      %broadcast_in_dim3A_256 = vector.broadcast %jit3A_255 : f32 to vector<16xf32>
      %select_n3A_257 = arith.select %eq3A_251, %mul3A_254, %broadcast_in_dim3A_256 : vector<16xi1>, vector<16xf32>
      %eq3A_258 = arith.constant 0 : i32
      %eq3A_259 = vector.broadcast %eq3A_258 : i32 to vector<16xi32>
      %eq3A_260 = arith.cmpi eq, %iota3A, %eq3A_259 : vector<16xi32>
      %mul3A_261 = arith.constant 3.12519524E-6 : f32
      %mul3A_262 = vector.broadcast %mul3A_261 : f32 to vector<16xf32>
      %mul3A_263 = arith.mulf %mul3A_262, %get3A_249 : vector<16xf32>
      %add3A_264 = arith.constant -1.3624258 : f32
      %add3A_265 = vector.broadcast %add3A_264 : f32 to vector<16xf32>
      %add3A_266 = arith.addf %add3A_265, %mul3A_263 : vector<16xf32>
      %jit3A_267 = arith.constant 0.000000e+00 : f32
      %broadcast_in_dim3A_268 = vector.broadcast %jit3A_267 : f32 to vector<16xf32>
      %select_n3A_269 = arith.select %eq3A_260, %add3A_266, %broadcast_in_dim3A_268 : vector<16xi1>, vector<16xf32>
      %add3A_270 = arith.addf %select_n3A_257, %select_n3A_269 : vector<16xf32>
      %mul3A_271 = arith.constant 16 : i32
      %mul3A_272 = arith.muli %scan3A_70, %mul3A_271 : i32
      %add3A_273 = arith.constant 2 : i32
      %add3A_274 = arith.addi %mul3A_272, %add3A_273 : i32
      %add3A_275 = arith.constant 2 : i32
      %add3A_276 = arith.addi %add3A_274, %add3A_275 : i32
      %lt3A_277 = arith.constant 48 : i32
      %lt3A_278 = arith.cmpi slt, %add3A_276, %lt3A_277 : i32
      %convert_element_type3A_279 = arith.extui %lt3A_278 : i1 to i32
      %cond3A_280 = arith.constant 0 : i32
      %cond3A_281 = arith.cmpi ne, %convert_element_type3A_279, %cond3A_280 : i32
      scf.if %cond3A_281 {
        %add3A_1254 = arith.addi %add3A_4, %add3A_276 : i32
        %dma_start3A_1255 = arith.constant 0 : i32
        %dma_start3A_1256 = tpu.memref_slice %arg2[%add3A_1254, %dma_start3A_1255] : memref<4096x32000xf32, #tpu.memory_space<hbm>> -> memref<1x32000xf32, #tpu.memory_space<hbm>>
        %dma_start3A_1257 = tpu.memref_squeeze %dma_start3A_1256 : memref<1x32000xf32, #tpu.memory_space<hbm>> -> memref<32000xf32, #tpu.memory_space<hbm>>
        %dma_start3A_1258 = arith.constant 0 : i32
        %dma_start3A_1259 = tpu.memref_slice %arg2[%add3A_1254, %dma_start3A_1258] : memref<4096x32000xf32, #tpu.memory_space<hbm>> -> memref<1x32000xf32, #tpu.memory_space<hbm>>
        %dma_start3A_1260 = tpu.memref_squeeze %dma_start3A_1259 : memref<1x32000xf32, #tpu.memory_space<hbm>> -> memref<32000xf32, #tpu.memory_space<hbm>>
        tpu.enqueue_dma source(%dma_start3A_1260 : memref<32000xf32, #tpu.memory_space<hbm>>) target(%arg7 : memref<32000xf32, #tpu.memory_space<vmem>>) target_semaphore(%arg10 : memref<!tpu.dma_semaphore, #tpu.memory_space<semaphore_mem>>)
      } else {
      }
      %broadcast_in_dim3A_282 = arith.constant 2 : i32
      %broadcast_in_dim3A_283 = vector.broadcast %broadcast_in_dim3A_282 : i32 to vector<16x1xi32>
      %gather3A_284 = vector.shape_cast %broadcast_in_dim3A_283 : vector<16x1xi32> to vector<16xi32>
      %gather3A_285 = tpu.dynamic_gather %get3A_76[%gather3A_284] in [0] : vector<16xf32>, vector<16xi32> -> vector<16xf32>
      %mul3A_286 = arith.constant 3.12519524E-6 : f32
      %mul3A_287 = vector.broadcast %mul3A_286 : f32 to vector<16xf32>
      %mul3A_288 = arith.mulf %mul3A_287, %add3A_235 : vector<16xf32>
      %sub3A_289 = arith.subf %add3A_270, %mul3A_288 : vector<16xf32>
      %mul3A_290 = arith.mulf %gather3A_285, %sub3A_289 : vector<16xf32>
      %add3A_291 = arith.addf %add3A_217, %mul3A_290 : vector<16xf32>
      %dma_wait3A_292 = arith.constant 0 : i32
      %dma_wait3A_293 = arith.constant 0 : i32
      %dma_wait3A_294 = tpu.memref_slice %arg2[%dma_wait3A_292, %dma_wait3A_293] : memref<4096x32000xf32, #tpu.memory_space<hbm>> -> memref<1x32000xf32, #tpu.memory_space<hbm>>
      %dma_wait3A_295 = tpu.memref_squeeze %dma_wait3A_294 : memref<1x32000xf32, #tpu.memory_space<hbm>> -> memref<32000xf32, #tpu.memory_space<hbm>>
      %dma_wait3A_296 = arith.constant 0 : i32
      %dma_wait3A_297 = tpu.memref_slice %arg2[%dma_wait3A_292, %dma_wait3A_296] : memref<4096x32000xf32, #tpu.memory_space<hbm>> -> memref<1x32000xf32, #tpu.memory_space<hbm>>
      %dma_wait3A_298 = tpu.memref_squeeze %dma_wait3A_297 : memref<1x32000xf32, #tpu.memory_space<hbm>> -> memref<32000xf32, #tpu.memory_space<hbm>>
      tpu.wait_dma2 semaphore(%arg11 : memref<!tpu.dma_semaphore, #tpu.memory_space<semaphore_mem>>) src(%dma_wait3A_298 : memref<32000xf32, #tpu.memory_space<hbm>>) dst(%arg8 : memref<32000xf32, #tpu.memory_space<vmem>>)
      %broadcast_in_dim3A_299 = arith.constant 0.000000e+00 : f32
      %broadcast_in_dim3A_300 = vector.broadcast %broadcast_in_dim3A_299 : f32 to vector<16xf32>
      %scan3A_301 = arith.constant 0 : i32
      %scan3A_302 = arith.constant 125 : i32
      %scan3A_303 = arith.addi %scan3A_301, %scan3A_302 : i32
      %scan3A_304 = arith.constant 1 : i32
      %scan3A_305:4 = scf.for %scan3A_1254 = %scan3A_301 to %scan3A_303 step %scan3A_304 iter_args(%scan3A_1255 = %broadcast_in_dim3A_300, %scan3A_1256 = %broadcast_in_dim3A_300, %scan3A_1257 = %broadcast_in_dim3A_300, %scan3A_1258 = %broadcast_in_dim3A_300) -> (vector<16xf32>, vector<16xf32>, vector<16xf32>, vector<16xf32>)  : i32 {
        %mul3A_1259 = arith.constant 256 : i32
        %mul3A_1260 = arith.muli %scan3A_1254, %mul3A_1259 : i32
        %add3A_1261 = arith.constant 0 : i32
        %add3A_1262 = arith.addi %mul3A_1260, %add3A_1261 : i32
        %get3A_1263 = arith.index_cast %add3A_1262 : i32 to index
        %get3A_1264 = tpu.vector_load %arg8[%get3A_1263] {strides = array<i32>} : memref<32000xf32, #tpu.memory_space<vmem>>, vector<16xf32>,
        %get3A_1265 = vector.shape_cast %get3A_1264 : vector<16xf32> to vector<16xf32>
        %add3A_1266 = arith.addf %scan3A_1255, %get3A_1265 : vector<16xf32>
        %mul3A_1267 = arith.constant 256 : i32
        %mul3A_1268 = arith.muli %scan3A_1254, %mul3A_1267 : i32
        %add3A_1269 = arith.constant 16 : i32
        %add3A_1270 = arith.addi %mul3A_1268, %add3A_1269 : i32
        %get3A_1271 = arith.index_cast %add3A_1270 : i32 to index
        %get3A_1272 = tpu.vector_load %arg8[%get3A_1271] {strides = array<i32>} : memref<32000xf32, #tpu.memory_space<vmem>>, vector<16xf32>,
        %get3A_1273 = vector.shape_cast %get3A_1272 : vector<16xf32> to vector<16xf32>
        %add3A_1274 = arith.addf %scan3A_1256, %get3A_1273 : vector<16xf32>
        %mul3A_1275 = arith.constant 256 : i32
        %mul3A_1276 = arith.muli %scan3A_1254, %mul3A_1275 : i32
        %add3A_1277 = arith.constant 32 : i32
        %add3A_1278 = arith.addi %mul3A_1276, %add3A_1277 : i32
        %get3A_1279 = arith.index_cast %add3A_1278 : i32 to index
        %get3A_1280 = tpu.vector_load %arg8[%get3A_1279] {strides = array<i32>} : memref<32000xf32, #tpu.memory_space<vmem>>, vector<16xf32>,
        %get3A_1281 = vector.shape_cast %get3A_1280 : vector<16xf32> to vector<16xf32>
        %add3A_1282 = arith.addf %scan3A_1257, %get3A_1281 : vector<16xf32>
        %mul3A_1283 = arith.constant 256 : i32
        %mul3A_1284 = arith.muli %scan3A_1254, %mul3A_1283 : i32
        %add3A_1285 = arith.constant 48 : i32
        %add3A_1286 = arith.addi %mul3A_1284, %add3A_1285 : i32
        %get3A_1287 = arith.index_cast %add3A_1286 : i32 to index
        %get3A_1288 = tpu.vector_load %arg8[%get3A_1287] {strides = array<i32>} : memref<32000xf32, #tpu.memory_space<vmem>>, vector<16xf32>,
        %get3A_1289 = vector.shape_cast %get3A_1288 : vector<16xf32> to vector<16xf32>
        %add3A_1290 = arith.addf %scan3A_1258, %get3A_1289 : vector<16xf32>
        %mul3A_1291 = arith.constant 256 : i32
        %mul3A_1292 = arith.muli %scan3A_1254, %mul3A_1291 : i32
        %add3A_1293 = arith.constant 64 : i32
        %add3A_1294 = arith.addi %mul3A_1292, %add3A_1293 : i32
        %get3A_1295 = arith.index_cast %add3A_1294 : i32 to index
        %get3A_1296 = tpu.vector_load %arg8[%get3A_1295] {strides = array<i32>} : memref<32000xf32, #tpu.memory_space<vmem>>, vector<16xf32>,
        %get3A_1297 = vector.shape_cast %get3A_1296 : vector<16xf32> to vector<16xf32>
        %add3A_1298 = arith.addf %add3A_1266, %get3A_1297 : vector<16xf32>
        %mul3A_1299 = arith.constant 256 : i32
        %mul3A_1300 = arith.muli %scan3A_1254, %mul3A_1299 : i32
        %add3A_1301 = arith.constant 80 : i32
        %add3A_1302 = arith.addi %mul3A_1300, %add3A_1301 : i32
        %get3A_1303 = arith.index_cast %add3A_1302 : i32 to index
        %get3A_1304 = tpu.vector_load %arg8[%get3A_1303] {strides = array<i32>} : memref<32000xf32, #tpu.memory_space<vmem>>, vector<16xf32>,
        %get3A_1305 = vector.shape_cast %get3A_1304 : vector<16xf32> to vector<16xf32>
        %add3A_1306 = arith.addf %add3A_1274, %get3A_1305 : vector<16xf32>
        %mul3A_1307 = arith.constant 256 : i32
        %mul3A_1308 = arith.muli %scan3A_1254, %mul3A_1307 : i32
        %add3A_1309 = arith.constant 96 : i32
        %add3A_1310 = arith.addi %mul3A_1308, %add3A_1309 : i32
        %get3A_1311 = arith.index_cast %add3A_1310 : i32 to index
        %get3A_1312 = tpu.vector_load %arg8[%get3A_1311] {strides = array<i32>} : memref<32000xf32, #tpu.memory_space<vmem>>, vector<16xf32>,
        %get3A_1313 = vector.shape_cast %get3A_1312 : vector<16xf32> to vector<16xf32>
        %add3A_1314 = arith.addf %add3A_1282, %get3A_1313 : vector<16xf32>
        %mul3A_1315 = arith.constant 256 : i32
        %mul3A_1316 = arith.muli %scan3A_1254, %mul3A_1315 : i32
        %add3A_1317 = arith.constant 112 : i32
        %add3A_1318 = arith.addi %mul3A_1316, %add3A_1317 : i32
        %get3A_1319 = arith.index_cast %add3A_1318 : i32 to index
        %get3A_1320 = tpu.vector_load %arg8[%get3A_1319] {strides = array<i32>} : memref<32000xf32, #tpu.memory_space<vmem>>, vector<16xf32>,
        %get3A_1321 = vector.shape_cast %get3A_1320 : vector<16xf32> to vector<16xf32>
        %add3A_1322 = arith.addf %add3A_1290, %get3A_1321 : vector<16xf32>
        %mul3A_1323 = arith.constant 256 : i32
        %mul3A_1324 = arith.muli %scan3A_1254, %mul3A_1323 : i32
        %add3A_1325 = arith.constant 128 : i32
        %add3A_1326 = arith.addi %mul3A_1324, %add3A_1325 : i32
        %get3A_1327 = arith.index_cast %add3A_1326 : i32 to index
        %get3A_1328 = tpu.vector_load %arg8[%get3A_1327] {strides = array<i32>} : memref<32000xf32, #tpu.memory_space<vmem>>, vector<16xf32>,
        %get3A_1329 = vector.shape_cast %get3A_1328 : vector<16xf32> to vector<16xf32>
        %add3A_1330 = arith.addf %add3A_1298, %get3A_1329 : vector<16xf32>
        %mul3A_1331 = arith.constant 256 : i32
        %mul3A_1332 = arith.muli %scan3A_1254, %mul3A_1331 : i32
        %add3A_1333 = arith.constant 144 : i32
        %add3A_1334 = arith.addi %mul3A_1332, %add3A_1333 : i32
        %get3A_1335 = arith.index_cast %add3A_1334 : i32 to index
        %get3A_1336 = tpu.vector_load %arg8[%get3A_1335] {strides = array<i32>} : memref<32000xf32, #tpu.memory_space<vmem>>, vector<16xf32>,
        %get3A_1337 = vector.shape_cast %get3A_1336 : vector<16xf32> to vector<16xf32>
        %add3A_1338 = arith.addf %add3A_1306, %get3A_1337 : vector<16xf32>
        %mul3A_1339 = arith.constant 256 : i32
        %mul3A_1340 = arith.muli %scan3A_1254, %mul3A_1339 : i32
        %add3A_1341 = arith.constant 160 : i32
        %add3A_1342 = arith.addi %mul3A_1340, %add3A_1341 : i32
        %get3A_1343 = arith.index_cast %add3A_1342 : i32 to index
        %get3A_1344 = tpu.vector_load %arg8[%get3A_1343] {strides = array<i32>} : memref<32000xf32, #tpu.memory_space<vmem>>, vector<16xf32>,
        %get3A_1345 = vector.shape_cast %get3A_1344 : vector<16xf32> to vector<16xf32>
        %add3A_1346 = arith.addf %add3A_1314, %get3A_1345 : vector<16xf32>
        %mul3A_1347 = arith.constant 256 : i32
        %mul3A_1348 = arith.muli %scan3A_1254, %mul3A_1347 : i32
        %add3A_1349 = arith.constant 176 : i32
        %add3A_1350 = arith.addi %mul3A_1348, %add3A_1349 : i32
        %get3A_1351 = arith.index_cast %add3A_1350 : i32 to index
        %get3A_1352 = tpu.vector_load %arg8[%get3A_1351] {strides = array<i32>} : memref<32000xf32, #tpu.memory_space<vmem>>, vector<16xf32>,
        %get3A_1353 = vector.shape_cast %get3A_1352 : vector<16xf32> to vector<16xf32>
        %add3A_1354 = arith.addf %add3A_1322, %get3A_1353 : vector<16xf32>
        %mul3A_1355 = arith.constant 256 : i32
        %mul3A_1356 = arith.muli %scan3A_1254, %mul3A_1355 : i32
        %add3A_1357 = arith.constant 192 : i32
        %add3A_1358 = arith.addi %mul3A_1356, %add3A_1357 : i32
        %get3A_1359 = arith.index_cast %add3A_1358 : i32 to index
        %get3A_1360 = tpu.vector_load %arg8[%get3A_1359] {strides = array<i32>} : memref<32000xf32, #tpu.memory_space<vmem>>, vector<16xf32>,
        %get3A_1361 = vector.shape_cast %get3A_1360 : vector<16xf32> to vector<16xf32>
        %add3A_1362 = arith.addf %add3A_1330, %get3A_1361 : vector<16xf32>
        %mul3A_1363 = arith.constant 256 : i32
        %mul3A_1364 = arith.muli %scan3A_1254, %mul3A_1363 : i32
        %add3A_1365 = arith.constant 208 : i32
        %add3A_1366 = arith.addi %mul3A_1364, %add3A_1365 : i32
        %get3A_1367 = arith.index_cast %add3A_1366 : i32 to index
        %get3A_1368 = tpu.vector_load %arg8[%get3A_1367] {strides = array<i32>} : memref<32000xf32, #tpu.memory_space<vmem>>, vector<16xf32>,
        %get3A_1369 = vector.shape_cast %get3A_1368 : vector<16xf32> to vector<16xf32>
        %add3A_1370 = arith.addf %add3A_1338, %get3A_1369 : vector<16xf32>
        %mul3A_1371 = arith.constant 256 : i32
        %mul3A_1372 = arith.muli %scan3A_1254, %mul3A_1371 : i32
        %add3A_1373 = arith.constant 224 : i32
        %add3A_1374 = arith.addi %mul3A_1372, %add3A_1373 : i32
        %get3A_1375 = arith.index_cast %add3A_1374 : i32 to index
        %get3A_1376 = tpu.vector_load %arg8[%get3A_1375] {strides = array<i32>} : memref<32000xf32, #tpu.memory_space<vmem>>, vector<16xf32>,
        %get3A_1377 = vector.shape_cast %get3A_1376 : vector<16xf32> to vector<16xf32>
        %add3A_1378 = arith.addf %add3A_1346, %get3A_1377 : vector<16xf32>
        %mul3A_1379 = arith.constant 256 : i32
        %mul3A_1380 = arith.muli %scan3A_1254, %mul3A_1379 : i32
        %add3A_1381 = arith.constant 240 : i32
        %add3A_1382 = arith.addi %mul3A_1380, %add3A_1381 : i32
        %get3A_1383 = arith.index_cast %add3A_1382 : i32 to index
        %get3A_1384 = tpu.vector_load %arg8[%get3A_1383] {strides = array<i32>} : memref<32000xf32, #tpu.memory_space<vmem>>, vector<16xf32>,
        %get3A_1385 = vector.shape_cast %get3A_1384 : vector<16xf32> to vector<16xf32>
        %add3A_1386 = arith.addf %add3A_1354, %get3A_1385 : vector<16xf32>
        scf.yield %add3A_1362, %add3A_1370, %add3A_1378, %add3A_1386 : vector<16xf32>, vector<16xf32>, vector<16xf32>, vector<16xf32>
      }
      %scan3A_306 = arith.constant 125 : i32
      %add3A_307 = arith.addf %scan3A_305#0, %scan3A_305#1 : vector<16xf32>
      %add3A_308 = arith.addf %scan3A_305#2, %scan3A_305#3 : vector<16xf32>
      %add3A_309 = arith.addf %add3A_307, %add3A_308 : vector<16xf32>
      %slice3A_310 = vector.extract_strided_slice %get3A_81 {offsets = [3], sizes = [1], strides = [1]} : vector<16xi32> to vector<1xi32>
      %squeeze3A_311 = vector.extract %slice3A_310[0] : i32 from vector<1xi32>
      %shift_right_arithmetic3A_312 = arith.constant 4 : i32
      %shift_right_arithmetic3A_313 = arith.shrsi %squeeze3A_311, %shift_right_arithmetic3A_312 : i32
      %shift_left3A_314 = arith.constant 4 : i32
      %shift_left3A_315 = arith.shli %shift_right_arithmetic3A_313, %shift_left3A_314 : i32
      %and3A_316 = arith.constant 15 : i32
      %and3A_317 = arith.andi %squeeze3A_311, %and3A_316 : i32
      %get3A_318 = arith.index_cast %shift_left3A_315 : i32 to index
      %get3A_319 = tpu.vector_load %arg8[%get3A_318] {strides = array<i32>} : memref<32000xf32, #tpu.memory_space<vmem>>, vector<16xf32>,
      %get3A_320 = vector.shape_cast %get3A_319 : vector<16xf32> to vector<16xf32>
      %get3A_321 = arith.constant 0 : index
      %get3A_322 = tpu.vector_load %arg8[%get3A_321] {strides = array<i32>} : memref<32000xf32, #tpu.memory_space<vmem>>, vector<16xf32>,
      %get3A_323 = vector.shape_cast %get3A_322 : vector<16xf32> to vector<16xf32>
      %eq3A_324 = vector.broadcast %and3A_317 : i32 to vector<16xi32>
      %eq3A_325 = arith.cmpi eq, %iota3A, %eq3A_324 : vector<16xi32>
      %mul3A_326 = arith.constant -0.899996876 : f32
      %mul3A_327 = vector.broadcast %mul3A_326 : f32 to vector<16xf32>
      %mul3A_328 = arith.mulf %mul3A_327, %get3A_320 : vector<16xf32>
      %jit3A_329 = arith.constant 0.000000e+00 : f32
      %broadcast_in_dim3A_330 = vector.broadcast %jit3A_329 : f32 to vector<16xf32>
      %select_n3A_331 = arith.select %eq3A_325, %mul3A_328, %broadcast_in_dim3A_330 : vector<16xi1>, vector<16xf32>
      %eq3A_332 = arith.constant 0 : i32
      %eq3A_333 = vector.broadcast %eq3A_332 : i32 to vector<16xi32>
      %eq3A_334 = arith.cmpi eq, %iota3A, %eq3A_333 : vector<16xi32>
      %mul3A_335 = arith.constant 3.12519524E-6 : f32
      %mul3A_336 = vector.broadcast %mul3A_335 : f32 to vector<16xf32>
      %mul3A_337 = arith.mulf %mul3A_336, %get3A_323 : vector<16xf32>
      %add3A_338 = arith.constant -1.3624258 : f32
      %add3A_339 = vector.broadcast %add3A_338 : f32 to vector<16xf32>
      %add3A_340 = arith.addf %add3A_339, %mul3A_337 : vector<16xf32>
      %jit3A_341 = arith.constant 0.000000e+00 : f32
      %broadcast_in_dim3A_342 = vector.broadcast %jit3A_341 : f32 to vector<16xf32>
      %select_n3A_343 = arith.select %eq3A_334, %add3A_340, %broadcast_in_dim3A_342 : vector<16xi1>, vector<16xf32>
      %add3A_344 = arith.addf %select_n3A_331, %select_n3A_343 : vector<16xf32>
      %mul3A_345 = arith.constant 16 : i32
      %mul3A_346 = arith.muli %scan3A_70, %mul3A_345 : i32
      %add3A_347 = arith.constant 3 : i32
      %add3A_348 = arith.addi %mul3A_346, %add3A_347 : i32
      %add3A_349 = arith.constant 2 : i32
      %add3A_350 = arith.addi %add3A_348, %add3A_349 : i32
      %lt3A_351 = arith.constant 48 : i32
      %lt3A_352 = arith.cmpi slt, %add3A_350, %lt3A_351 : i32
      %convert_element_type3A_353 = arith.extui %lt3A_352 : i1 to i32
      %cond3A_354 = arith.constant 0 : i32
      %cond3A_355 = arith.cmpi ne, %convert_element_type3A_353, %cond3A_354 : i32
      scf.if %cond3A_355 {
        %add3A_1254 = arith.addi %add3A_4, %add3A_350 : i32
        %dma_start3A_1255 = arith.constant 0 : i32
        %dma_start3A_1256 = tpu.memref_slice %arg2[%add3A_1254, %dma_start3A_1255] : memref<4096x32000xf32, #tpu.memory_space<hbm>> -> memref<1x32000xf32, #tpu.memory_space<hbm>>
        %dma_start3A_1257 = tpu.memref_squeeze %dma_start3A_1256 : memref<1x32000xf32, #tpu.memory_space<hbm>> -> memref<32000xf32, #tpu.memory_space<hbm>>
        %dma_start3A_1258 = arith.constant 0 : i32
        %dma_start3A_1259 = tpu.memref_slice %arg2[%add3A_1254, %dma_start3A_1258] : memref<4096x32000xf32, #tpu.memory_space<hbm>> -> memref<1x32000xf32, #tpu.memory_space<hbm>>
        %dma_start3A_1260 = tpu.memref_squeeze %dma_start3A_1259 : memref<1x32000xf32, #tpu.memory_space<hbm>> -> memref<32000xf32, #tpu.memory_space<hbm>>
        tpu.enqueue_dma source(%dma_start3A_1260 : memref<32000xf32, #tpu.memory_space<hbm>>) target(%arg8 : memref<32000xf32, #tpu.memory_space<vmem>>) target_semaphore(%arg11 : memref<!tpu.dma_semaphore, #tpu.memory_space<semaphore_mem>>)
      } else {
      }
      %broadcast_in_dim3A_356 = arith.constant 3 : i32
      %broadcast_in_dim3A_357 = vector.broadcast %broadcast_in_dim3A_356 : i32 to vector<16x1xi32>
      %gather3A_358 = vector.shape_cast %broadcast_in_dim3A_357 : vector<16x1xi32> to vector<16xi32>
      %gather3A_359 = tpu.dynamic_gather %get3A_76[%gather3A_358] in [0] : vector<16xf32>, vector<16xi32> -> vector<16xf32>
      %mul3A_360 = arith.constant 3.12519524E-6 : f32
      %mul3A_361 = vector.broadcast %mul3A_360 : f32 to vector<16xf32>
      %mul3A_362 = arith.mulf %mul3A_361, %add3A_309 : vector<16xf32>
      %sub3A_363 = arith.subf %add3A_344, %mul3A_362 : vector<16xf32>
      %mul3A_364 = arith.mulf %gather3A_359, %sub3A_363 : vector<16xf32>
      %add3A_365 = arith.addf %add3A_291, %mul3A_364 : vector<16xf32>
      %dma_wait3A_366 = arith.constant 0 : i32
      %dma_wait3A_367 = arith.constant 0 : i32
      %dma_wait3A_368 = tpu.memref_slice %arg2[%dma_wait3A_366, %dma_wait3A_367] : memref<4096x32000xf32, #tpu.memory_space<hbm>> -> memref<1x32000xf32, #tpu.memory_space<hbm>>
      %dma_wait3A_369 = tpu.memref_squeeze %dma_wait3A_368 : memref<1x32000xf32, #tpu.memory_space<hbm>> -> memref<32000xf32, #tpu.memory_space<hbm>>
      %dma_wait3A_370 = arith.constant 0 : i32
      %dma_wait3A_371 = tpu.memref_slice %arg2[%dma_wait3A_366, %dma_wait3A_370] : memref<4096x32000xf32, #tpu.memory_space<hbm>> -> memref<1x32000xf32, #tpu.memory_space<hbm>>
      %dma_wait3A_372 = tpu.memref_squeeze %dma_wait3A_371 : memref<1x32000xf32, #tpu.memory_space<hbm>> -> memref<32000xf32, #tpu.memory_space<hbm>>
      tpu.wait_dma2 semaphore(%arg10 : memref<!tpu.dma_semaphore, #tpu.memory_space<semaphore_mem>>) src(%dma_wait3A_372 : memref<32000xf32, #tpu.memory_space<hbm>>) dst(%arg7 : memref<32000xf32, #tpu.memory_space<vmem>>)
      %broadcast_in_dim3A_373 = arith.constant 0.000000e+00 : f32
      %broadcast_in_dim3A_374 = vector.broadcast %broadcast_in_dim3A_373 : f32 to vector<16xf32>
      %scan3A_375 = arith.constant 0 : i32
      %scan3A_376 = arith.constant 125 : i32
      %scan3A_377 = arith.addi %scan3A_375, %scan3A_376 : i32
      %scan3A_378 = arith.constant 1 : i32
      %scan3A_379:4 = scf.for %scan3A_1254 = %scan3A_375 to %scan3A_377 step %scan3A_378 iter_args(%scan3A_1255 = %broadcast_in_dim3A_374, %scan3A_1256 = %broadcast_in_dim3A_374, %scan3A_1257 = %broadcast_in_dim3A_374, %scan3A_1258 = %broadcast_in_dim3A_374) -> (vector<16xf32>, vector<16xf32>, vector<16xf32>, vector<16xf32>)  : i32 {
        %mul3A_1259 = arith.constant 256 : i32
        %mul3A_1260 = arith.muli %scan3A_1254, %mul3A_1259 : i32
        %add3A_1261 = arith.constant 0 : i32
        %add3A_1262 = arith.addi %mul3A_1260, %add3A_1261 : i32
        %get3A_1263 = arith.index_cast %add3A_1262 : i32 to index
        %get3A_1264 = tpu.vector_load %arg7[%get3A_1263] {strides = array<i32>} : memref<32000xf32, #tpu.memory_space<vmem>>, vector<16xf32>,
        %get3A_1265 = vector.shape_cast %get3A_1264 : vector<16xf32> to vector<16xf32>
        %add3A_1266 = arith.addf %scan3A_1255, %get3A_1265 : vector<16xf32>
        %mul3A_1267 = arith.constant 256 : i32
        %mul3A_1268 = arith.muli %scan3A_1254, %mul3A_1267 : i32
        %add3A_1269 = arith.constant 16 : i32
        %add3A_1270 = arith.addi %mul3A_1268, %add3A_1269 : i32
        %get3A_1271 = arith.index_cast %add3A_1270 : i32 to index
        %get3A_1272 = tpu.vector_load %arg7[%get3A_1271] {strides = array<i32>} : memref<32000xf32, #tpu.memory_space<vmem>>, vector<16xf32>,
        %get3A_1273 = vector.shape_cast %get3A_1272 : vector<16xf32> to vector<16xf32>
        %add3A_1274 = arith.addf %scan3A_1256, %get3A_1273 : vector<16xf32>
        %mul3A_1275 = arith.constant 256 : i32
        %mul3A_1276 = arith.muli %scan3A_1254, %mul3A_1275 : i32
        %add3A_1277 = arith.constant 32 : i32
        %add3A_1278 = arith.addi %mul3A_1276, %add3A_1277 : i32
        %get3A_1279 = arith.index_cast %add3A_1278 : i32 to index
        %get3A_1280 = tpu.vector_load %arg7[%get3A_1279] {strides = array<i32>} : memref<32000xf32, #tpu.memory_space<vmem>>, vector<16xf32>,
        %get3A_1281 = vector.shape_cast %get3A_1280 : vector<16xf32> to vector<16xf32>
        %add3A_1282 = arith.addf %scan3A_1257, %get3A_1281 : vector<16xf32>
        %mul3A_1283 = arith.constant 256 : i32
        %mul3A_1284 = arith.muli %scan3A_1254, %mul3A_1283 : i32
        %add3A_1285 = arith.constant 48 : i32
        %add3A_1286 = arith.addi %mul3A_1284, %add3A_1285 : i32
        %get3A_1287 = arith.index_cast %add3A_1286 : i32 to index
        %get3A_1288 = tpu.vector_load %arg7[%get3A_1287] {strides = array<i32>} : memref<32000xf32, #tpu.memory_space<vmem>>, vector<16xf32>,
        %get3A_1289 = vector.shape_cast %get3A_1288 : vector<16xf32> to vector<16xf32>
        %add3A_1290 = arith.addf %scan3A_1258, %get3A_1289 : vector<16xf32>
        %mul3A_1291 = arith.constant 256 : i32
        %mul3A_1292 = arith.muli %scan3A_1254, %mul3A_1291 : i32
        %add3A_1293 = arith.constant 64 : i32
        %add3A_1294 = arith.addi %mul3A_1292, %add3A_1293 : i32
        %get3A_1295 = arith.index_cast %add3A_1294 : i32 to index
        %get3A_1296 = tpu.vector_load %arg7[%get3A_1295] {strides = array<i32>} : memref<32000xf32, #tpu.memory_space<vmem>>, vector<16xf32>,
        %get3A_1297 = vector.shape_cast %get3A_1296 : vector<16xf32> to vector<16xf32>
        %add3A_1298 = arith.addf %add3A_1266, %get3A_1297 : vector<16xf32>
        %mul3A_1299 = arith.constant 256 : i32
        %mul3A_1300 = arith.muli %scan3A_1254, %mul3A_1299 : i32
        %add3A_1301 = arith.constant 80 : i32
        %add3A_1302 = arith.addi %mul3A_1300, %add3A_1301 : i32
        %get3A_1303 = arith.index_cast %add3A_1302 : i32 to index
        %get3A_1304 = tpu.vector_load %arg7[%get3A_1303] {strides = array<i32>} : memref<32000xf32, #tpu.memory_space<vmem>>, vector<16xf32>,
        %get3A_1305 = vector.shape_cast %get3A_1304 : vector<16xf32> to vector<16xf32>
        %add3A_1306 = arith.addf %add3A_1274, %get3A_1305 : vector<16xf32>
        %mul3A_1307 = arith.constant 256 : i32
        %mul3A_1308 = arith.muli %scan3A_1254, %mul3A_1307 : i32
        %add3A_1309 = arith.constant 96 : i32
        %add3A_1310 = arith.addi %mul3A_1308, %add3A_1309 : i32
        %get3A_1311 = arith.index_cast %add3A_1310 : i32 to index
        %get3A_1312 = tpu.vector_load %arg7[%get3A_1311] {strides = array<i32>} : memref<32000xf32, #tpu.memory_space<vmem>>, vector<16xf32>,
        %get3A_1313 = vector.shape_cast %get3A_1312 : vector<16xf32> to vector<16xf32>
        %add3A_1314 = arith.addf %add3A_1282, %get3A_1313 : vector<16xf32>
        %mul3A_1315 = arith.constant 256 : i32
        %mul3A_1316 = arith.muli %scan3A_1254, %mul3A_1315 : i32
        %add3A_1317 = arith.constant 112 : i32
        %add3A_1318 = arith.addi %mul3A_1316, %add3A_1317 : i32
        %get3A_1319 = arith.index_cast %add3A_1318 : i32 to index
        %get3A_1320 = tpu.vector_load %arg7[%get3A_1319] {strides = array<i32>} : memref<32000xf32, #tpu.memory_space<vmem>>, vector<16xf32>,
        %get3A_1321 = vector.shape_cast %get3A_1320 : vector<16xf32> to vector<16xf32>
        %add3A_1322 = arith.addf %add3A_1290, %get3A_1321 : vector<16xf32>
        %mul3A_1323 = arith.constant 256 : i32
        %mul3A_1324 = arith.muli %scan3A_1254, %mul3A_1323 : i32
        %add3A_1325 = arith.constant 128 : i32
        %add3A_1326 = arith.addi %mul3A_1324, %add3A_1325 : i32
        %get3A_1327 = arith.index_cast %add3A_1326 : i32 to index
        %get3A_1328 = tpu.vector_load %arg7[%get3A_1327] {strides = array<i32>} : memref<32000xf32, #tpu.memory_space<vmem>>, vector<16xf32>,
        %get3A_1329 = vector.shape_cast %get3A_1328 : vector<16xf32> to vector<16xf32>
        %add3A_1330 = arith.addf %add3A_1298, %get3A_1329 : vector<16xf32>
        %mul3A_1331 = arith.constant 256 : i32
        %mul3A_1332 = arith.muli %scan3A_1254, %mul3A_1331 : i32
        %add3A_1333 = arith.constant 144 : i32
        %add3A_1334 = arith.addi %mul3A_1332, %add3A_1333 : i32
        %get3A_1335 = arith.index_cast %add3A_1334 : i32 to index
        %get3A_1336 = tpu.vector_load %arg7[%get3A_1335] {strides = array<i32>} : memref<32000xf32, #tpu.memory_space<vmem>>, vector<16xf32>,
        %get3A_1337 = vector.shape_cast %get3A_1336 : vector<16xf32> to vector<16xf32>
        %add3A_1338 = arith.addf %add3A_1306, %get3A_1337 : vector<16xf32>
        %mul3A_1339 = arith.constant 256 : i32
        %mul3A_1340 = arith.muli %scan3A_1254, %mul3A_1339 : i32
        %add3A_1341 = arith.constant 160 : i32
        %add3A_1342 = arith.addi %mul3A_1340, %add3A_1341 : i32
        %get3A_1343 = arith.index_cast %add3A_1342 : i32 to index
        %get3A_1344 = tpu.vector_load %arg7[%get3A_1343] {strides = array<i32>} : memref<32000xf32, #tpu.memory_space<vmem>>, vector<16xf32>,
        %get3A_1345 = vector.shape_cast %get3A_1344 : vector<16xf32> to vector<16xf32>
        %add3A_1346 = arith.addf %add3A_1314, %get3A_1345 : vector<16xf32>
        %mul3A_1347 = arith.constant 256 : i32
        %mul3A_1348 = arith.muli %scan3A_1254, %mul3A_1347 : i32
        %add3A_1349 = arith.constant 176 : i32
        %add3A_1350 = arith.addi %mul3A_1348, %add3A_1349 : i32
        %get3A_1351 = arith.index_cast %add3A_1350 : i32 to index
        %get3A_1352 = tpu.vector_load %arg7[%get3A_1351] {strides = array<i32>} : memref<32000xf32, #tpu.memory_space<vmem>>, vector<16xf32>,
        %get3A_1353 = vector.shape_cast %get3A_1352 : vector<16xf32> to vector<16xf32>
        %add3A_1354 = arith.addf %add3A_1322, %get3A_1353 : vector<16xf32>
        %mul3A_1355 = arith.constant 256 : i32
        %mul3A_1356 = arith.muli %scan3A_1254, %mul3A_1355 : i32
        %add3A_1357 = arith.constant 192 : i32
        %add3A_1358 = arith.addi %mul3A_1356, %add3A_1357 : i32
        %get3A_1359 = arith.index_cast %add3A_1358 : i32 to index
        %get3A_1360 = tpu.vector_load %arg7[%get3A_1359] {strides = array<i32>} : memref<32000xf32, #tpu.memory_space<vmem>>, vector<16xf32>,
        %get3A_1361 = vector.shape_cast %get3A_1360 : vector<16xf32> to vector<16xf32>
        %add3A_1362 = arith.addf %add3A_1330, %get3A_1361 : vector<16xf32>
        %mul3A_1363 = arith.constant 256 : i32
        %mul3A_1364 = arith.muli %scan3A_1254, %mul3A_1363 : i32
        %add3A_1365 = arith.constant 208 : i32
        %add3A_1366 = arith.addi %mul3A_1364, %add3A_1365 : i32
        %get3A_1367 = arith.index_cast %add3A_1366 : i32 to index
        %get3A_1368 = tpu.vector_load %arg7[%get3A_1367] {strides = array<i32>} : memref<32000xf32, #tpu.memory_space<vmem>>, vector<16xf32>,
        %get3A_1369 = vector.shape_cast %get3A_1368 : vector<16xf32> to vector<16xf32>
        %add3A_1370 = arith.addf %add3A_1338, %get3A_1369 : vector<16xf32>
        %mul3A_1371 = arith.constant 256 : i32
        %mul3A_1372 = arith.muli %scan3A_1254, %mul3A_1371 : i32
        %add3A_1373 = arith.constant 224 : i32
        %add3A_1374 = arith.addi %mul3A_1372, %add3A_1373 : i32
        %get3A_1375 = arith.index_cast %add3A_1374 : i32 to index
        %get3A_1376 = tpu.vector_load %arg7[%get3A_1375] {strides = array<i32>} : memref<32000xf32, #tpu.memory_space<vmem>>, vector<16xf32>,
        %get3A_1377 = vector.shape_cast %get3A_1376 : vector<16xf32> to vector<16xf32>
        %add3A_1378 = arith.addf %add3A_1346, %get3A_1377 : vector<16xf32>
        %mul3A_1379 = arith.constant 256 : i32
        %mul3A_1380 = arith.muli %scan3A_1254, %mul3A_1379 : i32
        %add3A_1381 = arith.constant 240 : i32
        %add3A_1382 = arith.addi %mul3A_1380, %add3A_1381 : i32
        %get3A_1383 = arith.index_cast %add3A_1382 : i32 to index
        %get3A_1384 = tpu.vector_load %arg7[%get3A_1383] {strides = array<i32>} : memref<32000xf32, #tpu.memory_space<vmem>>, vector<16xf32>,
        %get3A_1385 = vector.shape_cast %get3A_1384 : vector<16xf32> to vector<16xf32>
        %add3A_1386 = arith.addf %add3A_1354, %get3A_1385 : vector<16xf32>
        scf.yield %add3A_1362, %add3A_1370, %add3A_1378, %add3A_1386 : vector<16xf32>, vector<16xf32>, vector<16xf32>, vector<16xf32>
      }
      %scan3A_380 = arith.constant 125 : i32
      %add3A_381 = arith.addf %scan3A_379#0, %scan3A_379#1 : vector<16xf32>
      %add3A_382 = arith.addf %scan3A_379#2, %scan3A_379#3 : vector<16xf32>
      %add3A_383 = arith.addf %add3A_381, %add3A_382 : vector<16xf32>
      %slice3A_384 = vector.extract_strided_slice %get3A_81 {offsets = [4], sizes = [1], strides = [1]} : vector<16xi32> to vector<1xi32>
      %squeeze3A_385 = vector.extract %slice3A_384[0] : i32 from vector<1xi32>
      %shift_right_arithmetic3A_386 = arith.constant 4 : i32
      %shift_right_arithmetic3A_387 = arith.shrsi %squeeze3A_385, %shift_right_arithmetic3A_386 : i32
      %shift_left3A_388 = arith.constant 4 : i32
      %shift_left3A_389 = arith.shli %shift_right_arithmetic3A_387, %shift_left3A_388 : i32
      %and3A_390 = arith.constant 15 : i32
      %and3A_391 = arith.andi %squeeze3A_385, %and3A_390 : i32
      %get3A_392 = arith.index_cast %shift_left3A_389 : i32 to index
      %get3A_393 = tpu.vector_load %arg7[%get3A_392] {strides = array<i32>} : memref<32000xf32, #tpu.memory_space<vmem>>, vector<16xf32>,
      %get3A_394 = vector.shape_cast %get3A_393 : vector<16xf32> to vector<16xf32>
      %get3A_395 = arith.constant 0 : index
      %get3A_396 = tpu.vector_load %arg7[%get3A_395] {strides = array<i32>} : memref<32000xf32, #tpu.memory_space<vmem>>, vector<16xf32>,
      %get3A_397 = vector.shape_cast %get3A_396 : vector<16xf32> to vector<16xf32>
      %eq3A_398 = vector.broadcast %and3A_391 : i32 to vector<16xi32>
      %eq3A_399 = arith.cmpi eq, %iota3A, %eq3A_398 : vector<16xi32>
      %mul3A_400 = arith.constant -0.899996876 : f32
      %mul3A_401 = vector.broadcast %mul3A_400 : f32 to vector<16xf32>
      %mul3A_402 = arith.mulf %mul3A_401, %get3A_394 : vector<16xf32>
      %jit3A_403 = arith.constant 0.000000e+00 : f32
      %broadcast_in_dim3A_404 = vector.broadcast %jit3A_403 : f32 to vector<16xf32>
      %select_n3A_405 = arith.select %eq3A_399, %mul3A_402, %broadcast_in_dim3A_404 : vector<16xi1>, vector<16xf32>
      %eq3A_406 = arith.constant 0 : i32
      %eq3A_407 = vector.broadcast %eq3A_406 : i32 to vector<16xi32>
      %eq3A_408 = arith.cmpi eq, %iota3A, %eq3A_407 : vector<16xi32>
      %mul3A_409 = arith.constant 3.12519524E-6 : f32
      %mul3A_410 = vector.broadcast %mul3A_409 : f32 to vector<16xf32>
      %mul3A_411 = arith.mulf %mul3A_410, %get3A_397 : vector<16xf32>
      %add3A_412 = arith.constant -1.3624258 : f32
      %add3A_413 = vector.broadcast %add3A_412 : f32 to vector<16xf32>
      %add3A_414 = arith.addf %add3A_413, %mul3A_411 : vector<16xf32>
      %jit3A_415 = arith.constant 0.000000e+00 : f32
      %broadcast_in_dim3A_416 = vector.broadcast %jit3A_415 : f32 to vector<16xf32>
      %select_n3A_417 = arith.select %eq3A_408, %add3A_414, %broadcast_in_dim3A_416 : vector<16xi1>, vector<16xf32>
      %add3A_418 = arith.addf %select_n3A_405, %select_n3A_417 : vector<16xf32>
      %mul3A_419 = arith.constant 16 : i32
      %mul3A_420 = arith.muli %scan3A_70, %mul3A_419 : i32
      %add3A_421 = arith.constant 4 : i32
      %add3A_422 = arith.addi %mul3A_420, %add3A_421 : i32
      %add3A_423 = arith.constant 2 : i32
      %add3A_424 = arith.addi %add3A_422, %add3A_423 : i32
      %lt3A_425 = arith.constant 48 : i32
      %lt3A_426 = arith.cmpi slt, %add3A_424, %lt3A_425 : i32
      %convert_element_type3A_427 = arith.extui %lt3A_426 : i1 to i32
      %cond3A_428 = arith.constant 0 : i32
      %cond3A_429 = arith.cmpi ne, %convert_element_type3A_427, %cond3A_428 : i32
      scf.if %cond3A_429 {
        %add3A_1254 = arith.addi %add3A_4, %add3A_424 : i32
        %dma_start3A_1255 = arith.constant 0 : i32
        %dma_start3A_1256 = tpu.memref_slice %arg2[%add3A_1254, %dma_start3A_1255] : memref<4096x32000xf32, #tpu.memory_space<hbm>> -> memref<1x32000xf32, #tpu.memory_space<hbm>>
        %dma_start3A_1257 = tpu.memref_squeeze %dma_start3A_1256 : memref<1x32000xf32, #tpu.memory_space<hbm>> -> memref<32000xf32, #tpu.memory_space<hbm>>
        %dma_start3A_1258 = arith.constant 0 : i32
        %dma_start3A_1259 = tpu.memref_slice %arg2[%add3A_1254, %dma_start3A_1258] : memref<4096x32000xf32, #tpu.memory_space<hbm>> -> memref<1x32000xf32, #tpu.memory_space<hbm>>
        %dma_start3A_1260 = tpu.memref_squeeze %dma_start3A_1259 : memref<1x32000xf32, #tpu.memory_space<hbm>> -> memref<32000xf32, #tpu.memory_space<hbm>>
        tpu.enqueue_dma source(%dma_start3A_1260 : memref<32000xf32, #tpu.memory_space<hbm>>) target(%arg7 : memref<32000xf32, #tpu.memory_space<vmem>>) target_semaphore(%arg10 : memref<!tpu.dma_semaphore, #tpu.memory_space<semaphore_mem>>)
      } else {
      }
      %broadcast_in_dim3A_430 = arith.constant 4 : i32
      %broadcast_in_dim3A_431 = vector.broadcast %broadcast_in_dim3A_430 : i32 to vector<16x1xi32>
      %gather3A_432 = vector.shape_cast %broadcast_in_dim3A_431 : vector<16x1xi32> to vector<16xi32>
      %gather3A_433 = tpu.dynamic_gather %get3A_76[%gather3A_432] in [0] : vector<16xf32>, vector<16xi32> -> vector<16xf32>
      %mul3A_434 = arith.constant 3.12519524E-6 : f32
      %mul3A_435 = vector.broadcast %mul3A_434 : f32 to vector<16xf32>
      %mul3A_436 = arith.mulf %mul3A_435, %add3A_383 : vector<16xf32>
      %sub3A_437 = arith.subf %add3A_418, %mul3A_436 : vector<16xf32>
      %mul3A_438 = arith.mulf %gather3A_433, %sub3A_437 : vector<16xf32>
      %add3A_439 = arith.addf %add3A_365, %mul3A_438 : vector<16xf32>
      %dma_wait3A_440 = arith.constant 0 : i32
      %dma_wait3A_441 = arith.constant 0 : i32
      %dma_wait3A_442 = tpu.memref_slice %arg2[%dma_wait3A_440, %dma_wait3A_441] : memref<4096x32000xf32, #tpu.memory_space<hbm>> -> memref<1x32000xf32, #tpu.memory_space<hbm>>
      %dma_wait3A_443 = tpu.memref_squeeze %dma_wait3A_442 : memref<1x32000xf32, #tpu.memory_space<hbm>> -> memref<32000xf32, #tpu.memory_space<hbm>>
      %dma_wait3A_444 = arith.constant 0 : i32
      %dma_wait3A_445 = tpu.memref_slice %arg2[%dma_wait3A_440, %dma_wait3A_444] : memref<4096x32000xf32, #tpu.memory_space<hbm>> -> memref<1x32000xf32, #tpu.memory_space<hbm>>
      %dma_wait3A_446 = tpu.memref_squeeze %dma_wait3A_445 : memref<1x32000xf32, #tpu.memory_space<hbm>> -> memref<32000xf32, #tpu.memory_space<hbm>>
      tpu.wait_dma2 semaphore(%arg11 : memref<!tpu.dma_semaphore, #tpu.memory_space<semaphore_mem>>) src(%dma_wait3A_446 : memref<32000xf32, #tpu.memory_space<hbm>>) dst(%arg8 : memref<32000xf32, #tpu.memory_space<vmem>>)
      %broadcast_in_dim3A_447 = arith.constant 0.000000e+00 : f32
      %broadcast_in_dim3A_448 = vector.broadcast %broadcast_in_dim3A_447 : f32 to vector<16xf32>
      %scan3A_449 = arith.constant 0 : i32
      %scan3A_450 = arith.constant 125 : i32
      %scan3A_451 = arith.addi %scan3A_449, %scan3A_450 : i32
      %scan3A_452 = arith.constant 1 : i32
      %scan3A_453:4 = scf.for %scan3A_1254 = %scan3A_449 to %scan3A_451 step %scan3A_452 iter_args(%scan3A_1255 = %broadcast_in_dim3A_448, %scan3A_1256 = %broadcast_in_dim3A_448, %scan3A_1257 = %broadcast_in_dim3A_448, %scan3A_1258 = %broadcast_in_dim3A_448) -> (vector<16xf32>, vector<16xf32>, vector<16xf32>, vector<16xf32>)  : i32 {
        %mul3A_1259 = arith.constant 256 : i32
        %mul3A_1260 = arith.muli %scan3A_1254, %mul3A_1259 : i32
        %add3A_1261 = arith.constant 0 : i32
        %add3A_1262 = arith.addi %mul3A_1260, %add3A_1261 : i32
        %get3A_1263 = arith.index_cast %add3A_1262 : i32 to index
        %get3A_1264 = tpu.vector_load %arg8[%get3A_1263] {strides = array<i32>} : memref<32000xf32, #tpu.memory_space<vmem>>, vector<16xf32>,
        %get3A_1265 = vector.shape_cast %get3A_1264 : vector<16xf32> to vector<16xf32>
        %add3A_1266 = arith.addf %scan3A_1255, %get3A_1265 : vector<16xf32>
        %mul3A_1267 = arith.constant 256 : i32
        %mul3A_1268 = arith.muli %scan3A_1254, %mul3A_1267 : i32
        %add3A_1269 = arith.constant 16 : i32
        %add3A_1270 = arith.addi %mul3A_1268, %add3A_1269 : i32
        %get3A_1271 = arith.index_cast %add3A_1270 : i32 to index
        %get3A_1272 = tpu.vector_load %arg8[%get3A_1271] {strides = array<i32>} : memref<32000xf32, #tpu.memory_space<vmem>>, vector<16xf32>,
        %get3A_1273 = vector.shape_cast %get3A_1272 : vector<16xf32> to vector<16xf32>
        %add3A_1274 = arith.addf %scan3A_1256, %get3A_1273 : vector<16xf32>
        %mul3A_1275 = arith.constant 256 : i32
        %mul3A_1276 = arith.muli %scan3A_1254, %mul3A_1275 : i32
        %add3A_1277 = arith.constant 32 : i32
        %add3A_1278 = arith.addi %mul3A_1276, %add3A_1277 : i32
        %get3A_1279 = arith.index_cast %add3A_1278 : i32 to index
        %get3A_1280 = tpu.vector_load %arg8[%get3A_1279] {strides = array<i32>} : memref<32000xf32, #tpu.memory_space<vmem>>, vector<16xf32>,
        %get3A_1281 = vector.shape_cast %get3A_1280 : vector<16xf32> to vector<16xf32>
        %add3A_1282 = arith.addf %scan3A_1257, %get3A_1281 : vector<16xf32>
        %mul3A_1283 = arith.constant 256 : i32
        %mul3A_1284 = arith.muli %scan3A_1254, %mul3A_1283 : i32
        %add3A_1285 = arith.constant 48 : i32
        %add3A_1286 = arith.addi %mul3A_1284, %add3A_1285 : i32
        %get3A_1287 = arith.index_cast %add3A_1286 : i32 to index
        %get3A_1288 = tpu.vector_load %arg8[%get3A_1287] {strides = array<i32>} : memref<32000xf32, #tpu.memory_space<vmem>>, vector<16xf32>,
        %get3A_1289 = vector.shape_cast %get3A_1288 : vector<16xf32> to vector<16xf32>
        %add3A_1290 = arith.addf %scan3A_1258, %get3A_1289 : vector<16xf32>
        %mul3A_1291 = arith.constant 256 : i32
        %mul3A_1292 = arith.muli %scan3A_1254, %mul3A_1291 : i32
        %add3A_1293 = arith.constant 64 : i32
        %add3A_1294 = arith.addi %mul3A_1292, %add3A_1293 : i32
        %get3A_1295 = arith.index_cast %add3A_1294 : i32 to index
        %get3A_1296 = tpu.vector_load %arg8[%get3A_1295] {strides = array<i32>} : memref<32000xf32, #tpu.memory_space<vmem>>, vector<16xf32>,
        %get3A_1297 = vector.shape_cast %get3A_1296 : vector<16xf32> to vector<16xf32>
        %add3A_1298 = arith.addf %add3A_1266, %get3A_1297 : vector<16xf32>
        %mul3A_1299 = arith.constant 256 : i32
        %mul3A_1300 = arith.muli %scan3A_1254, %mul3A_1299 : i32
        %add3A_1301 = arith.constant 80 : i32
        %add3A_1302 = arith.addi %mul3A_1300, %add3A_1301 : i32
        %get3A_1303 = arith.index_cast %add3A_1302 : i32 to index
        %get3A_1304 = tpu.vector_load %arg8[%get3A_1303] {strides = array<i32>} : memref<32000xf32, #tpu.memory_space<vmem>>, vector<16xf32>,
        %get3A_1305 = vector.shape_cast %get3A_1304 : vector<16xf32> to vector<16xf32>
        %add3A_1306 = arith.addf %add3A_1274, %get3A_1305 : vector<16xf32>
        %mul3A_1307 = arith.constant 256 : i32
        %mul3A_1308 = arith.muli %scan3A_1254, %mul3A_1307 : i32
        %add3A_1309 = arith.constant 96 : i32
        %add3A_1310 = arith.addi %mul3A_1308, %add3A_1309 : i32
        %get3A_1311 = arith.index_cast %add3A_1310 : i32 to index
        %get3A_1312 = tpu.vector_load %arg8[%get3A_1311] {strides = array<i32>} : memref<32000xf32, #tpu.memory_space<vmem>>, vector<16xf32>,
        %get3A_1313 = vector.shape_cast %get3A_1312 : vector<16xf32> to vector<16xf32>
        %add3A_1314 = arith.addf %add3A_1282, %get3A_1313 : vector<16xf32>
        %mul3A_1315 = arith.constant 256 : i32
        %mul3A_1316 = arith.muli %scan3A_1254, %mul3A_1315 : i32
        %add3A_1317 = arith.constant 112 : i32
        %add3A_1318 = arith.addi %mul3A_1316, %add3A_1317 : i32
        %get3A_1319 = arith.index_cast %add3A_1318 : i32 to index
        %get3A_1320 = tpu.vector_load %arg8[%get3A_1319] {strides = array<i32>} : memref<32000xf32, #tpu.memory_space<vmem>>, vector<16xf32>,
        %get3A_1321 = vector.shape_cast %get3A_1320 : vector<16xf32> to vector<16xf32>
        %add3A_1322 = arith.addf %add3A_1290, %get3A_1321 : vector<16xf32>
        %mul3A_1323 = arith.constant 256 : i32
        %mul3A_1324 = arith.muli %scan3A_1254, %mul3A_1323 : i32
        %add3A_1325 = arith.constant 128 : i32
        %add3A_1326 = arith.addi %mul3A_1324, %add3A_1325 : i32
        %get3A_1327 = arith.index_cast %add3A_1326 : i32 to index
        %get3A_1328 = tpu.vector_load %arg8[%get3A_1327] {strides = array<i32>} : memref<32000xf32, #tpu.memory_space<vmem>>, vector<16xf32>,
        %get3A_1329 = vector.shape_cast %get3A_1328 : vector<16xf32> to vector<16xf32>
        %add3A_1330 = arith.addf %add3A_1298, %get3A_1329 : vector<16xf32>
        %mul3A_1331 = arith.constant 256 : i32
        %mul3A_1332 = arith.muli %scan3A_1254, %mul3A_1331 : i32
        %add3A_1333 = arith.constant 144 : i32
        %add3A_1334 = arith.addi %mul3A_1332, %add3A_1333 : i32
        %get3A_1335 = arith.index_cast %add3A_1334 : i32 to index
        %get3A_1336 = tpu.vector_load %arg8[%get3A_1335] {strides = array<i32>} : memref<32000xf32, #tpu.memory_space<vmem>>, vector<16xf32>,
        %get3A_1337 = vector.shape_cast %get3A_1336 : vector<16xf32> to vector<16xf32>
        %add3A_1338 = arith.addf %add3A_1306, %get3A_1337 : vector<16xf32>
        %mul3A_1339 = arith.constant 256 : i32
        %mul3A_1340 = arith.muli %scan3A_1254, %mul3A_1339 : i32
        %add3A_1341 = arith.constant 160 : i32
        %add3A_1342 = arith.addi %mul3A_1340, %add3A_1341 : i32
        %get3A_1343 = arith.index_cast %add3A_1342 : i32 to index
        %get3A_1344 = tpu.vector_load %arg8[%get3A_1343] {strides = array<i32>} : memref<32000xf32, #tpu.memory_space<vmem>>, vector<16xf32>,
        %get3A_1345 = vector.shape_cast %get3A_1344 : vector<16xf32> to vector<16xf32>
        %add3A_1346 = arith.addf %add3A_1314, %get3A_1345 : vector<16xf32>
        %mul3A_1347 = arith.constant 256 : i32
        %mul3A_1348 = arith.muli %scan3A_1254, %mul3A_1347 : i32
        %add3A_1349 = arith.constant 176 : i32
        %add3A_1350 = arith.addi %mul3A_1348, %add3A_1349 : i32
        %get3A_1351 = arith.index_cast %add3A_1350 : i32 to index
        %get3A_1352 = tpu.vector_load %arg8[%get3A_1351] {strides = array<i32>} : memref<32000xf32, #tpu.memory_space<vmem>>, vector<16xf32>,
        %get3A_1353 = vector.shape_cast %get3A_1352 : vector<16xf32> to vector<16xf32>
        %add3A_1354 = arith.addf %add3A_1322, %get3A_1353 : vector<16xf32>
        %mul3A_1355 = arith.constant 256 : i32
        %mul3A_1356 = arith.muli %scan3A_1254, %mul3A_1355 : i32
        %add3A_1357 = arith.constant 192 : i32
        %add3A_1358 = arith.addi %mul3A_1356, %add3A_1357 : i32
        %get3A_1359 = arith.index_cast %add3A_1358 : i32 to index
        %get3A_1360 = tpu.vector_load %arg8[%get3A_1359] {strides = array<i32>} : memref<32000xf32, #tpu.memory_space<vmem>>, vector<16xf32>,
        %get3A_1361 = vector.shape_cast %get3A_1360 : vector<16xf32> to vector<16xf32>
        %add3A_1362 = arith.addf %add3A_1330, %get3A_1361 : vector<16xf32>
        %mul3A_1363 = arith.constant 256 : i32
        %mul3A_1364 = arith.muli %scan3A_1254, %mul3A_1363 : i32
        %add3A_1365 = arith.constant 208 : i32
        %add3A_1366 = arith.addi %mul3A_1364, %add3A_1365 : i32
        %get3A_1367 = arith.index_cast %add3A_1366 : i32 to index
        %get3A_1368 = tpu.vector_load %arg8[%get3A_1367] {strides = array<i32>} : memref<32000xf32, #tpu.memory_space<vmem>>, vector<16xf32>,
        %get3A_1369 = vector.shape_cast %get3A_1368 : vector<16xf32> to vector<16xf32>
        %add3A_1370 = arith.addf %add3A_1338, %get3A_1369 : vector<16xf32>
        %mul3A_1371 = arith.constant 256 : i32
        %mul3A_1372 = arith.muli %scan3A_1254, %mul3A_1371 : i32
        %add3A_1373 = arith.constant 224 : i32
        %add3A_1374 = arith.addi %mul3A_1372, %add3A_1373 : i32
        %get3A_1375 = arith.index_cast %add3A_1374 : i32 to index
        %get3A_1376 = tpu.vector_load %arg8[%get3A_1375] {strides = array<i32>} : memref<32000xf32, #tpu.memory_space<vmem>>, vector<16xf32>,
        %get3A_1377 = vector.shape_cast %get3A_1376 : vector<16xf32> to vector<16xf32>
        %add3A_1378 = arith.addf %add3A_1346, %get3A_1377 : vector<16xf32>
        %mul3A_1379 = arith.constant 256 : i32
        %mul3A_1380 = arith.muli %scan3A_1254, %mul3A_1379 : i32
        %add3A_1381 = arith.constant 240 : i32
        %add3A_1382 = arith.addi %mul3A_1380, %add3A_1381 : i32
        %get3A_1383 = arith.index_cast %add3A_1382 : i32 to index
        %get3A_1384 = tpu.vector_load %arg8[%get3A_1383] {strides = array<i32>} : memref<32000xf32, #tpu.memory_space<vmem>>, vector<16xf32>,
        %get3A_1385 = vector.shape_cast %get3A_1384 : vector<16xf32> to vector<16xf32>
        %add3A_1386 = arith.addf %add3A_1354, %get3A_1385 : vector<16xf32>
        scf.yield %add3A_1362, %add3A_1370, %add3A_1378, %add3A_1386 : vector<16xf32>, vector<16xf32>, vector<16xf32>, vector<16xf32>
      }
      %scan3A_454 = arith.constant 125 : i32
      %add3A_455 = arith.addf %scan3A_453#0, %scan3A_453#1 : vector<16xf32>
      %add3A_456 = arith.addf %scan3A_453#2, %scan3A_453#3 : vector<16xf32>
      %add3A_457 = arith.addf %add3A_455, %add3A_456 : vector<16xf32>
      %slice3A_458 = vector.extract_strided_slice %get3A_81 {offsets = [5], sizes = [1], strides = [1]} : vector<16xi32> to vector<1xi32>
      %squeeze3A_459 = vector.extract %slice3A_458[0] : i32 from vector<1xi32>
      %shift_right_arithmetic3A_460 = arith.constant 4 : i32
      %shift_right_arithmetic3A_461 = arith.shrsi %squeeze3A_459, %shift_right_arithmetic3A_460 : i32
      %shift_left3A_462 = arith.constant 4 : i32
      %shift_left3A_463 = arith.shli %shift_right_arithmetic3A_461, %shift_left3A_462 : i32
      %and3A_464 = arith.constant 15 : i32
      %and3A_465 = arith.andi %squeeze3A_459, %and3A_464 : i32
      %get3A_466 = arith.index_cast %shift_left3A_463 : i32 to index
      %get3A_467 = tpu.vector_load %arg8[%get3A_466] {strides = array<i32>} : memref<32000xf32, #tpu.memory_space<vmem>>, vector<16xf32>,
      %get3A_468 = vector.shape_cast %get3A_467 : vector<16xf32> to vector<16xf32>
      %get3A_469 = arith.constant 0 : index
      %get3A_470 = tpu.vector_load %arg8[%get3A_469] {strides = array<i32>} : memref<32000xf32, #tpu.memory_space<vmem>>, vector<16xf32>,
      %get3A_471 = vector.shape_cast %get3A_470 : vector<16xf32> to vector<16xf32>
      %eq3A_472 = vector.broadcast %and3A_465 : i32 to vector<16xi32>
      %eq3A_473 = arith.cmpi eq, %iota3A, %eq3A_472 : vector<16xi32>
      %mul3A_474 = arith.constant -0.899996876 : f32
      %mul3A_475 = vector.broadcast %mul3A_474 : f32 to vector<16xf32>
      %mul3A_476 = arith.mulf %mul3A_475, %get3A_468 : vector<16xf32>
      %jit3A_477 = arith.constant 0.000000e+00 : f32
      %broadcast_in_dim3A_478 = vector.broadcast %jit3A_477 : f32 to vector<16xf32>
      %select_n3A_479 = arith.select %eq3A_473, %mul3A_476, %broadcast_in_dim3A_478 : vector<16xi1>, vector<16xf32>
      %eq3A_480 = arith.constant 0 : i32
      %eq3A_481 = vector.broadcast %eq3A_480 : i32 to vector<16xi32>
      %eq3A_482 = arith.cmpi eq, %iota3A, %eq3A_481 : vector<16xi32>
      %mul3A_483 = arith.constant 3.12519524E-6 : f32
      %mul3A_484 = vector.broadcast %mul3A_483 : f32 to vector<16xf32>
      %mul3A_485 = arith.mulf %mul3A_484, %get3A_471 : vector<16xf32>
      %add3A_486 = arith.constant -1.3624258 : f32
      %add3A_487 = vector.broadcast %add3A_486 : f32 to vector<16xf32>
      %add3A_488 = arith.addf %add3A_487, %mul3A_485 : vector<16xf32>
      %jit3A_489 = arith.constant 0.000000e+00 : f32
      %broadcast_in_dim3A_490 = vector.broadcast %jit3A_489 : f32 to vector<16xf32>
      %select_n3A_491 = arith.select %eq3A_482, %add3A_488, %broadcast_in_dim3A_490 : vector<16xi1>, vector<16xf32>
      %add3A_492 = arith.addf %select_n3A_479, %select_n3A_491 : vector<16xf32>
      %mul3A_493 = arith.constant 16 : i32
      %mul3A_494 = arith.muli %scan3A_70, %mul3A_493 : i32
      %add3A_495 = arith.constant 5 : i32
      %add3A_496 = arith.addi %mul3A_494, %add3A_495 : i32
      %add3A_497 = arith.constant 2 : i32
      %add3A_498 = arith.addi %add3A_496, %add3A_497 : i32
      %lt3A_499 = arith.constant 48 : i32
      %lt3A_500 = arith.cmpi slt, %add3A_498, %lt3A_499 : i32
      %convert_element_type3A_501 = arith.extui %lt3A_500 : i1 to i32
      %cond3A_502 = arith.constant 0 : i32
      %cond3A_503 = arith.cmpi ne, %convert_element_type3A_501, %cond3A_502 : i32
      scf.if %cond3A_503 {
        %add3A_1254 = arith.addi %add3A_4, %add3A_498 : i32
        %dma_start3A_1255 = arith.constant 0 : i32
        %dma_start3A_1256 = tpu.memref_slice %arg2[%add3A_1254, %dma_start3A_1255] : memref<4096x32000xf32, #tpu.memory_space<hbm>> -> memref<1x32000xf32, #tpu.memory_space<hbm>>
        %dma_start3A_1257 = tpu.memref_squeeze %dma_start3A_1256 : memref<1x32000xf32, #tpu.memory_space<hbm>> -> memref<32000xf32, #tpu.memory_space<hbm>>
        %dma_start3A_1258 = arith.constant 0 : i32
        %dma_start3A_1259 = tpu.memref_slice %arg2[%add3A_1254, %dma_start3A_1258] : memref<4096x32000xf32, #tpu.memory_space<hbm>> -> memref<1x32000xf32, #tpu.memory_space<hbm>>
        %dma_start3A_1260 = tpu.memref_squeeze %dma_start3A_1259 : memref<1x32000xf32, #tpu.memory_space<hbm>> -> memref<32000xf32, #tpu.memory_space<hbm>>
        tpu.enqueue_dma source(%dma_start3A_1260 : memref<32000xf32, #tpu.memory_space<hbm>>) target(%arg8 : memref<32000xf32, #tpu.memory_space<vmem>>) target_semaphore(%arg11 : memref<!tpu.dma_semaphore, #tpu.memory_space<semaphore_mem>>)
      } else {
      }
      %broadcast_in_dim3A_504 = arith.constant 5 : i32
      %broadcast_in_dim3A_505 = vector.broadcast %broadcast_in_dim3A_504 : i32 to vector<16x1xi32>
      %gather3A_506 = vector.shape_cast %broadcast_in_dim3A_505 : vector<16x1xi32> to vector<16xi32>
      %gather3A_507 = tpu.dynamic_gather %get3A_76[%gather3A_506] in [0] : vector<16xf32>, vector<16xi32> -> vector<16xf32>
      %mul3A_508 = arith.constant 3.12519524E-6 : f32
      %mul3A_509 = vector.broadcast %mul3A_508 : f32 to vector<16xf32>
      %mul3A_510 = arith.mulf %mul3A_509, %add3A_457 : vector<16xf32>
      %sub3A_511 = arith.subf %add3A_492, %mul3A_510 : vector<16xf32>
      %mul3A_512 = arith.mulf %gather3A_507, %sub3A_511 : vector<16xf32>
      %add3A_513 = arith.addf %add3A_439, %mul3A_512 : vector<16xf32>
      %dma_wait3A_514 = arith.constant 0 : i32
      %dma_wait3A_515 = arith.constant 0 : i32
      %dma_wait3A_516 = tpu.memref_slice %arg2[%dma_wait3A_514, %dma_wait3A_515] : memref<4096x32000xf32, #tpu.memory_space<hbm>> -> memref<1x32000xf32, #tpu.memory_space<hbm>>
      %dma_wait3A_517 = tpu.memref_squeeze %dma_wait3A_516 : memref<1x32000xf32, #tpu.memory_space<hbm>> -> memref<32000xf32, #tpu.memory_space<hbm>>
      %dma_wait3A_518 = arith.constant 0 : i32
      %dma_wait3A_519 = tpu.memref_slice %arg2[%dma_wait3A_514, %dma_wait3A_518] : memref<4096x32000xf32, #tpu.memory_space<hbm>> -> memref<1x32000xf32, #tpu.memory_space<hbm>>
      %dma_wait3A_520 = tpu.memref_squeeze %dma_wait3A_519 : memref<1x32000xf32, #tpu.memory_space<hbm>> -> memref<32000xf32, #tpu.memory_space<hbm>>
      tpu.wait_dma2 semaphore(%arg10 : memref<!tpu.dma_semaphore, #tpu.memory_space<semaphore_mem>>) src(%dma_wait3A_520 : memref<32000xf32, #tpu.memory_space<hbm>>) dst(%arg7 : memref<32000xf32, #tpu.memory_space<vmem>>)
      %broadcast_in_dim3A_521 = arith.constant 0.000000e+00 : f32
      %broadcast_in_dim3A_522 = vector.broadcast %broadcast_in_dim3A_521 : f32 to vector<16xf32>
      %scan3A_523 = arith.constant 0 : i32
      %scan3A_524 = arith.constant 125 : i32
      %scan3A_525 = arith.addi %scan3A_523, %scan3A_524 : i32
      %scan3A_526 = arith.constant 1 : i32
      %scan3A_527:4 = scf.for %scan3A_1254 = %scan3A_523 to %scan3A_525 step %scan3A_526 iter_args(%scan3A_1255 = %broadcast_in_dim3A_522, %scan3A_1256 = %broadcast_in_dim3A_522, %scan3A_1257 = %broadcast_in_dim3A_522, %scan3A_1258 = %broadcast_in_dim3A_522) -> (vector<16xf32>, vector<16xf32>, vector<16xf32>, vector<16xf32>)  : i32 {
        %mul3A_1259 = arith.constant 256 : i32
        %mul3A_1260 = arith.muli %scan3A_1254, %mul3A_1259 : i32
        %add3A_1261 = arith.constant 0 : i32
        %add3A_1262 = arith.addi %mul3A_1260, %add3A_1261 : i32
        %get3A_1263 = arith.index_cast %add3A_1262 : i32 to index
        %get3A_1264 = tpu.vector_load %arg7[%get3A_1263] {strides = array<i32>} : memref<32000xf32, #tpu.memory_space<vmem>>, vector<16xf32>,
        %get3A_1265 = vector.shape_cast %get3A_1264 : vector<16xf32> to vector<16xf32>
        %add3A_1266 = arith.addf %scan3A_1255, %get3A_1265 : vector<16xf32>
        %mul3A_1267 = arith.constant 256 : i32
        %mul3A_1268 = arith.muli %scan3A_1254, %mul3A_1267 : i32
        %add3A_1269 = arith.constant 16 : i32
        %add3A_1270 = arith.addi %mul3A_1268, %add3A_1269 : i32
        %get3A_1271 = arith.index_cast %add3A_1270 : i32 to index
        %get3A_1272 = tpu.vector_load %arg7[%get3A_1271] {strides = array<i32>} : memref<32000xf32, #tpu.memory_space<vmem>>, vector<16xf32>,
        %get3A_1273 = vector.shape_cast %get3A_1272 : vector<16xf32> to vector<16xf32>
        %add3A_1274 = arith.addf %scan3A_1256, %get3A_1273 : vector<16xf32>
        %mul3A_1275 = arith.constant 256 : i32
        %mul3A_1276 = arith.muli %scan3A_1254, %mul3A_1275 : i32
        %add3A_1277 = arith.constant 32 : i32
        %add3A_1278 = arith.addi %mul3A_1276, %add3A_1277 : i32
        %get3A_1279 = arith.index_cast %add3A_1278 : i32 to index
        %get3A_1280 = tpu.vector_load %arg7[%get3A_1279] {strides = array<i32>} : memref<32000xf32, #tpu.memory_space<vmem>>, vector<16xf32>,
        %get3A_1281 = vector.shape_cast %get3A_1280 : vector<16xf32> to vector<16xf32>
        %add3A_1282 = arith.addf %scan3A_1257, %get3A_1281 : vector<16xf32>
        %mul3A_1283 = arith.constant 256 : i32
        %mul3A_1284 = arith.muli %scan3A_1254, %mul3A_1283 : i32
        %add3A_1285 = arith.constant 48 : i32
        %add3A_1286 = arith.addi %mul3A_1284, %add3A_1285 : i32
        %get3A_1287 = arith.index_cast %add3A_1286 : i32 to index
        %get3A_1288 = tpu.vector_load %arg7[%get3A_1287] {strides = array<i32>} : memref<32000xf32, #tpu.memory_space<vmem>>, vector<16xf32>,
        %get3A_1289 = vector.shape_cast %get3A_1288 : vector<16xf32> to vector<16xf32>
        %add3A_1290 = arith.addf %scan3A_1258, %get3A_1289 : vector<16xf32>
        %mul3A_1291 = arith.constant 256 : i32
        %mul3A_1292 = arith.muli %scan3A_1254, %mul3A_1291 : i32
        %add3A_1293 = arith.constant 64 : i32
        %add3A_1294 = arith.addi %mul3A_1292, %add3A_1293 : i32
        %get3A_1295 = arith.index_cast %add3A_1294 : i32 to index
        %get3A_1296 = tpu.vector_load %arg7[%get3A_1295] {strides = array<i32>} : memref<32000xf32, #tpu.memory_space<vmem>>, vector<16xf32>,
        %get3A_1297 = vector.shape_cast %get3A_1296 : vector<16xf32> to vector<16xf32>
        %add3A_1298 = arith.addf %add3A_1266, %get3A_1297 : vector<16xf32>
        %mul3A_1299 = arith.constant 256 : i32
        %mul3A_1300 = arith.muli %scan3A_1254, %mul3A_1299 : i32
        %add3A_1301 = arith.constant 80 : i32
        %add3A_1302 = arith.addi %mul3A_1300, %add3A_1301 : i32
        %get3A_1303 = arith.index_cast %add3A_1302 : i32 to index
        %get3A_1304 = tpu.vector_load %arg7[%get3A_1303] {strides = array<i32>} : memref<32000xf32, #tpu.memory_space<vmem>>, vector<16xf32>,
        %get3A_1305 = vector.shape_cast %get3A_1304 : vector<16xf32> to vector<16xf32>
        %add3A_1306 = arith.addf %add3A_1274, %get3A_1305 : vector<16xf32>
        %mul3A_1307 = arith.constant 256 : i32
        %mul3A_1308 = arith.muli %scan3A_1254, %mul3A_1307 : i32
        %add3A_1309 = arith.constant 96 : i32
        %add3A_1310 = arith.addi %mul3A_1308, %add3A_1309 : i32
        %get3A_1311 = arith.index_cast %add3A_1310 : i32 to index
        %get3A_1312 = tpu.vector_load %arg7[%get3A_1311] {strides = array<i32>} : memref<32000xf32, #tpu.memory_space<vmem>>, vector<16xf32>,
        %get3A_1313 = vector.shape_cast %get3A_1312 : vector<16xf32> to vector<16xf32>
        %add3A_1314 = arith.addf %add3A_1282, %get3A_1313 : vector<16xf32>
        %mul3A_1315 = arith.constant 256 : i32
        %mul3A_1316 = arith.muli %scan3A_1254, %mul3A_1315 : i32
        %add3A_1317 = arith.constant 112 : i32
        %add3A_1318 = arith.addi %mul3A_1316, %add3A_1317 : i32
        %get3A_1319 = arith.index_cast %add3A_1318 : i32 to index
        %get3A_1320 = tpu.vector_load %arg7[%get3A_1319] {strides = array<i32>} : memref<32000xf32, #tpu.memory_space<vmem>>, vector<16xf32>,
        %get3A_1321 = vector.shape_cast %get3A_1320 : vector<16xf32> to vector<16xf32>
        %add3A_1322 = arith.addf %add3A_1290, %get3A_1321 : vector<16xf32>
        %mul3A_1323 = arith.constant 256 : i32
        %mul3A_1324 = arith.muli %scan3A_1254, %mul3A_1323 : i32
        %add3A_1325 = arith.constant 128 : i32
        %add3A_1326 = arith.addi %mul3A_1324, %add3A_1325 : i32
        %get3A_1327 = arith.index_cast %add3A_1326 : i32 to index
        %get3A_1328 = tpu.vector_load %arg7[%get3A_1327] {strides = array<i32>} : memref<32000xf32, #tpu.memory_space<vmem>>, vector<16xf32>,
        %get3A_1329 = vector.shape_cast %get3A_1328 : vector<16xf32> to vector<16xf32>
        %add3A_1330 = arith.addf %add3A_1298, %get3A_1329 : vector<16xf32>
        %mul3A_1331 = arith.constant 256 : i32
        %mul3A_1332 = arith.muli %scan3A_1254, %mul3A_1331 : i32
        %add3A_1333 = arith.constant 144 : i32
        %add3A_1334 = arith.addi %mul3A_1332, %add3A_1333 : i32
        %get3A_1335 = arith.index_cast %add3A_1334 : i32 to index
        %get3A_1336 = tpu.vector_load %arg7[%get3A_1335] {strides = array<i32>} : memref<32000xf32, #tpu.memory_space<vmem>>, vector<16xf32>,
        %get3A_1337 = vector.shape_cast %get3A_1336 : vector<16xf32> to vector<16xf32>
        %add3A_1338 = arith.addf %add3A_1306, %get3A_1337 : vector<16xf32>
        %mul3A_1339 = arith.constant 256 : i32
        %mul3A_1340 = arith.muli %scan3A_1254, %mul3A_1339 : i32
        %add3A_1341 = arith.constant 160 : i32
        %add3A_1342 = arith.addi %mul3A_1340, %add3A_1341 : i32
        %get3A_1343 = arith.index_cast %add3A_1342 : i32 to index
        %get3A_1344 = tpu.vector_load %arg7[%get3A_1343] {strides = array<i32>} : memref<32000xf32, #tpu.memory_space<vmem>>, vector<16xf32>,
        %get3A_1345 = vector.shape_cast %get3A_1344 : vector<16xf32> to vector<16xf32>
        %add3A_1346 = arith.addf %add3A_1314, %get3A_1345 : vector<16xf32>
        %mul3A_1347 = arith.constant 256 : i32
        %mul3A_1348 = arith.muli %scan3A_1254, %mul3A_1347 : i32
        %add3A_1349 = arith.constant 176 : i32
        %add3A_1350 = arith.addi %mul3A_1348, %add3A_1349 : i32
        %get3A_1351 = arith.index_cast %add3A_1350 : i32 to index
        %get3A_1352 = tpu.vector_load %arg7[%get3A_1351] {strides = array<i32>} : memref<32000xf32, #tpu.memory_space<vmem>>, vector<16xf32>,
        %get3A_1353 = vector.shape_cast %get3A_1352 : vector<16xf32> to vector<16xf32>
        %add3A_1354 = arith.addf %add3A_1322, %get3A_1353 : vector<16xf32>
        %mul3A_1355 = arith.constant 256 : i32
        %mul3A_1356 = arith.muli %scan3A_1254, %mul3A_1355 : i32
        %add3A_1357 = arith.constant 192 : i32
        %add3A_1358 = arith.addi %mul3A_1356, %add3A_1357 : i32
        %get3A_1359 = arith.index_cast %add3A_1358 : i32 to index
        %get3A_1360 = tpu.vector_load %arg7[%get3A_1359] {strides = array<i32>} : memref<32000xf32, #tpu.memory_space<vmem>>, vector<16xf32>,
        %get3A_1361 = vector.shape_cast %get3A_1360 : vector<16xf32> to vector<16xf32>
        %add3A_1362 = arith.addf %add3A_1330, %get3A_1361 : vector<16xf32>
        %mul3A_1363 = arith.constant 256 : i32
        %mul3A_1364 = arith.muli %scan3A_1254, %mul3A_1363 : i32
        %add3A_1365 = arith.constant 208 : i32
        %add3A_1366 = arith.addi %mul3A_1364, %add3A_1365 : i32
        %get3A_1367 = arith.index_cast %add3A_1366 : i32 to index
        %get3A_1368 = tpu.vector_load %arg7[%get3A_1367] {strides = array<i32>} : memref<32000xf32, #tpu.memory_space<vmem>>, vector<16xf32>,
        %get3A_1369 = vector.shape_cast %get3A_1368 : vector<16xf32> to vector<16xf32>
        %add3A_1370 = arith.addf %add3A_1338, %get3A_1369 : vector<16xf32>
        %mul3A_1371 = arith.constant 256 : i32
        %mul3A_1372 = arith.muli %scan3A_1254, %mul3A_1371 : i32
        %add3A_1373 = arith.constant 224 : i32
        %add3A_1374 = arith.addi %mul3A_1372, %add3A_1373 : i32
        %get3A_1375 = arith.index_cast %add3A_1374 : i32 to index
        %get3A_1376 = tpu.vector_load %arg7[%get3A_1375] {strides = array<i32>} : memref<32000xf32, #tpu.memory_space<vmem>>, vector<16xf32>,
        %get3A_1377 = vector.shape_cast %get3A_1376 : vector<16xf32> to vector<16xf32>
        %add3A_1378 = arith.addf %add3A_1346, %get3A_1377 : vector<16xf32>
        %mul3A_1379 = arith.constant 256 : i32
        %mul3A_1380 = arith.muli %scan3A_1254, %mul3A_1379 : i32
        %add3A_1381 = arith.constant 240 : i32
        %add3A_1382 = arith.addi %mul3A_1380, %add3A_1381 : i32
        %get3A_1383 = arith.index_cast %add3A_1382 : i32 to index
        %get3A_1384 = tpu.vector_load %arg7[%get3A_1383] {strides = array<i32>} : memref<32000xf32, #tpu.memory_space<vmem>>, vector<16xf32>,
        %get3A_1385 = vector.shape_cast %get3A_1384 : vector<16xf32> to vector<16xf32>
        %add3A_1386 = arith.addf %add3A_1354, %get3A_1385 : vector<16xf32>
        scf.yield %add3A_1362, %add3A_1370, %add3A_1378, %add3A_1386 : vector<16xf32>, vector<16xf32>, vector<16xf32>, vector<16xf32>
      }
      %scan3A_528 = arith.constant 125 : i32
      %add3A_529 = arith.addf %scan3A_527#0, %scan3A_527#1 : vector<16xf32>
      %add3A_530 = arith.addf %scan3A_527#2, %scan3A_527#3 : vector<16xf32>
      %add3A_531 = arith.addf %add3A_529, %add3A_530 : vector<16xf32>
      %slice3A_532 = vector.extract_strided_slice %get3A_81 {offsets = [6], sizes = [1], strides = [1]} : vector<16xi32> to vector<1xi32>
      %squeeze3A_533 = vector.extract %slice3A_532[0] : i32 from vector<1xi32>
      %shift_right_arithmetic3A_534 = arith.constant 4 : i32
      %shift_right_arithmetic3A_535 = arith.shrsi %squeeze3A_533, %shift_right_arithmetic3A_534 : i32
      %shift_left3A_536 = arith.constant 4 : i32
      %shift_left3A_537 = arith.shli %shift_right_arithmetic3A_535, %shift_left3A_536 : i32
      %and3A_538 = arith.constant 15 : i32
      %and3A_539 = arith.andi %squeeze3A_533, %and3A_538 : i32
      %get3A_540 = arith.index_cast %shift_left3A_537 : i32 to index
      %get3A_541 = tpu.vector_load %arg7[%get3A_540] {strides = array<i32>} : memref<32000xf32, #tpu.memory_space<vmem>>, vector<16xf32>,
      %get3A_542 = vector.shape_cast %get3A_541 : vector<16xf32> to vector<16xf32>
      %get3A_543 = arith.constant 0 : index
      %get3A_544 = tpu.vector_load %arg7[%get3A_543] {strides = array<i32>} : memref<32000xf32, #tpu.memory_space<vmem>>, vector<16xf32>,
      %get3A_545 = vector.shape_cast %get3A_544 : vector<16xf32> to vector<16xf32>
      %eq3A_546 = vector.broadcast %and3A_539 : i32 to vector<16xi32>
      %eq3A_547 = arith.cmpi eq, %iota3A, %eq3A_546 : vector<16xi32>
      %mul3A_548 = arith.constant -0.899996876 : f32
      %mul3A_549 = vector.broadcast %mul3A_548 : f32 to vector<16xf32>
      %mul3A_550 = arith.mulf %mul3A_549, %get3A_542 : vector<16xf32>
      %jit3A_551 = arith.constant 0.000000e+00 : f32
      %broadcast_in_dim3A_552 = vector.broadcast %jit3A_551 : f32 to vector<16xf32>
      %select_n3A_553 = arith.select %eq3A_547, %mul3A_550, %broadcast_in_dim3A_552 : vector<16xi1>, vector<16xf32>
      %eq3A_554 = arith.constant 0 : i32
      %eq3A_555 = vector.broadcast %eq3A_554 : i32 to vector<16xi32>
      %eq3A_556 = arith.cmpi eq, %iota3A, %eq3A_555 : vector<16xi32>
      %mul3A_557 = arith.constant 3.12519524E-6 : f32
      %mul3A_558 = vector.broadcast %mul3A_557 : f32 to vector<16xf32>
      %mul3A_559 = arith.mulf %mul3A_558, %get3A_545 : vector<16xf32>
      %add3A_560 = arith.constant -1.3624258 : f32
      %add3A_561 = vector.broadcast %add3A_560 : f32 to vector<16xf32>
      %add3A_562 = arith.addf %add3A_561, %mul3A_559 : vector<16xf32>
      %jit3A_563 = arith.constant 0.000000e+00 : f32
      %broadcast_in_dim3A_564 = vector.broadcast %jit3A_563 : f32 to vector<16xf32>
      %select_n3A_565 = arith.select %eq3A_556, %add3A_562, %broadcast_in_dim3A_564 : vector<16xi1>, vector<16xf32>
      %add3A_566 = arith.addf %select_n3A_553, %select_n3A_565 : vector<16xf32>
      %mul3A_567 = arith.constant 16 : i32
      %mul3A_568 = arith.muli %scan3A_70, %mul3A_567 : i32
      %add3A_569 = arith.constant 6 : i32
      %add3A_570 = arith.addi %mul3A_568, %add3A_569 : i32
      %add3A_571 = arith.constant 2 : i32
      %add3A_572 = arith.addi %add3A_570, %add3A_571 : i32
      %lt3A_573 = arith.constant 48 : i32
      %lt3A_574 = arith.cmpi slt, %add3A_572, %lt3A_573 : i32
      %convert_element_type3A_575 = arith.extui %lt3A_574 : i1 to i32
      %cond3A_576 = arith.constant 0 : i32
      %cond3A_577 = arith.cmpi ne, %convert_element_type3A_575, %cond3A_576 : i32
      scf.if %cond3A_577 {
        %add3A_1254 = arith.addi %add3A_4, %add3A_572 : i32
        %dma_start3A_1255 = arith.constant 0 : i32
        %dma_start3A_1256 = tpu.memref_slice %arg2[%add3A_1254, %dma_start3A_1255] : memref<4096x32000xf32, #tpu.memory_space<hbm>> -> memref<1x32000xf32, #tpu.memory_space<hbm>>
        %dma_start3A_1257 = tpu.memref_squeeze %dma_start3A_1256 : memref<1x32000xf32, #tpu.memory_space<hbm>> -> memref<32000xf32, #tpu.memory_space<hbm>>
        %dma_start3A_1258 = arith.constant 0 : i32
        %dma_start3A_1259 = tpu.memref_slice %arg2[%add3A_1254, %dma_start3A_1258] : memref<4096x32000xf32, #tpu.memory_space<hbm>> -> memref<1x32000xf32, #tpu.memory_space<hbm>>
        %dma_start3A_1260 = tpu.memref_squeeze %dma_start3A_1259 : memref<1x32000xf32, #tpu.memory_space<hbm>> -> memref<32000xf32, #tpu.memory_space<hbm>>
        tpu.enqueue_dma source(%dma_start3A_1260 : memref<32000xf32, #tpu.memory_space<hbm>>) target(%arg7 : memref<32000xf32, #tpu.memory_space<vmem>>) target_semaphore(%arg10 : memref<!tpu.dma_semaphore, #tpu.memory_space<semaphore_mem>>)
      } else {
      }
      %broadcast_in_dim3A_578 = arith.constant 6 : i32
      %broadcast_in_dim3A_579 = vector.broadcast %broadcast_in_dim3A_578 : i32 to vector<16x1xi32>
      %gather3A_580 = vector.shape_cast %broadcast_in_dim3A_579 : vector<16x1xi32> to vector<16xi32>
      %gather3A_581 = tpu.dynamic_gather %get3A_76[%gather3A_580] in [0] : vector<16xf32>, vector<16xi32> -> vector<16xf32>
      %mul3A_582 = arith.constant 3.12519524E-6 : f32
      %mul3A_583 = vector.broadcast %mul3A_582 : f32 to vector<16xf32>
      %mul3A_584 = arith.mulf %mul3A_583, %add3A_531 : vector<16xf32>
      %sub3A_585 = arith.subf %add3A_566, %mul3A_584 : vector<16xf32>
      %mul3A_586 = arith.mulf %gather3A_581, %sub3A_585 : vector<16xf32>
      %add3A_587 = arith.addf %add3A_513, %mul3A_586 : vector<16xf32>
      %dma_wait3A_588 = arith.constant 0 : i32
      %dma_wait3A_589 = arith.constant 0 : i32
      %dma_wait3A_590 = tpu.memref_slice %arg2[%dma_wait3A_588, %dma_wait3A_589] : memref<4096x32000xf32, #tpu.memory_space<hbm>> -> memref<1x32000xf32, #tpu.memory_space<hbm>>
      %dma_wait3A_591 = tpu.memref_squeeze %dma_wait3A_590 : memref<1x32000xf32, #tpu.memory_space<hbm>> -> memref<32000xf32, #tpu.memory_space<hbm>>
      %dma_wait3A_592 = arith.constant 0 : i32
      %dma_wait3A_593 = tpu.memref_slice %arg2[%dma_wait3A_588, %dma_wait3A_592] : memref<4096x32000xf32, #tpu.memory_space<hbm>> -> memref<1x32000xf32, #tpu.memory_space<hbm>>
      %dma_wait3A_594 = tpu.memref_squeeze %dma_wait3A_593 : memref<1x32000xf32, #tpu.memory_space<hbm>> -> memref<32000xf32, #tpu.memory_space<hbm>>
      tpu.wait_dma2 semaphore(%arg11 : memref<!tpu.dma_semaphore, #tpu.memory_space<semaphore_mem>>) src(%dma_wait3A_594 : memref<32000xf32, #tpu.memory_space<hbm>>) dst(%arg8 : memref<32000xf32, #tpu.memory_space<vmem>>)
      %broadcast_in_dim3A_595 = arith.constant 0.000000e+00 : f32
      %broadcast_in_dim3A_596 = vector.broadcast %broadcast_in_dim3A_595 : f32 to vector<16xf32>
      %scan3A_597 = arith.constant 0 : i32
      %scan3A_598 = arith.constant 125 : i32
      %scan3A_599 = arith.addi %scan3A_597, %scan3A_598 : i32
      %scan3A_600 = arith.constant 1 : i32
      %scan3A_601:4 = scf.for %scan3A_1254 = %scan3A_597 to %scan3A_599 step %scan3A_600 iter_args(%scan3A_1255 = %broadcast_in_dim3A_596, %scan3A_1256 = %broadcast_in_dim3A_596, %scan3A_1257 = %broadcast_in_dim3A_596, %scan3A_1258 = %broadcast_in_dim3A_596) -> (vector<16xf32>, vector<16xf32>, vector<16xf32>, vector<16xf32>)  : i32 {
        %mul3A_1259 = arith.constant 256 : i32
        %mul3A_1260 = arith.muli %scan3A_1254, %mul3A_1259 : i32
        %add3A_1261 = arith.constant 0 : i32
        %add3A_1262 = arith.addi %mul3A_1260, %add3A_1261 : i32
        %get3A_1263 = arith.index_cast %add3A_1262 : i32 to index
        %get3A_1264 = tpu.vector_load %arg8[%get3A_1263] {strides = array<i32>} : memref<32000xf32, #tpu.memory_space<vmem>>, vector<16xf32>,
        %get3A_1265 = vector.shape_cast %get3A_1264 : vector<16xf32> to vector<16xf32>
        %add3A_1266 = arith.addf %scan3A_1255, %get3A_1265 : vector<16xf32>
        %mul3A_1267 = arith.constant 256 : i32
        %mul3A_1268 = arith.muli %scan3A_1254, %mul3A_1267 : i32
        %add3A_1269 = arith.constant 16 : i32
        %add3A_1270 = arith.addi %mul3A_1268, %add3A_1269 : i32
        %get3A_1271 = arith.index_cast %add3A_1270 : i32 to index
        %get3A_1272 = tpu.vector_load %arg8[%get3A_1271] {strides = array<i32>} : memref<32000xf32, #tpu.memory_space<vmem>>, vector<16xf32>,
        %get3A_1273 = vector.shape_cast %get3A_1272 : vector<16xf32> to vector<16xf32>
        %add3A_1274 = arith.addf %scan3A_1256, %get3A_1273 : vector<16xf32>
        %mul3A_1275 = arith.constant 256 : i32
        %mul3A_1276 = arith.muli %scan3A_1254, %mul3A_1275 : i32
        %add3A_1277 = arith.constant 32 : i32
        %add3A_1278 = arith.addi %mul3A_1276, %add3A_1277 : i32
        %get3A_1279 = arith.index_cast %add3A_1278 : i32 to index
        %get3A_1280 = tpu.vector_load %arg8[%get3A_1279] {strides = array<i32>} : memref<32000xf32, #tpu.memory_space<vmem>>, vector<16xf32>,
        %get3A_1281 = vector.shape_cast %get3A_1280 : vector<16xf32> to vector<16xf32>
        %add3A_1282 = arith.addf %scan3A_1257, %get3A_1281 : vector<16xf32>
        %mul3A_1283 = arith.constant 256 : i32
        %mul3A_1284 = arith.muli %scan3A_1254, %mul3A_1283 : i32
        %add3A_1285 = arith.constant 48 : i32
        %add3A_1286 = arith.addi %mul3A_1284, %add3A_1285 : i32
        %get3A_1287 = arith.index_cast %add3A_1286 : i32 to index
        %get3A_1288 = tpu.vector_load %arg8[%get3A_1287] {strides = array<i32>} : memref<32000xf32, #tpu.memory_space<vmem>>, vector<16xf32>,
        %get3A_1289 = vector.shape_cast %get3A_1288 : vector<16xf32> to vector<16xf32>
        %add3A_1290 = arith.addf %scan3A_1258, %get3A_1289 : vector<16xf32>
        %mul3A_1291 = arith.constant 256 : i32
        %mul3A_1292 = arith.muli %scan3A_1254, %mul3A_1291 : i32
        %add3A_1293 = arith.constant 64 : i32
        %add3A_1294 = arith.addi %mul3A_1292, %add3A_1293 : i32
        %get3A_1295 = arith.index_cast %add3A_1294 : i32 to index
        %get3A_1296 = tpu.vector_load %arg8[%get3A_1295] {strides = array<i32>} : memref<32000xf32, #tpu.memory_space<vmem>>, vector<16xf32>,
        %get3A_1297 = vector.shape_cast %get3A_1296 : vector<16xf32> to vector<16xf32>
        %add3A_1298 = arith.addf %add3A_1266, %get3A_1297 : vector<16xf32>
        %mul3A_1299 = arith.constant 256 : i32
        %mul3A_1300 = arith.muli %scan3A_1254, %mul3A_1299 : i32
        %add3A_1301 = arith.constant 80 : i32
        %add3A_1302 = arith.addi %mul3A_1300, %add3A_1301 : i32
        %get3A_1303 = arith.index_cast %add3A_1302 : i32 to index
        %get3A_1304 = tpu.vector_load %arg8[%get3A_1303] {strides = array<i32>} : memref<32000xf32, #tpu.memory_space<vmem>>, vector<16xf32>,
        %get3A_1305 = vector.shape_cast %get3A_1304 : vector<16xf32> to vector<16xf32>
        %add3A_1306 = arith.addf %add3A_1274, %get3A_1305 : vector<16xf32>
        %mul3A_1307 = arith.constant 256 : i32
        %mul3A_1308 = arith.muli %scan3A_1254, %mul3A_1307 : i32
        %add3A_1309 = arith.constant 96 : i32
        %add3A_1310 = arith.addi %mul3A_1308, %add3A_1309 : i32
        %get3A_1311 = arith.index_cast %add3A_1310 : i32 to index
        %get3A_1312 = tpu.vector_load %arg8[%get3A_1311] {strides = array<i32>} : memref<32000xf32, #tpu.memory_space<vmem>>, vector<16xf32>,
        %get3A_1313 = vector.shape_cast %get3A_1312 : vector<16xf32> to vector<16xf32>
        %add3A_1314 = arith.addf %add3A_1282, %get3A_1313 : vector<16xf32>
        %mul3A_1315 = arith.constant 256 : i32
        %mul3A_1316 = arith.muli %scan3A_1254, %mul3A_1315 : i32
        %add3A_1317 = arith.constant 112 : i32
        %add3A_1318 = arith.addi %mul3A_1316, %add3A_1317 : i32
        %get3A_1319 = arith.index_cast %add3A_1318 : i32 to index
        %get3A_1320 = tpu.vector_load %arg8[%get3A_1319] {strides = array<i32>} : memref<32000xf32, #tpu.memory_space<vmem>>, vector<16xf32>,
        %get3A_1321 = vector.shape_cast %get3A_1320 : vector<16xf32> to vector<16xf32>
        %add3A_1322 = arith.addf %add3A_1290, %get3A_1321 : vector<16xf32>
        %mul3A_1323 = arith.constant 256 : i32
        %mul3A_1324 = arith.muli %scan3A_1254, %mul3A_1323 : i32
        %add3A_1325 = arith.constant 128 : i32
        %add3A_1326 = arith.addi %mul3A_1324, %add3A_1325 : i32
        %get3A_1327 = arith.index_cast %add3A_1326 : i32 to index
        %get3A_1328 = tpu.vector_load %arg8[%get3A_1327] {strides = array<i32>} : memref<32000xf32, #tpu.memory_space<vmem>>, vector<16xf32>,
        %get3A_1329 = vector.shape_cast %get3A_1328 : vector<16xf32> to vector<16xf32>
        %add3A_1330 = arith.addf %add3A_1298, %get3A_1329 : vector<16xf32>
        %mul3A_1331 = arith.constant 256 : i32
        %mul3A_1332 = arith.muli %scan3A_1254, %mul3A_1331 : i32
        %add3A_1333 = arith.constant 144 : i32
        %add3A_1334 = arith.addi %mul3A_1332, %add3A_1333 : i32
        %get3A_1335 = arith.index_cast %add3A_1334 : i32 to index
        %get3A_1336 = tpu.vector_load %arg8[%get3A_1335] {strides = array<i32>} : memref<32000xf32, #tpu.memory_space<vmem>>, vector<16xf32>,
        %get3A_1337 = vector.shape_cast %get3A_1336 : vector<16xf32> to vector<16xf32>
        %add3A_1338 = arith.addf %add3A_1306, %get3A_1337 : vector<16xf32>
        %mul3A_1339 = arith.constant 256 : i32
        %mul3A_1340 = arith.muli %scan3A_1254, %mul3A_1339 : i32
        %add3A_1341 = arith.constant 160 : i32
        %add3A_1342 = arith.addi %mul3A_1340, %add3A_1341 : i32
        %get3A_1343 = arith.index_cast %add3A_1342 : i32 to index
        %get3A_1344 = tpu.vector_load %arg8[%get3A_1343] {strides = array<i32>} : memref<32000xf32, #tpu.memory_space<vmem>>, vector<16xf32>,
        %get3A_1345 = vector.shape_cast %get3A_1344 : vector<16xf32> to vector<16xf32>
        %add3A_1346 = arith.addf %add3A_1314, %get3A_1345 : vector<16xf32>
        %mul3A_1347 = arith.constant 256 : i32
        %mul3A_1348 = arith.muli %scan3A_1254, %mul3A_1347 : i32
        %add3A_1349 = arith.constant 176 : i32
        %add3A_1350 = arith.addi %mul3A_1348, %add3A_1349 : i32
        %get3A_1351 = arith.index_cast %add3A_1350 : i32 to index
        %get3A_1352 = tpu.vector_load %arg8[%get3A_1351] {strides = array<i32>} : memref<32000xf32, #tpu.memory_space<vmem>>, vector<16xf32>,
        %get3A_1353 = vector.shape_cast %get3A_1352 : vector<16xf32> to vector<16xf32>
        %add3A_1354 = arith.addf %add3A_1322, %get3A_1353 : vector<16xf32>
        %mul3A_1355 = arith.constant 256 : i32
        %mul3A_1356 = arith.muli %scan3A_1254, %mul3A_1355 : i32
        %add3A_1357 = arith.constant 192 : i32
        %add3A_1358 = arith.addi %mul3A_1356, %add3A_1357 : i32
        %get3A_1359 = arith.index_cast %add3A_1358 : i32 to index
        %get3A_1360 = tpu.vector_load %arg8[%get3A_1359] {strides = array<i32>} : memref<32000xf32, #tpu.memory_space<vmem>>, vector<16xf32>,
        %get3A_1361 = vector.shape_cast %get3A_1360 : vector<16xf32> to vector<16xf32>
        %add3A_1362 = arith.addf %add3A_1330, %get3A_1361 : vector<16xf32>
        %mul3A_1363 = arith.constant 256 : i32
        %mul3A_1364 = arith.muli %scan3A_1254, %mul3A_1363 : i32
        %add3A_1365 = arith.constant 208 : i32
        %add3A_1366 = arith.addi %mul3A_1364, %add3A_1365 : i32
        %get3A_1367 = arith.index_cast %add3A_1366 : i32 to index
        %get3A_1368 = tpu.vector_load %arg8[%get3A_1367] {strides = array<i32>} : memref<32000xf32, #tpu.memory_space<vmem>>, vector<16xf32>,
        %get3A_1369 = vector.shape_cast %get3A_1368 : vector<16xf32> to vector<16xf32>
        %add3A_1370 = arith.addf %add3A_1338, %get3A_1369 : vector<16xf32>
        %mul3A_1371 = arith.constant 256 : i32
        %mul3A_1372 = arith.muli %scan3A_1254, %mul3A_1371 : i32
        %add3A_1373 = arith.constant 224 : i32
        %add3A_1374 = arith.addi %mul3A_1372, %add3A_1373 : i32
        %get3A_1375 = arith.index_cast %add3A_1374 : i32 to index
        %get3A_1376 = tpu.vector_load %arg8[%get3A_1375] {strides = array<i32>} : memref<32000xf32, #tpu.memory_space<vmem>>, vector<16xf32>,
        %get3A_1377 = vector.shape_cast %get3A_1376 : vector<16xf32> to vector<16xf32>
        %add3A_1378 = arith.addf %add3A_1346, %get3A_1377 : vector<16xf32>
        %mul3A_1379 = arith.constant 256 : i32
        %mul3A_1380 = arith.muli %scan3A_1254, %mul3A_1379 : i32
        %add3A_1381 = arith.constant 240 : i32
        %add3A_1382 = arith.addi %mul3A_1380, %add3A_1381 : i32
        %get3A_1383 = arith.index_cast %add3A_1382 : i32 to index
        %get3A_1384 = tpu.vector_load %arg8[%get3A_1383] {strides = array<i32>} : memref<32000xf32, #tpu.memory_space<vmem>>, vector<16xf32>,
        %get3A_1385 = vector.shape_cast %get3A_1384 : vector<16xf32> to vector<16xf32>
        %add3A_1386 = arith.addf %add3A_1354, %get3A_1385 : vector<16xf32>
        scf.yield %add3A_1362, %add3A_1370, %add3A_1378, %add3A_1386 : vector<16xf32>, vector<16xf32>, vector<16xf32>, vector<16xf32>
      }
      %scan3A_602 = arith.constant 125 : i32
      %add3A_603 = arith.addf %scan3A_601#0, %scan3A_601#1 : vector<16xf32>
      %add3A_604 = arith.addf %scan3A_601#2, %scan3A_601#3 : vector<16xf32>
      %add3A_605 = arith.addf %add3A_603, %add3A_604 : vector<16xf32>
      %slice3A_606 = vector.extract_strided_slice %get3A_81 {offsets = [7], sizes = [1], strides = [1]} : vector<16xi32> to vector<1xi32>
      %squeeze3A_607 = vector.extract %slice3A_606[0] : i32 from vector<1xi32>
      %shift_right_arithmetic3A_608 = arith.constant 4 : i32
      %shift_right_arithmetic3A_609 = arith.shrsi %squeeze3A_607, %shift_right_arithmetic3A_608 : i32
      %shift_left3A_610 = arith.constant 4 : i32
      %shift_left3A_611 = arith.shli %shift_right_arithmetic3A_609, %shift_left3A_610 : i32
      %and3A_612 = arith.constant 15 : i32
      %and3A_613 = arith.andi %squeeze3A_607, %and3A_612 : i32
      %get3A_614 = arith.index_cast %shift_left3A_611 : i32 to index
      %get3A_615 = tpu.vector_load %arg8[%get3A_614] {strides = array<i32>} : memref<32000xf32, #tpu.memory_space<vmem>>, vector<16xf32>,
      %get3A_616 = vector.shape_cast %get3A_615 : vector<16xf32> to vector<16xf32>
      %get3A_617 = arith.constant 0 : index
      %get3A_618 = tpu.vector_load %arg8[%get3A_617] {strides = array<i32>} : memref<32000xf32, #tpu.memory_space<vmem>>, vector<16xf32>,
      %get3A_619 = vector.shape_cast %get3A_618 : vector<16xf32> to vector<16xf32>
      %eq3A_620 = vector.broadcast %and3A_613 : i32 to vector<16xi32>
      %eq3A_621 = arith.cmpi eq, %iota3A, %eq3A_620 : vector<16xi32>
      %mul3A_622 = arith.constant -0.899996876 : f32
      %mul3A_623 = vector.broadcast %mul3A_622 : f32 to vector<16xf32>
      %mul3A_624 = arith.mulf %mul3A_623, %get3A_616 : vector<16xf32>
      %jit3A_625 = arith.constant 0.000000e+00 : f32
      %broadcast_in_dim3A_626 = vector.broadcast %jit3A_625 : f32 to vector<16xf32>
      %select_n3A_627 = arith.select %eq3A_621, %mul3A_624, %broadcast_in_dim3A_626 : vector<16xi1>, vector<16xf32>
      %eq3A_628 = arith.constant 0 : i32
      %eq3A_629 = vector.broadcast %eq3A_628 : i32 to vector<16xi32>
      %eq3A_630 = arith.cmpi eq, %iota3A, %eq3A_629 : vector<16xi32>
      %mul3A_631 = arith.constant 3.12519524E-6 : f32
      %mul3A_632 = vector.broadcast %mul3A_631 : f32 to vector<16xf32>
      %mul3A_633 = arith.mulf %mul3A_632, %get3A_619 : vector<16xf32>
      %add3A_634 = arith.constant -1.3624258 : f32
      %add3A_635 = vector.broadcast %add3A_634 : f32 to vector<16xf32>
      %add3A_636 = arith.addf %add3A_635, %mul3A_633 : vector<16xf32>
      %jit3A_637 = arith.constant 0.000000e+00 : f32
      %broadcast_in_dim3A_638 = vector.broadcast %jit3A_637 : f32 to vector<16xf32>
      %select_n3A_639 = arith.select %eq3A_630, %add3A_636, %broadcast_in_dim3A_638 : vector<16xi1>, vector<16xf32>
      %add3A_640 = arith.addf %select_n3A_627, %select_n3A_639 : vector<16xf32>
      %mul3A_641 = arith.constant 16 : i32
      %mul3A_642 = arith.muli %scan3A_70, %mul3A_641 : i32
      %add3A_643 = arith.constant 7 : i32
      %add3A_644 = arith.addi %mul3A_642, %add3A_643 : i32
      %add3A_645 = arith.constant 2 : i32
      %add3A_646 = arith.addi %add3A_644, %add3A_645 : i32
      %lt3A_647 = arith.constant 48 : i32
      %lt3A_648 = arith.cmpi slt, %add3A_646, %lt3A_647 : i32
      %convert_element_type3A_649 = arith.extui %lt3A_648 : i1 to i32
      %cond3A_650 = arith.constant 0 : i32
      %cond3A_651 = arith.cmpi ne, %convert_element_type3A_649, %cond3A_650 : i32
      scf.if %cond3A_651 {
        %add3A_1254 = arith.addi %add3A_4, %add3A_646 : i32
        %dma_start3A_1255 = arith.constant 0 : i32
        %dma_start3A_1256 = tpu.memref_slice %arg2[%add3A_1254, %dma_start3A_1255] : memref<4096x32000xf32, #tpu.memory_space<hbm>> -> memref<1x32000xf32, #tpu.memory_space<hbm>>
        %dma_start3A_1257 = tpu.memref_squeeze %dma_start3A_1256 : memref<1x32000xf32, #tpu.memory_space<hbm>> -> memref<32000xf32, #tpu.memory_space<hbm>>
        %dma_start3A_1258 = arith.constant 0 : i32
        %dma_start3A_1259 = tpu.memref_slice %arg2[%add3A_1254, %dma_start3A_1258] : memref<4096x32000xf32, #tpu.memory_space<hbm>> -> memref<1x32000xf32, #tpu.memory_space<hbm>>
        %dma_start3A_1260 = tpu.memref_squeeze %dma_start3A_1259 : memref<1x32000xf32, #tpu.memory_space<hbm>> -> memref<32000xf32, #tpu.memory_space<hbm>>
        tpu.enqueue_dma source(%dma_start3A_1260 : memref<32000xf32, #tpu.memory_space<hbm>>) target(%arg8 : memref<32000xf32, #tpu.memory_space<vmem>>) target_semaphore(%arg11 : memref<!tpu.dma_semaphore, #tpu.memory_space<semaphore_mem>>)
      } else {
      }
      %broadcast_in_dim3A_652 = arith.constant 7 : i32
      %broadcast_in_dim3A_653 = vector.broadcast %broadcast_in_dim3A_652 : i32 to vector<16x1xi32>
      %gather3A_654 = vector.shape_cast %broadcast_in_dim3A_653 : vector<16x1xi32> to vector<16xi32>
      %gather3A_655 = tpu.dynamic_gather %get3A_76[%gather3A_654] in [0] : vector<16xf32>, vector<16xi32> -> vector<16xf32>
      %mul3A_656 = arith.constant 3.12519524E-6 : f32
      %mul3A_657 = vector.broadcast %mul3A_656 : f32 to vector<16xf32>
      %mul3A_658 = arith.mulf %mul3A_657, %add3A_605 : vector<16xf32>
      %sub3A_659 = arith.subf %add3A_640, %mul3A_658 : vector<16xf32>
      %mul3A_660 = arith.mulf %gather3A_655, %sub3A_659 : vector<16xf32>
      %add3A_661 = arith.addf %add3A_587, %mul3A_660 : vector<16xf32>
      %dma_wait3A_662 = arith.constant 0 : i32
      %dma_wait3A_663 = arith.constant 0 : i32
      %dma_wait3A_664 = tpu.memref_slice %arg2[%dma_wait3A_662, %dma_wait3A_663] : memref<4096x32000xf32, #tpu.memory_space<hbm>> -> memref<1x32000xf32, #tpu.memory_space<hbm>>
      %dma_wait3A_665 = tpu.memref_squeeze %dma_wait3A_664 : memref<1x32000xf32, #tpu.memory_space<hbm>> -> memref<32000xf32, #tpu.memory_space<hbm>>
      %dma_wait3A_666 = arith.constant 0 : i32
      %dma_wait3A_667 = tpu.memref_slice %arg2[%dma_wait3A_662, %dma_wait3A_666] : memref<4096x32000xf32, #tpu.memory_space<hbm>> -> memref<1x32000xf32, #tpu.memory_space<hbm>>
      %dma_wait3A_668 = tpu.memref_squeeze %dma_wait3A_667 : memref<1x32000xf32, #tpu.memory_space<hbm>> -> memref<32000xf32, #tpu.memory_space<hbm>>
      tpu.wait_dma2 semaphore(%arg10 : memref<!tpu.dma_semaphore, #tpu.memory_space<semaphore_mem>>) src(%dma_wait3A_668 : memref<32000xf32, #tpu.memory_space<hbm>>) dst(%arg7 : memref<32000xf32, #tpu.memory_space<vmem>>)
      %broadcast_in_dim3A_669 = arith.constant 0.000000e+00 : f32
      %broadcast_in_dim3A_670 = vector.broadcast %broadcast_in_dim3A_669 : f32 to vector<16xf32>
      %scan3A_671 = arith.constant 0 : i32
      %scan3A_672 = arith.constant 125 : i32
      %scan3A_673 = arith.addi %scan3A_671, %scan3A_672 : i32
      %scan3A_674 = arith.constant 1 : i32
      %scan3A_675:4 = scf.for %scan3A_1254 = %scan3A_671 to %scan3A_673 step %scan3A_674 iter_args(%scan3A_1255 = %broadcast_in_dim3A_670, %scan3A_1256 = %broadcast_in_dim3A_670, %scan3A_1257 = %broadcast_in_dim3A_670, %scan3A_1258 = %broadcast_in_dim3A_670) -> (vector<16xf32>, vector<16xf32>, vector<16xf32>, vector<16xf32>)  : i32 {
        %mul3A_1259 = arith.constant 256 : i32
        %mul3A_1260 = arith.muli %scan3A_1254, %mul3A_1259 : i32
        %add3A_1261 = arith.constant 0 : i32
        %add3A_1262 = arith.addi %mul3A_1260, %add3A_1261 : i32
        %get3A_1263 = arith.index_cast %add3A_1262 : i32 to index
        %get3A_1264 = tpu.vector_load %arg7[%get3A_1263] {strides = array<i32>} : memref<32000xf32, #tpu.memory_space<vmem>>, vector<16xf32>,
        %get3A_1265 = vector.shape_cast %get3A_1264 : vector<16xf32> to vector<16xf32>
        %add3A_1266 = arith.addf %scan3A_1255, %get3A_1265 : vector<16xf32>
        %mul3A_1267 = arith.constant 256 : i32
        %mul3A_1268 = arith.muli %scan3A_1254, %mul3A_1267 : i32
        %add3A_1269 = arith.constant 16 : i32
        %add3A_1270 = arith.addi %mul3A_1268, %add3A_1269 : i32
        %get3A_1271 = arith.index_cast %add3A_1270 : i32 to index
        %get3A_1272 = tpu.vector_load %arg7[%get3A_1271] {strides = array<i32>} : memref<32000xf32, #tpu.memory_space<vmem>>, vector<16xf32>,
        %get3A_1273 = vector.shape_cast %get3A_1272 : vector<16xf32> to vector<16xf32>
        %add3A_1274 = arith.addf %scan3A_1256, %get3A_1273 : vector<16xf32>
        %mul3A_1275 = arith.constant 256 : i32
        %mul3A_1276 = arith.muli %scan3A_1254, %mul3A_1275 : i32
        %add3A_1277 = arith.constant 32 : i32
        %add3A_1278 = arith.addi %mul3A_1276, %add3A_1277 : i32
        %get3A_1279 = arith.index_cast %add3A_1278 : i32 to index
        %get3A_1280 = tpu.vector_load %arg7[%get3A_1279] {strides = array<i32>} : memref<32000xf32, #tpu.memory_space<vmem>>, vector<16xf32>,
        %get3A_1281 = vector.shape_cast %get3A_1280 : vector<16xf32> to vector<16xf32>
        %add3A_1282 = arith.addf %scan3A_1257, %get3A_1281 : vector<16xf32>
        %mul3A_1283 = arith.constant 256 : i32
        %mul3A_1284 = arith.muli %scan3A_1254, %mul3A_1283 : i32
        %add3A_1285 = arith.constant 48 : i32
        %add3A_1286 = arith.addi %mul3A_1284, %add3A_1285 : i32
        %get3A_1287 = arith.index_cast %add3A_1286 : i32 to index
        %get3A_1288 = tpu.vector_load %arg7[%get3A_1287] {strides = array<i32>} : memref<32000xf32, #tpu.memory_space<vmem>>, vector<16xf32>,
        %get3A_1289 = vector.shape_cast %get3A_1288 : vector<16xf32> to vector<16xf32>
        %add3A_1290 = arith.addf %scan3A_1258, %get3A_1289 : vector<16xf32>
        %mul3A_1291 = arith.constant 256 : i32
        %mul3A_1292 = arith.muli %scan3A_1254, %mul3A_1291 : i32
        %add3A_1293 = arith.constant 64 : i32
        %add3A_1294 = arith.addi %mul3A_1292, %add3A_1293 : i32
        %get3A_1295 = arith.index_cast %add3A_1294 : i32 to index
        %get3A_1296 = tpu.vector_load %arg7[%get3A_1295] {strides = array<i32>} : memref<32000xf32, #tpu.memory_space<vmem>>, vector<16xf32>,
        %get3A_1297 = vector.shape_cast %get3A_1296 : vector<16xf32> to vector<16xf32>
        %add3A_1298 = arith.addf %add3A_1266, %get3A_1297 : vector<16xf32>
        %mul3A_1299 = arith.constant 256 : i32
        %mul3A_1300 = arith.muli %scan3A_1254, %mul3A_1299 : i32
        %add3A_1301 = arith.constant 80 : i32
        %add3A_1302 = arith.addi %mul3A_1300, %add3A_1301 : i32
        %get3A_1303 = arith.index_cast %add3A_1302 : i32 to index
        %get3A_1304 = tpu.vector_load %arg7[%get3A_1303] {strides = array<i32>} : memref<32000xf32, #tpu.memory_space<vmem>>, vector<16xf32>,
        %get3A_1305 = vector.shape_cast %get3A_1304 : vector<16xf32> to vector<16xf32>
        %add3A_1306 = arith.addf %add3A_1274, %get3A_1305 : vector<16xf32>
        %mul3A_1307 = arith.constant 256 : i32
        %mul3A_1308 = arith.muli %scan3A_1254, %mul3A_1307 : i32
        %add3A_1309 = arith.constant 96 : i32
        %add3A_1310 = arith.addi %mul3A_1308, %add3A_1309 : i32
        %get3A_1311 = arith.index_cast %add3A_1310 : i32 to index
        %get3A_1312 = tpu.vector_load %arg7[%get3A_1311] {strides = array<i32>} : memref<32000xf32, #tpu.memory_space<vmem>>, vector<16xf32>,
        %get3A_1313 = vector.shape_cast %get3A_1312 : vector<16xf32> to vector<16xf32>
        %add3A_1314 = arith.addf %add3A_1282, %get3A_1313 : vector<16xf32>
        %mul3A_1315 = arith.constant 256 : i32
        %mul3A_1316 = arith.muli %scan3A_1254, %mul3A_1315 : i32
        %add3A_1317 = arith.constant 112 : i32
        %add3A_1318 = arith.addi %mul3A_1316, %add3A_1317 : i32
        %get3A_1319 = arith.index_cast %add3A_1318 : i32 to index
        %get3A_1320 = tpu.vector_load %arg7[%get3A_1319] {strides = array<i32>} : memref<32000xf32, #tpu.memory_space<vmem>>, vector<16xf32>,
        %get3A_1321 = vector.shape_cast %get3A_1320 : vector<16xf32> to vector<16xf32>
        %add3A_1322 = arith.addf %add3A_1290, %get3A_1321 : vector<16xf32>
        %mul3A_1323 = arith.constant 256 : i32
        %mul3A_1324 = arith.muli %scan3A_1254, %mul3A_1323 : i32
        %add3A_1325 = arith.constant 128 : i32
        %add3A_1326 = arith.addi %mul3A_1324, %add3A_1325 : i32
        %get3A_1327 = arith.index_cast %add3A_1326 : i32 to index
        %get3A_1328 = tpu.vector_load %arg7[%get3A_1327] {strides = array<i32>} : memref<32000xf32, #tpu.memory_space<vmem>>, vector<16xf32>,
        %get3A_1329 = vector.shape_cast %get3A_1328 : vector<16xf32> to vector<16xf32>
        %add3A_1330 = arith.addf %add3A_1298, %get3A_1329 : vector<16xf32>
        %mul3A_1331 = arith.constant 256 : i32
        %mul3A_1332 = arith.muli %scan3A_1254, %mul3A_1331 : i32
        %add3A_1333 = arith.constant 144 : i32
        %add3A_1334 = arith.addi %mul3A_1332, %add3A_1333 : i32
        %get3A_1335 = arith.index_cast %add3A_1334 : i32 to index
        %get3A_1336 = tpu.vector_load %arg7[%get3A_1335] {strides = array<i32>} : memref<32000xf32, #tpu.memory_space<vmem>>, vector<16xf32>,
        %get3A_1337 = vector.shape_cast %get3A_1336 : vector<16xf32> to vector<16xf32>
        %add3A_1338 = arith.addf %add3A_1306, %get3A_1337 : vector<16xf32>
        %mul3A_1339 = arith.constant 256 : i32
        %mul3A_1340 = arith.muli %scan3A_1254, %mul3A_1339 : i32
        %add3A_1341 = arith.constant 160 : i32
        %add3A_1342 = arith.addi %mul3A_1340, %add3A_1341 : i32
        %get3A_1343 = arith.index_cast %add3A_1342 : i32 to index
        %get3A_1344 = tpu.vector_load %arg7[%get3A_1343] {strides = array<i32>} : memref<32000xf32, #tpu.memory_space<vmem>>, vector<16xf32>,
        %get3A_1345 = vector.shape_cast %get3A_1344 : vector<16xf32> to vector<16xf32>
        %add3A_1346 = arith.addf %add3A_1314, %get3A_1345 : vector<16xf32>
        %mul3A_1347 = arith.constant 256 : i32
        %mul3A_1348 = arith.muli %scan3A_1254, %mul3A_1347 : i32
        %add3A_1349 = arith.constant 176 : i32
        %add3A_1350 = arith.addi %mul3A_1348, %add3A_1349 : i32
        %get3A_1351 = arith.index_cast %add3A_1350 : i32 to index
        %get3A_1352 = tpu.vector_load %arg7[%get3A_1351] {strides = array<i32>} : memref<32000xf32, #tpu.memory_space<vmem>>, vector<16xf32>,
        %get3A_1353 = vector.shape_cast %get3A_1352 : vector<16xf32> to vector<16xf32>
        %add3A_1354 = arith.addf %add3A_1322, %get3A_1353 : vector<16xf32>
        %mul3A_1355 = arith.constant 256 : i32
        %mul3A_1356 = arith.muli %scan3A_1254, %mul3A_1355 : i32
        %add3A_1357 = arith.constant 192 : i32
        %add3A_1358 = arith.addi %mul3A_1356, %add3A_1357 : i32
        %get3A_1359 = arith.index_cast %add3A_1358 : i32 to index
        %get3A_1360 = tpu.vector_load %arg7[%get3A_1359] {strides = array<i32>} : memref<32000xf32, #tpu.memory_space<vmem>>, vector<16xf32>,
        %get3A_1361 = vector.shape_cast %get3A_1360 : vector<16xf32> to vector<16xf32>
        %add3A_1362 = arith.addf %add3A_1330, %get3A_1361 : vector<16xf32>
        %mul3A_1363 = arith.constant 256 : i32
        %mul3A_1364 = arith.muli %scan3A_1254, %mul3A_1363 : i32
        %add3A_1365 = arith.constant 208 : i32
        %add3A_1366 = arith.addi %mul3A_1364, %add3A_1365 : i32
        %get3A_1367 = arith.index_cast %add3A_1366 : i32 to index
        %get3A_1368 = tpu.vector_load %arg7[%get3A_1367] {strides = array<i32>} : memref<32000xf32, #tpu.memory_space<vmem>>, vector<16xf32>,
        %get3A_1369 = vector.shape_cast %get3A_1368 : vector<16xf32> to vector<16xf32>
        %add3A_1370 = arith.addf %add3A_1338, %get3A_1369 : vector<16xf32>
        %mul3A_1371 = arith.constant 256 : i32
        %mul3A_1372 = arith.muli %scan3A_1254, %mul3A_1371 : i32
        %add3A_1373 = arith.constant 224 : i32
        %add3A_1374 = arith.addi %mul3A_1372, %add3A_1373 : i32
        %get3A_1375 = arith.index_cast %add3A_1374 : i32 to index
        %get3A_1376 = tpu.vector_load %arg7[%get3A_1375] {strides = array<i32>} : memref<32000xf32, #tpu.memory_space<vmem>>, vector<16xf32>,
        %get3A_1377 = vector.shape_cast %get3A_1376 : vector<16xf32> to vector<16xf32>
        %add3A_1378 = arith.addf %add3A_1346, %get3A_1377 : vector<16xf32>
        %mul3A_1379 = arith.constant 256 : i32
        %mul3A_1380 = arith.muli %scan3A_1254, %mul3A_1379 : i32
        %add3A_1381 = arith.constant 240 : i32
        %add3A_1382 = arith.addi %mul3A_1380, %add3A_1381 : i32
        %get3A_1383 = arith.index_cast %add3A_1382 : i32 to index
        %get3A_1384 = tpu.vector_load %arg7[%get3A_1383] {strides = array<i32>} : memref<32000xf32, #tpu.memory_space<vmem>>, vector<16xf32>,
        %get3A_1385 = vector.shape_cast %get3A_1384 : vector<16xf32> to vector<16xf32>
        %add3A_1386 = arith.addf %add3A_1354, %get3A_1385 : vector<16xf32>
        scf.yield %add3A_1362, %add3A_1370, %add3A_1378, %add3A_1386 : vector<16xf32>, vector<16xf32>, vector<16xf32>, vector<16xf32>
      }
      %scan3A_676 = arith.constant 125 : i32
      %add3A_677 = arith.addf %scan3A_675#0, %scan3A_675#1 : vector<16xf32>
      %add3A_678 = arith.addf %scan3A_675#2, %scan3A_675#3 : vector<16xf32>
      %add3A_679 = arith.addf %add3A_677, %add3A_678 : vector<16xf32>
      %slice3A_680 = vector.extract_strided_slice %get3A_81 {offsets = [8], sizes = [1], strides = [1]} : vector<16xi32> to vector<1xi32>
      %squeeze3A_681 = vector.extract %slice3A_680[0] : i32 from vector<1xi32>
      %shift_right_arithmetic3A_682 = arith.constant 4 : i32
      %shift_right_arithmetic3A_683 = arith.shrsi %squeeze3A_681, %shift_right_arithmetic3A_682 : i32
      %shift_left3A_684 = arith.constant 4 : i32
      %shift_left3A_685 = arith.shli %shift_right_arithmetic3A_683, %shift_left3A_684 : i32
      %and3A_686 = arith.constant 15 : i32
      %and3A_687 = arith.andi %squeeze3A_681, %and3A_686 : i32
      %get3A_688 = arith.index_cast %shift_left3A_685 : i32 to index
      %get3A_689 = tpu.vector_load %arg7[%get3A_688] {strides = array<i32>} : memref<32000xf32, #tpu.memory_space<vmem>>, vector<16xf32>,
      %get3A_690 = vector.shape_cast %get3A_689 : vector<16xf32> to vector<16xf32>
      %get3A_691 = arith.constant 0 : index
      %get3A_692 = tpu.vector_load %arg7[%get3A_691] {strides = array<i32>} : memref<32000xf32, #tpu.memory_space<vmem>>, vector<16xf32>,
      %get3A_693 = vector.shape_cast %get3A_692 : vector<16xf32> to vector<16xf32>
      %eq3A_694 = vector.broadcast %and3A_687 : i32 to vector<16xi32>
      %eq3A_695 = arith.cmpi eq, %iota3A, %eq3A_694 : vector<16xi32>
      %mul3A_696 = arith.constant -0.899996876 : f32
      %mul3A_697 = vector.broadcast %mul3A_696 : f32 to vector<16xf32>
      %mul3A_698 = arith.mulf %mul3A_697, %get3A_690 : vector<16xf32>
      %jit3A_699 = arith.constant 0.000000e+00 : f32
      %broadcast_in_dim3A_700 = vector.broadcast %jit3A_699 : f32 to vector<16xf32>
      %select_n3A_701 = arith.select %eq3A_695, %mul3A_698, %broadcast_in_dim3A_700 : vector<16xi1>, vector<16xf32>
      %eq3A_702 = arith.constant 0 : i32
      %eq3A_703 = vector.broadcast %eq3A_702 : i32 to vector<16xi32>
      %eq3A_704 = arith.cmpi eq, %iota3A, %eq3A_703 : vector<16xi32>
      %mul3A_705 = arith.constant 3.12519524E-6 : f32
      %mul3A_706 = vector.broadcast %mul3A_705 : f32 to vector<16xf32>
      %mul3A_707 = arith.mulf %mul3A_706, %get3A_693 : vector<16xf32>
      %add3A_708 = arith.constant -1.3624258 : f32
      %add3A_709 = vector.broadcast %add3A_708 : f32 to vector<16xf32>
      %add3A_710 = arith.addf %add3A_709, %mul3A_707 : vector<16xf32>
      %jit3A_711 = arith.constant 0.000000e+00 : f32
      %broadcast_in_dim3A_712 = vector.broadcast %jit3A_711 : f32 to vector<16xf32>
      %select_n3A_713 = arith.select %eq3A_704, %add3A_710, %broadcast_in_dim3A_712 : vector<16xi1>, vector<16xf32>
      %add3A_714 = arith.addf %select_n3A_701, %select_n3A_713 : vector<16xf32>
      %mul3A_715 = arith.constant 16 : i32
      %mul3A_716 = arith.muli %scan3A_70, %mul3A_715 : i32
      %add3A_717 = arith.constant 8 : i32
      %add3A_718 = arith.addi %mul3A_716, %add3A_717 : i32
      %add3A_719 = arith.constant 2 : i32
      %add3A_720 = arith.addi %add3A_718, %add3A_719 : i32
      %lt3A_721 = arith.constant 48 : i32
      %lt3A_722 = arith.cmpi slt, %add3A_720, %lt3A_721 : i32
      %convert_element_type3A_723 = arith.extui %lt3A_722 : i1 to i32
      %cond3A_724 = arith.constant 0 : i32
      %cond3A_725 = arith.cmpi ne, %convert_element_type3A_723, %cond3A_724 : i32
      scf.if %cond3A_725 {
        %add3A_1254 = arith.addi %add3A_4, %add3A_720 : i32
        %dma_start3A_1255 = arith.constant 0 : i32
        %dma_start3A_1256 = tpu.memref_slice %arg2[%add3A_1254, %dma_start3A_1255] : memref<4096x32000xf32, #tpu.memory_space<hbm>> -> memref<1x32000xf32, #tpu.memory_space<hbm>>
        %dma_start3A_1257 = tpu.memref_squeeze %dma_start3A_1256 : memref<1x32000xf32, #tpu.memory_space<hbm>> -> memref<32000xf32, #tpu.memory_space<hbm>>
        %dma_start3A_1258 = arith.constant 0 : i32
        %dma_start3A_1259 = tpu.memref_slice %arg2[%add3A_1254, %dma_start3A_1258] : memref<4096x32000xf32, #tpu.memory_space<hbm>> -> memref<1x32000xf32, #tpu.memory_space<hbm>>
        %dma_start3A_1260 = tpu.memref_squeeze %dma_start3A_1259 : memref<1x32000xf32, #tpu.memory_space<hbm>> -> memref<32000xf32, #tpu.memory_space<hbm>>
        tpu.enqueue_dma source(%dma_start3A_1260 : memref<32000xf32, #tpu.memory_space<hbm>>) target(%arg7 : memref<32000xf32, #tpu.memory_space<vmem>>) target_semaphore(%arg10 : memref<!tpu.dma_semaphore, #tpu.memory_space<semaphore_mem>>)
      } else {
      }
      %broadcast_in_dim3A_726 = arith.constant 8 : i32
      %broadcast_in_dim3A_727 = vector.broadcast %broadcast_in_dim3A_726 : i32 to vector<16x1xi32>
      %gather3A_728 = vector.shape_cast %broadcast_in_dim3A_727 : vector<16x1xi32> to vector<16xi32>
      %gather3A_729 = tpu.dynamic_gather %get3A_76[%gather3A_728] in [0] : vector<16xf32>, vector<16xi32> -> vector<16xf32>
      %mul3A_730 = arith.constant 3.12519524E-6 : f32
      %mul3A_731 = vector.broadcast %mul3A_730 : f32 to vector<16xf32>
      %mul3A_732 = arith.mulf %mul3A_731, %add3A_679 : vector<16xf32>
      %sub3A_733 = arith.subf %add3A_714, %mul3A_732 : vector<16xf32>
      %mul3A_734 = arith.mulf %gather3A_729, %sub3A_733 : vector<16xf32>
      %add3A_735 = arith.addf %add3A_661, %mul3A_734 : vector<16xf32>
      %dma_wait3A_736 = arith.constant 0 : i32
      %dma_wait3A_737 = arith.constant 0 : i32
      %dma_wait3A_738 = tpu.memref_slice %arg2[%dma_wait3A_736, %dma_wait3A_737] : memref<4096x32000xf32, #tpu.memory_space<hbm>> -> memref<1x32000xf32, #tpu.memory_space<hbm>>
      %dma_wait3A_739 = tpu.memref_squeeze %dma_wait3A_738 : memref<1x32000xf32, #tpu.memory_space<hbm>> -> memref<32000xf32, #tpu.memory_space<hbm>>
      %dma_wait3A_740 = arith.constant 0 : i32
      %dma_wait3A_741 = tpu.memref_slice %arg2[%dma_wait3A_736, %dma_wait3A_740] : memref<4096x32000xf32, #tpu.memory_space<hbm>> -> memref<1x32000xf32, #tpu.memory_space<hbm>>
      %dma_wait3A_742 = tpu.memref_squeeze %dma_wait3A_741 : memref<1x32000xf32, #tpu.memory_space<hbm>> -> memref<32000xf32, #tpu.memory_space<hbm>>
      tpu.wait_dma2 semaphore(%arg11 : memref<!tpu.dma_semaphore, #tpu.memory_space<semaphore_mem>>) src(%dma_wait3A_742 : memref<32000xf32, #tpu.memory_space<hbm>>) dst(%arg8 : memref<32000xf32, #tpu.memory_space<vmem>>)
      %broadcast_in_dim3A_743 = arith.constant 0.000000e+00 : f32
      %broadcast_in_dim3A_744 = vector.broadcast %broadcast_in_dim3A_743 : f32 to vector<16xf32>
      %scan3A_745 = arith.constant 0 : i32
      %scan3A_746 = arith.constant 125 : i32
      %scan3A_747 = arith.addi %scan3A_745, %scan3A_746 : i32
      %scan3A_748 = arith.constant 1 : i32
      %scan3A_749:4 = scf.for %scan3A_1254 = %scan3A_745 to %scan3A_747 step %scan3A_748 iter_args(%scan3A_1255 = %broadcast_in_dim3A_744, %scan3A_1256 = %broadcast_in_dim3A_744, %scan3A_1257 = %broadcast_in_dim3A_744, %scan3A_1258 = %broadcast_in_dim3A_744) -> (vector<16xf32>, vector<16xf32>, vector<16xf32>, vector<16xf32>)  : i32 {
        %mul3A_1259 = arith.constant 256 : i32
        %mul3A_1260 = arith.muli %scan3A_1254, %mul3A_1259 : i32
        %add3A_1261 = arith.constant 0 : i32
        %add3A_1262 = arith.addi %mul3A_1260, %add3A_1261 : i32
        %get3A_1263 = arith.index_cast %add3A_1262 : i32 to index
        %get3A_1264 = tpu.vector_load %arg8[%get3A_1263] {strides = array<i32>} : memref<32000xf32, #tpu.memory_space<vmem>>, vector<16xf32>,
        %get3A_1265 = vector.shape_cast %get3A_1264 : vector<16xf32> to vector<16xf32>
        %add3A_1266 = arith.addf %scan3A_1255, %get3A_1265 : vector<16xf32>
        %mul3A_1267 = arith.constant 256 : i32
        %mul3A_1268 = arith.muli %scan3A_1254, %mul3A_1267 : i32
        %add3A_1269 = arith.constant 16 : i32
        %add3A_1270 = arith.addi %mul3A_1268, %add3A_1269 : i32
        %get3A_1271 = arith.index_cast %add3A_1270 : i32 to index
        %get3A_1272 = tpu.vector_load %arg8[%get3A_1271] {strides = array<i32>} : memref<32000xf32, #tpu.memory_space<vmem>>, vector<16xf32>,
        %get3A_1273 = vector.shape_cast %get3A_1272 : vector<16xf32> to vector<16xf32>
        %add3A_1274 = arith.addf %scan3A_1256, %get3A_1273 : vector<16xf32>
        %mul3A_1275 = arith.constant 256 : i32
        %mul3A_1276 = arith.muli %scan3A_1254, %mul3A_1275 : i32
        %add3A_1277 = arith.constant 32 : i32
        %add3A_1278 = arith.addi %mul3A_1276, %add3A_1277 : i32
        %get3A_1279 = arith.index_cast %add3A_1278 : i32 to index
        %get3A_1280 = tpu.vector_load %arg8[%get3A_1279] {strides = array<i32>} : memref<32000xf32, #tpu.memory_space<vmem>>, vector<16xf32>,
        %get3A_1281 = vector.shape_cast %get3A_1280 : vector<16xf32> to vector<16xf32>
        %add3A_1282 = arith.addf %scan3A_1257, %get3A_1281 : vector<16xf32>
        %mul3A_1283 = arith.constant 256 : i32
        %mul3A_1284 = arith.muli %scan3A_1254, %mul3A_1283 : i32
        %add3A_1285 = arith.constant 48 : i32
        %add3A_1286 = arith.addi %mul3A_1284, %add3A_1285 : i32
        %get3A_1287 = arith.index_cast %add3A_1286 : i32 to index
        %get3A_1288 = tpu.vector_load %arg8[%get3A_1287] {strides = array<i32>} : memref<32000xf32, #tpu.memory_space<vmem>>, vector<16xf32>,
        %get3A_1289 = vector.shape_cast %get3A_1288 : vector<16xf32> to vector<16xf32>
        %add3A_1290 = arith.addf %scan3A_1258, %get3A_1289 : vector<16xf32>
        %mul3A_1291 = arith.constant 256 : i32
        %mul3A_1292 = arith.muli %scan3A_1254, %mul3A_1291 : i32
        %add3A_1293 = arith.constant 64 : i32
        %add3A_1294 = arith.addi %mul3A_1292, %add3A_1293 : i32
        %get3A_1295 = arith.index_cast %add3A_1294 : i32 to index
        %get3A_1296 = tpu.vector_load %arg8[%get3A_1295] {strides = array<i32>} : memref<32000xf32, #tpu.memory_space<vmem>>, vector<16xf32>,
        %get3A_1297 = vector.shape_cast %get3A_1296 : vector<16xf32> to vector<16xf32>
        %add3A_1298 = arith.addf %add3A_1266, %get3A_1297 : vector<16xf32>
        %mul3A_1299 = arith.constant 256 : i32
        %mul3A_1300 = arith.muli %scan3A_1254, %mul3A_1299 : i32
        %add3A_1301 = arith.constant 80 : i32
        %add3A_1302 = arith.addi %mul3A_1300, %add3A_1301 : i32
        %get3A_1303 = arith.index_cast %add3A_1302 : i32 to index
        %get3A_1304 = tpu.vector_load %arg8[%get3A_1303] {strides = array<i32>} : memref<32000xf32, #tpu.memory_space<vmem>>, vector<16xf32>,
        %get3A_1305 = vector.shape_cast %get3A_1304 : vector<16xf32> to vector<16xf32>
        %add3A_1306 = arith.addf %add3A_1274, %get3A_1305 : vector<16xf32>
        %mul3A_1307 = arith.constant 256 : i32
        %mul3A_1308 = arith.muli %scan3A_1254, %mul3A_1307 : i32
        %add3A_1309 = arith.constant 96 : i32
        %add3A_1310 = arith.addi %mul3A_1308, %add3A_1309 : i32
        %get3A_1311 = arith.index_cast %add3A_1310 : i32 to index
        %get3A_1312 = tpu.vector_load %arg8[%get3A_1311] {strides = array<i32>} : memref<32000xf32, #tpu.memory_space<vmem>>, vector<16xf32>,
        %get3A_1313 = vector.shape_cast %get3A_1312 : vector<16xf32> to vector<16xf32>
        %add3A_1314 = arith.addf %add3A_1282, %get3A_1313 : vector<16xf32>
        %mul3A_1315 = arith.constant 256 : i32
        %mul3A_1316 = arith.muli %scan3A_1254, %mul3A_1315 : i32
        %add3A_1317 = arith.constant 112 : i32
        %add3A_1318 = arith.addi %mul3A_1316, %add3A_1317 : i32
        %get3A_1319 = arith.index_cast %add3A_1318 : i32 to index
        %get3A_1320 = tpu.vector_load %arg8[%get3A_1319] {strides = array<i32>} : memref<32000xf32, #tpu.memory_space<vmem>>, vector<16xf32>,
        %get3A_1321 = vector.shape_cast %get3A_1320 : vector<16xf32> to vector<16xf32>
        %add3A_1322 = arith.addf %add3A_1290, %get3A_1321 : vector<16xf32>
        %mul3A_1323 = arith.constant 256 : i32
        %mul3A_1324 = arith.muli %scan3A_1254, %mul3A_1323 : i32
        %add3A_1325 = arith.constant 128 : i32
        %add3A_1326 = arith.addi %mul3A_1324, %add3A_1325 : i32
        %get3A_1327 = arith.index_cast %add3A_1326 : i32 to index
        %get3A_1328 = tpu.vector_load %arg8[%get3A_1327] {strides = array<i32>} : memref<32000xf32, #tpu.memory_space<vmem>>, vector<16xf32>,
        %get3A_1329 = vector.shape_cast %get3A_1328 : vector<16xf32> to vector<16xf32>
        %add3A_1330 = arith.addf %add3A_1298, %get3A_1329 : vector<16xf32>
        %mul3A_1331 = arith.constant 256 : i32
        %mul3A_1332 = arith.muli %scan3A_1254, %mul3A_1331 : i32
        %add3A_1333 = arith.constant 144 : i32
        %add3A_1334 = arith.addi %mul3A_1332, %add3A_1333 : i32
        %get3A_1335 = arith.index_cast %add3A_1334 : i32 to index
        %get3A_1336 = tpu.vector_load %arg8[%get3A_1335] {strides = array<i32>} : memref<32000xf32, #tpu.memory_space<vmem>>, vector<16xf32>,
        %get3A_1337 = vector.shape_cast %get3A_1336 : vector<16xf32> to vector<16xf32>
        %add3A_1338 = arith.addf %add3A_1306, %get3A_1337 : vector<16xf32>
        %mul3A_1339 = arith.constant 256 : i32
        %mul3A_1340 = arith.muli %scan3A_1254, %mul3A_1339 : i32
        %add3A_1341 = arith.constant 160 : i32
        %add3A_1342 = arith.addi %mul3A_1340, %add3A_1341 : i32
        %get3A_1343 = arith.index_cast %add3A_1342 : i32 to index
        %get3A_1344 = tpu.vector_load %arg8[%get3A_1343] {strides = array<i32>} : memref<32000xf32, #tpu.memory_space<vmem>>, vector<16xf32>,
        %get3A_1345 = vector.shape_cast %get3A_1344 : vector<16xf32> to vector<16xf32>
        %add3A_1346 = arith.addf %add3A_1314, %get3A_1345 : vector<16xf32>
        %mul3A_1347 = arith.constant 256 : i32
        %mul3A_1348 = arith.muli %scan3A_1254, %mul3A_1347 : i32
        %add3A_1349 = arith.constant 176 : i32
        %add3A_1350 = arith.addi %mul3A_1348, %add3A_1349 : i32
        %get3A_1351 = arith.index_cast %add3A_1350 : i32 to index
        %get3A_1352 = tpu.vector_load %arg8[%get3A_1351] {strides = array<i32>} : memref<32000xf32, #tpu.memory_space<vmem>>, vector<16xf32>,
        %get3A_1353 = vector.shape_cast %get3A_1352 : vector<16xf32> to vector<16xf32>
        %add3A_1354 = arith.addf %add3A_1322, %get3A_1353 : vector<16xf32>
        %mul3A_1355 = arith.constant 256 : i32
        %mul3A_1356 = arith.muli %scan3A_1254, %mul3A_1355 : i32
        %add3A_1357 = arith.constant 192 : i32
        %add3A_1358 = arith.addi %mul3A_1356, %add3A_1357 : i32
        %get3A_1359 = arith.index_cast %add3A_1358 : i32 to index
        %get3A_1360 = tpu.vector_load %arg8[%get3A_1359] {strides = array<i32>} : memref<32000xf32, #tpu.memory_space<vmem>>, vector<16xf32>,
        %get3A_1361 = vector.shape_cast %get3A_1360 : vector<16xf32> to vector<16xf32>
        %add3A_1362 = arith.addf %add3A_1330, %get3A_1361 : vector<16xf32>
        %mul3A_1363 = arith.constant 256 : i32
        %mul3A_1364 = arith.muli %scan3A_1254, %mul3A_1363 : i32
        %add3A_1365 = arith.constant 208 : i32
        %add3A_1366 = arith.addi %mul3A_1364, %add3A_1365 : i32
        %get3A_1367 = arith.index_cast %add3A_1366 : i32 to index
        %get3A_1368 = tpu.vector_load %arg8[%get3A_1367] {strides = array<i32>} : memref<32000xf32, #tpu.memory_space<vmem>>, vector<16xf32>,
        %get3A_1369 = vector.shape_cast %get3A_1368 : vector<16xf32> to vector<16xf32>
        %add3A_1370 = arith.addf %add3A_1338, %get3A_1369 : vector<16xf32>
        %mul3A_1371 = arith.constant 256 : i32
        %mul3A_1372 = arith.muli %scan3A_1254, %mul3A_1371 : i32
        %add3A_1373 = arith.constant 224 : i32
        %add3A_1374 = arith.addi %mul3A_1372, %add3A_1373 : i32
        %get3A_1375 = arith.index_cast %add3A_1374 : i32 to index
        %get3A_1376 = tpu.vector_load %arg8[%get3A_1375] {strides = array<i32>} : memref<32000xf32, #tpu.memory_space<vmem>>, vector<16xf32>,
        %get3A_1377 = vector.shape_cast %get3A_1376 : vector<16xf32> to vector<16xf32>
        %add3A_1378 = arith.addf %add3A_1346, %get3A_1377 : vector<16xf32>
        %mul3A_1379 = arith.constant 256 : i32
        %mul3A_1380 = arith.muli %scan3A_1254, %mul3A_1379 : i32
        %add3A_1381 = arith.constant 240 : i32
        %add3A_1382 = arith.addi %mul3A_1380, %add3A_1381 : i32
        %get3A_1383 = arith.index_cast %add3A_1382 : i32 to index
        %get3A_1384 = tpu.vector_load %arg8[%get3A_1383] {strides = array<i32>} : memref<32000xf32, #tpu.memory_space<vmem>>, vector<16xf32>,
        %get3A_1385 = vector.shape_cast %get3A_1384 : vector<16xf32> to vector<16xf32>
        %add3A_1386 = arith.addf %add3A_1354, %get3A_1385 : vector<16xf32>
        scf.yield %add3A_1362, %add3A_1370, %add3A_1378, %add3A_1386 : vector<16xf32>, vector<16xf32>, vector<16xf32>, vector<16xf32>
      }
      %scan3A_750 = arith.constant 125 : i32
      %add3A_751 = arith.addf %scan3A_749#0, %scan3A_749#1 : vector<16xf32>
      %add3A_752 = arith.addf %scan3A_749#2, %scan3A_749#3 : vector<16xf32>
      %add3A_753 = arith.addf %add3A_751, %add3A_752 : vector<16xf32>
      %slice3A_754 = vector.extract_strided_slice %get3A_81 {offsets = [9], sizes = [1], strides = [1]} : vector<16xi32> to vector<1xi32>
      %squeeze3A_755 = vector.extract %slice3A_754[0] : i32 from vector<1xi32>
      %shift_right_arithmetic3A_756 = arith.constant 4 : i32
      %shift_right_arithmetic3A_757 = arith.shrsi %squeeze3A_755, %shift_right_arithmetic3A_756 : i32
      %shift_left3A_758 = arith.constant 4 : i32
      %shift_left3A_759 = arith.shli %shift_right_arithmetic3A_757, %shift_left3A_758 : i32
      %and3A_760 = arith.constant 15 : i32
      %and3A_761 = arith.andi %squeeze3A_755, %and3A_760 : i32
      %get3A_762 = arith.index_cast %shift_left3A_759 : i32 to index
      %get3A_763 = tpu.vector_load %arg8[%get3A_762] {strides = array<i32>} : memref<32000xf32, #tpu.memory_space<vmem>>, vector<16xf32>,
      %get3A_764 = vector.shape_cast %get3A_763 : vector<16xf32> to vector<16xf32>
      %get3A_765 = arith.constant 0 : index
      %get3A_766 = tpu.vector_load %arg8[%get3A_765] {strides = array<i32>} : memref<32000xf32, #tpu.memory_space<vmem>>, vector<16xf32>,
      %get3A_767 = vector.shape_cast %get3A_766 : vector<16xf32> to vector<16xf32>
      %eq3A_768 = vector.broadcast %and3A_761 : i32 to vector<16xi32>
      %eq3A_769 = arith.cmpi eq, %iota3A, %eq3A_768 : vector<16xi32>
      %mul3A_770 = arith.constant -0.899996876 : f32
      %mul3A_771 = vector.broadcast %mul3A_770 : f32 to vector<16xf32>
      %mul3A_772 = arith.mulf %mul3A_771, %get3A_764 : vector<16xf32>
      %jit3A_773 = arith.constant 0.000000e+00 : f32
      %broadcast_in_dim3A_774 = vector.broadcast %jit3A_773 : f32 to vector<16xf32>
      %select_n3A_775 = arith.select %eq3A_769, %mul3A_772, %broadcast_in_dim3A_774 : vector<16xi1>, vector<16xf32>
      %eq3A_776 = arith.constant 0 : i32
      %eq3A_777 = vector.broadcast %eq3A_776 : i32 to vector<16xi32>
      %eq3A_778 = arith.cmpi eq, %iota3A, %eq3A_777 : vector<16xi32>
      %mul3A_779 = arith.constant 3.12519524E-6 : f32
      %mul3A_780 = vector.broadcast %mul3A_779 : f32 to vector<16xf32>
      %mul3A_781 = arith.mulf %mul3A_780, %get3A_767 : vector<16xf32>
      %add3A_782 = arith.constant -1.3624258 : f32
      %add3A_783 = vector.broadcast %add3A_782 : f32 to vector<16xf32>
      %add3A_784 = arith.addf %add3A_783, %mul3A_781 : vector<16xf32>
      %jit3A_785 = arith.constant 0.000000e+00 : f32
      %broadcast_in_dim3A_786 = vector.broadcast %jit3A_785 : f32 to vector<16xf32>
      %select_n3A_787 = arith.select %eq3A_778, %add3A_784, %broadcast_in_dim3A_786 : vector<16xi1>, vector<16xf32>
      %add3A_788 = arith.addf %select_n3A_775, %select_n3A_787 : vector<16xf32>
      %mul3A_789 = arith.constant 16 : i32
      %mul3A_790 = arith.muli %scan3A_70, %mul3A_789 : i32
      %add3A_791 = arith.constant 9 : i32
      %add3A_792 = arith.addi %mul3A_790, %add3A_791 : i32
      %add3A_793 = arith.constant 2 : i32
      %add3A_794 = arith.addi %add3A_792, %add3A_793 : i32
      %lt3A_795 = arith.constant 48 : i32
      %lt3A_796 = arith.cmpi slt, %add3A_794, %lt3A_795 : i32
      %convert_element_type3A_797 = arith.extui %lt3A_796 : i1 to i32
      %cond3A_798 = arith.constant 0 : i32
      %cond3A_799 = arith.cmpi ne, %convert_element_type3A_797, %cond3A_798 : i32
      scf.if %cond3A_799 {
        %add3A_1254 = arith.addi %add3A_4, %add3A_794 : i32
        %dma_start3A_1255 = arith.constant 0 : i32
        %dma_start3A_1256 = tpu.memref_slice %arg2[%add3A_1254, %dma_start3A_1255] : memref<4096x32000xf32, #tpu.memory_space<hbm>> -> memref<1x32000xf32, #tpu.memory_space<hbm>>
        %dma_start3A_1257 = tpu.memref_squeeze %dma_start3A_1256 : memref<1x32000xf32, #tpu.memory_space<hbm>> -> memref<32000xf32, #tpu.memory_space<hbm>>
        %dma_start3A_1258 = arith.constant 0 : i32
        %dma_start3A_1259 = tpu.memref_slice %arg2[%add3A_1254, %dma_start3A_1258] : memref<4096x32000xf32, #tpu.memory_space<hbm>> -> memref<1x32000xf32, #tpu.memory_space<hbm>>
        %dma_start3A_1260 = tpu.memref_squeeze %dma_start3A_1259 : memref<1x32000xf32, #tpu.memory_space<hbm>> -> memref<32000xf32, #tpu.memory_space<hbm>>
        tpu.enqueue_dma source(%dma_start3A_1260 : memref<32000xf32, #tpu.memory_space<hbm>>) target(%arg8 : memref<32000xf32, #tpu.memory_space<vmem>>) target_semaphore(%arg11 : memref<!tpu.dma_semaphore, #tpu.memory_space<semaphore_mem>>)
      } else {
      }
      %broadcast_in_dim3A_800 = arith.constant 9 : i32
      %broadcast_in_dim3A_801 = vector.broadcast %broadcast_in_dim3A_800 : i32 to vector<16x1xi32>
      %gather3A_802 = vector.shape_cast %broadcast_in_dim3A_801 : vector<16x1xi32> to vector<16xi32>
      %gather3A_803 = tpu.dynamic_gather %get3A_76[%gather3A_802] in [0] : vector<16xf32>, vector<16xi32> -> vector<16xf32>
      %mul3A_804 = arith.constant 3.12519524E-6 : f32
      %mul3A_805 = vector.broadcast %mul3A_804 : f32 to vector<16xf32>
      %mul3A_806 = arith.mulf %mul3A_805, %add3A_753 : vector<16xf32>
      %sub3A_807 = arith.subf %add3A_788, %mul3A_806 : vector<16xf32>
      %mul3A_808 = arith.mulf %gather3A_803, %sub3A_807 : vector<16xf32>
      %add3A_809 = arith.addf %add3A_735, %mul3A_808 : vector<16xf32>
      %dma_wait3A_810 = arith.constant 0 : i32
      %dma_wait3A_811 = arith.constant 0 : i32
      %dma_wait3A_812 = tpu.memref_slice %arg2[%dma_wait3A_810, %dma_wait3A_811] : memref<4096x32000xf32, #tpu.memory_space<hbm>> -> memref<1x32000xf32, #tpu.memory_space<hbm>>
      %dma_wait3A_813 = tpu.memref_squeeze %dma_wait3A_812 : memref<1x32000xf32, #tpu.memory_space<hbm>> -> memref<32000xf32, #tpu.memory_space<hbm>>
      %dma_wait3A_814 = arith.constant 0 : i32
      %dma_wait3A_815 = tpu.memref_slice %arg2[%dma_wait3A_810, %dma_wait3A_814] : memref<4096x32000xf32, #tpu.memory_space<hbm>> -> memref<1x32000xf32, #tpu.memory_space<hbm>>
      %dma_wait3A_816 = tpu.memref_squeeze %dma_wait3A_815 : memref<1x32000xf32, #tpu.memory_space<hbm>> -> memref<32000xf32, #tpu.memory_space<hbm>>
      tpu.wait_dma2 semaphore(%arg10 : memref<!tpu.dma_semaphore, #tpu.memory_space<semaphore_mem>>) src(%dma_wait3A_816 : memref<32000xf32, #tpu.memory_space<hbm>>) dst(%arg7 : memref<32000xf32, #tpu.memory_space<vmem>>)
      %broadcast_in_dim3A_817 = arith.constant 0.000000e+00 : f32
      %broadcast_in_dim3A_818 = vector.broadcast %broadcast_in_dim3A_817 : f32 to vector<16xf32>
      %scan3A_819 = arith.constant 0 : i32
      %scan3A_820 = arith.constant 125 : i32
      %scan3A_821 = arith.addi %scan3A_819, %scan3A_820 : i32
      %scan3A_822 = arith.constant 1 : i32
      %scan3A_823:4 = scf.for %scan3A_1254 = %scan3A_819 to %scan3A_821 step %scan3A_822 iter_args(%scan3A_1255 = %broadcast_in_dim3A_818, %scan3A_1256 = %broadcast_in_dim3A_818, %scan3A_1257 = %broadcast_in_dim3A_818, %scan3A_1258 = %broadcast_in_dim3A_818) -> (vector<16xf32>, vector<16xf32>, vector<16xf32>, vector<16xf32>)  : i32 {
        %mul3A_1259 = arith.constant 256 : i32
        %mul3A_1260 = arith.muli %scan3A_1254, %mul3A_1259 : i32
        %add3A_1261 = arith.constant 0 : i32
        %add3A_1262 = arith.addi %mul3A_1260, %add3A_1261 : i32
        %get3A_1263 = arith.index_cast %add3A_1262 : i32 to index
        %get3A_1264 = tpu.vector_load %arg7[%get3A_1263] {strides = array<i32>} : memref<32000xf32, #tpu.memory_space<vmem>>, vector<16xf32>,
        %get3A_1265 = vector.shape_cast %get3A_1264 : vector<16xf32> to vector<16xf32>
        %add3A_1266 = arith.addf %scan3A_1255, %get3A_1265 : vector<16xf32>
        %mul3A_1267 = arith.constant 256 : i32
        %mul3A_1268 = arith.muli %scan3A_1254, %mul3A_1267 : i32
        %add3A_1269 = arith.constant 16 : i32
        %add3A_1270 = arith.addi %mul3A_1268, %add3A_1269 : i32
        %get3A_1271 = arith.index_cast %add3A_1270 : i32 to index
        %get3A_1272 = tpu.vector_load %arg7[%get3A_1271] {strides = array<i32>} : memref<32000xf32, #tpu.memory_space<vmem>>, vector<16xf32>,
        %get3A_1273 = vector.shape_cast %get3A_1272 : vector<16xf32> to vector<16xf32>
        %add3A_1274 = arith.addf %scan3A_1256, %get3A_1273 : vector<16xf32>
        %mul3A_1275 = arith.constant 256 : i32
        %mul3A_1276 = arith.muli %scan3A_1254, %mul3A_1275 : i32
        %add3A_1277 = arith.constant 32 : i32
        %add3A_1278 = arith.addi %mul3A_1276, %add3A_1277 : i32
        %get3A_1279 = arith.index_cast %add3A_1278 : i32 to index
        %get3A_1280 = tpu.vector_load %arg7[%get3A_1279] {strides = array<i32>} : memref<32000xf32, #tpu.memory_space<vmem>>, vector<16xf32>,
        %get3A_1281 = vector.shape_cast %get3A_1280 : vector<16xf32> to vector<16xf32>
        %add3A_1282 = arith.addf %scan3A_1257, %get3A_1281 : vector<16xf32>
        %mul3A_1283 = arith.constant 256 : i32
        %mul3A_1284 = arith.muli %scan3A_1254, %mul3A_1283 : i32
        %add3A_1285 = arith.constant 48 : i32
        %add3A_1286 = arith.addi %mul3A_1284, %add3A_1285 : i32
        %get3A_1287 = arith.index_cast %add3A_1286 : i32 to index
        %get3A_1288 = tpu.vector_load %arg7[%get3A_1287] {strides = array<i32>} : memref<32000xf32, #tpu.memory_space<vmem>>, vector<16xf32>,
        %get3A_1289 = vector.shape_cast %get3A_1288 : vector<16xf32> to vector<16xf32>
        %add3A_1290 = arith.addf %scan3A_1258, %get3A_1289 : vector<16xf32>
        %mul3A_1291 = arith.constant 256 : i32
        %mul3A_1292 = arith.muli %scan3A_1254, %mul3A_1291 : i32
        %add3A_1293 = arith.constant 64 : i32
        %add3A_1294 = arith.addi %mul3A_1292, %add3A_1293 : i32
        %get3A_1295 = arith.index_cast %add3A_1294 : i32 to index
        %get3A_1296 = tpu.vector_load %arg7[%get3A_1295] {strides = array<i32>} : memref<32000xf32, #tpu.memory_space<vmem>>, vector<16xf32>,
        %get3A_1297 = vector.shape_cast %get3A_1296 : vector<16xf32> to vector<16xf32>
        %add3A_1298 = arith.addf %add3A_1266, %get3A_1297 : vector<16xf32>
        %mul3A_1299 = arith.constant 256 : i32
        %mul3A_1300 = arith.muli %scan3A_1254, %mul3A_1299 : i32
        %add3A_1301 = arith.constant 80 : i32
        %add3A_1302 = arith.addi %mul3A_1300, %add3A_1301 : i32
        %get3A_1303 = arith.index_cast %add3A_1302 : i32 to index
        %get3A_1304 = tpu.vector_load %arg7[%get3A_1303] {strides = array<i32>} : memref<32000xf32, #tpu.memory_space<vmem>>, vector<16xf32>,
        %get3A_1305 = vector.shape_cast %get3A_1304 : vector<16xf32> to vector<16xf32>
        %add3A_1306 = arith.addf %add3A_1274, %get3A_1305 : vector<16xf32>
        %mul3A_1307 = arith.constant 256 : i32
        %mul3A_1308 = arith.muli %scan3A_1254, %mul3A_1307 : i32
        %add3A_1309 = arith.constant 96 : i32
        %add3A_1310 = arith.addi %mul3A_1308, %add3A_1309 : i32
        %get3A_1311 = arith.index_cast %add3A_1310 : i32 to index
        %get3A_1312 = tpu.vector_load %arg7[%get3A_1311] {strides = array<i32>} : memref<32000xf32, #tpu.memory_space<vmem>>, vector<16xf32>,
        %get3A_1313 = vector.shape_cast %get3A_1312 : vector<16xf32> to vector<16xf32>
        %add3A_1314 = arith.addf %add3A_1282, %get3A_1313 : vector<16xf32>
        %mul3A_1315 = arith.constant 256 : i32
        %mul3A_1316 = arith.muli %scan3A_1254, %mul3A_1315 : i32
        %add3A_1317 = arith.constant 112 : i32
        %add3A_1318 = arith.addi %mul3A_1316, %add3A_1317 : i32
        %get3A_1319 = arith.index_cast %add3A_1318 : i32 to index
        %get3A_1320 = tpu.vector_load %arg7[%get3A_1319] {strides = array<i32>} : memref<32000xf32, #tpu.memory_space<vmem>>, vector<16xf32>,
        %get3A_1321 = vector.shape_cast %get3A_1320 : vector<16xf32> to vector<16xf32>
        %add3A_1322 = arith.addf %add3A_1290, %get3A_1321 : vector<16xf32>
        %mul3A_1323 = arith.constant 256 : i32
        %mul3A_1324 = arith.muli %scan3A_1254, %mul3A_1323 : i32
        %add3A_1325 = arith.constant 128 : i32
        %add3A_1326 = arith.addi %mul3A_1324, %add3A_1325 : i32
        %get3A_1327 = arith.index_cast %add3A_1326 : i32 to index
        %get3A_1328 = tpu.vector_load %arg7[%get3A_1327] {strides = array<i32>} : memref<32000xf32, #tpu.memory_space<vmem>>, vector<16xf32>,
        %get3A_1329 = vector.shape_cast %get3A_1328 : vector<16xf32> to vector<16xf32>
        %add3A_1330 = arith.addf %add3A_1298, %get3A_1329 : vector<16xf32>
        %mul3A_1331 = arith.constant 256 : i32
        %mul3A_1332 = arith.muli %scan3A_1254, %mul3A_1331 : i32
        %add3A_1333 = arith.constant 144 : i32
        %add3A_1334 = arith.addi %mul3A_1332, %add3A_1333 : i32
        %get3A_1335 = arith.index_cast %add3A_1334 : i32 to index
        %get3A_1336 = tpu.vector_load %arg7[%get3A_1335] {strides = array<i32>} : memref<32000xf32, #tpu.memory_space<vmem>>, vector<16xf32>,
        %get3A_1337 = vector.shape_cast %get3A_1336 : vector<16xf32> to vector<16xf32>
        %add3A_1338 = arith.addf %add3A_1306, %get3A_1337 : vector<16xf32>
        %mul3A_1339 = arith.constant 256 : i32
        %mul3A_1340 = arith.muli %scan3A_1254, %mul3A_1339 : i32
        %add3A_1341 = arith.constant 160 : i32
        %add3A_1342 = arith.addi %mul3A_1340, %add3A_1341 : i32
        %get3A_1343 = arith.index_cast %add3A_1342 : i32 to index
        %get3A_1344 = tpu.vector_load %arg7[%get3A_1343] {strides = array<i32>} : memref<32000xf32, #tpu.memory_space<vmem>>, vector<16xf32>,
        %get3A_1345 = vector.shape_cast %get3A_1344 : vector<16xf32> to vector<16xf32>
        %add3A_1346 = arith.addf %add3A_1314, %get3A_1345 : vector<16xf32>
        %mul3A_1347 = arith.constant 256 : i32
        %mul3A_1348 = arith.muli %scan3A_1254, %mul3A_1347 : i32
        %add3A_1349 = arith.constant 176 : i32
        %add3A_1350 = arith.addi %mul3A_1348, %add3A_1349 : i32
        %get3A_1351 = arith.index_cast %add3A_1350 : i32 to index
        %get3A_1352 = tpu.vector_load %arg7[%get3A_1351] {strides = array<i32>} : memref<32000xf32, #tpu.memory_space<vmem>>, vector<16xf32>,
        %get3A_1353 = vector.shape_cast %get3A_1352 : vector<16xf32> to vector<16xf32>
        %add3A_1354 = arith.addf %add3A_1322, %get3A_1353 : vector<16xf32>
        %mul3A_1355 = arith.constant 256 : i32
        %mul3A_1356 = arith.muli %scan3A_1254, %mul3A_1355 : i32
        %add3A_1357 = arith.constant 192 : i32
        %add3A_1358 = arith.addi %mul3A_1356, %add3A_1357 : i32
        %get3A_1359 = arith.index_cast %add3A_1358 : i32 to index
        %get3A_1360 = tpu.vector_load %arg7[%get3A_1359] {strides = array<i32>} : memref<32000xf32, #tpu.memory_space<vmem>>, vector<16xf32>,
        %get3A_1361 = vector.shape_cast %get3A_1360 : vector<16xf32> to vector<16xf32>
        %add3A_1362 = arith.addf %add3A_1330, %get3A_1361 : vector<16xf32>
        %mul3A_1363 = arith.constant 256 : i32
        %mul3A_1364 = arith.muli %scan3A_1254, %mul3A_1363 : i32
        %add3A_1365 = arith.constant 208 : i32
        %add3A_1366 = arith.addi %mul3A_1364, %add3A_1365 : i32
        %get3A_1367 = arith.index_cast %add3A_1366 : i32 to index
        %get3A_1368 = tpu.vector_load %arg7[%get3A_1367] {strides = array<i32>} : memref<32000xf32, #tpu.memory_space<vmem>>, vector<16xf32>,
        %get3A_1369 = vector.shape_cast %get3A_1368 : vector<16xf32> to vector<16xf32>
        %add3A_1370 = arith.addf %add3A_1338, %get3A_1369 : vector<16xf32>
        %mul3A_1371 = arith.constant 256 : i32
        %mul3A_1372 = arith.muli %scan3A_1254, %mul3A_1371 : i32
        %add3A_1373 = arith.constant 224 : i32
        %add3A_1374 = arith.addi %mul3A_1372, %add3A_1373 : i32
        %get3A_1375 = arith.index_cast %add3A_1374 : i32 to index
        %get3A_1376 = tpu.vector_load %arg7[%get3A_1375] {strides = array<i32>} : memref<32000xf32, #tpu.memory_space<vmem>>, vector<16xf32>,
        %get3A_1377 = vector.shape_cast %get3A_1376 : vector<16xf32> to vector<16xf32>
        %add3A_1378 = arith.addf %add3A_1346, %get3A_1377 : vector<16xf32>
        %mul3A_1379 = arith.constant 256 : i32
        %mul3A_1380 = arith.muli %scan3A_1254, %mul3A_1379 : i32
        %add3A_1381 = arith.constant 240 : i32
        %add3A_1382 = arith.addi %mul3A_1380, %add3A_1381 : i32
        %get3A_1383 = arith.index_cast %add3A_1382 : i32 to index
        %get3A_1384 = tpu.vector_load %arg7[%get3A_1383] {strides = array<i32>} : memref<32000xf32, #tpu.memory_space<vmem>>, vector<16xf32>,
        %get3A_1385 = vector.shape_cast %get3A_1384 : vector<16xf32> to vector<16xf32>
        %add3A_1386 = arith.addf %add3A_1354, %get3A_1385 : vector<16xf32>
        scf.yield %add3A_1362, %add3A_1370, %add3A_1378, %add3A_1386 : vector<16xf32>, vector<16xf32>, vector<16xf32>, vector<16xf32>
      }
      %scan3A_824 = arith.constant 125 : i32
      %add3A_825 = arith.addf %scan3A_823#0, %scan3A_823#1 : vector<16xf32>
      %add3A_826 = arith.addf %scan3A_823#2, %scan3A_823#3 : vector<16xf32>
      %add3A_827 = arith.addf %add3A_825, %add3A_826 : vector<16xf32>
      %slice3A_828 = vector.extract_strided_slice %get3A_81 {offsets = [10], sizes = [1], strides = [1]} : vector<16xi32> to vector<1xi32>
      %squeeze3A_829 = vector.extract %slice3A_828[0] : i32 from vector<1xi32>
      %shift_right_arithmetic3A_830 = arith.constant 4 : i32
      %shift_right_arithmetic3A_831 = arith.shrsi %squeeze3A_829, %shift_right_arithmetic3A_830 : i32
      %shift_left3A_832 = arith.constant 4 : i32
      %shift_left3A_833 = arith.shli %shift_right_arithmetic3A_831, %shift_left3A_832 : i32
      %and3A_834 = arith.constant 15 : i32
      %and3A_835 = arith.andi %squeeze3A_829, %and3A_834 : i32
      %get3A_836 = arith.index_cast %shift_left3A_833 : i32 to index
      %get3A_837 = tpu.vector_load %arg7[%get3A_836] {strides = array<i32>} : memref<32000xf32, #tpu.memory_space<vmem>>, vector<16xf32>,
      %get3A_838 = vector.shape_cast %get3A_837 : vector<16xf32> to vector<16xf32>
      %get3A_839 = arith.constant 0 : index
      %get3A_840 = tpu.vector_load %arg7[%get3A_839] {strides = array<i32>} : memref<32000xf32, #tpu.memory_space<vmem>>, vector<16xf32>,
      %get3A_841 = vector.shape_cast %get3A_840 : vector<16xf32> to vector<16xf32>
      %eq3A_842 = vector.broadcast %and3A_835 : i32 to vector<16xi32>
      %eq3A_843 = arith.cmpi eq, %iota3A, %eq3A_842 : vector<16xi32>
      %mul3A_844 = arith.constant -0.899996876 : f32
      %mul3A_845 = vector.broadcast %mul3A_844 : f32 to vector<16xf32>
      %mul3A_846 = arith.mulf %mul3A_845, %get3A_838 : vector<16xf32>
      %jit3A_847 = arith.constant 0.000000e+00 : f32
      %broadcast_in_dim3A_848 = vector.broadcast %jit3A_847 : f32 to vector<16xf32>
      %select_n3A_849 = arith.select %eq3A_843, %mul3A_846, %broadcast_in_dim3A_848 : vector<16xi1>, vector<16xf32>
      %eq3A_850 = arith.constant 0 : i32
      %eq3A_851 = vector.broadcast %eq3A_850 : i32 to vector<16xi32>
      %eq3A_852 = arith.cmpi eq, %iota3A, %eq3A_851 : vector<16xi32>
      %mul3A_853 = arith.constant 3.12519524E-6 : f32
      %mul3A_854 = vector.broadcast %mul3A_853 : f32 to vector<16xf32>
      %mul3A_855 = arith.mulf %mul3A_854, %get3A_841 : vector<16xf32>
      %add3A_856 = arith.constant -1.3624258 : f32
      %add3A_857 = vector.broadcast %add3A_856 : f32 to vector<16xf32>
      %add3A_858 = arith.addf %add3A_857, %mul3A_855 : vector<16xf32>
      %jit3A_859 = arith.constant 0.000000e+00 : f32
      %broadcast_in_dim3A_860 = vector.broadcast %jit3A_859 : f32 to vector<16xf32>
      %select_n3A_861 = arith.select %eq3A_852, %add3A_858, %broadcast_in_dim3A_860 : vector<16xi1>, vector<16xf32>
      %add3A_862 = arith.addf %select_n3A_849, %select_n3A_861 : vector<16xf32>
      %mul3A_863 = arith.constant 16 : i32
      %mul3A_864 = arith.muli %scan3A_70, %mul3A_863 : i32
      %add3A_865 = arith.constant 10 : i32
      %add3A_866 = arith.addi %mul3A_864, %add3A_865 : i32
      %add3A_867 = arith.constant 2 : i32
      %add3A_868 = arith.addi %add3A_866, %add3A_867 : i32
      %lt3A_869 = arith.constant 48 : i32
      %lt3A_870 = arith.cmpi slt, %add3A_868, %lt3A_869 : i32
      %convert_element_type3A_871 = arith.extui %lt3A_870 : i1 to i32
      %cond3A_872 = arith.constant 0 : i32
      %cond3A_873 = arith.cmpi ne, %convert_element_type3A_871, %cond3A_872 : i32
      scf.if %cond3A_873 {
        %add3A_1254 = arith.addi %add3A_4, %add3A_868 : i32
        %dma_start3A_1255 = arith.constant 0 : i32
        %dma_start3A_1256 = tpu.memref_slice %arg2[%add3A_1254, %dma_start3A_1255] : memref<4096x32000xf32, #tpu.memory_space<hbm>> -> memref<1x32000xf32, #tpu.memory_space<hbm>>
        %dma_start3A_1257 = tpu.memref_squeeze %dma_start3A_1256 : memref<1x32000xf32, #tpu.memory_space<hbm>> -> memref<32000xf32, #tpu.memory_space<hbm>>
        %dma_start3A_1258 = arith.constant 0 : i32
        %dma_start3A_1259 = tpu.memref_slice %arg2[%add3A_1254, %dma_start3A_1258] : memref<4096x32000xf32, #tpu.memory_space<hbm>> -> memref<1x32000xf32, #tpu.memory_space<hbm>>
        %dma_start3A_1260 = tpu.memref_squeeze %dma_start3A_1259 : memref<1x32000xf32, #tpu.memory_space<hbm>> -> memref<32000xf32, #tpu.memory_space<hbm>>
        tpu.enqueue_dma source(%dma_start3A_1260 : memref<32000xf32, #tpu.memory_space<hbm>>) target(%arg7 : memref<32000xf32, #tpu.memory_space<vmem>>) target_semaphore(%arg10 : memref<!tpu.dma_semaphore, #tpu.memory_space<semaphore_mem>>)
      } else {
      }
      %broadcast_in_dim3A_874 = arith.constant 10 : i32
      %broadcast_in_dim3A_875 = vector.broadcast %broadcast_in_dim3A_874 : i32 to vector<16x1xi32>
      %gather3A_876 = vector.shape_cast %broadcast_in_dim3A_875 : vector<16x1xi32> to vector<16xi32>
      %gather3A_877 = tpu.dynamic_gather %get3A_76[%gather3A_876] in [0] : vector<16xf32>, vector<16xi32> -> vector<16xf32>
      %mul3A_878 = arith.constant 3.12519524E-6 : f32
      %mul3A_879 = vector.broadcast %mul3A_878 : f32 to vector<16xf32>
      %mul3A_880 = arith.mulf %mul3A_879, %add3A_827 : vector<16xf32>
      %sub3A_881 = arith.subf %add3A_862, %mul3A_880 : vector<16xf32>
      %mul3A_882 = arith.mulf %gather3A_877, %sub3A_881 : vector<16xf32>
      %add3A_883 = arith.addf %add3A_809, %mul3A_882 : vector<16xf32>
      %dma_wait3A_884 = arith.constant 0 : i32
      %dma_wait3A_885 = arith.constant 0 : i32
      %dma_wait3A_886 = tpu.memref_slice %arg2[%dma_wait3A_884, %dma_wait3A_885] : memref<4096x32000xf32, #tpu.memory_space<hbm>> -> memref<1x32000xf32, #tpu.memory_space<hbm>>
      %dma_wait3A_887 = tpu.memref_squeeze %dma_wait3A_886 : memref<1x32000xf32, #tpu.memory_space<hbm>> -> memref<32000xf32, #tpu.memory_space<hbm>>
      %dma_wait3A_888 = arith.constant 0 : i32
      %dma_wait3A_889 = tpu.memref_slice %arg2[%dma_wait3A_884, %dma_wait3A_888] : memref<4096x32000xf32, #tpu.memory_space<hbm>> -> memref<1x32000xf32, #tpu.memory_space<hbm>>
      %dma_wait3A_890 = tpu.memref_squeeze %dma_wait3A_889 : memref<1x32000xf32, #tpu.memory_space<hbm>> -> memref<32000xf32, #tpu.memory_space<hbm>>
      tpu.wait_dma2 semaphore(%arg11 : memref<!tpu.dma_semaphore, #tpu.memory_space<semaphore_mem>>) src(%dma_wait3A_890 : memref<32000xf32, #tpu.memory_space<hbm>>) dst(%arg8 : memref<32000xf32, #tpu.memory_space<vmem>>)
      %broadcast_in_dim3A_891 = arith.constant 0.000000e+00 : f32
      %broadcast_in_dim3A_892 = vector.broadcast %broadcast_in_dim3A_891 : f32 to vector<16xf32>
      %scan3A_893 = arith.constant 0 : i32
      %scan3A_894 = arith.constant 125 : i32
      %scan3A_895 = arith.addi %scan3A_893, %scan3A_894 : i32
      %scan3A_896 = arith.constant 1 : i32
      %scan3A_897:4 = scf.for %scan3A_1254 = %scan3A_893 to %scan3A_895 step %scan3A_896 iter_args(%scan3A_1255 = %broadcast_in_dim3A_892, %scan3A_1256 = %broadcast_in_dim3A_892, %scan3A_1257 = %broadcast_in_dim3A_892, %scan3A_1258 = %broadcast_in_dim3A_892) -> (vector<16xf32>, vector<16xf32>, vector<16xf32>, vector<16xf32>)  : i32 {
        %mul3A_1259 = arith.constant 256 : i32
        %mul3A_1260 = arith.muli %scan3A_1254, %mul3A_1259 : i32
        %add3A_1261 = arith.constant 0 : i32
        %add3A_1262 = arith.addi %mul3A_1260, %add3A_1261 : i32
        %get3A_1263 = arith.index_cast %add3A_1262 : i32 to index
        %get3A_1264 = tpu.vector_load %arg8[%get3A_1263] {strides = array<i32>} : memref<32000xf32, #tpu.memory_space<vmem>>, vector<16xf32>,
        %get3A_1265 = vector.shape_cast %get3A_1264 : vector<16xf32> to vector<16xf32>
        %add3A_1266 = arith.addf %scan3A_1255, %get3A_1265 : vector<16xf32>
        %mul3A_1267 = arith.constant 256 : i32
        %mul3A_1268 = arith.muli %scan3A_1254, %mul3A_1267 : i32
        %add3A_1269 = arith.constant 16 : i32
        %add3A_1270 = arith.addi %mul3A_1268, %add3A_1269 : i32
        %get3A_1271 = arith.index_cast %add3A_1270 : i32 to index
        %get3A_1272 = tpu.vector_load %arg8[%get3A_1271] {strides = array<i32>} : memref<32000xf32, #tpu.memory_space<vmem>>, vector<16xf32>,
        %get3A_1273 = vector.shape_cast %get3A_1272 : vector<16xf32> to vector<16xf32>
        %add3A_1274 = arith.addf %scan3A_1256, %get3A_1273 : vector<16xf32>
        %mul3A_1275 = arith.constant 256 : i32
        %mul3A_1276 = arith.muli %scan3A_1254, %mul3A_1275 : i32
        %add3A_1277 = arith.constant 32 : i32
        %add3A_1278 = arith.addi %mul3A_1276, %add3A_1277 : i32
        %get3A_1279 = arith.index_cast %add3A_1278 : i32 to index
        %get3A_1280 = tpu.vector_load %arg8[%get3A_1279] {strides = array<i32>} : memref<32000xf32, #tpu.memory_space<vmem>>, vector<16xf32>,
        %get3A_1281 = vector.shape_cast %get3A_1280 : vector<16xf32> to vector<16xf32>
        %add3A_1282 = arith.addf %scan3A_1257, %get3A_1281 : vector<16xf32>
        %mul3A_1283 = arith.constant 256 : i32
        %mul3A_1284 = arith.muli %scan3A_1254, %mul3A_1283 : i32
        %add3A_1285 = arith.constant 48 : i32
        %add3A_1286 = arith.addi %mul3A_1284, %add3A_1285 : i32
        %get3A_1287 = arith.index_cast %add3A_1286 : i32 to index
        %get3A_1288 = tpu.vector_load %arg8[%get3A_1287] {strides = array<i32>} : memref<32000xf32, #tpu.memory_space<vmem>>, vector<16xf32>,
        %get3A_1289 = vector.shape_cast %get3A_1288 : vector<16xf32> to vector<16xf32>
        %add3A_1290 = arith.addf %scan3A_1258, %get3A_1289 : vector<16xf32>
        %mul3A_1291 = arith.constant 256 : i32
        %mul3A_1292 = arith.muli %scan3A_1254, %mul3A_1291 : i32
        %add3A_1293 = arith.constant 64 : i32
        %add3A_1294 = arith.addi %mul3A_1292, %add3A_1293 : i32
        %get3A_1295 = arith.index_cast %add3A_1294 : i32 to index
        %get3A_1296 = tpu.vector_load %arg8[%get3A_1295] {strides = array<i32>} : memref<32000xf32, #tpu.memory_space<vmem>>, vector<16xf32>,
        %get3A_1297 = vector.shape_cast %get3A_1296 : vector<16xf32> to vector<16xf32>
        %add3A_1298 = arith.addf %add3A_1266, %get3A_1297 : vector<16xf32>
        %mul3A_1299 = arith.constant 256 : i32
        %mul3A_1300 = arith.muli %scan3A_1254, %mul3A_1299 : i32
        %add3A_1301 = arith.constant 80 : i32
        %add3A_1302 = arith.addi %mul3A_1300, %add3A_1301 : i32
        %get3A_1303 = arith.index_cast %add3A_1302 : i32 to index
        %get3A_1304 = tpu.vector_load %arg8[%get3A_1303] {strides = array<i32>} : memref<32000xf32, #tpu.memory_space<vmem>>, vector<16xf32>,
        %get3A_1305 = vector.shape_cast %get3A_1304 : vector<16xf32> to vector<16xf32>
        %add3A_1306 = arith.addf %add3A_1274, %get3A_1305 : vector<16xf32>
        %mul3A_1307 = arith.constant 256 : i32
        %mul3A_1308 = arith.muli %scan3A_1254, %mul3A_1307 : i32
        %add3A_1309 = arith.constant 96 : i32
        %add3A_1310 = arith.addi %mul3A_1308, %add3A_1309 : i32
        %get3A_1311 = arith.index_cast %add3A_1310 : i32 to index
        %get3A_1312 = tpu.vector_load %arg8[%get3A_1311] {strides = array<i32>} : memref<32000xf32, #tpu.memory_space<vmem>>, vector<16xf32>,
        %get3A_1313 = vector.shape_cast %get3A_1312 : vector<16xf32> to vector<16xf32>
        %add3A_1314 = arith.addf %add3A_1282, %get3A_1313 : vector<16xf32>
        %mul3A_1315 = arith.constant 256 : i32
        %mul3A_1316 = arith.muli %scan3A_1254, %mul3A_1315 : i32
        %add3A_1317 = arith.constant 112 : i32
        %add3A_1318 = arith.addi %mul3A_1316, %add3A_1317 : i32
        %get3A_1319 = arith.index_cast %add3A_1318 : i32 to index
        %get3A_1320 = tpu.vector_load %arg8[%get3A_1319] {strides = array<i32>} : memref<32000xf32, #tpu.memory_space<vmem>>, vector<16xf32>,
        %get3A_1321 = vector.shape_cast %get3A_1320 : vector<16xf32> to vector<16xf32>
        %add3A_1322 = arith.addf %add3A_1290, %get3A_1321 : vector<16xf32>
        %mul3A_1323 = arith.constant 256 : i32
        %mul3A_1324 = arith.muli %scan3A_1254, %mul3A_1323 : i32
        %add3A_1325 = arith.constant 128 : i32
        %add3A_1326 = arith.addi %mul3A_1324, %add3A_1325 : i32
        %get3A_1327 = arith.index_cast %add3A_1326 : i32 to index
        %get3A_1328 = tpu.vector_load %arg8[%get3A_1327] {strides = array<i32>} : memref<32000xf32, #tpu.memory_space<vmem>>, vector<16xf32>,
        %get3A_1329 = vector.shape_cast %get3A_1328 : vector<16xf32> to vector<16xf32>
        %add3A_1330 = arith.addf %add3A_1298, %get3A_1329 : vector<16xf32>
        %mul3A_1331 = arith.constant 256 : i32
        %mul3A_1332 = arith.muli %scan3A_1254, %mul3A_1331 : i32
        %add3A_1333 = arith.constant 144 : i32
        %add3A_1334 = arith.addi %mul3A_1332, %add3A_1333 : i32
        %get3A_1335 = arith.index_cast %add3A_1334 : i32 to index
        %get3A_1336 = tpu.vector_load %arg8[%get3A_1335] {strides = array<i32>} : memref<32000xf32, #tpu.memory_space<vmem>>, vector<16xf32>,
        %get3A_1337 = vector.shape_cast %get3A_1336 : vector<16xf32> to vector<16xf32>
        %add3A_1338 = arith.addf %add3A_1306, %get3A_1337 : vector<16xf32>
        %mul3A_1339 = arith.constant 256 : i32
        %mul3A_1340 = arith.muli %scan3A_1254, %mul3A_1339 : i32
        %add3A_1341 = arith.constant 160 : i32
        %add3A_1342 = arith.addi %mul3A_1340, %add3A_1341 : i32
        %get3A_1343 = arith.index_cast %add3A_1342 : i32 to index
        %get3A_1344 = tpu.vector_load %arg8[%get3A_1343] {strides = array<i32>} : memref<32000xf32, #tpu.memory_space<vmem>>, vector<16xf32>,
        %get3A_1345 = vector.shape_cast %get3A_1344 : vector<16xf32> to vector<16xf32>
        %add3A_1346 = arith.addf %add3A_1314, %get3A_1345 : vector<16xf32>
        %mul3A_1347 = arith.constant 256 : i32
        %mul3A_1348 = arith.muli %scan3A_1254, %mul3A_1347 : i32
        %add3A_1349 = arith.constant 176 : i32
        %add3A_1350 = arith.addi %mul3A_1348, %add3A_1349 : i32
        %get3A_1351 = arith.index_cast %add3A_1350 : i32 to index
        %get3A_1352 = tpu.vector_load %arg8[%get3A_1351] {strides = array<i32>} : memref<32000xf32, #tpu.memory_space<vmem>>, vector<16xf32>,
        %get3A_1353 = vector.shape_cast %get3A_1352 : vector<16xf32> to vector<16xf32>
        %add3A_1354 = arith.addf %add3A_1322, %get3A_1353 : vector<16xf32>
        %mul3A_1355 = arith.constant 256 : i32
        %mul3A_1356 = arith.muli %scan3A_1254, %mul3A_1355 : i32
        %add3A_1357 = arith.constant 192 : i32
        %add3A_1358 = arith.addi %mul3A_1356, %add3A_1357 : i32
        %get3A_1359 = arith.index_cast %add3A_1358 : i32 to index
        %get3A_1360 = tpu.vector_load %arg8[%get3A_1359] {strides = array<i32>} : memref<32000xf32, #tpu.memory_space<vmem>>, vector<16xf32>,
        %get3A_1361 = vector.shape_cast %get3A_1360 : vector<16xf32> to vector<16xf32>
        %add3A_1362 = arith.addf %add3A_1330, %get3A_1361 : vector<16xf32>
        %mul3A_1363 = arith.constant 256 : i32
        %mul3A_1364 = arith.muli %scan3A_1254, %mul3A_1363 : i32
        %add3A_1365 = arith.constant 208 : i32
        %add3A_1366 = arith.addi %mul3A_1364, %add3A_1365 : i32
        %get3A_1367 = arith.index_cast %add3A_1366 : i32 to index
        %get3A_1368 = tpu.vector_load %arg8[%get3A_1367] {strides = array<i32>} : memref<32000xf32, #tpu.memory_space<vmem>>, vector<16xf32>,
        %get3A_1369 = vector.shape_cast %get3A_1368 : vector<16xf32> to vector<16xf32>
        %add3A_1370 = arith.addf %add3A_1338, %get3A_1369 : vector<16xf32>
        %mul3A_1371 = arith.constant 256 : i32
        %mul3A_1372 = arith.muli %scan3A_1254, %mul3A_1371 : i32
        %add3A_1373 = arith.constant 224 : i32
        %add3A_1374 = arith.addi %mul3A_1372, %add3A_1373 : i32
        %get3A_1375 = arith.index_cast %add3A_1374 : i32 to index
        %get3A_1376 = tpu.vector_load %arg8[%get3A_1375] {strides = array<i32>} : memref<32000xf32, #tpu.memory_space<vmem>>, vector<16xf32>,
        %get3A_1377 = vector.shape_cast %get3A_1376 : vector<16xf32> to vector<16xf32>
        %add3A_1378 = arith.addf %add3A_1346, %get3A_1377 : vector<16xf32>
        %mul3A_1379 = arith.constant 256 : i32
        %mul3A_1380 = arith.muli %scan3A_1254, %mul3A_1379 : i32
        %add3A_1381 = arith.constant 240 : i32
        %add3A_1382 = arith.addi %mul3A_1380, %add3A_1381 : i32
        %get3A_1383 = arith.index_cast %add3A_1382 : i32 to index
        %get3A_1384 = tpu.vector_load %arg8[%get3A_1383] {strides = array<i32>} : memref<32000xf32, #tpu.memory_space<vmem>>, vector<16xf32>,
        %get3A_1385 = vector.shape_cast %get3A_1384 : vector<16xf32> to vector<16xf32>
        %add3A_1386 = arith.addf %add3A_1354, %get3A_1385 : vector<16xf32>
        scf.yield %add3A_1362, %add3A_1370, %add3A_1378, %add3A_1386 : vector<16xf32>, vector<16xf32>, vector<16xf32>, vector<16xf32>
      }
      %scan3A_898 = arith.constant 125 : i32
      %add3A_899 = arith.addf %scan3A_897#0, %scan3A_897#1 : vector<16xf32>
      %add3A_900 = arith.addf %scan3A_897#2, %scan3A_897#3 : vector<16xf32>
      %add3A_901 = arith.addf %add3A_899, %add3A_900 : vector<16xf32>
      %slice3A_902 = vector.extract_strided_slice %get3A_81 {offsets = [11], sizes = [1], strides = [1]} : vector<16xi32> to vector<1xi32>
      %squeeze3A_903 = vector.extract %slice3A_902[0] : i32 from vector<1xi32>
      %shift_right_arithmetic3A_904 = arith.constant 4 : i32
      %shift_right_arithmetic3A_905 = arith.shrsi %squeeze3A_903, %shift_right_arithmetic3A_904 : i32
      %shift_left3A_906 = arith.constant 4 : i32
      %shift_left3A_907 = arith.shli %shift_right_arithmetic3A_905, %shift_left3A_906 : i32
      %and3A_908 = arith.constant 15 : i32
      %and3A_909 = arith.andi %squeeze3A_903, %and3A_908 : i32
      %get3A_910 = arith.index_cast %shift_left3A_907 : i32 to index
      %get3A_911 = tpu.vector_load %arg8[%get3A_910] {strides = array<i32>} : memref<32000xf32, #tpu.memory_space<vmem>>, vector<16xf32>,
      %get3A_912 = vector.shape_cast %get3A_911 : vector<16xf32> to vector<16xf32>
      %get3A_913 = arith.constant 0 : index
      %get3A_914 = tpu.vector_load %arg8[%get3A_913] {strides = array<i32>} : memref<32000xf32, #tpu.memory_space<vmem>>, vector<16xf32>,
      %get3A_915 = vector.shape_cast %get3A_914 : vector<16xf32> to vector<16xf32>
      %eq3A_916 = vector.broadcast %and3A_909 : i32 to vector<16xi32>
      %eq3A_917 = arith.cmpi eq, %iota3A, %eq3A_916 : vector<16xi32>
      %mul3A_918 = arith.constant -0.899996876 : f32
      %mul3A_919 = vector.broadcast %mul3A_918 : f32 to vector<16xf32>
      %mul3A_920 = arith.mulf %mul3A_919, %get3A_912 : vector<16xf32>
      %jit3A_921 = arith.constant 0.000000e+00 : f32
      %broadcast_in_dim3A_922 = vector.broadcast %jit3A_921 : f32 to vector<16xf32>
      %select_n3A_923 = arith.select %eq3A_917, %mul3A_920, %broadcast_in_dim3A_922 : vector<16xi1>, vector<16xf32>
      %eq3A_924 = arith.constant 0 : i32
      %eq3A_925 = vector.broadcast %eq3A_924 : i32 to vector<16xi32>
      %eq3A_926 = arith.cmpi eq, %iota3A, %eq3A_925 : vector<16xi32>
      %mul3A_927 = arith.constant 3.12519524E-6 : f32
      %mul3A_928 = vector.broadcast %mul3A_927 : f32 to vector<16xf32>
      %mul3A_929 = arith.mulf %mul3A_928, %get3A_915 : vector<16xf32>
      %add3A_930 = arith.constant -1.3624258 : f32
      %add3A_931 = vector.broadcast %add3A_930 : f32 to vector<16xf32>
      %add3A_932 = arith.addf %add3A_931, %mul3A_929 : vector<16xf32>
      %jit3A_933 = arith.constant 0.000000e+00 : f32
      %broadcast_in_dim3A_934 = vector.broadcast %jit3A_933 : f32 to vector<16xf32>
      %select_n3A_935 = arith.select %eq3A_926, %add3A_932, %broadcast_in_dim3A_934 : vector<16xi1>, vector<16xf32>
      %add3A_936 = arith.addf %select_n3A_923, %select_n3A_935 : vector<16xf32>
      %mul3A_937 = arith.constant 16 : i32
      %mul3A_938 = arith.muli %scan3A_70, %mul3A_937 : i32
      %add3A_939 = arith.constant 11 : i32
      %add3A_940 = arith.addi %mul3A_938, %add3A_939 : i32
      %add3A_941 = arith.constant 2 : i32
      %add3A_942 = arith.addi %add3A_940, %add3A_941 : i32
      %lt3A_943 = arith.constant 48 : i32
      %lt3A_944 = arith.cmpi slt, %add3A_942, %lt3A_943 : i32
      %convert_element_type3A_945 = arith.extui %lt3A_944 : i1 to i32
      %cond3A_946 = arith.constant 0 : i32
      %cond3A_947 = arith.cmpi ne, %convert_element_type3A_945, %cond3A_946 : i32
      scf.if %cond3A_947 {
        %add3A_1254 = arith.addi %add3A_4, %add3A_942 : i32
        %dma_start3A_1255 = arith.constant 0 : i32
        %dma_start3A_1256 = tpu.memref_slice %arg2[%add3A_1254, %dma_start3A_1255] : memref<4096x32000xf32, #tpu.memory_space<hbm>> -> memref<1x32000xf32, #tpu.memory_space<hbm>>
        %dma_start3A_1257 = tpu.memref_squeeze %dma_start3A_1256 : memref<1x32000xf32, #tpu.memory_space<hbm>> -> memref<32000xf32, #tpu.memory_space<hbm>>
        %dma_start3A_1258 = arith.constant 0 : i32
        %dma_start3A_1259 = tpu.memref_slice %arg2[%add3A_1254, %dma_start3A_1258] : memref<4096x32000xf32, #tpu.memory_space<hbm>> -> memref<1x32000xf32, #tpu.memory_space<hbm>>
        %dma_start3A_1260 = tpu.memref_squeeze %dma_start3A_1259 : memref<1x32000xf32, #tpu.memory_space<hbm>> -> memref<32000xf32, #tpu.memory_space<hbm>>
        tpu.enqueue_dma source(%dma_start3A_1260 : memref<32000xf32, #tpu.memory_space<hbm>>) target(%arg8 : memref<32000xf32, #tpu.memory_space<vmem>>) target_semaphore(%arg11 : memref<!tpu.dma_semaphore, #tpu.memory_space<semaphore_mem>>)
      } else {
      }
      %broadcast_in_dim3A_948 = arith.constant 11 : i32
      %broadcast_in_dim3A_949 = vector.broadcast %broadcast_in_dim3A_948 : i32 to vector<16x1xi32>
      %gather3A_950 = vector.shape_cast %broadcast_in_dim3A_949 : vector<16x1xi32> to vector<16xi32>
      %gather3A_951 = tpu.dynamic_gather %get3A_76[%gather3A_950] in [0] : vector<16xf32>, vector<16xi32> -> vector<16xf32>
      %mul3A_952 = arith.constant 3.12519524E-6 : f32
      %mul3A_953 = vector.broadcast %mul3A_952 : f32 to vector<16xf32>
      %mul3A_954 = arith.mulf %mul3A_953, %add3A_901 : vector<16xf32>
      %sub3A_955 = arith.subf %add3A_936, %mul3A_954 : vector<16xf32>
      %mul3A_956 = arith.mulf %gather3A_951, %sub3A_955 : vector<16xf32>
      %add3A_957 = arith.addf %add3A_883, %mul3A_956 : vector<16xf32>
      %dma_wait3A_958 = arith.constant 0 : i32
      %dma_wait3A_959 = arith.constant 0 : i32
      %dma_wait3A_960 = tpu.memref_slice %arg2[%dma_wait3A_958, %dma_wait3A_959] : memref<4096x32000xf32, #tpu.memory_space<hbm>> -> memref<1x32000xf32, #tpu.memory_space<hbm>>
      %dma_wait3A_961 = tpu.memref_squeeze %dma_wait3A_960 : memref<1x32000xf32, #tpu.memory_space<hbm>> -> memref<32000xf32, #tpu.memory_space<hbm>>
      %dma_wait3A_962 = arith.constant 0 : i32
      %dma_wait3A_963 = tpu.memref_slice %arg2[%dma_wait3A_958, %dma_wait3A_962] : memref<4096x32000xf32, #tpu.memory_space<hbm>> -> memref<1x32000xf32, #tpu.memory_space<hbm>>
      %dma_wait3A_964 = tpu.memref_squeeze %dma_wait3A_963 : memref<1x32000xf32, #tpu.memory_space<hbm>> -> memref<32000xf32, #tpu.memory_space<hbm>>
      tpu.wait_dma2 semaphore(%arg10 : memref<!tpu.dma_semaphore, #tpu.memory_space<semaphore_mem>>) src(%dma_wait3A_964 : memref<32000xf32, #tpu.memory_space<hbm>>) dst(%arg7 : memref<32000xf32, #tpu.memory_space<vmem>>)
      %broadcast_in_dim3A_965 = arith.constant 0.000000e+00 : f32
      %broadcast_in_dim3A_966 = vector.broadcast %broadcast_in_dim3A_965 : f32 to vector<16xf32>
      %scan3A_967 = arith.constant 0 : i32
      %scan3A_968 = arith.constant 125 : i32
      %scan3A_969 = arith.addi %scan3A_967, %scan3A_968 : i32
      %scan3A_970 = arith.constant 1 : i32
      %scan3A_971:4 = scf.for %scan3A_1254 = %scan3A_967 to %scan3A_969 step %scan3A_970 iter_args(%scan3A_1255 = %broadcast_in_dim3A_966, %scan3A_1256 = %broadcast_in_dim3A_966, %scan3A_1257 = %broadcast_in_dim3A_966, %scan3A_1258 = %broadcast_in_dim3A_966) -> (vector<16xf32>, vector<16xf32>, vector<16xf32>, vector<16xf32>)  : i32 {
        %mul3A_1259 = arith.constant 256 : i32
        %mul3A_1260 = arith.muli %scan3A_1254, %mul3A_1259 : i32
        %add3A_1261 = arith.constant 0 : i32
        %add3A_1262 = arith.addi %mul3A_1260, %add3A_1261 : i32
        %get3A_1263 = arith.index_cast %add3A_1262 : i32 to index
        %get3A_1264 = tpu.vector_load %arg7[%get3A_1263] {strides = array<i32>} : memref<32000xf32, #tpu.memory_space<vmem>>, vector<16xf32>,
        %get3A_1265 = vector.shape_cast %get3A_1264 : vector<16xf32> to vector<16xf32>
        %add3A_1266 = arith.addf %scan3A_1255, %get3A_1265 : vector<16xf32>
        %mul3A_1267 = arith.constant 256 : i32
        %mul3A_1268 = arith.muli %scan3A_1254, %mul3A_1267 : i32
        %add3A_1269 = arith.constant 16 : i32
        %add3A_1270 = arith.addi %mul3A_1268, %add3A_1269 : i32
        %get3A_1271 = arith.index_cast %add3A_1270 : i32 to index
        %get3A_1272 = tpu.vector_load %arg7[%get3A_1271] {strides = array<i32>} : memref<32000xf32, #tpu.memory_space<vmem>>, vector<16xf32>,
        %get3A_1273 = vector.shape_cast %get3A_1272 : vector<16xf32> to vector<16xf32>
        %add3A_1274 = arith.addf %scan3A_1256, %get3A_1273 : vector<16xf32>
        %mul3A_1275 = arith.constant 256 : i32
        %mul3A_1276 = arith.muli %scan3A_1254, %mul3A_1275 : i32
        %add3A_1277 = arith.constant 32 : i32
        %add3A_1278 = arith.addi %mul3A_1276, %add3A_1277 : i32
        %get3A_1279 = arith.index_cast %add3A_1278 : i32 to index
        %get3A_1280 = tpu.vector_load %arg7[%get3A_1279] {strides = array<i32>} : memref<32000xf32, #tpu.memory_space<vmem>>, vector<16xf32>,
        %get3A_1281 = vector.shape_cast %get3A_1280 : vector<16xf32> to vector<16xf32>
        %add3A_1282 = arith.addf %scan3A_1257, %get3A_1281 : vector<16xf32>
        %mul3A_1283 = arith.constant 256 : i32
        %mul3A_1284 = arith.muli %scan3A_1254, %mul3A_1283 : i32
        %add3A_1285 = arith.constant 48 : i32
        %add3A_1286 = arith.addi %mul3A_1284, %add3A_1285 : i32
        %get3A_1287 = arith.index_cast %add3A_1286 : i32 to index
        %get3A_1288 = tpu.vector_load %arg7[%get3A_1287] {strides = array<i32>} : memref<32000xf32, #tpu.memory_space<vmem>>, vector<16xf32>,
        %get3A_1289 = vector.shape_cast %get3A_1288 : vector<16xf32> to vector<16xf32>
        %add3A_1290 = arith.addf %scan3A_1258, %get3A_1289 : vector<16xf32>
        %mul3A_1291 = arith.constant 256 : i32
        %mul3A_1292 = arith.muli %scan3A_1254, %mul3A_1291 : i32
        %add3A_1293 = arith.constant 64 : i32
        %add3A_1294 = arith.addi %mul3A_1292, %add3A_1293 : i32
        %get3A_1295 = arith.index_cast %add3A_1294 : i32 to index
        %get3A_1296 = tpu.vector_load %arg7[%get3A_1295] {strides = array<i32>} : memref<32000xf32, #tpu.memory_space<vmem>>, vector<16xf32>,
        %get3A_1297 = vector.shape_cast %get3A_1296 : vector<16xf32> to vector<16xf32>
        %add3A_1298 = arith.addf %add3A_1266, %get3A_1297 : vector<16xf32>
        %mul3A_1299 = arith.constant 256 : i32
        %mul3A_1300 = arith.muli %scan3A_1254, %mul3A_1299 : i32
        %add3A_1301 = arith.constant 80 : i32
        %add3A_1302 = arith.addi %mul3A_1300, %add3A_1301 : i32
        %get3A_1303 = arith.index_cast %add3A_1302 : i32 to index
        %get3A_1304 = tpu.vector_load %arg7[%get3A_1303] {strides = array<i32>} : memref<32000xf32, #tpu.memory_space<vmem>>, vector<16xf32>,
        %get3A_1305 = vector.shape_cast %get3A_1304 : vector<16xf32> to vector<16xf32>
        %add3A_1306 = arith.addf %add3A_1274, %get3A_1305 : vector<16xf32>
        %mul3A_1307 = arith.constant 256 : i32
        %mul3A_1308 = arith.muli %scan3A_1254, %mul3A_1307 : i32
        %add3A_1309 = arith.constant 96 : i32
        %add3A_1310 = arith.addi %mul3A_1308, %add3A_1309 : i32
        %get3A_1311 = arith.index_cast %add3A_1310 : i32 to index
        %get3A_1312 = tpu.vector_load %arg7[%get3A_1311] {strides = array<i32>} : memref<32000xf32, #tpu.memory_space<vmem>>, vector<16xf32>,
        %get3A_1313 = vector.shape_cast %get3A_1312 : vector<16xf32> to vector<16xf32>
        %add3A_1314 = arith.addf %add3A_1282, %get3A_1313 : vector<16xf32>
        %mul3A_1315 = arith.constant 256 : i32
        %mul3A_1316 = arith.muli %scan3A_1254, %mul3A_1315 : i32
        %add3A_1317 = arith.constant 112 : i32
        %add3A_1318 = arith.addi %mul3A_1316, %add3A_1317 : i32
        %get3A_1319 = arith.index_cast %add3A_1318 : i32 to index
        %get3A_1320 = tpu.vector_load %arg7[%get3A_1319] {strides = array<i32>} : memref<32000xf32, #tpu.memory_space<vmem>>, vector<16xf32>,
        %get3A_1321 = vector.shape_cast %get3A_1320 : vector<16xf32> to vector<16xf32>
        %add3A_1322 = arith.addf %add3A_1290, %get3A_1321 : vector<16xf32>
        %mul3A_1323 = arith.constant 256 : i32
        %mul3A_1324 = arith.muli %scan3A_1254, %mul3A_1323 : i32
        %add3A_1325 = arith.constant 128 : i32
        %add3A_1326 = arith.addi %mul3A_1324, %add3A_1325 : i32
        %get3A_1327 = arith.index_cast %add3A_1326 : i32 to index
        %get3A_1328 = tpu.vector_load %arg7[%get3A_1327] {strides = array<i32>} : memref<32000xf32, #tpu.memory_space<vmem>>, vector<16xf32>,
        %get3A_1329 = vector.shape_cast %get3A_1328 : vector<16xf32> to vector<16xf32>
        %add3A_1330 = arith.addf %add3A_1298, %get3A_1329 : vector<16xf32>
        %mul3A_1331 = arith.constant 256 : i32
        %mul3A_1332 = arith.muli %scan3A_1254, %mul3A_1331 : i32
        %add3A_1333 = arith.constant 144 : i32
        %add3A_1334 = arith.addi %mul3A_1332, %add3A_1333 : i32
        %get3A_1335 = arith.index_cast %add3A_1334 : i32 to index
        %get3A_1336 = tpu.vector_load %arg7[%get3A_1335] {strides = array<i32>} : memref<32000xf32, #tpu.memory_space<vmem>>, vector<16xf32>,
        %get3A_1337 = vector.shape_cast %get3A_1336 : vector<16xf32> to vector<16xf32>
        %add3A_1338 = arith.addf %add3A_1306, %get3A_1337 : vector<16xf32>
        %mul3A_1339 = arith.constant 256 : i32
        %mul3A_1340 = arith.muli %scan3A_1254, %mul3A_1339 : i32
        %add3A_1341 = arith.constant 160 : i32
        %add3A_1342 = arith.addi %mul3A_1340, %add3A_1341 : i32
        %get3A_1343 = arith.index_cast %add3A_1342 : i32 to index
        %get3A_1344 = tpu.vector_load %arg7[%get3A_1343] {strides = array<i32>} : memref<32000xf32, #tpu.memory_space<vmem>>, vector<16xf32>,
        %get3A_1345 = vector.shape_cast %get3A_1344 : vector<16xf32> to vector<16xf32>
        %add3A_1346 = arith.addf %add3A_1314, %get3A_1345 : vector<16xf32>
        %mul3A_1347 = arith.constant 256 : i32
        %mul3A_1348 = arith.muli %scan3A_1254, %mul3A_1347 : i32
        %add3A_1349 = arith.constant 176 : i32
        %add3A_1350 = arith.addi %mul3A_1348, %add3A_1349 : i32
        %get3A_1351 = arith.index_cast %add3A_1350 : i32 to index
        %get3A_1352 = tpu.vector_load %arg7[%get3A_1351] {strides = array<i32>} : memref<32000xf32, #tpu.memory_space<vmem>>, vector<16xf32>,
        %get3A_1353 = vector.shape_cast %get3A_1352 : vector<16xf32> to vector<16xf32>
        %add3A_1354 = arith.addf %add3A_1322, %get3A_1353 : vector<16xf32>
        %mul3A_1355 = arith.constant 256 : i32
        %mul3A_1356 = arith.muli %scan3A_1254, %mul3A_1355 : i32
        %add3A_1357 = arith.constant 192 : i32
        %add3A_1358 = arith.addi %mul3A_1356, %add3A_1357 : i32
        %get3A_1359 = arith.index_cast %add3A_1358 : i32 to index
        %get3A_1360 = tpu.vector_load %arg7[%get3A_1359] {strides = array<i32>} : memref<32000xf32, #tpu.memory_space<vmem>>, vector<16xf32>,
        %get3A_1361 = vector.shape_cast %get3A_1360 : vector<16xf32> to vector<16xf32>
        %add3A_1362 = arith.addf %add3A_1330, %get3A_1361 : vector<16xf32>
        %mul3A_1363 = arith.constant 256 : i32
        %mul3A_1364 = arith.muli %scan3A_1254, %mul3A_1363 : i32
        %add3A_1365 = arith.constant 208 : i32
        %add3A_1366 = arith.addi %mul3A_1364, %add3A_1365 : i32
        %get3A_1367 = arith.index_cast %add3A_1366 : i32 to index
        %get3A_1368 = tpu.vector_load %arg7[%get3A_1367] {strides = array<i32>} : memref<32000xf32, #tpu.memory_space<vmem>>, vector<16xf32>,
        %get3A_1369 = vector.shape_cast %get3A_1368 : vector<16xf32> to vector<16xf32>
        %add3A_1370 = arith.addf %add3A_1338, %get3A_1369 : vector<16xf32>
        %mul3A_1371 = arith.constant 256 : i32
        %mul3A_1372 = arith.muli %scan3A_1254, %mul3A_1371 : i32
        %add3A_1373 = arith.constant 224 : i32
        %add3A_1374 = arith.addi %mul3A_1372, %add3A_1373 : i32
        %get3A_1375 = arith.index_cast %add3A_1374 : i32 to index
        %get3A_1376 = tpu.vector_load %arg7[%get3A_1375] {strides = array<i32>} : memref<32000xf32, #tpu.memory_space<vmem>>, vector<16xf32>,
        %get3A_1377 = vector.shape_cast %get3A_1376 : vector<16xf32> to vector<16xf32>
        %add3A_1378 = arith.addf %add3A_1346, %get3A_1377 : vector<16xf32>
        %mul3A_1379 = arith.constant 256 : i32
        %mul3A_1380 = arith.muli %scan3A_1254, %mul3A_1379 : i32
        %add3A_1381 = arith.constant 240 : i32
        %add3A_1382 = arith.addi %mul3A_1380, %add3A_1381 : i32
        %get3A_1383 = arith.index_cast %add3A_1382 : i32 to index
        %get3A_1384 = tpu.vector_load %arg7[%get3A_1383] {strides = array<i32>} : memref<32000xf32, #tpu.memory_space<vmem>>, vector<16xf32>,
        %get3A_1385 = vector.shape_cast %get3A_1384 : vector<16xf32> to vector<16xf32>
        %add3A_1386 = arith.addf %add3A_1354, %get3A_1385 : vector<16xf32>
        scf.yield %add3A_1362, %add3A_1370, %add3A_1378, %add3A_1386 : vector<16xf32>, vector<16xf32>, vector<16xf32>, vector<16xf32>
      }
      %scan3A_972 = arith.constant 125 : i32
      %add3A_973 = arith.addf %scan3A_971#0, %scan3A_971#1 : vector<16xf32>
      %add3A_974 = arith.addf %scan3A_971#2, %scan3A_971#3 : vector<16xf32>
      %add3A_975 = arith.addf %add3A_973, %add3A_974 : vector<16xf32>
      %slice3A_976 = vector.extract_strided_slice %get3A_81 {offsets = [12], sizes = [1], strides = [1]} : vector<16xi32> to vector<1xi32>
      %squeeze3A_977 = vector.extract %slice3A_976[0] : i32 from vector<1xi32>
      %shift_right_arithmetic3A_978 = arith.constant 4 : i32
      %shift_right_arithmetic3A_979 = arith.shrsi %squeeze3A_977, %shift_right_arithmetic3A_978 : i32
      %shift_left3A_980 = arith.constant 4 : i32
      %shift_left3A_981 = arith.shli %shift_right_arithmetic3A_979, %shift_left3A_980 : i32
      %and3A_982 = arith.constant 15 : i32
      %and3A_983 = arith.andi %squeeze3A_977, %and3A_982 : i32
      %get3A_984 = arith.index_cast %shift_left3A_981 : i32 to index
      %get3A_985 = tpu.vector_load %arg7[%get3A_984] {strides = array<i32>} : memref<32000xf32, #tpu.memory_space<vmem>>, vector<16xf32>,
      %get3A_986 = vector.shape_cast %get3A_985 : vector<16xf32> to vector<16xf32>
      %get3A_987 = arith.constant 0 : index
      %get3A_988 = tpu.vector_load %arg7[%get3A_987] {strides = array<i32>} : memref<32000xf32, #tpu.memory_space<vmem>>, vector<16xf32>,
      %get3A_989 = vector.shape_cast %get3A_988 : vector<16xf32> to vector<16xf32>
      %eq3A_990 = vector.broadcast %and3A_983 : i32 to vector<16xi32>
      %eq3A_991 = arith.cmpi eq, %iota3A, %eq3A_990 : vector<16xi32>
      %mul3A_992 = arith.constant -0.899996876 : f32
      %mul3A_993 = vector.broadcast %mul3A_992 : f32 to vector<16xf32>
      %mul3A_994 = arith.mulf %mul3A_993, %get3A_986 : vector<16xf32>
      %jit3A_995 = arith.constant 0.000000e+00 : f32
      %broadcast_in_dim3A_996 = vector.broadcast %jit3A_995 : f32 to vector<16xf32>
      %select_n3A_997 = arith.select %eq3A_991, %mul3A_994, %broadcast_in_dim3A_996 : vector<16xi1>, vector<16xf32>
      %eq3A_998 = arith.constant 0 : i32
      %eq3A_999 = vector.broadcast %eq3A_998 : i32 to vector<16xi32>
      %eq3A_1000 = arith.cmpi eq, %iota3A, %eq3A_999 : vector<16xi32>
      %mul3A_1001 = arith.constant 3.12519524E-6 : f32
      %mul3A_1002 = vector.broadcast %mul3A_1001 : f32 to vector<16xf32>
      %mul3A_1003 = arith.mulf %mul3A_1002, %get3A_989 : vector<16xf32>
      %add3A_1004 = arith.constant -1.3624258 : f32
      %add3A_1005 = vector.broadcast %add3A_1004 : f32 to vector<16xf32>
      %add3A_1006 = arith.addf %add3A_1005, %mul3A_1003 : vector<16xf32>
      %jit3A_1007 = arith.constant 0.000000e+00 : f32
      %broadcast_in_dim3A_1008 = vector.broadcast %jit3A_1007 : f32 to vector<16xf32>
      %select_n3A_1009 = arith.select %eq3A_1000, %add3A_1006, %broadcast_in_dim3A_1008 : vector<16xi1>, vector<16xf32>
      %add3A_1010 = arith.addf %select_n3A_997, %select_n3A_1009 : vector<16xf32>
      %mul3A_1011 = arith.constant 16 : i32
      %mul3A_1012 = arith.muli %scan3A_70, %mul3A_1011 : i32
      %add3A_1013 = arith.constant 12 : i32
      %add3A_1014 = arith.addi %mul3A_1012, %add3A_1013 : i32
      %add3A_1015 = arith.constant 2 : i32
      %add3A_1016 = arith.addi %add3A_1014, %add3A_1015 : i32
      %lt3A_1017 = arith.constant 48 : i32
      %lt3A_1018 = arith.cmpi slt, %add3A_1016, %lt3A_1017 : i32
      %convert_element_type3A_1019 = arith.extui %lt3A_1018 : i1 to i32
      %cond3A_1020 = arith.constant 0 : i32
      %cond3A_1021 = arith.cmpi ne, %convert_element_type3A_1019, %cond3A_1020 : i32
      scf.if %cond3A_1021 {
        %add3A_1254 = arith.addi %add3A_4, %add3A_1016 : i32
        %dma_start3A_1255 = arith.constant 0 : i32
        %dma_start3A_1256 = tpu.memref_slice %arg2[%add3A_1254, %dma_start3A_1255] : memref<4096x32000xf32, #tpu.memory_space<hbm>> -> memref<1x32000xf32, #tpu.memory_space<hbm>>
        %dma_start3A_1257 = tpu.memref_squeeze %dma_start3A_1256 : memref<1x32000xf32, #tpu.memory_space<hbm>> -> memref<32000xf32, #tpu.memory_space<hbm>>
        %dma_start3A_1258 = arith.constant 0 : i32
        %dma_start3A_1259 = tpu.memref_slice %arg2[%add3A_1254, %dma_start3A_1258] : memref<4096x32000xf32, #tpu.memory_space<hbm>> -> memref<1x32000xf32, #tpu.memory_space<hbm>>
        %dma_start3A_1260 = tpu.memref_squeeze %dma_start3A_1259 : memref<1x32000xf32, #tpu.memory_space<hbm>> -> memref<32000xf32, #tpu.memory_space<hbm>>
        tpu.enqueue_dma source(%dma_start3A_1260 : memref<32000xf32, #tpu.memory_space<hbm>>) target(%arg7 : memref<32000xf32, #tpu.memory_space<vmem>>) target_semaphore(%arg10 : memref<!tpu.dma_semaphore, #tpu.memory_space<semaphore_mem>>)
      } else {
      }
      %broadcast_in_dim3A_1022 = arith.constant 12 : i32
      %broadcast_in_dim3A_1023 = vector.broadcast %broadcast_in_dim3A_1022 : i32 to vector<16x1xi32>
      %gather3A_1024 = vector.shape_cast %broadcast_in_dim3A_1023 : vector<16x1xi32> to vector<16xi32>
      %gather3A_1025 = tpu.dynamic_gather %get3A_76[%gather3A_1024] in [0] : vector<16xf32>, vector<16xi32> -> vector<16xf32>
      %mul3A_1026 = arith.constant 3.12519524E-6 : f32
      %mul3A_1027 = vector.broadcast %mul3A_1026 : f32 to vector<16xf32>
      %mul3A_1028 = arith.mulf %mul3A_1027, %add3A_975 : vector<16xf32>
      %sub3A_1029 = arith.subf %add3A_1010, %mul3A_1028 : vector<16xf32>
      %mul3A_1030 = arith.mulf %gather3A_1025, %sub3A_1029 : vector<16xf32>
      %add3A_1031 = arith.addf %add3A_957, %mul3A_1030 : vector<16xf32>
      %dma_wait3A_1032 = arith.constant 0 : i32
      %dma_wait3A_1033 = arith.constant 0 : i32
      %dma_wait3A_1034 = tpu.memref_slice %arg2[%dma_wait3A_1032, %dma_wait3A_1033] : memref<4096x32000xf32, #tpu.memory_space<hbm>> -> memref<1x32000xf32, #tpu.memory_space<hbm>>
      %dma_wait3A_1035 = tpu.memref_squeeze %dma_wait3A_1034 : memref<1x32000xf32, #tpu.memory_space<hbm>> -> memref<32000xf32, #tpu.memory_space<hbm>>
      %dma_wait3A_1036 = arith.constant 0 : i32
      %dma_wait3A_1037 = tpu.memref_slice %arg2[%dma_wait3A_1032, %dma_wait3A_1036] : memref<4096x32000xf32, #tpu.memory_space<hbm>> -> memref<1x32000xf32, #tpu.memory_space<hbm>>
      %dma_wait3A_1038 = tpu.memref_squeeze %dma_wait3A_1037 : memref<1x32000xf32, #tpu.memory_space<hbm>> -> memref<32000xf32, #tpu.memory_space<hbm>>
      tpu.wait_dma2 semaphore(%arg11 : memref<!tpu.dma_semaphore, #tpu.memory_space<semaphore_mem>>) src(%dma_wait3A_1038 : memref<32000xf32, #tpu.memory_space<hbm>>) dst(%arg8 : memref<32000xf32, #tpu.memory_space<vmem>>)
      %broadcast_in_dim3A_1039 = arith.constant 0.000000e+00 : f32
      %broadcast_in_dim3A_1040 = vector.broadcast %broadcast_in_dim3A_1039 : f32 to vector<16xf32>
      %scan3A_1041 = arith.constant 0 : i32
      %scan3A_1042 = arith.constant 125 : i32
      %scan3A_1043 = arith.addi %scan3A_1041, %scan3A_1042 : i32
      %scan3A_1044 = arith.constant 1 : i32
      %scan3A_1045:4 = scf.for %scan3A_1254 = %scan3A_1041 to %scan3A_1043 step %scan3A_1044 iter_args(%scan3A_1255 = %broadcast_in_dim3A_1040, %scan3A_1256 = %broadcast_in_dim3A_1040, %scan3A_1257 = %broadcast_in_dim3A_1040, %scan3A_1258 = %broadcast_in_dim3A_1040) -> (vector<16xf32>, vector<16xf32>, vector<16xf32>, vector<16xf32>)  : i32 {
        %mul3A_1259 = arith.constant 256 : i32
        %mul3A_1260 = arith.muli %scan3A_1254, %mul3A_1259 : i32
        %add3A_1261 = arith.constant 0 : i32
        %add3A_1262 = arith.addi %mul3A_1260, %add3A_1261 : i32
        %get3A_1263 = arith.index_cast %add3A_1262 : i32 to index
        %get3A_1264 = tpu.vector_load %arg8[%get3A_1263] {strides = array<i32>} : memref<32000xf32, #tpu.memory_space<vmem>>, vector<16xf32>,
        %get3A_1265 = vector.shape_cast %get3A_1264 : vector<16xf32> to vector<16xf32>
        %add3A_1266 = arith.addf %scan3A_1255, %get3A_1265 : vector<16xf32>
        %mul3A_1267 = arith.constant 256 : i32
        %mul3A_1268 = arith.muli %scan3A_1254, %mul3A_1267 : i32
        %add3A_1269 = arith.constant 16 : i32
        %add3A_1270 = arith.addi %mul3A_1268, %add3A_1269 : i32
        %get3A_1271 = arith.index_cast %add3A_1270 : i32 to index
        %get3A_1272 = tpu.vector_load %arg8[%get3A_1271] {strides = array<i32>} : memref<32000xf32, #tpu.memory_space<vmem>>, vector<16xf32>,
        %get3A_1273 = vector.shape_cast %get3A_1272 : vector<16xf32> to vector<16xf32>
        %add3A_1274 = arith.addf %scan3A_1256, %get3A_1273 : vector<16xf32>
        %mul3A_1275 = arith.constant 256 : i32
        %mul3A_1276 = arith.muli %scan3A_1254, %mul3A_1275 : i32
        %add3A_1277 = arith.constant 32 : i32
        %add3A_1278 = arith.addi %mul3A_1276, %add3A_1277 : i32
        %get3A_1279 = arith.index_cast %add3A_1278 : i32 to index
        %get3A_1280 = tpu.vector_load %arg8[%get3A_1279] {strides = array<i32>} : memref<32000xf32, #tpu.memory_space<vmem>>, vector<16xf32>,
        %get3A_1281 = vector.shape_cast %get3A_1280 : vector<16xf32> to vector<16xf32>
        %add3A_1282 = arith.addf %scan3A_1257, %get3A_1281 : vector<16xf32>
        %mul3A_1283 = arith.constant 256 : i32
        %mul3A_1284 = arith.muli %scan3A_1254, %mul3A_1283 : i32
        %add3A_1285 = arith.constant 48 : i32
        %add3A_1286 = arith.addi %mul3A_1284, %add3A_1285 : i32
        %get3A_1287 = arith.index_cast %add3A_1286 : i32 to index
        %get3A_1288 = tpu.vector_load %arg8[%get3A_1287] {strides = array<i32>} : memref<32000xf32, #tpu.memory_space<vmem>>, vector<16xf32>,
        %get3A_1289 = vector.shape_cast %get3A_1288 : vector<16xf32> to vector<16xf32>
        %add3A_1290 = arith.addf %scan3A_1258, %get3A_1289 : vector<16xf32>
        %mul3A_1291 = arith.constant 256 : i32
        %mul3A_1292 = arith.muli %scan3A_1254, %mul3A_1291 : i32
        %add3A_1293 = arith.constant 64 : i32
        %add3A_1294 = arith.addi %mul3A_1292, %add3A_1293 : i32
        %get3A_1295 = arith.index_cast %add3A_1294 : i32 to index
        %get3A_1296 = tpu.vector_load %arg8[%get3A_1295] {strides = array<i32>} : memref<32000xf32, #tpu.memory_space<vmem>>, vector<16xf32>,
        %get3A_1297 = vector.shape_cast %get3A_1296 : vector<16xf32> to vector<16xf32>
        %add3A_1298 = arith.addf %add3A_1266, %get3A_1297 : vector<16xf32>
        %mul3A_1299 = arith.constant 256 : i32
        %mul3A_1300 = arith.muli %scan3A_1254, %mul3A_1299 : i32
        %add3A_1301 = arith.constant 80 : i32
        %add3A_1302 = arith.addi %mul3A_1300, %add3A_1301 : i32
        %get3A_1303 = arith.index_cast %add3A_1302 : i32 to index
        %get3A_1304 = tpu.vector_load %arg8[%get3A_1303] {strides = array<i32>} : memref<32000xf32, #tpu.memory_space<vmem>>, vector<16xf32>,
        %get3A_1305 = vector.shape_cast %get3A_1304 : vector<16xf32> to vector<16xf32>
        %add3A_1306 = arith.addf %add3A_1274, %get3A_1305 : vector<16xf32>
        %mul3A_1307 = arith.constant 256 : i32
        %mul3A_1308 = arith.muli %scan3A_1254, %mul3A_1307 : i32
        %add3A_1309 = arith.constant 96 : i32
        %add3A_1310 = arith.addi %mul3A_1308, %add3A_1309 : i32
        %get3A_1311 = arith.index_cast %add3A_1310 : i32 to index
        %get3A_1312 = tpu.vector_load %arg8[%get3A_1311] {strides = array<i32>} : memref<32000xf32, #tpu.memory_space<vmem>>, vector<16xf32>,
        %get3A_1313 = vector.shape_cast %get3A_1312 : vector<16xf32> to vector<16xf32>
        %add3A_1314 = arith.addf %add3A_1282, %get3A_1313 : vector<16xf32>
        %mul3A_1315 = arith.constant 256 : i32
        %mul3A_1316 = arith.muli %scan3A_1254, %mul3A_1315 : i32
        %add3A_1317 = arith.constant 112 : i32
        %add3A_1318 = arith.addi %mul3A_1316, %add3A_1317 : i32
        %get3A_1319 = arith.index_cast %add3A_1318 : i32 to index
        %get3A_1320 = tpu.vector_load %arg8[%get3A_1319] {strides = array<i32>} : memref<32000xf32, #tpu.memory_space<vmem>>, vector<16xf32>,
        %get3A_1321 = vector.shape_cast %get3A_1320 : vector<16xf32> to vector<16xf32>
        %add3A_1322 = arith.addf %add3A_1290, %get3A_1321 : vector<16xf32>
        %mul3A_1323 = arith.constant 256 : i32
        %mul3A_1324 = arith.muli %scan3A_1254, %mul3A_1323 : i32
        %add3A_1325 = arith.constant 128 : i32
        %add3A_1326 = arith.addi %mul3A_1324, %add3A_1325 : i32
        %get3A_1327 = arith.index_cast %add3A_1326 : i32 to index
        %get3A_1328 = tpu.vector_load %arg8[%get3A_1327] {strides = array<i32>} : memref<32000xf32, #tpu.memory_space<vmem>>, vector<16xf32>,
        %get3A_1329 = vector.shape_cast %get3A_1328 : vector<16xf32> to vector<16xf32>
        %add3A_1330 = arith.addf %add3A_1298, %get3A_1329 : vector<16xf32>
        %mul3A_1331 = arith.constant 256 : i32
        %mul3A_1332 = arith.muli %scan3A_1254, %mul3A_1331 : i32
        %add3A_1333 = arith.constant 144 : i32
        %add3A_1334 = arith.addi %mul3A_1332, %add3A_1333 : i32
        %get3A_1335 = arith.index_cast %add3A_1334 : i32 to index
        %get3A_1336 = tpu.vector_load %arg8[%get3A_1335] {strides = array<i32>} : memref<32000xf32, #tpu.memory_space<vmem>>, vector<16xf32>,
        %get3A_1337 = vector.shape_cast %get3A_1336 : vector<16xf32> to vector<16xf32>
        %add3A_1338 = arith.addf %add3A_1306, %get3A_1337 : vector<16xf32>
        %mul3A_1339 = arith.constant 256 : i32
        %mul3A_1340 = arith.muli %scan3A_1254, %mul3A_1339 : i32
        %add3A_1341 = arith.constant 160 : i32
        %add3A_1342 = arith.addi %mul3A_1340, %add3A_1341 : i32
        %get3A_1343 = arith.index_cast %add3A_1342 : i32 to index
        %get3A_1344 = tpu.vector_load %arg8[%get3A_1343] {strides = array<i32>} : memref<32000xf32, #tpu.memory_space<vmem>>, vector<16xf32>,
        %get3A_1345 = vector.shape_cast %get3A_1344 : vector<16xf32> to vector<16xf32>
        %add3A_1346 = arith.addf %add3A_1314, %get3A_1345 : vector<16xf32>
        %mul3A_1347 = arith.constant 256 : i32
        %mul3A_1348 = arith.muli %scan3A_1254, %mul3A_1347 : i32
        %add3A_1349 = arith.constant 176 : i32
        %add3A_1350 = arith.addi %mul3A_1348, %add3A_1349 : i32
        %get3A_1351 = arith.index_cast %add3A_1350 : i32 to index
        %get3A_1352 = tpu.vector_load %arg8[%get3A_1351] {strides = array<i32>} : memref<32000xf32, #tpu.memory_space<vmem>>, vector<16xf32>,
        %get3A_1353 = vector.shape_cast %get3A_1352 : vector<16xf32> to vector<16xf32>
        %add3A_1354 = arith.addf %add3A_1322, %get3A_1353 : vector<16xf32>
        %mul3A_1355 = arith.constant 256 : i32
        %mul3A_1356 = arith.muli %scan3A_1254, %mul3A_1355 : i32
        %add3A_1357 = arith.constant 192 : i32
        %add3A_1358 = arith.addi %mul3A_1356, %add3A_1357 : i32
        %get3A_1359 = arith.index_cast %add3A_1358 : i32 to index
        %get3A_1360 = tpu.vector_load %arg8[%get3A_1359] {strides = array<i32>} : memref<32000xf32, #tpu.memory_space<vmem>>, vector<16xf32>,
        %get3A_1361 = vector.shape_cast %get3A_1360 : vector<16xf32> to vector<16xf32>
        %add3A_1362 = arith.addf %add3A_1330, %get3A_1361 : vector<16xf32>
        %mul3A_1363 = arith.constant 256 : i32
        %mul3A_1364 = arith.muli %scan3A_1254, %mul3A_1363 : i32
        %add3A_1365 = arith.constant 208 : i32
        %add3A_1366 = arith.addi %mul3A_1364, %add3A_1365 : i32
        %get3A_1367 = arith.index_cast %add3A_1366 : i32 to index
        %get3A_1368 = tpu.vector_load %arg8[%get3A_1367] {strides = array<i32>} : memref<32000xf32, #tpu.memory_space<vmem>>, vector<16xf32>,
        %get3A_1369 = vector.shape_cast %get3A_1368 : vector<16xf32> to vector<16xf32>
        %add3A_1370 = arith.addf %add3A_1338, %get3A_1369 : vector<16xf32>
        %mul3A_1371 = arith.constant 256 : i32
        %mul3A_1372 = arith.muli %scan3A_1254, %mul3A_1371 : i32
        %add3A_1373 = arith.constant 224 : i32
        %add3A_1374 = arith.addi %mul3A_1372, %add3A_1373 : i32
        %get3A_1375 = arith.index_cast %add3A_1374 : i32 to index
        %get3A_1376 = tpu.vector_load %arg8[%get3A_1375] {strides = array<i32>} : memref<32000xf32, #tpu.memory_space<vmem>>, vector<16xf32>,
        %get3A_1377 = vector.shape_cast %get3A_1376 : vector<16xf32> to vector<16xf32>
        %add3A_1378 = arith.addf %add3A_1346, %get3A_1377 : vector<16xf32>
        %mul3A_1379 = arith.constant 256 : i32
        %mul3A_1380 = arith.muli %scan3A_1254, %mul3A_1379 : i32
        %add3A_1381 = arith.constant 240 : i32
        %add3A_1382 = arith.addi %mul3A_1380, %add3A_1381 : i32
        %get3A_1383 = arith.index_cast %add3A_1382 : i32 to index
        %get3A_1384 = tpu.vector_load %arg8[%get3A_1383] {strides = array<i32>} : memref<32000xf32, #tpu.memory_space<vmem>>, vector<16xf32>,
        %get3A_1385 = vector.shape_cast %get3A_1384 : vector<16xf32> to vector<16xf32>
        %add3A_1386 = arith.addf %add3A_1354, %get3A_1385 : vector<16xf32>
        scf.yield %add3A_1362, %add3A_1370, %add3A_1378, %add3A_1386 : vector<16xf32>, vector<16xf32>, vector<16xf32>, vector<16xf32>
      }
      %scan3A_1046 = arith.constant 125 : i32
      %add3A_1047 = arith.addf %scan3A_1045#0, %scan3A_1045#1 : vector<16xf32>
      %add3A_1048 = arith.addf %scan3A_1045#2, %scan3A_1045#3 : vector<16xf32>
      %add3A_1049 = arith.addf %add3A_1047, %add3A_1048 : vector<16xf32>
      %slice3A_1050 = vector.extract_strided_slice %get3A_81 {offsets = [13], sizes = [1], strides = [1]} : vector<16xi32> to vector<1xi32>
      %squeeze3A_1051 = vector.extract %slice3A_1050[0] : i32 from vector<1xi32>
      %shift_right_arithmetic3A_1052 = arith.constant 4 : i32
      %shift_right_arithmetic3A_1053 = arith.shrsi %squeeze3A_1051, %shift_right_arithmetic3A_1052 : i32
      %shift_left3A_1054 = arith.constant 4 : i32
      %shift_left3A_1055 = arith.shli %shift_right_arithmetic3A_1053, %shift_left3A_1054 : i32
      %and3A_1056 = arith.constant 15 : i32
      %and3A_1057 = arith.andi %squeeze3A_1051, %and3A_1056 : i32
      %get3A_1058 = arith.index_cast %shift_left3A_1055 : i32 to index
      %get3A_1059 = tpu.vector_load %arg8[%get3A_1058] {strides = array<i32>} : memref<32000xf32, #tpu.memory_space<vmem>>, vector<16xf32>,
      %get3A_1060 = vector.shape_cast %get3A_1059 : vector<16xf32> to vector<16xf32>
      %get3A_1061 = arith.constant 0 : index
      %get3A_1062 = tpu.vector_load %arg8[%get3A_1061] {strides = array<i32>} : memref<32000xf32, #tpu.memory_space<vmem>>, vector<16xf32>,
      %get3A_1063 = vector.shape_cast %get3A_1062 : vector<16xf32> to vector<16xf32>
      %eq3A_1064 = vector.broadcast %and3A_1057 : i32 to vector<16xi32>
      %eq3A_1065 = arith.cmpi eq, %iota3A, %eq3A_1064 : vector<16xi32>
      %mul3A_1066 = arith.constant -0.899996876 : f32
      %mul3A_1067 = vector.broadcast %mul3A_1066 : f32 to vector<16xf32>
      %mul3A_1068 = arith.mulf %mul3A_1067, %get3A_1060 : vector<16xf32>
      %jit3A_1069 = arith.constant 0.000000e+00 : f32
      %broadcast_in_dim3A_1070 = vector.broadcast %jit3A_1069 : f32 to vector<16xf32>
      %select_n3A_1071 = arith.select %eq3A_1065, %mul3A_1068, %broadcast_in_dim3A_1070 : vector<16xi1>, vector<16xf32>
      %eq3A_1072 = arith.constant 0 : i32
      %eq3A_1073 = vector.broadcast %eq3A_1072 : i32 to vector<16xi32>
      %eq3A_1074 = arith.cmpi eq, %iota3A, %eq3A_1073 : vector<16xi32>
      %mul3A_1075 = arith.constant 3.12519524E-6 : f32
      %mul3A_1076 = vector.broadcast %mul3A_1075 : f32 to vector<16xf32>
      %mul3A_1077 = arith.mulf %mul3A_1076, %get3A_1063 : vector<16xf32>
      %add3A_1078 = arith.constant -1.3624258 : f32
      %add3A_1079 = vector.broadcast %add3A_1078 : f32 to vector<16xf32>
      %add3A_1080 = arith.addf %add3A_1079, %mul3A_1077 : vector<16xf32>
      %jit3A_1081 = arith.constant 0.000000e+00 : f32
      %broadcast_in_dim3A_1082 = vector.broadcast %jit3A_1081 : f32 to vector<16xf32>
      %select_n3A_1083 = arith.select %eq3A_1074, %add3A_1080, %broadcast_in_dim3A_1082 : vector<16xi1>, vector<16xf32>
      %add3A_1084 = arith.addf %select_n3A_1071, %select_n3A_1083 : vector<16xf32>
      %mul3A_1085 = arith.constant 16 : i32
      %mul3A_1086 = arith.muli %scan3A_70, %mul3A_1085 : i32
      %add3A_1087 = arith.constant 13 : i32
      %add3A_1088 = arith.addi %mul3A_1086, %add3A_1087 : i32
      %add3A_1089 = arith.constant 2 : i32
      %add3A_1090 = arith.addi %add3A_1088, %add3A_1089 : i32
      %lt3A_1091 = arith.constant 48 : i32
      %lt3A_1092 = arith.cmpi slt, %add3A_1090, %lt3A_1091 : i32
      %convert_element_type3A_1093 = arith.extui %lt3A_1092 : i1 to i32
      %cond3A_1094 = arith.constant 0 : i32
      %cond3A_1095 = arith.cmpi ne, %convert_element_type3A_1093, %cond3A_1094 : i32
      scf.if %cond3A_1095 {
        %add3A_1254 = arith.addi %add3A_4, %add3A_1090 : i32
        %dma_start3A_1255 = arith.constant 0 : i32
        %dma_start3A_1256 = tpu.memref_slice %arg2[%add3A_1254, %dma_start3A_1255] : memref<4096x32000xf32, #tpu.memory_space<hbm>> -> memref<1x32000xf32, #tpu.memory_space<hbm>>
        %dma_start3A_1257 = tpu.memref_squeeze %dma_start3A_1256 : memref<1x32000xf32, #tpu.memory_space<hbm>> -> memref<32000xf32, #tpu.memory_space<hbm>>
        %dma_start3A_1258 = arith.constant 0 : i32
        %dma_start3A_1259 = tpu.memref_slice %arg2[%add3A_1254, %dma_start3A_1258] : memref<4096x32000xf32, #tpu.memory_space<hbm>> -> memref<1x32000xf32, #tpu.memory_space<hbm>>
        %dma_start3A_1260 = tpu.memref_squeeze %dma_start3A_1259 : memref<1x32000xf32, #tpu.memory_space<hbm>> -> memref<32000xf32, #tpu.memory_space<hbm>>
        tpu.enqueue_dma source(%dma_start3A_1260 : memref<32000xf32, #tpu.memory_space<hbm>>) target(%arg8 : memref<32000xf32, #tpu.memory_space<vmem>>) target_semaphore(%arg11 : memref<!tpu.dma_semaphore, #tpu.memory_space<semaphore_mem>>)
      } else {
      }
      %broadcast_in_dim3A_1096 = arith.constant 13 : i32
      %broadcast_in_dim3A_1097 = vector.broadcast %broadcast_in_dim3A_1096 : i32 to vector<16x1xi32>
      %gather3A_1098 = vector.shape_cast %broadcast_in_dim3A_1097 : vector<16x1xi32> to vector<16xi32>
      %gather3A_1099 = tpu.dynamic_gather %get3A_76[%gather3A_1098] in [0] : vector<16xf32>, vector<16xi32> -> vector<16xf32>
      %mul3A_1100 = arith.constant 3.12519524E-6 : f32
      %mul3A_1101 = vector.broadcast %mul3A_1100 : f32 to vector<16xf32>
      %mul3A_1102 = arith.mulf %mul3A_1101, %add3A_1049 : vector<16xf32>
      %sub3A_1103 = arith.subf %add3A_1084, %mul3A_1102 : vector<16xf32>
      %mul3A_1104 = arith.mulf %gather3A_1099, %sub3A_1103 : vector<16xf32>
      %add3A_1105 = arith.addf %add3A_1031, %mul3A_1104 : vector<16xf32>
      %dma_wait3A_1106 = arith.constant 0 : i32
      %dma_wait3A_1107 = arith.constant 0 : i32
      %dma_wait3A_1108 = tpu.memref_slice %arg2[%dma_wait3A_1106, %dma_wait3A_1107] : memref<4096x32000xf32, #tpu.memory_space<hbm>> -> memref<1x32000xf32, #tpu.memory_space<hbm>>
      %dma_wait3A_1109 = tpu.memref_squeeze %dma_wait3A_1108 : memref<1x32000xf32, #tpu.memory_space<hbm>> -> memref<32000xf32, #tpu.memory_space<hbm>>
      %dma_wait3A_1110 = arith.constant 0 : i32
      %dma_wait3A_1111 = tpu.memref_slice %arg2[%dma_wait3A_1106, %dma_wait3A_1110] : memref<4096x32000xf32, #tpu.memory_space<hbm>> -> memref<1x32000xf32, #tpu.memory_space<hbm>>
      %dma_wait3A_1112 = tpu.memref_squeeze %dma_wait3A_1111 : memref<1x32000xf32, #tpu.memory_space<hbm>> -> memref<32000xf32, #tpu.memory_space<hbm>>
      tpu.wait_dma2 semaphore(%arg10 : memref<!tpu.dma_semaphore, #tpu.memory_space<semaphore_mem>>) src(%dma_wait3A_1112 : memref<32000xf32, #tpu.memory_space<hbm>>) dst(%arg7 : memref<32000xf32, #tpu.memory_space<vmem>>)
      %broadcast_in_dim3A_1113 = arith.constant 0.000000e+00 : f32
      %broadcast_in_dim3A_1114 = vector.broadcast %broadcast_in_dim3A_1113 : f32 to vector<16xf32>
      %scan3A_1115 = arith.constant 0 : i32
      %scan3A_1116 = arith.constant 125 : i32
      %scan3A_1117 = arith.addi %scan3A_1115, %scan3A_1116 : i32
      %scan3A_1118 = arith.constant 1 : i32
      %scan3A_1119:4 = scf.for %scan3A_1254 = %scan3A_1115 to %scan3A_1117 step %scan3A_1118 iter_args(%scan3A_1255 = %broadcast_in_dim3A_1114, %scan3A_1256 = %broadcast_in_dim3A_1114, %scan3A_1257 = %broadcast_in_dim3A_1114, %scan3A_1258 = %broadcast_in_dim3A_1114) -> (vector<16xf32>, vector<16xf32>, vector<16xf32>, vector<16xf32>)  : i32 {
        %mul3A_1259 = arith.constant 256 : i32
        %mul3A_1260 = arith.muli %scan3A_1254, %mul3A_1259 : i32
        %add3A_1261 = arith.constant 0 : i32
        %add3A_1262 = arith.addi %mul3A_1260, %add3A_1261 : i32
        %get3A_1263 = arith.index_cast %add3A_1262 : i32 to index
        %get3A_1264 = tpu.vector_load %arg7[%get3A_1263] {strides = array<i32>} : memref<32000xf32, #tpu.memory_space<vmem>>, vector<16xf32>,
        %get3A_1265 = vector.shape_cast %get3A_1264 : vector<16xf32> to vector<16xf32>
        %add3A_1266 = arith.addf %scan3A_1255, %get3A_1265 : vector<16xf32>
        %mul3A_1267 = arith.constant 256 : i32
        %mul3A_1268 = arith.muli %scan3A_1254, %mul3A_1267 : i32
        %add3A_1269 = arith.constant 16 : i32
        %add3A_1270 = arith.addi %mul3A_1268, %add3A_1269 : i32
        %get3A_1271 = arith.index_cast %add3A_1270 : i32 to index
        %get3A_1272 = tpu.vector_load %arg7[%get3A_1271] {strides = array<i32>} : memref<32000xf32, #tpu.memory_space<vmem>>, vector<16xf32>,
        %get3A_1273 = vector.shape_cast %get3A_1272 : vector<16xf32> to vector<16xf32>
        %add3A_1274 = arith.addf %scan3A_1256, %get3A_1273 : vector<16xf32>
        %mul3A_1275 = arith.constant 256 : i32
        %mul3A_1276 = arith.muli %scan3A_1254, %mul3A_1275 : i32
        %add3A_1277 = arith.constant 32 : i32
        %add3A_1278 = arith.addi %mul3A_1276, %add3A_1277 : i32
        %get3A_1279 = arith.index_cast %add3A_1278 : i32 to index
        %get3A_1280 = tpu.vector_load %arg7[%get3A_1279] {strides = array<i32>} : memref<32000xf32, #tpu.memory_space<vmem>>, vector<16xf32>,
        %get3A_1281 = vector.shape_cast %get3A_1280 : vector<16xf32> to vector<16xf32>
        %add3A_1282 = arith.addf %scan3A_1257, %get3A_1281 : vector<16xf32>
        %mul3A_1283 = arith.constant 256 : i32
        %mul3A_1284 = arith.muli %scan3A_1254, %mul3A_1283 : i32
        %add3A_1285 = arith.constant 48 : i32
        %add3A_1286 = arith.addi %mul3A_1284, %add3A_1285 : i32
        %get3A_1287 = arith.index_cast %add3A_1286 : i32 to index
        %get3A_1288 = tpu.vector_load %arg7[%get3A_1287] {strides = array<i32>} : memref<32000xf32, #tpu.memory_space<vmem>>, vector<16xf32>,
        %get3A_1289 = vector.shape_cast %get3A_1288 : vector<16xf32> to vector<16xf32>
        %add3A_1290 = arith.addf %scan3A_1258, %get3A_1289 : vector<16xf32>
        %mul3A_1291 = arith.constant 256 : i32
        %mul3A_1292 = arith.muli %scan3A_1254, %mul3A_1291 : i32
        %add3A_1293 = arith.constant 64 : i32
        %add3A_1294 = arith.addi %mul3A_1292, %add3A_1293 : i32
        %get3A_1295 = arith.index_cast %add3A_1294 : i32 to index
        %get3A_1296 = tpu.vector_load %arg7[%get3A_1295] {strides = array<i32>} : memref<32000xf32, #tpu.memory_space<vmem>>, vector<16xf32>,
        %get3A_1297 = vector.shape_cast %get3A_1296 : vector<16xf32> to vector<16xf32>
        %add3A_1298 = arith.addf %add3A_1266, %get3A_1297 : vector<16xf32>
        %mul3A_1299 = arith.constant 256 : i32
        %mul3A_1300 = arith.muli %scan3A_1254, %mul3A_1299 : i32
        %add3A_1301 = arith.constant 80 : i32
        %add3A_1302 = arith.addi %mul3A_1300, %add3A_1301 : i32
        %get3A_1303 = arith.index_cast %add3A_1302 : i32 to index
        %get3A_1304 = tpu.vector_load %arg7[%get3A_1303] {strides = array<i32>} : memref<32000xf32, #tpu.memory_space<vmem>>, vector<16xf32>,
        %get3A_1305 = vector.shape_cast %get3A_1304 : vector<16xf32> to vector<16xf32>
        %add3A_1306 = arith.addf %add3A_1274, %get3A_1305 : vector<16xf32>
        %mul3A_1307 = arith.constant 256 : i32
        %mul3A_1308 = arith.muli %scan3A_1254, %mul3A_1307 : i32
        %add3A_1309 = arith.constant 96 : i32
        %add3A_1310 = arith.addi %mul3A_1308, %add3A_1309 : i32
        %get3A_1311 = arith.index_cast %add3A_1310 : i32 to index
        %get3A_1312 = tpu.vector_load %arg7[%get3A_1311] {strides = array<i32>} : memref<32000xf32, #tpu.memory_space<vmem>>, vector<16xf32>,
        %get3A_1313 = vector.shape_cast %get3A_1312 : vector<16xf32> to vector<16xf32>
        %add3A_1314 = arith.addf %add3A_1282, %get3A_1313 : vector<16xf32>
        %mul3A_1315 = arith.constant 256 : i32
        %mul3A_1316 = arith.muli %scan3A_1254, %mul3A_1315 : i32
        %add3A_1317 = arith.constant 112 : i32
        %add3A_1318 = arith.addi %mul3A_1316, %add3A_1317 : i32
        %get3A_1319 = arith.index_cast %add3A_1318 : i32 to index
        %get3A_1320 = tpu.vector_load %arg7[%get3A_1319] {strides = array<i32>} : memref<32000xf32, #tpu.memory_space<vmem>>, vector<16xf32>,
        %get3A_1321 = vector.shape_cast %get3A_1320 : vector<16xf32> to vector<16xf32>
        %add3A_1322 = arith.addf %add3A_1290, %get3A_1321 : vector<16xf32>
        %mul3A_1323 = arith.constant 256 : i32
        %mul3A_1324 = arith.muli %scan3A_1254, %mul3A_1323 : i32
        %add3A_1325 = arith.constant 128 : i32
        %add3A_1326 = arith.addi %mul3A_1324, %add3A_1325 : i32
        %get3A_1327 = arith.index_cast %add3A_1326 : i32 to index
        %get3A_1328 = tpu.vector_load %arg7[%get3A_1327] {strides = array<i32>} : memref<32000xf32, #tpu.memory_space<vmem>>, vector<16xf32>,
        %get3A_1329 = vector.shape_cast %get3A_1328 : vector<16xf32> to vector<16xf32>
        %add3A_1330 = arith.addf %add3A_1298, %get3A_1329 : vector<16xf32>
        %mul3A_1331 = arith.constant 256 : i32
        %mul3A_1332 = arith.muli %scan3A_1254, %mul3A_1331 : i32
        %add3A_1333 = arith.constant 144 : i32
        %add3A_1334 = arith.addi %mul3A_1332, %add3A_1333 : i32
        %get3A_1335 = arith.index_cast %add3A_1334 : i32 to index
        %get3A_1336 = tpu.vector_load %arg7[%get3A_1335] {strides = array<i32>} : memref<32000xf32, #tpu.memory_space<vmem>>, vector<16xf32>,
        %get3A_1337 = vector.shape_cast %get3A_1336 : vector<16xf32> to vector<16xf32>
        %add3A_1338 = arith.addf %add3A_1306, %get3A_1337 : vector<16xf32>
        %mul3A_1339 = arith.constant 256 : i32
        %mul3A_1340 = arith.muli %scan3A_1254, %mul3A_1339 : i32
        %add3A_1341 = arith.constant 160 : i32
        %add3A_1342 = arith.addi %mul3A_1340, %add3A_1341 : i32
        %get3A_1343 = arith.index_cast %add3A_1342 : i32 to index
        %get3A_1344 = tpu.vector_load %arg7[%get3A_1343] {strides = array<i32>} : memref<32000xf32, #tpu.memory_space<vmem>>, vector<16xf32>,
        %get3A_1345 = vector.shape_cast %get3A_1344 : vector<16xf32> to vector<16xf32>
        %add3A_1346 = arith.addf %add3A_1314, %get3A_1345 : vector<16xf32>
        %mul3A_1347 = arith.constant 256 : i32
        %mul3A_1348 = arith.muli %scan3A_1254, %mul3A_1347 : i32
        %add3A_1349 = arith.constant 176 : i32
        %add3A_1350 = arith.addi %mul3A_1348, %add3A_1349 : i32
        %get3A_1351 = arith.index_cast %add3A_1350 : i32 to index
        %get3A_1352 = tpu.vector_load %arg7[%get3A_1351] {strides = array<i32>} : memref<32000xf32, #tpu.memory_space<vmem>>, vector<16xf32>,
        %get3A_1353 = vector.shape_cast %get3A_1352 : vector<16xf32> to vector<16xf32>
        %add3A_1354 = arith.addf %add3A_1322, %get3A_1353 : vector<16xf32>
        %mul3A_1355 = arith.constant 256 : i32
        %mul3A_1356 = arith.muli %scan3A_1254, %mul3A_1355 : i32
        %add3A_1357 = arith.constant 192 : i32
        %add3A_1358 = arith.addi %mul3A_1356, %add3A_1357 : i32
        %get3A_1359 = arith.index_cast %add3A_1358 : i32 to index
        %get3A_1360 = tpu.vector_load %arg7[%get3A_1359] {strides = array<i32>} : memref<32000xf32, #tpu.memory_space<vmem>>, vector<16xf32>,
        %get3A_1361 = vector.shape_cast %get3A_1360 : vector<16xf32> to vector<16xf32>
        %add3A_1362 = arith.addf %add3A_1330, %get3A_1361 : vector<16xf32>
        %mul3A_1363 = arith.constant 256 : i32
        %mul3A_1364 = arith.muli %scan3A_1254, %mul3A_1363 : i32
        %add3A_1365 = arith.constant 208 : i32
        %add3A_1366 = arith.addi %mul3A_1364, %add3A_1365 : i32
        %get3A_1367 = arith.index_cast %add3A_1366 : i32 to index
        %get3A_1368 = tpu.vector_load %arg7[%get3A_1367] {strides = array<i32>} : memref<32000xf32, #tpu.memory_space<vmem>>, vector<16xf32>,
        %get3A_1369 = vector.shape_cast %get3A_1368 : vector<16xf32> to vector<16xf32>
        %add3A_1370 = arith.addf %add3A_1338, %get3A_1369 : vector<16xf32>
        %mul3A_1371 = arith.constant 256 : i32
        %mul3A_1372 = arith.muli %scan3A_1254, %mul3A_1371 : i32
        %add3A_1373 = arith.constant 224 : i32
        %add3A_1374 = arith.addi %mul3A_1372, %add3A_1373 : i32
        %get3A_1375 = arith.index_cast %add3A_1374 : i32 to index
        %get3A_1376 = tpu.vector_load %arg7[%get3A_1375] {strides = array<i32>} : memref<32000xf32, #tpu.memory_space<vmem>>, vector<16xf32>,
        %get3A_1377 = vector.shape_cast %get3A_1376 : vector<16xf32> to vector<16xf32>
        %add3A_1378 = arith.addf %add3A_1346, %get3A_1377 : vector<16xf32>
        %mul3A_1379 = arith.constant 256 : i32
        %mul3A_1380 = arith.muli %scan3A_1254, %mul3A_1379 : i32
        %add3A_1381 = arith.constant 240 : i32
        %add3A_1382 = arith.addi %mul3A_1380, %add3A_1381 : i32
        %get3A_1383 = arith.index_cast %add3A_1382 : i32 to index
        %get3A_1384 = tpu.vector_load %arg7[%get3A_1383] {strides = array<i32>} : memref<32000xf32, #tpu.memory_space<vmem>>, vector<16xf32>,
        %get3A_1385 = vector.shape_cast %get3A_1384 : vector<16xf32> to vector<16xf32>
        %add3A_1386 = arith.addf %add3A_1354, %get3A_1385 : vector<16xf32>
        scf.yield %add3A_1362, %add3A_1370, %add3A_1378, %add3A_1386 : vector<16xf32>, vector<16xf32>, vector<16xf32>, vector<16xf32>
      }
      %scan3A_1120 = arith.constant 125 : i32
      %add3A_1121 = arith.addf %scan3A_1119#0, %scan3A_1119#1 : vector<16xf32>
      %add3A_1122 = arith.addf %scan3A_1119#2, %scan3A_1119#3 : vector<16xf32>
      %add3A_1123 = arith.addf %add3A_1121, %add3A_1122 : vector<16xf32>
      %slice3A_1124 = vector.extract_strided_slice %get3A_81 {offsets = [14], sizes = [1], strides = [1]} : vector<16xi32> to vector<1xi32>
      %squeeze3A_1125 = vector.extract %slice3A_1124[0] : i32 from vector<1xi32>
      %shift_right_arithmetic3A_1126 = arith.constant 4 : i32
      %shift_right_arithmetic3A_1127 = arith.shrsi %squeeze3A_1125, %shift_right_arithmetic3A_1126 : i32
      %shift_left3A_1128 = arith.constant 4 : i32
      %shift_left3A_1129 = arith.shli %shift_right_arithmetic3A_1127, %shift_left3A_1128 : i32
      %and3A_1130 = arith.constant 15 : i32
      %and3A_1131 = arith.andi %squeeze3A_1125, %and3A_1130 : i32
      %get3A_1132 = arith.index_cast %shift_left3A_1129 : i32 to index
      %get3A_1133 = tpu.vector_load %arg7[%get3A_1132] {strides = array<i32>} : memref<32000xf32, #tpu.memory_space<vmem>>, vector<16xf32>,
      %get3A_1134 = vector.shape_cast %get3A_1133 : vector<16xf32> to vector<16xf32>
      %get3A_1135 = arith.constant 0 : index
      %get3A_1136 = tpu.vector_load %arg7[%get3A_1135] {strides = array<i32>} : memref<32000xf32, #tpu.memory_space<vmem>>, vector<16xf32>,
      %get3A_1137 = vector.shape_cast %get3A_1136 : vector<16xf32> to vector<16xf32>
      %eq3A_1138 = vector.broadcast %and3A_1131 : i32 to vector<16xi32>
      %eq3A_1139 = arith.cmpi eq, %iota3A, %eq3A_1138 : vector<16xi32>
      %mul3A_1140 = arith.constant -0.899996876 : f32
      %mul3A_1141 = vector.broadcast %mul3A_1140 : f32 to vector<16xf32>
      %mul3A_1142 = arith.mulf %mul3A_1141, %get3A_1134 : vector<16xf32>
      %jit3A_1143 = arith.constant 0.000000e+00 : f32
      %broadcast_in_dim3A_1144 = vector.broadcast %jit3A_1143 : f32 to vector<16xf32>
      %select_n3A_1145 = arith.select %eq3A_1139, %mul3A_1142, %broadcast_in_dim3A_1144 : vector<16xi1>, vector<16xf32>
      %eq3A_1146 = arith.constant 0 : i32
      %eq3A_1147 = vector.broadcast %eq3A_1146 : i32 to vector<16xi32>
      %eq3A_1148 = arith.cmpi eq, %iota3A, %eq3A_1147 : vector<16xi32>
      %mul3A_1149 = arith.constant 3.12519524E-6 : f32
      %mul3A_1150 = vector.broadcast %mul3A_1149 : f32 to vector<16xf32>
      %mul3A_1151 = arith.mulf %mul3A_1150, %get3A_1137 : vector<16xf32>
      %add3A_1152 = arith.constant -1.3624258 : f32
      %add3A_1153 = vector.broadcast %add3A_1152 : f32 to vector<16xf32>
      %add3A_1154 = arith.addf %add3A_1153, %mul3A_1151 : vector<16xf32>
      %jit3A_1155 = arith.constant 0.000000e+00 : f32
      %broadcast_in_dim3A_1156 = vector.broadcast %jit3A_1155 : f32 to vector<16xf32>
      %select_n3A_1157 = arith.select %eq3A_1148, %add3A_1154, %broadcast_in_dim3A_1156 : vector<16xi1>, vector<16xf32>
      %add3A_1158 = arith.addf %select_n3A_1145, %select_n3A_1157 : vector<16xf32>
      %mul3A_1159 = arith.constant 16 : i32
      %mul3A_1160 = arith.muli %scan3A_70, %mul3A_1159 : i32
      %add3A_1161 = arith.constant 14 : i32
      %add3A_1162 = arith.addi %mul3A_1160, %add3A_1161 : i32
      %add3A_1163 = arith.constant 2 : i32
      %add3A_1164 = arith.addi %add3A_1162, %add3A_1163 : i32
      %lt3A_1165 = arith.constant 48 : i32
      %lt3A_1166 = arith.cmpi slt, %add3A_1164, %lt3A_1165 : i32
      %convert_element_type3A_1167 = arith.extui %lt3A_1166 : i1 to i32
      %cond3A_1168 = arith.constant 0 : i32
      %cond3A_1169 = arith.cmpi ne, %convert_element_type3A_1167, %cond3A_1168 : i32
      scf.if %cond3A_1169 {
        %add3A_1254 = arith.addi %add3A_4, %add3A_1164 : i32
        %dma_start3A_1255 = arith.constant 0 : i32
        %dma_start3A_1256 = tpu.memref_slice %arg2[%add3A_1254, %dma_start3A_1255] : memref<4096x32000xf32, #tpu.memory_space<hbm>> -> memref<1x32000xf32, #tpu.memory_space<hbm>>
        %dma_start3A_1257 = tpu.memref_squeeze %dma_start3A_1256 : memref<1x32000xf32, #tpu.memory_space<hbm>> -> memref<32000xf32, #tpu.memory_space<hbm>>
        %dma_start3A_1258 = arith.constant 0 : i32
        %dma_start3A_1259 = tpu.memref_slice %arg2[%add3A_1254, %dma_start3A_1258] : memref<4096x32000xf32, #tpu.memory_space<hbm>> -> memref<1x32000xf32, #tpu.memory_space<hbm>>
        %dma_start3A_1260 = tpu.memref_squeeze %dma_start3A_1259 : memref<1x32000xf32, #tpu.memory_space<hbm>> -> memref<32000xf32, #tpu.memory_space<hbm>>
        tpu.enqueue_dma source(%dma_start3A_1260 : memref<32000xf32, #tpu.memory_space<hbm>>) target(%arg7 : memref<32000xf32, #tpu.memory_space<vmem>>) target_semaphore(%arg10 : memref<!tpu.dma_semaphore, #tpu.memory_space<semaphore_mem>>)
      } else {
      }
      %broadcast_in_dim3A_1170 = arith.constant 14 : i32
      %broadcast_in_dim3A_1171 = vector.broadcast %broadcast_in_dim3A_1170 : i32 to vector<16x1xi32>
      %gather3A_1172 = vector.shape_cast %broadcast_in_dim3A_1171 : vector<16x1xi32> to vector<16xi32>
      %gather3A_1173 = tpu.dynamic_gather %get3A_76[%gather3A_1172] in [0] : vector<16xf32>, vector<16xi32> -> vector<16xf32>
      %mul3A_1174 = arith.constant 3.12519524E-6 : f32
      %mul3A_1175 = vector.broadcast %mul3A_1174 : f32 to vector<16xf32>
      %mul3A_1176 = arith.mulf %mul3A_1175, %add3A_1123 : vector<16xf32>
      %sub3A_1177 = arith.subf %add3A_1158, %mul3A_1176 : vector<16xf32>
      %mul3A_1178 = arith.mulf %gather3A_1173, %sub3A_1177 : vector<16xf32>
      %add3A_1179 = arith.addf %add3A_1105, %mul3A_1178 : vector<16xf32>
      %dma_wait3A_1180 = arith.constant 0 : i32
      %dma_wait3A_1181 = arith.constant 0 : i32
      %dma_wait3A_1182 = tpu.memref_slice %arg2[%dma_wait3A_1180, %dma_wait3A_1181] : memref<4096x32000xf32, #tpu.memory_space<hbm>> -> memref<1x32000xf32, #tpu.memory_space<hbm>>
      %dma_wait3A_1183 = tpu.memref_squeeze %dma_wait3A_1182 : memref<1x32000xf32, #tpu.memory_space<hbm>> -> memref<32000xf32, #tpu.memory_space<hbm>>
      %dma_wait3A_1184 = arith.constant 0 : i32
      %dma_wait3A_1185 = tpu.memref_slice %arg2[%dma_wait3A_1180, %dma_wait3A_1184] : memref<4096x32000xf32, #tpu.memory_space<hbm>> -> memref<1x32000xf32, #tpu.memory_space<hbm>>
      %dma_wait3A_1186 = tpu.memref_squeeze %dma_wait3A_1185 : memref<1x32000xf32, #tpu.memory_space<hbm>> -> memref<32000xf32, #tpu.memory_space<hbm>>
      tpu.wait_dma2 semaphore(%arg11 : memref<!tpu.dma_semaphore, #tpu.memory_space<semaphore_mem>>) src(%dma_wait3A_1186 : memref<32000xf32, #tpu.memory_space<hbm>>) dst(%arg8 : memref<32000xf32, #tpu.memory_space<vmem>>)
      %broadcast_in_dim3A_1187 = arith.constant 0.000000e+00 : f32
      %broadcast_in_dim3A_1188 = vector.broadcast %broadcast_in_dim3A_1187 : f32 to vector<16xf32>
      %scan3A_1189 = arith.constant 0 : i32
      %scan3A_1190 = arith.constant 125 : i32
      %scan3A_1191 = arith.addi %scan3A_1189, %scan3A_1190 : i32
      %scan3A_1192 = arith.constant 1 : i32
      %scan3A_1193:4 = scf.for %scan3A_1254 = %scan3A_1189 to %scan3A_1191 step %scan3A_1192 iter_args(%scan3A_1255 = %broadcast_in_dim3A_1188, %scan3A_1256 = %broadcast_in_dim3A_1188, %scan3A_1257 = %broadcast_in_dim3A_1188, %scan3A_1258 = %broadcast_in_dim3A_1188) -> (vector<16xf32>, vector<16xf32>, vector<16xf32>, vector<16xf32>)  : i32 {
        %mul3A_1259 = arith.constant 256 : i32
        %mul3A_1260 = arith.muli %scan3A_1254, %mul3A_1259 : i32
        %add3A_1261 = arith.constant 0 : i32
        %add3A_1262 = arith.addi %mul3A_1260, %add3A_1261 : i32
        %get3A_1263 = arith.index_cast %add3A_1262 : i32 to index
        %get3A_1264 = tpu.vector_load %arg8[%get3A_1263] {strides = array<i32>} : memref<32000xf32, #tpu.memory_space<vmem>>, vector<16xf32>,
        %get3A_1265 = vector.shape_cast %get3A_1264 : vector<16xf32> to vector<16xf32>
        %add3A_1266 = arith.addf %scan3A_1255, %get3A_1265 : vector<16xf32>
        %mul3A_1267 = arith.constant 256 : i32
        %mul3A_1268 = arith.muli %scan3A_1254, %mul3A_1267 : i32
        %add3A_1269 = arith.constant 16 : i32
        %add3A_1270 = arith.addi %mul3A_1268, %add3A_1269 : i32
        %get3A_1271 = arith.index_cast %add3A_1270 : i32 to index
        %get3A_1272 = tpu.vector_load %arg8[%get3A_1271] {strides = array<i32>} : memref<32000xf32, #tpu.memory_space<vmem>>, vector<16xf32>,
        %get3A_1273 = vector.shape_cast %get3A_1272 : vector<16xf32> to vector<16xf32>
        %add3A_1274 = arith.addf %scan3A_1256, %get3A_1273 : vector<16xf32>
        %mul3A_1275 = arith.constant 256 : i32
        %mul3A_1276 = arith.muli %scan3A_1254, %mul3A_1275 : i32
        %add3A_1277 = arith.constant 32 : i32
        %add3A_1278 = arith.addi %mul3A_1276, %add3A_1277 : i32
        %get3A_1279 = arith.index_cast %add3A_1278 : i32 to index
        %get3A_1280 = tpu.vector_load %arg8[%get3A_1279] {strides = array<i32>} : memref<32000xf32, #tpu.memory_space<vmem>>, vector<16xf32>,
        %get3A_1281 = vector.shape_cast %get3A_1280 : vector<16xf32> to vector<16xf32>
        %add3A_1282 = arith.addf %scan3A_1257, %get3A_1281 : vector<16xf32>
        %mul3A_1283 = arith.constant 256 : i32
        %mul3A_1284 = arith.muli %scan3A_1254, %mul3A_1283 : i32
        %add3A_1285 = arith.constant 48 : i32
        %add3A_1286 = arith.addi %mul3A_1284, %add3A_1285 : i32
        %get3A_1287 = arith.index_cast %add3A_1286 : i32 to index
        %get3A_1288 = tpu.vector_load %arg8[%get3A_1287] {strides = array<i32>} : memref<32000xf32, #tpu.memory_space<vmem>>, vector<16xf32>,
        %get3A_1289 = vector.shape_cast %get3A_1288 : vector<16xf32> to vector<16xf32>
        %add3A_1290 = arith.addf %scan3A_1258, %get3A_1289 : vector<16xf32>
        %mul3A_1291 = arith.constant 256 : i32
        %mul3A_1292 = arith.muli %scan3A_1254, %mul3A_1291 : i32
        %add3A_1293 = arith.constant 64 : i32
        %add3A_1294 = arith.addi %mul3A_1292, %add3A_1293 : i32
        %get3A_1295 = arith.index_cast %add3A_1294 : i32 to index
        %get3A_1296 = tpu.vector_load %arg8[%get3A_1295] {strides = array<i32>} : memref<32000xf32, #tpu.memory_space<vmem>>, vector<16xf32>,
        %get3A_1297 = vector.shape_cast %get3A_1296 : vector<16xf32> to vector<16xf32>
        %add3A_1298 = arith.addf %add3A_1266, %get3A_1297 : vector<16xf32>
        %mul3A_1299 = arith.constant 256 : i32
        %mul3A_1300 = arith.muli %scan3A_1254, %mul3A_1299 : i32
        %add3A_1301 = arith.constant 80 : i32
        %add3A_1302 = arith.addi %mul3A_1300, %add3A_1301 : i32
        %get3A_1303 = arith.index_cast %add3A_1302 : i32 to index
        %get3A_1304 = tpu.vector_load %arg8[%get3A_1303] {strides = array<i32>} : memref<32000xf32, #tpu.memory_space<vmem>>, vector<16xf32>,
        %get3A_1305 = vector.shape_cast %get3A_1304 : vector<16xf32> to vector<16xf32>
        %add3A_1306 = arith.addf %add3A_1274, %get3A_1305 : vector<16xf32>
        %mul3A_1307 = arith.constant 256 : i32
        %mul3A_1308 = arith.muli %scan3A_1254, %mul3A_1307 : i32
        %add3A_1309 = arith.constant 96 : i32
        %add3A_1310 = arith.addi %mul3A_1308, %add3A_1309 : i32
        %get3A_1311 = arith.index_cast %add3A_1310 : i32 to index
        %get3A_1312 = tpu.vector_load %arg8[%get3A_1311] {strides = array<i32>} : memref<32000xf32, #tpu.memory_space<vmem>>, vector<16xf32>,
        %get3A_1313 = vector.shape_cast %get3A_1312 : vector<16xf32> to vector<16xf32>
        %add3A_1314 = arith.addf %add3A_1282, %get3A_1313 : vector<16xf32>
        %mul3A_1315 = arith.constant 256 : i32
        %mul3A_1316 = arith.muli %scan3A_1254, %mul3A_1315 : i32
        %add3A_1317 = arith.constant 112 : i32
        %add3A_1318 = arith.addi %mul3A_1316, %add3A_1317 : i32
        %get3A_1319 = arith.index_cast %add3A_1318 : i32 to index
        %get3A_1320 = tpu.vector_load %arg8[%get3A_1319] {strides = array<i32>} : memref<32000xf32, #tpu.memory_space<vmem>>, vector<16xf32>,
        %get3A_1321 = vector.shape_cast %get3A_1320 : vector<16xf32> to vector<16xf32>
        %add3A_1322 = arith.addf %add3A_1290, %get3A_1321 : vector<16xf32>
        %mul3A_1323 = arith.constant 256 : i32
        %mul3A_1324 = arith.muli %scan3A_1254, %mul3A_1323 : i32
        %add3A_1325 = arith.constant 128 : i32
        %add3A_1326 = arith.addi %mul3A_1324, %add3A_1325 : i32
        %get3A_1327 = arith.index_cast %add3A_1326 : i32 to index
        %get3A_1328 = tpu.vector_load %arg8[%get3A_1327] {strides = array<i32>} : memref<32000xf32, #tpu.memory_space<vmem>>, vector<16xf32>,
        %get3A_1329 = vector.shape_cast %get3A_1328 : vector<16xf32> to vector<16xf32>
        %add3A_1330 = arith.addf %add3A_1298, %get3A_1329 : vector<16xf32>
        %mul3A_1331 = arith.constant 256 : i32
        %mul3A_1332 = arith.muli %scan3A_1254, %mul3A_1331 : i32
        %add3A_1333 = arith.constant 144 : i32
        %add3A_1334 = arith.addi %mul3A_1332, %add3A_1333 : i32
        %get3A_1335 = arith.index_cast %add3A_1334 : i32 to index
        %get3A_1336 = tpu.vector_load %arg8[%get3A_1335] {strides = array<i32>} : memref<32000xf32, #tpu.memory_space<vmem>>, vector<16xf32>,
        %get3A_1337 = vector.shape_cast %get3A_1336 : vector<16xf32> to vector<16xf32>
        %add3A_1338 = arith.addf %add3A_1306, %get3A_1337 : vector<16xf32>
        %mul3A_1339 = arith.constant 256 : i32
        %mul3A_1340 = arith.muli %scan3A_1254, %mul3A_1339 : i32
        %add3A_1341 = arith.constant 160 : i32
        %add3A_1342 = arith.addi %mul3A_1340, %add3A_1341 : i32
        %get3A_1343 = arith.index_cast %add3A_1342 : i32 to index
        %get3A_1344 = tpu.vector_load %arg8[%get3A_1343] {strides = array<i32>} : memref<32000xf32, #tpu.memory_space<vmem>>, vector<16xf32>,
        %get3A_1345 = vector.shape_cast %get3A_1344 : vector<16xf32> to vector<16xf32>
        %add3A_1346 = arith.addf %add3A_1314, %get3A_1345 : vector<16xf32>
        %mul3A_1347 = arith.constant 256 : i32
        %mul3A_1348 = arith.muli %scan3A_1254, %mul3A_1347 : i32
        %add3A_1349 = arith.constant 176 : i32
        %add3A_1350 = arith.addi %mul3A_1348, %add3A_1349 : i32
        %get3A_1351 = arith.index_cast %add3A_1350 : i32 to index
        %get3A_1352 = tpu.vector_load %arg8[%get3A_1351] {strides = array<i32>} : memref<32000xf32, #tpu.memory_space<vmem>>, vector<16xf32>,
        %get3A_1353 = vector.shape_cast %get3A_1352 : vector<16xf32> to vector<16xf32>
        %add3A_1354 = arith.addf %add3A_1322, %get3A_1353 : vector<16xf32>
        %mul3A_1355 = arith.constant 256 : i32
        %mul3A_1356 = arith.muli %scan3A_1254, %mul3A_1355 : i32
        %add3A_1357 = arith.constant 192 : i32
        %add3A_1358 = arith.addi %mul3A_1356, %add3A_1357 : i32
        %get3A_1359 = arith.index_cast %add3A_1358 : i32 to index
        %get3A_1360 = tpu.vector_load %arg8[%get3A_1359] {strides = array<i32>} : memref<32000xf32, #tpu.memory_space<vmem>>, vector<16xf32>,
        %get3A_1361 = vector.shape_cast %get3A_1360 : vector<16xf32> to vector<16xf32>
        %add3A_1362 = arith.addf %add3A_1330, %get3A_1361 : vector<16xf32>
        %mul3A_1363 = arith.constant 256 : i32
        %mul3A_1364 = arith.muli %scan3A_1254, %mul3A_1363 : i32
        %add3A_1365 = arith.constant 208 : i32
        %add3A_1366 = arith.addi %mul3A_1364, %add3A_1365 : i32
        %get3A_1367 = arith.index_cast %add3A_1366 : i32 to index
        %get3A_1368 = tpu.vector_load %arg8[%get3A_1367] {strides = array<i32>} : memref<32000xf32, #tpu.memory_space<vmem>>, vector<16xf32>,
        %get3A_1369 = vector.shape_cast %get3A_1368 : vector<16xf32> to vector<16xf32>
        %add3A_1370 = arith.addf %add3A_1338, %get3A_1369 : vector<16xf32>
        %mul3A_1371 = arith.constant 256 : i32
        %mul3A_1372 = arith.muli %scan3A_1254, %mul3A_1371 : i32
        %add3A_1373 = arith.constant 224 : i32
        %add3A_1374 = arith.addi %mul3A_1372, %add3A_1373 : i32
        %get3A_1375 = arith.index_cast %add3A_1374 : i32 to index
        %get3A_1376 = tpu.vector_load %arg8[%get3A_1375] {strides = array<i32>} : memref<32000xf32, #tpu.memory_space<vmem>>, vector<16xf32>,
        %get3A_1377 = vector.shape_cast %get3A_1376 : vector<16xf32> to vector<16xf32>
        %add3A_1378 = arith.addf %add3A_1346, %get3A_1377 : vector<16xf32>
        %mul3A_1379 = arith.constant 256 : i32
        %mul3A_1380 = arith.muli %scan3A_1254, %mul3A_1379 : i32
        %add3A_1381 = arith.constant 240 : i32
        %add3A_1382 = arith.addi %mul3A_1380, %add3A_1381 : i32
        %get3A_1383 = arith.index_cast %add3A_1382 : i32 to index
        %get3A_1384 = tpu.vector_load %arg8[%get3A_1383] {strides = array<i32>} : memref<32000xf32, #tpu.memory_space<vmem>>, vector<16xf32>,
        %get3A_1385 = vector.shape_cast %get3A_1384 : vector<16xf32> to vector<16xf32>
        %add3A_1386 = arith.addf %add3A_1354, %get3A_1385 : vector<16xf32>
        scf.yield %add3A_1362, %add3A_1370, %add3A_1378, %add3A_1386 : vector<16xf32>, vector<16xf32>, vector<16xf32>, vector<16xf32>
      }
      %scan3A_1194 = arith.constant 125 : i32
      %add3A_1195 = arith.addf %scan3A_1193#0, %scan3A_1193#1 : vector<16xf32>
      %add3A_1196 = arith.addf %scan3A_1193#2, %scan3A_1193#3 : vector<16xf32>
      %add3A_1197 = arith.addf %add3A_1195, %add3A_1196 : vector<16xf32>
      %slice3A_1198 = vector.extract_strided_slice %get3A_81 {offsets = [15], sizes = [1], strides = [1]} : vector<16xi32> to vector<1xi32>
      %squeeze3A_1199 = vector.extract %slice3A_1198[0] : i32 from vector<1xi32>
      %shift_right_arithmetic3A_1200 = arith.constant 4 : i32
      %shift_right_arithmetic3A_1201 = arith.shrsi %squeeze3A_1199, %shift_right_arithmetic3A_1200 : i32
      %shift_left3A_1202 = arith.constant 4 : i32
      %shift_left3A_1203 = arith.shli %shift_right_arithmetic3A_1201, %shift_left3A_1202 : i32
      %and3A_1204 = arith.constant 15 : i32
      %and3A_1205 = arith.andi %squeeze3A_1199, %and3A_1204 : i32
      %get3A_1206 = arith.index_cast %shift_left3A_1203 : i32 to index
      %get3A_1207 = tpu.vector_load %arg8[%get3A_1206] {strides = array<i32>} : memref<32000xf32, #tpu.memory_space<vmem>>, vector<16xf32>,
      %get3A_1208 = vector.shape_cast %get3A_1207 : vector<16xf32> to vector<16xf32>
      %get3A_1209 = arith.constant 0 : index
      %get3A_1210 = tpu.vector_load %arg8[%get3A_1209] {strides = array<i32>} : memref<32000xf32, #tpu.memory_space<vmem>>, vector<16xf32>,
      %get3A_1211 = vector.shape_cast %get3A_1210 : vector<16xf32> to vector<16xf32>
      %eq3A_1212 = vector.broadcast %and3A_1205 : i32 to vector<16xi32>
      %eq3A_1213 = arith.cmpi eq, %iota3A, %eq3A_1212 : vector<16xi32>
      %mul3A_1214 = arith.constant -0.899996876 : f32
      %mul3A_1215 = vector.broadcast %mul3A_1214 : f32 to vector<16xf32>
      %mul3A_1216 = arith.mulf %mul3A_1215, %get3A_1208 : vector<16xf32>
      %jit3A_1217 = arith.constant 0.000000e+00 : f32
      %broadcast_in_dim3A_1218 = vector.broadcast %jit3A_1217 : f32 to vector<16xf32>
      %select_n3A_1219 = arith.select %eq3A_1213, %mul3A_1216, %broadcast_in_dim3A_1218 : vector<16xi1>, vector<16xf32>
      %eq3A_1220 = arith.constant 0 : i32
      %eq3A_1221 = vector.broadcast %eq3A_1220 : i32 to vector<16xi32>
      %eq3A_1222 = arith.cmpi eq, %iota3A, %eq3A_1221 : vector<16xi32>
      %mul3A_1223 = arith.constant 3.12519524E-6 : f32
      %mul3A_1224 = vector.broadcast %mul3A_1223 : f32 to vector<16xf32>
      %mul3A_1225 = arith.mulf %mul3A_1224, %get3A_1211 : vector<16xf32>
      %add3A_1226 = arith.constant -1.3624258 : f32
      %add3A_1227 = vector.broadcast %add3A_1226 : f32 to vector<16xf32>
      %add3A_1228 = arith.addf %add3A_1227, %mul3A_1225 : vector<16xf32>
      %jit3A_1229 = arith.constant 0.000000e+00 : f32
      %broadcast_in_dim3A_1230 = vector.broadcast %jit3A_1229 : f32 to vector<16xf32>
      %select_n3A_1231 = arith.select %eq3A_1222, %add3A_1228, %broadcast_in_dim3A_1230 : vector<16xi1>, vector<16xf32>
      %add3A_1232 = arith.addf %select_n3A_1219, %select_n3A_1231 : vector<16xf32>
      %mul3A_1233 = arith.constant 16 : i32
      %mul3A_1234 = arith.muli %scan3A_70, %mul3A_1233 : i32
      %add3A_1235 = arith.constant 15 : i32
      %add3A_1236 = arith.addi %mul3A_1234, %add3A_1235 : i32
      %add3A_1237 = arith.constant 2 : i32
      %add3A_1238 = arith.addi %add3A_1236, %add3A_1237 : i32
      %lt3A_1239 = arith.constant 48 : i32
      %lt3A_1240 = arith.cmpi slt, %add3A_1238, %lt3A_1239 : i32
      %convert_element_type3A_1241 = arith.extui %lt3A_1240 : i1 to i32
      %cond3A_1242 = arith.constant 0 : i32
      %cond3A_1243 = arith.cmpi ne, %convert_element_type3A_1241, %cond3A_1242 : i32
      scf.if %cond3A_1243 {
        %add3A_1254 = arith.addi %add3A_4, %add3A_1238 : i32
        %dma_start3A_1255 = arith.constant 0 : i32
        %dma_start3A_1256 = tpu.memref_slice %arg2[%add3A_1254, %dma_start3A_1255] : memref<4096x32000xf32, #tpu.memory_space<hbm>> -> memref<1x32000xf32, #tpu.memory_space<hbm>>
        %dma_start3A_1257 = tpu.memref_squeeze %dma_start3A_1256 : memref<1x32000xf32, #tpu.memory_space<hbm>> -> memref<32000xf32, #tpu.memory_space<hbm>>
        %dma_start3A_1258 = arith.constant 0 : i32
        %dma_start3A_1259 = tpu.memref_slice %arg2[%add3A_1254, %dma_start3A_1258] : memref<4096x32000xf32, #tpu.memory_space<hbm>> -> memref<1x32000xf32, #tpu.memory_space<hbm>>
        %dma_start3A_1260 = tpu.memref_squeeze %dma_start3A_1259 : memref<1x32000xf32, #tpu.memory_space<hbm>> -> memref<32000xf32, #tpu.memory_space<hbm>>
        tpu.enqueue_dma source(%dma_start3A_1260 : memref<32000xf32, #tpu.memory_space<hbm>>) target(%arg8 : memref<32000xf32, #tpu.memory_space<vmem>>) target_semaphore(%arg11 : memref<!tpu.dma_semaphore, #tpu.memory_space<semaphore_mem>>)
      } else {
      }
      %broadcast_in_dim3A_1244 = arith.constant 15 : i32
      %broadcast_in_dim3A_1245 = vector.broadcast %broadcast_in_dim3A_1244 : i32 to vector<16x1xi32>
      %gather3A_1246 = vector.shape_cast %broadcast_in_dim3A_1245 : vector<16x1xi32> to vector<16xi32>
      %gather3A_1247 = tpu.dynamic_gather %get3A_76[%gather3A_1246] in [0] : vector<16xf32>, vector<16xi32> -> vector<16xf32>
      %mul3A_1248 = arith.constant 3.12519524E-6 : f32
      %mul3A_1249 = vector.broadcast %mul3A_1248 : f32 to vector<16xf32>
      %mul3A_1250 = arith.mulf %mul3A_1249, %add3A_1197 : vector<16xf32>
      %sub3A_1251 = arith.subf %add3A_1232, %mul3A_1250 : vector<16xf32>
      %mul3A_1252 = arith.mulf %gather3A_1247, %sub3A_1251 : vector<16xf32>
      %add3A_1253 = arith.addf %add3A_1179, %mul3A_1252 : vector<16xf32>
      scf.yield %add3A_1253 : vector<16xf32>
    }
    %scan3A_65 = arith.constant 3 : i32
    %swap3A_66 = arith.constant 0 : index
    %swap3A_67 = tpu.vector_load %arg9[%swap3A_66] {strides = array<i32>} : memref<16xf32, #tpu.memory_space<vmem>>, vector<16xf32>,
    %swap3A_68 = vector.shape_cast %swap3A_67 : vector<16xf32> to vector<16xf32>
    %swap3A_69 = vector.shape_cast %scan3A_64 : vector<16xf32> to vector<16xf32>
    tpu.vector_store %arg9[%swap3A_66], %swap3A_69 {strides = array<i32>} : memref<16xf32, #tpu.memory_space<vmem>>, vector<16xf32>,
    "tpu.region"() ({
      %run_scoped3A = tpu.sem_alloc : memref<!tpu.dma_semaphore, #tpu.memory_space<semaphore_mem>>
      %dma_start3A_70 = arith.constant 0 : i32
      %dma_start3A_71 = tpu.memref_slice %arg4[%add3A, %dma_start3A_70] : memref<32x16xf32, #tpu.memory_space<hbm>> -> memref<1x16xf32, #tpu.memory_space<hbm>>
      %dma_start3A_72 = tpu.memref_squeeze %dma_start3A_71 : memref<1x16xf32, #tpu.memory_space<hbm>> -> memref<16xf32, #tpu.memory_space<hbm>>
      %dma_start3A_73 = arith.constant 0 : i32
      %dma_start3A_74 = tpu.memref_slice %arg4[%add3A, %dma_start3A_73] : memref<32x16xf32, #tpu.memory_space<hbm>> -> memref<1x16xf32, #tpu.memory_space<hbm>>
      %dma_start3A_75 = tpu.memref_squeeze %dma_start3A_74 : memref<1x16xf32, #tpu.memory_space<hbm>> -> memref<16xf32, #tpu.memory_space<hbm>>
      tpu.enqueue_dma source(%arg9 : memref<16xf32, #tpu.memory_space<vmem>>) target(%dma_start3A_75 : memref<16xf32, #tpu.memory_space<hbm>>) target_semaphore(%run_scoped3A : memref<!tpu.dma_semaphore, #tpu.memory_space<semaphore_mem>>)
      %dma_wait3A = arith.constant 0 : i32
      %dma_wait3A_76 = tpu.memref_slice %arg4[%add3A, %dma_wait3A] : memref<32x16xf32, #tpu.memory_space<hbm>> -> memref<1x16xf32, #tpu.memory_space<hbm>>
      %dma_wait3A_77 = tpu.memref_squeeze %dma_wait3A_76 : memref<1x16xf32, #tpu.memory_space<hbm>> -> memref<16xf32, #tpu.memory_space<hbm>>
      %dma_wait3A_78 = arith.constant 0 : i32
      %dma_wait3A_79 = tpu.memref_slice %arg4[%add3A, %dma_wait3A_78] : memref<32x16xf32, #tpu.memory_space<hbm>> -> memref<1x16xf32, #tpu.memory_space<hbm>>
      %dma_wait3A_80 = tpu.memref_squeeze %dma_wait3A_79 : memref<1x16xf32, #tpu.memory_space<hbm>> -> memref<16xf32, #tpu.memory_space<hbm>>
      tpu.wait_dma2 semaphore(%run_scoped3A : memref<!tpu.dma_semaphore, #tpu.memory_space<semaphore_mem>>) src(%arg9 : memref<16xf32, #tpu.memory_space<vmem>>) dst(%dma_wait3A_80 : memref<16xf32, #tpu.memory_space<hbm>>)
      tpu.yield
    }) : () -> ()
    return
  }
}

module attributes {stable_mosaic.version = 14 : i64} {
  func.func @_final_body(%arg0: memref<32x16xf32, #tpu.memory_space<vmem>>, %arg1: memref<2560x1xf32, #tpu.memory_space<vmem>>, %arg2: memref<2560x1xf32, #tpu.memory_space<vmem>>, %arg3: memref<2560x1xf32, #tpu.memory_space<vmem>>, %arg4: memref<2560x1xi32, #tpu.memory_space<vmem>>, %arg5: memref<1x1xf32, #tpu.memory_space<smem>>) attributes {dimension_semantics = [], scalar_prefetch = 0 : i64, scratch_operands = 0 : i64, tpu.core_type = #tpu.core_type<tc>} {
    %get3A = arith.constant 0 : index
    %get3A_0 = arith.constant 0 : index
    %get3A_1 = vector.load %arg4[%get3A, %get3A_0] : memref<2560x1xi32, #tpu.memory_space<vmem>>, vector<2560x1xi32>
    %ne3A = arith.constant 0 : i32
    %ne3A_2 = vector.broadcast %ne3A : i32 to vector<2560x1xi32>
    %ne3A_3 = arith.cmpi ne, %get3A_1, %ne3A_2 : vector<2560x1xi32>
    %get3A_4 = arith.constant 0 : index
    %get3A_5 = arith.constant 0 : index
    %get3A_6 = vector.load %arg1[%get3A_4, %get3A_5] : memref<2560x1xf32, #tpu.memory_space<vmem>>, vector<2560x1xf32>
    %mul3A = arith.constant 3.12519524E-6 : f32
    %mul3A_7 = vector.broadcast %mul3A : f32 to vector<2560x1xf32>
    %mul3A_8 = arith.mulf %mul3A_7, %get3A_6 : vector<2560x1xf32>
    %sub3A = arith.constant -1.3624258 : f32
    %sub3A_9 = vector.broadcast %sub3A : f32 to vector<2560x1xf32>
    %sub3A_10 = arith.subf %sub3A_9, %mul3A_8 : vector<2560x1xf32>
    %get3A_11 = arith.constant 0 : index
    %get3A_12 = arith.constant 0 : index
    %get3A_13 = vector.load %arg3[%get3A_11, %get3A_12] : memref<2560x1xf32, #tpu.memory_space<vmem>>, vector<2560x1xf32>
    %mul3A_14 = arith.constant 3.12519524E-6 : f32
    %mul3A_15 = vector.broadcast %mul3A_14 : f32 to vector<2560x1xf32>
    %mul3A_16 = arith.mulf %mul3A_15, %get3A_13 : vector<2560x1xf32>
    %add3A = arith.addf %sub3A_10, %mul3A_16 : vector<2560x1xf32>
    %get3A_17 = arith.constant 0 : index
    %get3A_18 = arith.constant 0 : index
    %get3A_19 = vector.load %arg2[%get3A_17, %get3A_18] : memref<2560x1xf32, #tpu.memory_space<vmem>>, vector<2560x1xf32>
    %mul3A_20 = arith.constant -0.899996876 : f32
    %mul3A_21 = vector.broadcast %mul3A_20 : f32 to vector<2560x1xf32>
    %mul3A_22 = arith.mulf %mul3A_21, %get3A_19 : vector<2560x1xf32>
    %add3A_23 = arith.addf %add3A, %mul3A_22 : vector<2560x1xf32>
    %get3A_24 = arith.constant 0 : index
    %get3A_25 = arith.constant 0 : index
    %get3A_26 = vector.load %arg0[%get3A_24, %get3A_25] : memref<32x16xf32, #tpu.memory_space<vmem>>, vector<32x16xf32>
    %reduce_sum3A = vector.shape_cast %get3A_26 : vector<32x16xf32> to vector<1x32x16xf32>
    %reduce_sum3A_27 = arith.constant dense<0.000000e+00> : vector<1xf32>
    %reduce_sum3A_28 = vector.multi_reduction <add>, %reduce_sum3A, %reduce_sum3A_27 [1, 2] : vector<1x32x16xf32> to vector<1xf32>
    %reduce_sum3A_29 = vector.shape_cast %reduce_sum3A_28 : vector<1xf32> to vector<1x1x1xf32>
    %reduce_sum3A_30 = vector.extract %reduce_sum3A_29[0, 0, 0] : f32 from vector<1x1x1xf32>
    %jit3A = arith.constant 0.000000e+00 : f32
    %broadcast_in_dim3A = vector.broadcast %jit3A : f32 to vector<2560x1xf32>
    %select_n3A = arith.select %ne3A_3, %add3A_23, %broadcast_in_dim3A : vector<2560x1xi1>, vector<2560x1xf32>
    %reduce_sum3A_31 = vector.shape_cast %select_n3A : vector<2560x1xf32> to vector<1x2560x1xf32>
    %reduce_sum3A_32 = arith.constant dense<0.000000e+00> : vector<1xf32>
    %reduce_sum3A_33 = vector.multi_reduction <add>, %reduce_sum3A_31, %reduce_sum3A_32 [1, 2] : vector<1x2560x1xf32> to vector<1xf32>
    %reduce_sum3A_34 = vector.shape_cast %reduce_sum3A_33 : vector<1xf32> to vector<1x1x1xf32>
    %reduce_sum3A_35 = vector.extract %reduce_sum3A_34[0, 0, 0] : f32 from vector<1x1x1xf32>
    %add3A_36 = arith.addf %reduce_sum3A_30, %reduce_sum3A_35 : f32
    %swap3A = arith.constant 0 : index
    %swap3A_37 = arith.constant 0 : index
    %swap3A_38 = memref.load %arg5[%swap3A, %swap3A_37] : memref<1x1xf32, #tpu.memory_space<smem>>
    memref.store %add3A_36, %arg5[%swap3A, %swap3A_37] : memref<1x1xf32, #tpu.memory_space<smem>>
    return
  }
}

module attributes {stable_mosaic.version = 14 : i64} {
  func.func @_tc_body(%arg0: i32, %arg1: memref<64x32000xf32, #tpu.memory_space<vmem>>, %arg2: memref<64x1xi32, #tpu.memory_space<vmem>>, %arg3: memref<64x1xf32, #tpu.memory_space<vmem>>, %arg4: memref<64x1xf32, #tpu.memory_space<vmem>>, %arg5: memref<64x1xf32, #tpu.memory_space<vmem>>) attributes {dimension_semantics = [#tpu.dimension_semantics<arbitrary>], iteration_bounds = array<i64: 40>, scalar_prefetch = 0 : i64, scratch_operands = 0 : i64, tpu.core_type = #tpu.core_type<tc>, window_params = [{transform_indices = @transform_0, window_bounds = array<i64: 64, 32000>}, {transform_indices = @transform_1, window_bounds = array<i64: 64, 1>}, {transform_indices = @transform_2, window_bounds = array<i64: 64, 1>}, {transform_indices = @transform_3, window_bounds = array<i64: 64, 1>}, {transform_indices = @transform_4, window_bounds = array<i64: 64, 1>}]} {
    %get3A = arith.constant 0 : index
    %get3A_0 = arith.constant 0 : index
    %get3A_1 = vector.load %arg1[%get3A, %get3A_0] : memref<64x32000xf32, #tpu.memory_space<vmem>>, vector<64x32000xf32>
    %get3A_2 = arith.constant 0 : index
    %get3A_3 = arith.constant 0 : index
    %get3A_4 = vector.load %arg2[%get3A_2, %get3A_3] : memref<64x1xi32, #tpu.memory_space<vmem>>, vector<64x1xi32>
    %iota3A = tpu.iota {dimensions = array<i32: 1>} : vector<64x32000xi32>
    %reduce_sum3A = arith.constant dense<0.000000e+00> : vector<64xf32>
    %reduce_sum3A_5 = vector.multi_reduction <add>, %get3A_1, %reduce_sum3A [1] : vector<64x32000xf32> to vector<64xf32>
    %broadcast_in_dim3A = vector.shape_cast %reduce_sum3A_5 : vector<64xf32> to vector<64x1xf32>
    %swap3A = arith.constant 0 : index
    %swap3A_6 = arith.constant 0 : index
    %swap3A_7 = vector.load %arg3[%swap3A, %swap3A_6] : memref<64x1xf32, #tpu.memory_space<vmem>>, vector<64x1xf32>
    tpu.vector_store %arg3[%swap3A, %swap3A_6], %broadcast_in_dim3A {strides = array<i32>} : memref<64x1xf32, #tpu.memory_space<vmem>>, vector<64x1xf32>,
    %eq3A = vector.broadcast %get3A_4 : vector<64x1xi32> to vector<64x32000xi32>
    %eq3A_8 = arith.cmpi eq, %iota3A, %eq3A : vector<64x32000xi32>
    %jit3A = arith.constant 0.000000e+00 : f32
    %broadcast_in_dim3A_9 = vector.broadcast %jit3A : f32 to vector<64x32000xf32>
    %select_n3A = arith.select %eq3A_8, %get3A_1, %broadcast_in_dim3A_9 : vector<64x32000xi1>, vector<64x32000xf32>
    %reduce_sum3A_10 = arith.constant dense<0.000000e+00> : vector<64xf32>
    %reduce_sum3A_11 = vector.multi_reduction <add>, %select_n3A, %reduce_sum3A_10 [1] : vector<64x32000xf32> to vector<64xf32>
    %broadcast_in_dim3A_12 = vector.shape_cast %reduce_sum3A_11 : vector<64xf32> to vector<64x1xf32>
    %swap3A_13 = arith.constant 0 : index
    %swap3A_14 = arith.constant 0 : index
    %swap3A_15 = vector.load %arg4[%swap3A_13, %swap3A_14] : memref<64x1xf32, #tpu.memory_space<vmem>>, vector<64x1xf32>
    tpu.vector_store %arg4[%swap3A_13, %swap3A_14], %broadcast_in_dim3A_12 {strides = array<i32>} : memref<64x1xf32, #tpu.memory_space<vmem>>, vector<64x1xf32>,
    %slice3A = vector.extract_strided_slice %get3A_1 {offsets = [0, 0], sizes = [64, 1], strides = [1, 1]} : vector<64x32000xf32> to vector<64x1xf32>
    %swap3A_16 = arith.constant 0 : index
    %swap3A_17 = arith.constant 0 : index
    %swap3A_18 = vector.load %arg5[%swap3A_16, %swap3A_17] : memref<64x1xf32, #tpu.memory_space<vmem>>, vector<64x1xf32>
    tpu.vector_store %arg5[%swap3A_16, %swap3A_17], %slice3A {strides = array<i32>} : memref<64x1xf32, #tpu.memory_space<vmem>>, vector<64x1xf32>,
    return
  }
  func.func @transform_0(%arg0: i32) -> (i32, i32) {
    %c0_i32 = arith.constant 0 : i32
    %c0_i32_0 = arith.constant 0 : i32
    return %arg0, %c0_i32 : i32, i32
  }
  func.func @transform_1(%arg0: i32) -> (i32, i32) {
    %c0_i32 = arith.constant 0 : i32
    %c0_i32_0 = arith.constant 0 : i32
    return %arg0, %c0_i32 : i32, i32
  }
  func.func @transform_2(%arg0: i32) -> (i32, i32) {
    %c0_i32 = arith.constant 0 : i32
    %c0_i32_0 = arith.constant 0 : i32
    return %arg0, %c0_i32 : i32, i32
  }
  func.func @transform_3(%arg0: i32) -> (i32, i32) {
    %c0_i32 = arith.constant 0 : i32
    %c0_i32_0 = arith.constant 0 : i32
    return %arg0, %c0_i32 : i32, i32
  }
  func.func @transform_4(%arg0: i32) -> (i32, i32) {
    %c0_i32 = arith.constant 0 : i32
    %c0_i32_0 = arith.constant 0 : i32
    return %arg0, %c0_i32 : i32, i32
  }
}

</mosaic_0001>

<sc_bundles>
// kernel: kernel.5.cloned.1.call-start
scs
__scs_entry_jumppad:
0x0: {  	(pc) =	sbr.rel $0x88, $3  }
0x1: {  	(tag) =	ssettag $0x0;
	lr =	simm.s32 $0x1  }
0x2: {  	[smem:$0x3F9F] =	sst lr;
	_ =	strace $0xD0000000  }
0x3: {  	_ = 	snop  }
0x4: {  	_ = 	snop  }
0x5: {  	_ = 	snop  }
0x6: {  	_ = 	snop  }
0x7: {  	_ = 	snop  }
__scs_overlays_trampoline_lowered:
0x8: {  	[smem:$0x3FAE] =	sst s0  }
0x9: {  	[smem:$0x3FAF] =	sst s1  }
0xa: {  	[smem:$0x3FB0] =	sst s2  }
0xb: {  	[smem:$0x3FB1] =	sst s3  }
0xc: {  	[smem:$0x3FB2] =	sst s4  }
0xd: {  	[smem:$0x3FB3] =	sst s5  }
0xe: {  	[smem:$0x3FB4] =	sst s6  }
0xf: {  	[smem:$0x3FB5] =	sst s7  }
0x10: {  	[smem:$0x3FB6] =	sst s8  }
0x11: {  	[smem:$0x3FB7] =	sst s9;
	s0 =	simm.s32 @!p0 $0x0  }
0x12: {  	s1 =	sld [smem:$0x3F9D];
	s0 =	simm.s32 @p0 $0x1  }
0x13: {  	[smem:$0x3FB8] =	sst s0;
	s0 =	simm.s32 @!p1 $0x0  }
0x14: {  	s2 =	sld [smem:$0x3F9C];
	s0 =	simm.s32 @p1 $0x1  }
0x15: {  	[smem:$0x3FB9] =	sst s0;
	s0 =	simm.s32 @!p2 $0x0  }
0x16: {  	s3 =	sld [smem:$0x3FDB];
	s0 =	simm.s32 @p2 $0x1  }
0x17: {  	s4 =	simm.s32 $0x1BF5;
	[smem:$0x3FBB] =	sst s0  }
0x18: {  	s0 =	sld [smem:$0x3F9E];
	_ =	swait.ge [sflag:s4], $0x0  }
0x19: {  	s7 =	sld [smem:$0x3F9F]  }
0x1a: {  	s8 =	sadd.s32 $0xFFFFE003, lr  }
0x1b: {  	s9 =	sadd.s32 $0xFFFFFEF7, lr;
	s5 =	simm.s32 $0xFFFFFFFF;
	p2 =	slt.u32 s8, $0xFFFFF086  }
0x1c: {  	p1 =	slt.u32 s9, $0xF7A;
	s5 =	simm.s32 @!p2 $0x0  }
0x1d: {  	s5 =	simm.s32 @p1 $0x1;
	p0 =	seq.s32 s7, s2  }
0x1e: {  	s7 =	smul.u32 @!p0 $0xF7A, s2;
	p2 =	seq.s32 @!p0 s5, $0x0  }
0x1f: {  	s9 =	smul.u32 $0xF7A, s1;
	s8 =	simm.s32 @!p0 $0x1BF5;
	p2 =	por !p2, p0  }
0x20: {  	[sflag:s8] =	ssyncset.s32 @!p0 $0xFFFFF086;
	s6 =	sadd.s32 @!p0 s3, s7;
	s7 =	simm.s32 @!p0 $0x108  }
0x21: {  	s3 =	sadd.s32 s3, s9;
	s6 =	sadd.s32 @!p0 $0x88, s6;
	s7 =	simm.s32 @p2 $0x1082  }
0x22: {  	[simem:s7], [sflag:s8] =	dma.local @!p0 [hbm:s6], $0xF7A  }
0x23: {  	s9 =	sor.u32 $0xD0000000, s2;
	s6 =	simm.s32 $0x108;
	_ =	swait.ge @!p0 [sflag:s8], $0x0  }
0x24: {  	s3 =	sadd.s32 $0x88, s3;
	s6 =	simm.s32 @!p1 $0x1082;
	[sflag:s4] =	ssyncset.s32 $0xFFFFF086  }
0x25: {  	[simem:s6], [sflag:s4] =	dma.local [hbm:s3], $0xF7A  }
0x26: {  	[smem:$0x3F9F] =	sst s1;
	(tag) =	ssettag s2;
	_ =	strace s9  }
0x27: {  	s1 =	sld [smem:$0x3FAF]  }
0x28: {  	s2 =	sld [smem:$0x3FB0]  }
0x29: {  	s4 =	sld [smem:$0x3FB2]  }
0x2a: {  	p0 =	seq.s32 s5, $0x0;
	s5 =	sld [smem:$0x3FB3]  }
0x2b: {  	s6 =	sld [smem:$0x3FB4]  }
0x2c: {  	s7 =	sld [smem:$0x3FB5]  }
0x2d: {  	s3 =	simm.s32 $0x108;
	s8 =	sld [smem:$0x3FB6]  }
0x2e: {  	s3 =	simm.s32 @!p0 $0x1082;
	s9 =	sld [smem:$0x3FB7]  }
0x2f: {  	lr =	sadd.s32 s0, s3;
	s0 =	sld [smem:$0x3FAE]  }
0x30: {  	s3 =	sld [smem:$0x3FB1]  }
0x31: {  	[smem:$0x3FBA] =	sst s10  }
0x32: {  	s10 =	sld [smem:$0x3FB8];
	_ =	sdelay $0x3  }
0x33: {  	p0 =	seq.s32 s10, $0x1;
	s10 =	sld [smem:$0x3FBA];
	_ =	sdelay $0x3  }
0x34: {  	[smem:$0x3FBA] =	sst s10  }
0x35: {  	s10 =	sld [smem:$0x3FB9];
	_ =	sdelay $0x3  }
0x36: {  	p1 =	seq.s32 s10, $0x1;
	s10 =	sld [smem:$0x3FBA];
	_ =	sdelay $0x3  }
0x37: {  	[smem:$0x3FBA] =	sst s10  }
0x38: {  	s10 =	sld [smem:$0x3FBB]  }
0x39: {  	_ = 	snop;
	(pc) =	sbr.ind lr, $3  }
0x3a: {  	_ = 	snop  }
0x3b: {  	_ = 	snop  }
0x3c: {  	p2 =	seq.s32 s10, $0x1;
	s10 =	sld [smem:$0x3FBA]  }
0x3d: {  	_ =	shalt  }
0x3e: {  	_ =	shalt  }
0x3f: {  	_ =	shalt  }
0x40: {  	_ =	shalt  }
0x41: {  	_ =	shalt  }
0x42: {  	_ =	shalt  }
0x43: {  	_ =	shalt  }
0x44: {  	_ =	shalt  }
0x45: {  	_ =	shalt  }
0x46: {  	_ =	shalt  }
0x47: {  	_ =	shalt  }
0x48: {  	_ =	shalt  }
0x49: {  	_ =	shalt  }
0x4a: {  	_ =	shalt  }
0x4b: {  	_ =	shalt  }
0x4c: {  	_ =	shalt  }
0x4d: {  	_ =	shalt  }
0x4e: {  	_ =	shalt  }
0x4f: {  	_ =	shalt  }
0x50: {  	_ =	shalt  }
0x51: {  	_ =	shalt  }
0x52: {  	_ =	shalt  }
0x53: {  	_ =	shalt  }
0x54: {  	_ =	shalt  }
0x55: {  	_ =	shalt  }
0x56: {  	_ =	shalt  }
0x57: {  	_ =	shalt  }
0x58: {  	_ =	shalt  }
0x59: {  	_ =	shalt  }
0x5a: {  	_ =	shalt  }
0x5b: {  	_ =	shalt  }
0x5c: {  	_ =	shalt  }
0x5d: {  	_ =	shalt  }
0x5e: {  	_ =	shalt  }
0x5f: {  	_ =	shalt  }
0x60: {  	_ =	shalt  }
0x61: {  	_ =	shalt  }
0x62: {  	_ =	shalt  }
0x63: {  	_ =	shalt  }
0x64: {  	_ =	shalt  }
0x65: {  	_ =	shalt  }
0x66: {  	_ =	shalt  }
0x67: {  	_ =	shalt  }
0x68: {  	_ =	shalt  }
0x69: {  	_ =	shalt  }
0x6a: {  	_ =	shalt  }
0x6b: {  	_ =	shalt  }
0x6c: {  	_ =	shalt  }
0x6d: {  	_ =	shalt  }
0x6e: {  	_ =	shalt  }
0x6f: {  	_ =	shalt  }
0x70: {  	_ =	shalt  }
0x71: {  	_ =	shalt  }
0x72: {  	_ =	shalt  }
0x73: {  	_ =	shalt  }
0x74: {  	_ =	shalt  }
0x75: {  	_ =	shalt  }
0x76: {  	_ =	shalt  }
0x77: {  	_ =	shalt  }
0x78: {  	_ =	shalt  }
0x79: {  	_ =	shalt  }
0x7a: {  	_ =	shalt  }
0x7b: {  	_ =	shalt  }
0x7c: {  	_ =	shalt  }
0x7d: {  	_ =	shalt  }
0x7e: {  	_ =	shalt  }
0x7f: {  	_ =	shalt  }
0x80: {  	_ =	shalt  }
0x81: {  	_ =	shalt  }
0x82: {  	_ =	shalt  }
0x83: {  	_ =	shalt  }
0x84: {  	_ =	shalt  }
0x85: {  	_ =	shalt  }
0x86: {  	_ =	shalt  }
0x87: {  	_ =	shalt  }
.Lfunc_end0:
.L_simem_size_0:
called_computation_lowered:
.L_overlay_start_0:
0x88: {  	s2 =	sld [smem:$0x3FD9]  }
0x89: {  	s3 =	sld [smem:$0x3FFE];
	_ =	sdelay $0x1  }
0x8a: {  	s1 =	srdreg.scid  }
0x8b: {  	s0 =	sand.u32 $0x1, s1  }
0x8c: {  	s17 =	sshll.u32 s0, $0xA;
	s2 =	sadd.s32 s3, s2  }
0x8d: {  	s2 =	sadd.s32 s2, s17  }
0x8e: {  	[smem:$0x3FC6] =	sst s2  }
0x8f: {  	_ = 	snop  }
0x90: {  	s2 =	sld [smem:$0x3FC9]  }
0x91: {  	s18 =	sld [smem:$0x3FC8];
	(tm) =	ssettm $0x1  }
0x92: {  	s4 =	sld [smem:$0x3FFB];
	_ =	sdelay $0x3  }
0x93: {  	_ =	strace s4  }
0x94: {  	s4 =	sld [smem:$0x3FFC];
	_ =	sdelay $0x3  }
0x95: {  	_ =	strace s4  }
0x96: {  	s4 =	sld [smem:$0x3FFD];
	_ =	sdelay $0x3  }
0x97: {  	_ =	strace s4  }
0x98: {  	_ =	strace $0x8FFFFFFF  }
0x99: {  	s19 =	sld [smem:$0x3FDB];
	_ =	sdelay $0x1  }
0x9a: {  	s5 =	simm.s32 $_scs_section_size  }
0x9b: {  	s6 =	simm.s32 $_size__tile_overlayer_lowered;
	s7 =	simm.s32 $_tile_overlayer_lowered  }
0x9c: {  	s22 =	simm.s32 $0x1BFF;
	s21 =	sshll.u32 s7, $0x1;
	s4 =	sadd.s32 s5, s19  }
0x9d: {  	s8 =	simm.s32 $0x0;
	s20 =	sshll.u32 s6, $0x1;
	s6 =	sadd.s32 s21, s4  }
0x9e: {  	[timem:s8], [sflag:s22] =	dma.local [hbm:s6], s20  }
0x9f: {  	_ =	swait.ge [sflag:s22], s20  }
0xa0: {  	s5 =	ssub.s32 $0x0, s20;
	[sflag:s22] =	ssyncset.done $0x0  }
0xa1: {  	[sflag:s22] =	ssyncadd.s32 s5;
	_ =	sdelay $0x1  }
0xa2: {  	s23 =	simm.s32 $0x1B8B  }
0xa3: {  	_ =	swait.ge [sflag:s23], $0x1  }
0xa4: {  	[sflag:s23] =	ssyncset.done $0x0  }
0xa5: {  	s25 =	simm.s32 $0x1B8E;
	s24 =	sld [smem:$0x3FFE];
	[sflag:s23] =	ssyncadd.s32 $0xFFFFFFFF  }
0xa6: {  	s26 =	simm.s32 $execute0_lowered;
	[smem:$0x3FD2] =	sst s25  }
0xa7: {  	s6 =	sshll.u32 s26, $0x1;
	_ =	strace $0x80000046;
	[dreg:$0x1] =	wrdreg $0xFFFFFFFF  }
0xa8: {  	s28 =	simm.s32 $_size_execute0_lowered;
	s4 =	sadd.s32 s4, s6;
	[dreg:$0x0] =	wrdreg $0x0  }
0xa9: {  	s6 =	sshll.u32 s28, $0x1;
	[dreg:$0x2] =	wrdreg s4  }
0xaa: {  	[dreg:$0x3] =	wrdreg s6  }
0xab: {  	[dreg:$0x4] =	wrdreg $0xC0  }
0xac: {  	_ =	task [dreg:s8], $0x5FFFF  }
0xad: {  	[dreg:$0x1] =	wrdreg $0xFFFFFFFF  }
0xae: {  	[dreg:$0x0] =	wrdreg $0x60  }
0xaf: {  	[dreg:$0x2] =	wrdreg s2  }
0xb0: {  	[dreg:$0x3] =	wrdreg s18  }
0xb1: {  	[dreg:$0x4] =	wrdreg s24  }
0xb2: {  	[dreg:$0x5] =	wrdreg $0x9  }
0xb3: {  	_ =	task.clear_ibuf [dreg:s8], $0x6FFFF;
	_ =	strace $0x90000046  }
0xb4: {  	s29 =	simm.s32 $0x9;
	_ =	strace $0x80000048  }
0xb5: {  	_ =	swait.ge [sflag:s29], $0x1  }
0xb6: {  	[sflag:s29] =	ssyncadd.s32 $0xFFFFFFFF  }
0xb7: {  	_ =	strace $0x90000048  }
0xb8: {  	_ =	sfence  }
0xb9: {  	s30 =	sld [smem:$0x0];
	_ =	sdelay $0x2  }
0xba: {  	s31 =	sshll.u32 s1, $0xD;
	s1 =	sshrl.u32 s1, $0x2  }
0xbb: {  	s3 =	sand.u32 $0x4000, s31;
	s1 =	sadd.s32 s1, s30  }
0xbc: {  	s0 =	sor.u32 s3, s0;
	s1 =	sshll.u32 s1, $0x11  }
0xbd: {  	s0 =	sor.u32 s1, s0  }
0xbe: {  	s0 =	sadd.s32 $0x8F2B, s0  }
0xbf: {  	[sflag:s0] =	ssyncadd.remote.s32 $0x1  }
0xc0: {  	_ =	sfence.sel $0xFFFF  }
0xc1: {  	[dreg:$0x0] =	wrdreg $0xFFFFFFFF;
	(pc) =	sbr.abs _section_cstart, $3  }
0xc2: {  	[dreg:$0x1] =	wrdreg $0xFFFFFFFF  }
0xc3: {  	_ =	task.clear_ibuf [dreg:s8], $0x2FFFF;
	_ =	strace $0x9FFFFFFF  }
0xc4: {  	(tm) =	ssettm $0x7FFFFFFF  }
0xc5: {  	_ =	shalt  }
tec
execute0_lowered:
.L_overlay_start_1:
0x0: {  	(tag) =	ssettag $0x1  }
0x1: {  	s0 =	srdreg.scid;
	s8 =	rddreg [dreg:$0x0]  }
0x2: {  	s1 =	rddreg [dreg:$0x1];
	s5 =	stileid.u32  }
0x3: {  	s3 =	rddreg [dreg:$0x2];
	s15 =	simm.s32 $0x0;
	s20 =	simm.s32 $0x80  }
0x4: {  	s21 =	simm.s32 $0x400;
	s22 =	simm.s32 $0x100;
	s23 =	simm.s32 $0x7E00  }
0x5: {  	s0 =	sand.u32 $0x1, s0;
	[smem:$0x7FF] =	sst s15;
	s16 =	sadd.s32 $0x10, s8  }
0x6: {  	s9 =	sadd.s32 $0x20, s8;
	s10 =	sadd.s32 $0x30, s8;
	s28 =	sadd.s32 $0x40, s8  }
0x7: {  	s12 =	sadd.s32 $0x50, s8;
	s13 =	sadd.s32 $0x60, s8;
	s14 =	sadd.s32 $0x70, s8  }
0x8: {  	s2 =	sshll.u32 s0, $0x4;
	_ =	strace $0x80000047;
	s0 =	ssub.s32 $0x2, s0  }
0x9: {  	[dreg:$0x8] =	wrdreg s28;
	s2 =	sor.u32 s5, s2;
	s24 =	sshrl.u32 s0, $0x1  }
0xa: {  	s5 =	sshll.u32 s5, $0x4;
	s4 =	smul.u32 $0x30, s2;
	s0 =	ssub.s32 s0, s24  }
0xb: {  	s5 =	sand.u32 $0x70, s5;
	s29 =	sshll.u32 s2, $0x4;
	s0 =	smax.u32 s0, $0x1  }
0xc: {  	s24 =	simm.s32 $0x1;
	s6 =	sadd.s32 $0xA00, s4;
	[dreg:$0xc] =	wrdreg s0  }
0xd: {  	s30 =	sadd.s32 $0xA08, s4;
	[dreg:$0x4] =	wrdreg s6;
	s6 =	sshrl.u32 s6, $0x3  }
0xe: {  	s31 =	sadd.s32 $0xA10, s4;
	[dreg:$0x9] =	wrdreg s30;
	s7 =	smul.u32 $0x7D00, s6  }
0xf: {  	s3 =	sadd.s32 s5, s3;
	[dreg:$0xa] =	wrdreg s31;
	s1 =	sadd.s32 s1, s6  }
0x10: {  	[dreg:$0x5] =	wrdreg s1;
	s1 =	sand.u32 $0x180, s29;
	s25 =	sadd.s32 s8, s7  }
0x11: {  	s26 =	sadd.s32 s7, s16;
	s1 =	sadd.s32 s1, s3;
	[dreg:$0x6] =	wrdreg s25  }
0x12: {  	s2 =	simm.s32 $0x0;
	[dreg:$0x7] =	wrdreg s26;
	s1 =	sadd.s32 $0xA00, s1  }
0x13: {  	v15 =	vlaneseq.u32;
	s25 =	simm.s32 $0x2;
	[dreg:$0xb] =	wrdreg s1;
	s1 =	simm.s32 $0x3  }
.LBB2_1:
0x14: {  	[dreg:$0xd] =	wrdreg s2  }
0x15: {  	s0 =	rddreg [dreg:$0x5]  }
0x16: {  	[tilespmem:s15], [sflag:$0x3] =	stream.linear.gather [hbm4b:s0+s15], $0x30, $0x38;
	[tilespmem:$0xFB80] =	vst v63  }
0x17: {  	_ =	swait.ge [sflag:s1], $0x30  }
0x18: {  	[sflag:s1] =	ssyncset.done $0x0  }
0x19: {  	[sflag:s1] =	ssyncadd.s32 $0xFFFFFFD0  }
0x1a: {  	v0 =	vld [tilespmem:$0x0]  }
0x1b: {  	v1 =	vld [tilespmem:$0x10]  }
0x1c: {  	v2 =	vld [tilespmem:$0x20];
	_ =	sdelay $0x2  }
0x1d: {  	v3 =	vimm.f32 $1.000000000e+00;
	vm0 =	veq.s32 v0, $0x0  }
0x1e: {  	vm14 =	veq.s32 v1, $0x0;
	v0 =	vsel vm0, $0x0, v3  }
0x1f: {  	vm15 =	veq.s32 v2, $0x0;
	v62 =	vsel vm14, $0x0, v3;
	[tilespmem:$0x80] =	vst v0  }
0x20: {  	v63 =	vsel vm15, $0x0, v3;
	[tilespmem:$0x90] =	vst v62  }
0x21: {  	s30 =	rddreg [dreg:$0x6];
	[tilespmem:$0xA0] =	vst v63  }
0x22: {  	[tilespmem:s22], [sflag:$0x1] =	stream.strided.gather [hbm4b:s30+s20], $0x7D00, s21, s20, $0x38;
	[tilespmem:$0xFB80] =	vst v63  }
0x23: {  	s29 =	simm.s32 $0x0;
	s31 =	rddreg [dreg:$0x7]  }
0x24: {  	v20 =	vimm.f32 $0.0e+00;
	[tilespmem:s23], [sflag:$0x2] =	stream.strided.gather [hbm4b:s31+s20], $0x7D00, s21, s20, $0x38;
	[tilespmem:$0xFB80] =	vst v63  }
.LBB2_2:
0x25: {  	s30 =	sshll.u32 s29, $0x4  }
0x26: {  	v18 =	vld [tilespmem:s30+$0x80]  }
0x27: {  	v19 =	vld [tilespmem:s30+$0x0];
	_ =	swait.ge [sflag:s24], $0x7D00  }
0x28: {  	[sflag:s24] =	ssyncset.done $0x0  }
0x29: {  	s0 =	simm.s32 $0x0;
	[sflag:s24] =	ssyncadd.s32 $0xFFFF8300  }
0x2a: {  	v1 =	vld [tilespmem:s0+$0x1C0]  }
0x2b: {  	v3 =	vld [tilespmem:s0+$0x1D0]  }
0x2c: {  	v5 =	vld [tilespmem:s0+$0x180]  }
0x2d: {  	v7 =	vld [tilespmem:s0+$0x190]  }
0x2e: {  	v2 =	vld [tilespmem:s0+$0x140]  }
0x2f: {  	v4 =	vld [tilespmem:s0+$0x150]  }
0x30: {  	v10 =	vld [tilespmem:s0+$0x100]  }
0x31: {  	v0 =	vimm.f32 $0.0e+00;
	v11 =	vld [tilespmem:s0+$0x110]  }
0x32: {  	s1 =	simm.s32 $0x400;
	v8 =	vimm.f32 $0.0e+00;
	v9 =	vimm.f32 $0.0e+00;
	v6 =	vimm.f32 $0.0e+00;
	v12 =	vld [tilespmem:s0+$0x120]  }
.LBB2_3:
0x33: {  	p0 =	sne.s32 s1, $0x1F000;
	v13 =	vld [tilespmem:s0+$0x130]  }
0x34: {  	v14 =	vld [tilespmem:s0+$0x160]  }
0x35: {  	v16 =	vld [tilespmem:s0+$0x170]  }
0x36: {  	v17 =	vld [tilespmem:s0+$0x1A0]  }
0x37: {  	v0 =	vadd.f32 v10, v0;
	v8 =	vadd.f32 v11, v8;
	v10 =	vld [tilespmem:s0+$0x1B0]  }
0x38: {  	v9 =	vadd.f32 v12, v9;
	v6 =	vadd.f32 v13, v6;
	v11 =	vld [tilespmem:s0+$0x1E0]  }
0x39: {  	v0 =	vadd.f32 v2, v0;
	v2 =	vadd.f32 v4, v8;
	v4 =	vld [tilespmem:s0+$0x1F0];
	s0 =	sshra.s32 s1, $0x2  }
0x3a: {  	v8 =	vadd.f32 v14, v9;
	v12 =	vld [tilespmem:s0+$0x1C0];
	v6 =	vadd.f32 v16, v6  }
0x3b: {  	v0 =	vadd.f32 v5, v0;
	v2 =	vadd.f32 v7, v2;
	v13 =	vld [tilespmem:s0+$0x1D0]  }
0x3c: {  	v9 =	vadd.f32 v17, v8;
	v5 =	vld [tilespmem:s0+$0x180];
	v6 =	vadd.f32 v10, v6  }
0x3d: {  	v0 =	vadd.f32 v1, v0;
	v8 =	vadd.f32 v3, v2;
	v7 =	vld [tilespmem:s0+$0x190]  }
.Ltmp0:
0x3e: {  	v9 =	vadd.f32 v11, v9;
	v2 =	vld [tilespmem:s0+$0x140];
	v6 =	vadd.f32 v4, v6;
	(pc) =	sbr.rel @p0 .LBB2_3-.Ltmp0, $4  }
0x3f: {  	v4 =	vld [tilespmem:s0+$0x150];
	v1 =	vmov v12  }
0x40: {  	v10 =	vld [tilespmem:s0+$0x100];
	v3 =	vmov v13  }
0x41: {  	v11 =	vld [tilespmem:s0+$0x110]  }
0x42: {  	s1 =	sadd.s32 $0x400, s1;
	v12 =	vld [tilespmem:s0+$0x120]  }
0x43: {  	(v2sf) =	vpush v19, $0x0;
	_ =	sdelay $0xc  }
0x44: {  	v13 =	vld [tilespmem:s0+$0x130]  }
0x45: {  	v14 =	vld [tilespmem:s0+$0x160]  }
0x46: {  	v16 =	vld [tilespmem:s0+$0x170];
	s1 =	rddreg [dreg:$0x4];
	s31 =	spop (v2sf)  }
0x47: {  	v63 =	vld [tilespmem:$0x100];
	s1 =	sadd.s32 s30, s1;
	s26 =	sand.u32 $0xFFFFFFF0, s31  }
0x48: {  	s1 =	sshrl.u32 s1, $0x3;
	v10 =	vadd.f32 v10, v0;
	v24 =	vld [tilespmem:s26+$0x100]  }
0x49: {  	v17 =	vld [tilespmem:s0+$0x1A0];
	s7 =	smul.u32 $0x7D00, s1  }
0x4a: {  	v21 =	vld [tilespmem:s0+$0x1B0];
	v8 =	vadd.f32 v11, v8;
	v10 =	vadd.f32 v2, v10  }
0x4b: {  	v22 =	vld [tilespmem:s0+$0x1E0];
	v9 =	vadd.f32 v12, v9;
	s28 =	sadd.s32 s7, s9  }
0x4c: {  	[tilespmem:$0x1FFA0] =	vst v63;
	v23 =	vld [tilespmem:s0+$0x1F0];
	v8 =	vadd.f32 v4, v8;
	v10 =	vadd.f32 v5, v10;
	[tilespmem:s22], [sflag:$0x1] =	stream.strided.gather [hbm4b:s28+s20], $0x7D00, s21, s20, $0x38  }
0x4d: {  	v6 =	vadd.f32 v13, v6;
	v9 =	vadd.f32 v14, v9;
	[tilespmem:$0x1FF90] =	vst v24  }
0x4e: {  	v8 =	vadd.f32 v7, v8;
	v1 =	vadd.f32 v1, v10;
	_ =	swait.ge [sflag:s25], $0x7D00  }
0x4f: {  	v11 =	vadd.f32 v16, v6;
	[sflag:s25] =	ssyncset.done $0x0  }
0x50: {  	s0 =	simm.s32 $0x0;
	v9 =	vadd.f32 v17, v9;
	[tilespmem:$0x1FFB0] =	vst v1;
	v1 =	vadd.f32 v3, v8;
	[sflag:s25] =	ssyncadd.s32 $0xFFFF8300  }
0x51: {  	v0 =	vld [tilespmem:s0+$0x7EC0]  }
0x52: {  	v11 =	vadd.f32 v21, v11;
	v2 =	vld [tilespmem:s0+$0x7ED0];
	[tilespmem:$0x1FFC0] =	vst v1;
	v1 =	vadd.f32 v22, v9  }
0x53: {  	v4 =	vld [tilespmem:s0+$0x7E80]  }
0x54: {  	v6 =	vld [tilespmem:s0+$0x7E90];
	[tilespmem:$0x1FFD0] =	vst v1;
	v1 =	vadd.f32 v23, v11  }
0x55: {  	v5 =	vld [tilespmem:s0+$0x7E40]  }
0x56: {  	v7 =	vld [tilespmem:s0+$0x7E50];
	[tilespmem:$0x1FFE0] =	vst v1;
	v1 =	vimm.s32 $0x0  }
0x57: {  	v10 =	vld [tilespmem:s0+$0x7E00];
	v1 =	vperm.xlane v18, v1  }
0x58: {  	v8 =	vimm.f32 $0.0e+00;
	v12 =	vld [tilespmem:s0+$0x7E10]  }
0x59: {  	s1 =	simm.s32 $0x400;
	v3 =	vimm.f32 $0.0e+00;
	v9 =	vimm.f32 $0.0e+00;
	v11 =	vld [tilespmem:s0+$0x7E20];
	[tilespmem:$0x1FFF0] =	vst v1;
	v1 =	vimm.f32 $0.0e+00  }
.LBB2_5:
0x5a: {  	p0 =	sne.s32 s1, $0x1F000;
	v13 =	vld [tilespmem:s0+$0x7E30]  }
0x5b: {  	v14 =	vld [tilespmem:s0+$0x7E60]  }
0x5c: {  	v16 =	vld [tilespmem:s0+$0x7E70]  }
0x5d: {  	v17 =	vld [tilespmem:s0+$0x7EA0]  }
0x5e: {  	v1 =	vadd.f32 v10, v1;
	v8 =	vadd.f32 v12, v8;
	v10 =	vld [tilespmem:s0+$0x7EB0]  }
0x5f: {  	v9 =	vadd.f32 v11, v9;
	v3 =	vadd.f32 v13, v3;
	v11 =	vld [tilespmem:s0+$0x7EE0]  }
0x60: {  	v1 =	vadd.f32 v5, v1;
	v5 =	vadd.f32 v7, v8;
	v7 =	vld [tilespmem:s0+$0x7EF0];
	s0 =	sshra.s32 s1, $0x2  }
0x61: {  	v8 =	vadd.f32 v14, v9;
	v12 =	vld [tilespmem:s0+$0x7EC0];
	v3 =	vadd.f32 v16, v3  }
0x62: {  	v1 =	vadd.f32 v4, v1;
	v5 =	vadd.f32 v6, v5;
	v13 =	vld [tilespmem:s0+$0x7ED0]  }
0x63: {  	v9 =	vadd.f32 v17, v8;
	v4 =	vld [tilespmem:s0+$0x7E80];
	v3 =	vadd.f32 v10, v3  }
0x64: {  	v1 =	vadd.f32 v0, v1;
	v8 =	vadd.f32 v2, v5;
	v6 =	vld [tilespmem:s0+$0x7E90]  }
.Ltmp1:
0x65: {  	v9 =	vadd.f32 v11, v9;
	v5 =	vld [tilespmem:s0+$0x7E40];
	v3 =	vadd.f32 v7, v3;
	(pc) =	sbr.rel @p0 .LBB2_5-.Ltmp1, $4  }
0x66: {  	v7 =	vld [tilespmem:s0+$0x7E50];
	v0 =	vmov v12  }
0x67: {  	v10 =	vld [tilespmem:s0+$0x7E00];
	v2 =	vmov v13  }
0x68: {  	v12 =	vld [tilespmem:s0+$0x7E10]  }
0x69: {  	s1 =	sadd.s32 $0x400, s1;
	v11 =	vld [tilespmem:s0+$0x7E20]  }
0x6a: {  	(v2sf) =	vpush v19, $0x1;
	_ =	sdelay $0xc  }
0x6b: {  	v13 =	vld [tilespmem:s0+$0x7E30]  }
0x6c: {  	v14 =	vld [tilespmem:s0+$0x7E60]  }
0x6d: {  	v16 =	vld [tilespmem:s0+$0x7E70];
	s2 =	spop (v2sf)  }
0x6e: {  	v63 =	vld [tilespmem:$0x7E00];
	s26 =	sand.u32 $0xFFFFFFF0, s2  }
0x6f: {  	v10 =	vadd.f32 v10, v1;
	v24 =	vld [tilespmem:s26+$0x7E00]  }
0x70: {  	v17 =	vld [tilespmem:s0+$0x7EA0]  }
0x71: {  	v21 =	vld [tilespmem:s0+$0x7EB0];
	v8 =	vadd.f32 v12, v8;
	v10 =	vadd.f32 v5, v10  }
0x72: {  	v22 =	vld [tilespmem:s0+$0x7EE0];
	s28 =	sadd.s32 s7, s10;
	v9 =	vadd.f32 v11, v9  }
0x73: {  	[tilespmem:$0x1FF30] =	vst v63;
	v23 =	vld [tilespmem:s0+$0x7EF0];
	v8 =	vadd.f32 v7, v8;
	v10 =	vadd.f32 v4, v10;
	[tilespmem:s23], [sflag:$0x2] =	stream.strided.gather [hbm4b:s28+s20], $0x7D00, s21, s20, $0x38  }
0x74: {  	v11 =	vadd.f32 v13, v3;
	v9 =	vadd.f32 v14, v9;
	[tilespmem:$0x1FF20] =	vst v24  }
0x75: {  	v8 =	vadd.f32 v6, v8;
	v0 =	vadd.f32 v0, v10;
	_ =	swait.ge [sflag:s24], $0x7D00  }
0x76: {  	v11 =	vadd.f32 v16, v11;
	[sflag:s24] =	ssyncset.done $0x0  }
0x77: {  	s1 =	simm.s32 $0x0;
	v9 =	vadd.f32 v17, v9;
	[tilespmem:$0x1FF40] =	vst v0;
	v0 =	vadd.f32 v2, v8;
	[sflag:s24] =	ssyncadd.s32 $0xFFFF8300  }
0x78: {  	v1 =	vld [tilespmem:s1+$0x1C0]  }
0x79: {  	v11 =	vadd.f32 v21, v11;
	v3 =	vld [tilespmem:s1+$0x1D0];
	[tilespmem:$0x1FF50] =	vst v0;
	v0 =	vadd.f32 v22, v9  }
0x7a: {  	v5 =	vld [tilespmem:s1+$0x180]  }
0x7b: {  	v7 =	vld [tilespmem:s1+$0x190];
	[tilespmem:$0x1FF60] =	vst v0;
	v0 =	vadd.f32 v23, v11  }
0x7c: {  	v4 =	vld [tilespmem:s1+$0x140]  }
0x7d: {  	v6 =	vld [tilespmem:s1+$0x150];
	[tilespmem:$0x1FF70] =	vst v0;
	v0 =	vimm.s32 $0x1  }
0x7e: {  	v10 =	vld [tilespmem:s1+$0x100];
	v0 =	vperm.xlane v18, v0  }
0x7f: {  	v8 =	vimm.f32 $0.0e+00;
	v12 =	vld [tilespmem:s1+$0x110]  }
0x80: {  	s0 =	simm.s32 $0x400;
	v2 =	vimm.f32 $0.0e+00;
	v9 =	vimm.f32 $0.0e+00;
	v11 =	vld [tilespmem:s1+$0x120];
	[tilespmem:$0x1FF80] =	vst v0;
	v0 =	vimm.f32 $0.0e+00  }
.LBB2_7:
0x81: {  	p0 =	sne.s32 s0, $0x1F000;
	v13 =	vld [tilespmem:s1+$0x130]  }
0x82: {  	v14 =	vld [tilespmem:s1+$0x160]  }
0x83: {  	v16 =	vld [tilespmem:s1+$0x170]  }
0x84: {  	v17 =	vld [tilespmem:s1+$0x1A0]  }
0x85: {  	v0 =	vadd.f32 v10, v0;
	v8 =	vadd.f32 v12, v8;
	v10 =	vld [tilespmem:s1+$0x1B0]  }
0x86: {  	v9 =	vadd.f32 v11, v9;
	v2 =	vadd.f32 v13, v2;
	v11 =	vld [tilespmem:s1+$0x1E0]  }
0x87: {  	v0 =	vadd.f32 v4, v0;
	v4 =	vadd.f32 v6, v8;
	v6 =	vld [tilespmem:s1+$0x1F0];
	s1 =	sshra.s32 s0, $0x2  }
0x88: {  	v8 =	vadd.f32 v14, v9;
	v12 =	vld [tilespmem:s1+$0x1C0];
	v2 =	vadd.f32 v16, v2  }
0x89: {  	v0 =	vadd.f32 v5, v0;
	v4 =	vadd.f32 v7, v4;
	v13 =	vld [tilespmem:s1+$0x1D0]  }
0x8a: {  	v9 =	vadd.f32 v17, v8;
	v5 =	vld [tilespmem:s1+$0x180];
	v2 =	vadd.f32 v10, v2  }
0x8b: {  	v0 =	vadd.f32 v1, v0;
	v8 =	vadd.f32 v3, v4;
	v7 =	vld [tilespmem:s1+$0x190]  }
.Ltmp2:
0x8c: {  	v9 =	vadd.f32 v11, v9;
	v4 =	vld [tilespmem:s1+$0x140];
	v2 =	vadd.f32 v6, v2;
	(pc) =	sbr.rel @p0 .LBB2_7-.Ltmp2, $4  }
0x8d: {  	v6 =	vld [tilespmem:s1+$0x150];
	v1 =	vmov v12  }
0x8e: {  	v10 =	vld [tilespmem:s1+$0x100];
	v3 =	vmov v13  }
0x8f: {  	v12 =	vld [tilespmem:s1+$0x110]  }
0x90: {  	s0 =	sadd.s32 $0x400, s0;
	v11 =	vld [tilespmem:s1+$0x120]  }
0x91: {  	(v2sf) =	vpush v19, $0x2;
	_ =	sdelay $0xb  }
0x92: {  	v13 =	vld [tilespmem:s1+$0x130]  }
0x93: {  	v14 =	vld [tilespmem:s1+$0x160]  }
0x94: {  	v16 =	vld [tilespmem:s1+$0x170]  }
0x95: {  	v63 =	vld [tilespmem:$0x100];
	s0 =	spop (v2sf)  }
0x96: {  	v17 =	vld [tilespmem:s1+$0x1A0];
	s26 =	sand.u32 $0xFFFFFFF0, s0  }
0x97: {  	v10 =	vadd.f32 v10, v0;
	v24 =	vld [tilespmem:s26+$0x100]  }
0x98: {  	v21 =	vld [tilespmem:s1+$0x1B0]  }
0x99: {  	v22 =	vld [tilespmem:s1+$0x1E0];
	s28 =	rddreg [dreg:$0x8];
	v8 =	vadd.f32 v12, v8;
	v10 =	vadd.f32 v4, v10  }
0x9a: {  	v23 =	vld [tilespmem:s1+$0x1F0];
	s1 =	sadd.s32 s7, s28;
	v9 =	vadd.f32 v11, v9;
	[tilespmem:$0x1FEC0] =	vst v63  }
0x9b: {  	v8 =	vadd.f32 v6, v8;
	v10 =	vadd.f32 v5, v10;
	[tilespmem:s22], [sflag:$0x1] =	stream.strided.gather [hbm4b:s1+s20], $0x7D00, s21, s20, $0x38;
	[tilespmem:$0xFB80] =	vst v63  }
0x9c: {  	v11 =	vadd.f32 v13, v2;
	v9 =	vadd.f32 v14, v9;
	[tilespmem:$0x1FEB0] =	vst v24  }
0x9d: {  	v8 =	vadd.f32 v7, v8;
	v1 =	vadd.f32 v1, v10;
	_ =	swait.ge [sflag:s25], $0x7D00  }
0x9e: {  	v11 =	vadd.f32 v16, v11;
	[sflag:s25] =	ssyncset.done $0x0  }
0x9f: {  	v9 =	vadd.f32 v17, v9;
	s1 =	simm.s32 $0x0;
	[tilespmem:$0x1FED0] =	vst v1;
	v1 =	vadd.f32 v3, v8;
	[sflag:s25] =	ssyncadd.s32 $0xFFFF8300  }
0xa0: {  	v0 =	vld [tilespmem:s1+$0x7EC0]  }
0xa1: {  	v11 =	vadd.f32 v21, v11;
	v2 =	vld [tilespmem:s1+$0x7ED0];
	[tilespmem:$0x1FEE0] =	vst v1;
	v1 =	vadd.f32 v22, v9  }
0xa2: {  	v4 =	vld [tilespmem:s1+$0x7E80]  }
0xa3: {  	v6 =	vld [tilespmem:s1+$0x7E90];
	[tilespmem:$0x1FEF0] =	vst v1;
	v1 =	vadd.f32 v23, v11  }
0xa4: {  	v5 =	vld [tilespmem:s1+$0x7E40]  }
0xa5: {  	v7 =	vld [tilespmem:s1+$0x7E50];
	[tilespmem:$0x1FF00] =	vst v1;
	v1 =	vimm.s32 $0x2  }
0xa6: {  	v10 =	vld [tilespmem:s1+$0x7E00];
	v1 =	vperm.xlane v18, v1  }
0xa7: {  	v8 =	vimm.f32 $0.0e+00;
	v12 =	vld [tilespmem:s1+$0x7E10]  }
0xa8: {  	s3 =	simm.s32 $0x400;
	v3 =	vimm.f32 $0.0e+00;
	v9 =	vimm.f32 $0.0e+00;
	v11 =	vld [tilespmem:s1+$0x7E20];
	[tilespmem:$0x1FF10] =	vst v1;
	v1 =	vimm.f32 $0.0e+00  }
.LBB2_9:
0xa9: {  	p0 =	sne.s32 s3, $0x1F000;
	v13 =	vld [tilespmem:s1+$0x7E30]  }
0xaa: {  	v14 =	vld [tilespmem:s1+$0x7E60]  }
0xab: {  	v16 =	vld [tilespmem:s1+$0x7E70]  }
0xac: {  	v17 =	vld [tilespmem:s1+$0x7EA0]  }
0xad: {  	v1 =	vadd.f32 v10, v1;
	v8 =	vadd.f32 v12, v8;
	v10 =	vld [tilespmem:s1+$0x7EB0]  }
0xae: {  	v9 =	vadd.f32 v11, v9;
	v3 =	vadd.f32 v13, v3;
	v11 =	vld [tilespmem:s1+$0x7EE0]  }
0xaf: {  	v1 =	vadd.f32 v5, v1;
	v5 =	vadd.f32 v7, v8;
	v7 =	vld [tilespmem:s1+$0x7EF0];
	s1 =	sshra.s32 s3, $0x2  }
0xb0: {  	v8 =	vadd.f32 v14, v9;
	v12 =	vld [tilespmem:s1+$0x7EC0];
	v3 =	vadd.f32 v16, v3  }
0xb1: {  	v1 =	vadd.f32 v4, v1;
	v5 =	vadd.f32 v6, v5;
	v13 =	vld [tilespmem:s1+$0x7ED0]  }
0xb2: {  	v9 =	vadd.f32 v17, v8;
	v4 =	vld [tilespmem:s1+$0x7E80];
	v3 =	vadd.f32 v10, v3  }
0xb3: {  	v1 =	vadd.f32 v0, v1;
	v8 =	vadd.f32 v2, v5;
	v6 =	vld [tilespmem:s1+$0x7E90]  }
.Ltmp3:
0xb4: {  	v9 =	vadd.f32 v11, v9;
	v5 =	vld [tilespmem:s1+$0x7E40];
	v3 =	vadd.f32 v7, v3;
	(pc) =	sbr.rel @p0 .LBB2_9-.Ltmp3, $4  }
0xb5: {  	v7 =	vld [tilespmem:s1+$0x7E50];
	v0 =	vmov v12  }
0xb6: {  	v10 =	vld [tilespmem:s1+$0x7E00];
	v2 =	vmov v13  }
0xb7: {  	v12 =	vld [tilespmem:s1+$0x7E10]  }
0xb8: {  	s3 =	sadd.s32 $0x400, s3;
	v11 =	vld [tilespmem:s1+$0x7E20]  }
0xb9: {  	(v2sf) =	vpush v19, $0x3;
	_ =	sdelay $0xc  }
0xba: {  	v13 =	vld [tilespmem:s1+$0x7E30]  }
0xbb: {  	v14 =	vld [tilespmem:s1+$0x7E60]  }
0xbc: {  	v16 =	vld [tilespmem:s1+$0x7E70];
	s26 =	spop (v2sf)  }
0xbd: {  	v63 =	vld [tilespmem:$0x7E00];
	s19 =	sand.u32 $0xFFFFFFF0, s26  }
0xbe: {  	v24 =	vld [tilespmem:s19+$0x7E00]  }
0xbf: {  	v17 =	vld [tilespmem:s1+$0x7EA0]  }
0xc0: {  	v21 =	vld [tilespmem:s1+$0x7EB0];
	v8 =	vadd.f32 v12, v8  }
0xc1: {  	v22 =	vld [tilespmem:s1+$0x7EE0];
	s28 =	sadd.s32 s7, s12  }
0xc2: {  	[tilespmem:$0x1FE50] =	vst v63;
	v23 =	vld [tilespmem:s1+$0x7EF0];
	v9 =	vadd.f32 v11, v9;
	v8 =	vadd.f32 v7, v8;
	[tilespmem:s23], [sflag:$0x2] =	stream.strided.gather [hbm4b:s28+s20], $0x7D00, s21, s20, $0x38  }
0xc3: {  	v10 =	vadd.f32 v10, v1;
	v11 =	vadd.f32 v13, v3;
	[tilespmem:$0x1FE40] =	vst v24  }
0xc4: {  	v9 =	vadd.f32 v14, v9;
	v6 =	vadd.f32 v6, v8;
	_ =	swait.ge [sflag:s24], $0x7D00  }
0xc5: {  	v10 =	vadd.f32 v5, v10;
	v11 =	vadd.f32 v16, v11;
	[sflag:s24] =	ssyncset.done $0x0  }
0xc6: {  	s1 =	simm.s32 $0x0;
	v8 =	vadd.f32 v17, v9;
	v2 =	vadd.f32 v2, v6;
	[sflag:s24] =	ssyncadd.s32 $0xFFFF8300  }
0xc7: {  	v10 =	vadd.f32 v4, v10;
	v1 =	vld [tilespmem:s1+$0x1C0]  }
0xc8: {  	v9 =	vadd.f32 v21, v11;
	[tilespmem:$0x1FE70] =	vst v2;
	v2 =	vadd.f32 v22, v8;
	v3 =	vld [tilespmem:s1+$0x1D0]  }
0xc9: {  	v0 =	vadd.f32 v0, v10;
	v5 =	vld [tilespmem:s1+$0x180]  }
0xca: {  	v7 =	vld [tilespmem:s1+$0x190];
	[tilespmem:$0x1FE80] =	vst v2;
	v2 =	vadd.f32 v23, v9  }
0xcb: {  	[tilespmem:$0x1FE60] =	vst v0;
	v4 =	vld [tilespmem:s1+$0x140]  }
0xcc: {  	v0 =	vld [tilespmem:s1+$0x150];
	[tilespmem:$0x1FE90] =	vst v2;
	v2 =	vimm.s32 $0x3  }
0xcd: {  	v10 =	vld [tilespmem:s1+$0x100];
	v2 =	vperm.xlane v18, v2  }
0xce: {  	v6 =	vimm.f32 $0.0e+00;
	v12 =	vld [tilespmem:s1+$0x110]  }
0xcf: {  	s3 =	simm.s32 $0x400;
	v8 =	vimm.f32 $0.0e+00;
	v11 =	vld [tilespmem:s1+$0x120];
	v9 =	vimm.f32 $0.0e+00;
	[tilespmem:$0x1FEA0] =	vst v2;
	v2 =	vimm.f32 $0.0e+00  }
.LBB2_11:
0xd0: {  	p0 =	sne.s32 s3, $0x1F000;
	v13 =	vld [tilespmem:s1+$0x130]  }
0xd1: {  	v14 =	vld [tilespmem:s1+$0x160]  }
0xd2: {  	v16 =	vld [tilespmem:s1+$0x170]  }
0xd3: {  	v17 =	vld [tilespmem:s1+$0x1A0]  }
0xd4: {  	v2 =	vadd.f32 v10, v2;
	v8 =	vadd.f32 v12, v8;
	v10 =	vld [tilespmem:s1+$0x1B0]  }
0xd5: {  	v9 =	vadd.f32 v11, v9;
	v6 =	vadd.f32 v13, v6;
	v11 =	vld [tilespmem:s1+$0x1E0]  }
0xd6: {  	v2 =	vadd.f32 v4, v2;
	v0 =	vadd.f32 v0, v8;
	v12 =	vld [tilespmem:s1+$0x1F0];
	s1 =	sshra.s32 s3, $0x2  }
0xd7: {  	v4 =	vadd.f32 v14, v9;
	v13 =	vld [tilespmem:s1+$0x1C0];
	v6 =	vadd.f32 v16, v6  }
0xd8: {  	v2 =	vadd.f32 v5, v2;
	v0 =	vadd.f32 v7, v0;
	v14 =	vld [tilespmem:s1+$0x1D0]  }
0xd9: {  	v9 =	vadd.f32 v17, v4;
	v5 =	vld [tilespmem:s1+$0x180];
	v6 =	vadd.f32 v10, v6  }
0xda: {  	v2 =	vadd.f32 v1, v2;
	v8 =	vadd.f32 v3, v0;
	v7 =	vld [tilespmem:s1+$0x190]  }
.Ltmp4:
0xdb: {  	v9 =	vadd.f32 v11, v9;
	v4 =	vld [tilespmem:s1+$0x140];
	v6 =	vadd.f32 v12, v6;
	(pc) =	sbr.rel @p0 .LBB2_11-.Ltmp4, $4  }
0xdc: {  	v0 =	vld [tilespmem:s1+$0x150];
	v1 =	vmov v13  }
0xdd: {  	v10 =	vld [tilespmem:s1+$0x100];
	v3 =	vmov v14  }
0xde: {  	v12 =	vld [tilespmem:s1+$0x110]  }
0xdf: {  	s3 =	sadd.s32 $0x400, s3;
	v11 =	vld [tilespmem:s1+$0x120]  }
0xe0: {  	(v2sf) =	vpush v19, $0x4;
	_ =	sdelay $0xc  }
0xe1: {  	v13 =	vld [tilespmem:s1+$0x130]  }
0xe2: {  	v14 =	vld [tilespmem:s1+$0x160]  }
0xe3: {  	v16 =	vld [tilespmem:s1+$0x170];
	s3 =	spop (v2sf)  }
0xe4: {  	v63 =	vld [tilespmem:$0x100];
	s19 =	sand.u32 $0xFFFFFFF0, s3  }
0xe5: {  	v24 =	vld [tilespmem:s19+$0x100]  }
0xe6: {  	v17 =	vld [tilespmem:s1+$0x1A0]  }
0xe7: {  	v21 =	vld [tilespmem:s1+$0x1B0];
	v8 =	vadd.f32 v12, v8  }
0xe8: {  	v22 =	vld [tilespmem:s1+$0x1E0];
	s28 =	sadd.s32 s7, s13  }
0xe9: {  	[tilespmem:$0x1FDE0] =	vst v63;
	v23 =	vld [tilespmem:s1+$0x1F0];
	v9 =	vadd.f32 v11, v9;
	v0 =	vadd.f32 v0, v8;
	[tilespmem:s22], [sflag:$0x1] =	stream.strided.gather [hbm4b:s28+s20], $0x7D00, s21, s20, $0x38  }
0xea: {  	v10 =	vadd.f32 v10, v2;
	v11 =	vadd.f32 v13, v6;
	[tilespmem:$0x1FDD0] =	vst v24  }
0xeb: {  	v9 =	vadd.f32 v14, v9;
	v0 =	vadd.f32 v7, v0;
	_ =	swait.ge [sflag:s25], $0x7D00  }
0xec: {  	v10 =	vadd.f32 v4, v10;
	v11 =	vadd.f32 v16, v11;
	[sflag:s25] =	ssyncset.done $0x0  }
0xed: {  	s1 =	simm.s32 $0x0;
	v7 =	vadd.f32 v17, v9;
	v0 =	vadd.f32 v3, v0;
	[sflag:s25] =	ssyncadd.s32 $0xFFFF8300  }
0xee: {  	v10 =	vadd.f32 v5, v10;
	v2 =	vld [tilespmem:s1+$0x7EC0]  }
0xef: {  	v9 =	vadd.f32 v21, v11;
	[tilespmem:$0x1FE00] =	vst v0;
	v0 =	vadd.f32 v22, v7;
	v4 =	vld [tilespmem:s1+$0x7ED0]  }
0xf0: {  	v1 =	vadd.f32 v1, v10;
	v6 =	vld [tilespmem:s1+$0x7E80]  }
0xf1: {  	v8 =	vld [tilespmem:s1+$0x7E90];
	[tilespmem:$0x1FE10] =	vst v0;
	v0 =	vadd.f32 v23, v9  }
0xf2: {  	[tilespmem:$0x1FDF0] =	vst v1;
	v5 =	vld [tilespmem:s1+$0x7E40]  }
0xf3: {  	v1 =	vld [tilespmem:s1+$0x7E50];
	[tilespmem:$0x1FE20] =	vst v0;
	v0 =	vimm.s32 $0x4  }
0xf4: {  	v10 =	vld [tilespmem:s1+$0x7E00];
	v0 =	vperm.xlane v18, v0  }
0xf5: {  	v3 =	vimm.f32 $0.0e+00;
	v12 =	vld [tilespmem:s1+$0x7E10]  }
0xf6: {  	s4 =	simm.s32 $0x400;
	v7 =	vimm.f32 $0.0e+00;
	v11 =	vld [tilespmem:s1+$0x7E20];
	v9 =	vimm.f32 $0.0e+00;
	[tilespmem:$0x1FE30] =	vst v0;
	v0 =	vimm.f32 $0.0e+00  }
.LBB2_13:
0xf7: {  	p0 =	sne.s32 s4, $0x1F000;
	v13 =	vld [tilespmem:s1+$0x7E30]  }
0xf8: {  	v14 =	vld [tilespmem:s1+$0x7E60]  }
0xf9: {  	v16 =	vld [tilespmem:s1+$0x7E70]  }
0xfa: {  	v17 =	vld [tilespmem:s1+$0x7EA0]  }
0xfb: {  	v0 =	vadd.f32 v10, v0;
	v7 =	vadd.f32 v12, v7;
	v10 =	vld [tilespmem:s1+$0x7EB0]  }
0xfc: {  	v9 =	vadd.f32 v11, v9;
	v3 =	vadd.f32 v13, v3;
	v11 =	vld [tilespmem:s1+$0x7EE0]  }
0xfd: {  	v0 =	vadd.f32 v5, v0;
	v1 =	vadd.f32 v1, v7;
	v12 =	vld [tilespmem:s1+$0x7EF0];
	s1 =	sshra.s32 s4, $0x2  }
0xfe: {  	v5 =	vadd.f32 v14, v9;
	v13 =	vld [tilespmem:s1+$0x7EC0];
	v3 =	vadd.f32 v16, v3  }
0xff: {  	v0 =	vadd.f32 v6, v0;
	v1 =	vadd.f32 v8, v1;
	v14 =	vld [tilespmem:s1+$0x7ED0]  }
0x100: {  	v9 =	vadd.f32 v17, v5;
	v6 =	vld [tilespmem:s1+$0x7E80];
	v3 =	vadd.f32 v10, v3  }
0x101: {  	v0 =	vadd.f32 v2, v0;
	v7 =	vadd.f32 v4, v1;
	v8 =	vld [tilespmem:s1+$0x7E90]  }
.Ltmp5:
0x102: {  	v9 =	vadd.f32 v11, v9;
	v5 =	vld [tilespmem:s1+$0x7E40];
	v3 =	vadd.f32 v12, v3;
	(pc) =	sbr.rel @p0 .LBB2_13-.Ltmp5, $4  }
0x103: {  	v1 =	vld [tilespmem:s1+$0x7E50];
	v2 =	vmov v13  }
0x104: {  	v10 =	vld [tilespmem:s1+$0x7E00];
	v4 =	vmov v14  }
0x105: {  	v12 =	vld [tilespmem:s1+$0x7E10]  }
0x106: {  	s4 =	sadd.s32 $0x400, s4;
	v11 =	vld [tilespmem:s1+$0x7E20]  }
0x107: {  	(v2sf) =	vpush v19, $0x5;
	_ =	sdelay $0xc  }
0x108: {  	v13 =	vld [tilespmem:s1+$0x7E30]  }
0x109: {  	v14 =	vld [tilespmem:s1+$0x7E60]  }
0x10a: {  	v16 =	vld [tilespmem:s1+$0x7E70];
	s5 =	spop (v2sf)  }
0x10b: {  	v63 =	vld [tilespmem:$0x7E00];
	s19 =	sand.u32 $0xFFFFFFF0, s5  }
0x10c: {  	v24 =	vld [tilespmem:s19+$0x7E00]  }
0x10d: {  	v17 =	vld [tilespmem:s1+$0x7EA0]  }
0x10e: {  	v21 =	vld [tilespmem:s1+$0x7EB0];
	v10 =	vadd.f32 v10, v0;
	v7 =	vadd.f32 v12, v7  }
0x10f: {  	v22 =	vld [tilespmem:s1+$0x7EE0];
	s28 =	sadd.s32 s7, s14;
	v9 =	vadd.f32 v11, v9  }
0x110: {  	[tilespmem:$0x1FD70] =	vst v63;
	v23 =	vld [tilespmem:s1+$0x7EF0];
	v10 =	vadd.f32 v5, v10;
	v1 =	vadd.f32 v1, v7;
	[tilespmem:s23], [sflag:$0x2] =	stream.strided.gather [hbm4b:s28+s20], $0x7D00, s21, s20, $0x38  }
0x111: {  	v11 =	vadd.f32 v13, v3;
	v9 =	vadd.f32 v14, v9;
	[tilespmem:$0x1FD60] =	vst v24  }
0x112: {  	v6 =	vadd.f32 v6, v10;
	v10 =	vadd.f32 v8, v1;
	_ =	swait.ge [sflag:s24], $0x7D00  }
0x113: {  	v11 =	vadd.f32 v16, v11;
	v9 =	vadd.f32 v17, v9;
	[sflag:s24] =	ssyncset.done $0x0  }
0x114: {  	s1 =	simm.s32 $0x0;
	v1 =	vadd.f32 v2, v6;
	v2 =	vadd.f32 v4, v10;
	[sflag:s24] =	ssyncadd.s32 $0xFFFF8300  }
0x115: {  	v0 =	vld [tilespmem:s1+$0x1C0]  }
0x116: {  	v11 =	vadd.f32 v21, v11;
	[tilespmem:$0x1FD90] =	vst v2;
	v2 =	vadd.f32 v22, v9;
	v3 =	vld [tilespmem:s1+$0x1D0]  }
0x117: {  	v5 =	vld [tilespmem:s1+$0x180]  }
0x118: {  	v7 =	vld [tilespmem:s1+$0x190];
	[tilespmem:$0x1FDA0] =	vst v2;
	v2 =	vadd.f32 v23, v11  }
0x119: {  	[tilespmem:$0x1FD80] =	vst v1;
	v8 =	vld [tilespmem:s1+$0x140]  }
0x11a: {  	v1 =	vld [tilespmem:s1+$0x150];
	[tilespmem:$0x1FDB0] =	vst v2;
	v2 =	vimm.s32 $0x5  }
0x11b: {  	v10 =	vld [tilespmem:s1+$0x100];
	v2 =	vperm.xlane v18, v2  }
0x11c: {  	v6 =	vimm.f32 $0.0e+00;
	v12 =	vld [tilespmem:s1+$0x110]  }
0x11d: {  	s4 =	simm.s32 $0x400;
	v4 =	vimm.f32 $0.0e+00;
	v9 =	vimm.f32 $0.0e+00;
	v11 =	vld [tilespmem:s1+$0x120];
	[tilespmem:$0x1FDC0] =	vst v2;
	v2 =	vimm.f32 $0.0e+00  }
.LBB2_15:
0x11e: {  	p0 =	sne.s32 s4, $0x1F000;
	v13 =	vld [tilespmem:s1+$0x130]  }
0x11f: {  	v14 =	vld [tilespmem:s1+$0x160]  }
0x120: {  	v16 =	vld [tilespmem:s1+$0x170]  }
0x121: {  	v17 =	vld [tilespmem:s1+$0x1A0]  }
0x122: {  	v2 =	vadd.f32 v10, v2;
	v6 =	vadd.f32 v12, v6;
	v10 =	vld [tilespmem:s1+$0x1B0]  }
0x123: {  	v9 =	vadd.f32 v11, v9;
	v4 =	vadd.f32 v13, v4;
	v11 =	vld [tilespmem:s1+$0x1E0]  }
0x124: {  	v2 =	vadd.f32 v8, v2;
	v1 =	vadd.f32 v1, v6;
	v12 =	vld [tilespmem:s1+$0x1F0];
	s1 =	sshra.s32 s4, $0x2  }
0x125: {  	v6 =	vadd.f32 v14, v9;
	v13 =	vld [tilespmem:s1+$0x1C0];
	v4 =	vadd.f32 v16, v4  }
0x126: {  	v2 =	vadd.f32 v5, v2;
	v1 =	vadd.f32 v7, v1;
	v14 =	vld [tilespmem:s1+$0x1D0]  }
0x127: {  	v9 =	vadd.f32 v17, v6;
	v5 =	vld [tilespmem:s1+$0x180];
	v4 =	vadd.f32 v10, v4  }
0x128: {  	v2 =	vadd.f32 v0, v2;
	v6 =	vadd.f32 v3, v1;
	v7 =	vld [tilespmem:s1+$0x190]  }
.Ltmp6:
0x129: {  	v9 =	vadd.f32 v11, v9;
	v8 =	vld [tilespmem:s1+$0x140];
	v4 =	vadd.f32 v12, v4;
	(pc) =	sbr.rel @p0 .LBB2_15-.Ltmp6, $4  }
0x12a: {  	v1 =	vld [tilespmem:s1+$0x150];
	v0 =	vmov v13  }
0x12b: {  	v10 =	vld [tilespmem:s1+$0x100];
	v3 =	vmov v14  }
0x12c: {  	v12 =	vld [tilespmem:s1+$0x110]  }
0x12d: {  	s4 =	sadd.s32 $0x400, s4;
	v11 =	vld [tilespmem:s1+$0x120]  }
0x12e: {  	(v2sf) =	vpush v19, $0x6;
	_ =	sdelay $0xc  }
0x12f: {  	v13 =	vld [tilespmem:s1+$0x130]  }
0x130: {  	v14 =	vld [tilespmem:s1+$0x160]  }
0x131: {  	v16 =	vld [tilespmem:s1+$0x170];
	s4 =	rddreg [dreg:$0x9];
	s7 =	spop (v2sf)  }
0x132: {  	v63 =	vld [tilespmem:$0x100];
	s4 =	sadd.s32 s30, s4;
	s19 =	sand.u32 $0xFFFFFFF0, s7  }
0x133: {  	s4 =	sshrl.u32 s4, $0x3;
	v2 =	vadd.f32 v10, v2;
	v24 =	vld [tilespmem:s19+$0x100]  }
0x134: {  	v17 =	vld [tilespmem:s1+$0x1A0];
	s18 =	smul.u32 $0x7D00, s4  }
0x135: {  	v21 =	vld [tilespmem:s1+$0x1B0];
	v12 =	vadd.f32 v12, v6;
	v2 =	vadd.f32 v8, v2  }
0x136: {  	v22 =	vld [tilespmem:s1+$0x1E0];
	v9 =	vadd.f32 v11, v9;
	s28 =	sadd.s32 s8, s18  }
0x137: {  	[tilespmem:$0x1FD00] =	vst v63;
	v23 =	vld [tilespmem:s1+$0x1F0];
	v1 =	vadd.f32 v1, v12;
	v2 =	vadd.f32 v5, v2;
	[tilespmem:s22], [sflag:$0x1] =	stream.strided.gather [hbm4b:s28+s20], $0x7D00, s21, s20, $0x38  }
0x138: {  	v4 =	vadd.f32 v13, v4;
	v8 =	vadd.f32 v14, v9;
	[tilespmem:$0x1FCF0] =	vst v24  }
0x139: {  	v5 =	vadd.f32 v7, v1;
	v0 =	vadd.f32 v0, v2;
	_ =	swait.ge [sflag:s25], $0x7D00  }
0x13a: {  	v4 =	vadd.f32 v16, v4;
	[sflag:s25] =	ssyncset.done $0x0  }
0x13b: {  	s1 =	simm.s32 $0x0;
	v7 =	vadd.f32 v17, v8;
	[tilespmem:$0x1FD10] =	vst v0;
	v0 =	vadd.f32 v3, v5;
	[sflag:s25] =	ssyncadd.s32 $0xFFFF8300  }
0x13c: {  	v6 =	vld [tilespmem:s1+$0x7EC0]  }
0x13d: {  	v4 =	vadd.f32 v21, v4;
	v10 =	vld [tilespmem:s1+$0x7ED0];
	[tilespmem:$0x1FD20] =	vst v0;
	v0 =	vadd.f32 v22, v7  }
0x13e: {  	v9 =	vld [tilespmem:s1+$0x7E80]  }
0x13f: {  	v11 =	vld [tilespmem:s1+$0x7E90];
	[tilespmem:$0x1FD30] =	vst v0;
	v0 =	vadd.f32 v23, v4  }
0x140: {  	v1 =	vld [tilespmem:s1+$0x7E40]  }
0x141: {  	v12 =	vld [tilespmem:s1+$0x7E50];
	[tilespmem:$0x1FD40] =	vst v0;
	v0 =	vimm.s32 $0x6  }
0x142: {  	v17 =	vld [tilespmem:s1+$0x7E00];
	v0 =	vperm.xlane v18, v0  }
0x143: {  	v13 =	vimm.f32 $0.0e+00;
	v22 =	vld [tilespmem:s1+$0x7E10]  }
0x144: {  	s6 =	smov.u32 s8;
	s4 =	simm.s32 $0x400;
	v14 =	vimm.f32 $0.0e+00;
	v16 =	vimm.f32 $0.0e+00;
	v21 =	vld [tilespmem:s1+$0x7E20];
	[tilespmem:$0x1FD50] =	vst v0;
	v0 =	vimm.f32 $0.0e+00  }
.LBB2_17:
0x145: {  	p0 =	sne.s32 s4, $0x1F000;
	v2 =	vld [tilespmem:s1+$0x7E30]  }
0x146: {  	v3 =	vld [tilespmem:s1+$0x7E60]  }
0x147: {  	v4 =	vld [tilespmem:s1+$0x7E70]  }
0x148: {  	v5 =	vld [tilespmem:s1+$0x7EA0]  }
0x149: {  	v0 =	vadd.f32 v17, v0;
	v7 =	vadd.f32 v22, v14;
	v8 =	vld [tilespmem:s1+$0x7EB0]  }
0x14a: {  	v14 =	vadd.f32 v21, v16;
	v2 =	vadd.f32 v2, v13;
	v13 =	vld [tilespmem:s1+$0x7EE0]  }
0x14b: {  	v0 =	vadd.f32 v1, v0;
	v1 =	vadd.f32 v12, v7;
	v7 =	vld [tilespmem:s1+$0x7EF0];
	s1 =	sshra.s32 s4, $0x2  }
0x14c: {  	v3 =	vadd.f32 v3, v14;
	v17 =	vld [tilespmem:s1+$0x7EC0];
	v2 =	vadd.f32 v4, v2  }
0x14d: {  	v0 =	vadd.f32 v9, v0;
	v1 =	vadd.f32 v11, v1;
	v4 =	vld [tilespmem:s1+$0x7ED0]  }
0x14e: {  	v3 =	vadd.f32 v5, v3;
	v9 =	vld [tilespmem:s1+$0x7E80];
	v2 =	vadd.f32 v8, v2  }
0x14f: {  	v0 =	vadd.f32 v6, v0;
	v14 =	vadd.f32 v10, v1;
	v11 =	vld [tilespmem:s1+$0x7E90]  }
.Ltmp7:
0x150: {  	v16 =	vadd.f32 v13, v3;
	v1 =	vld [tilespmem:s1+$0x7E40];
	v13 =	vadd.f32 v7, v2;
	(pc) =	sbr.rel @p0 .LBB2_17-.Ltmp7, $4  }
0x151: {  	v12 =	vld [tilespmem:s1+$0x7E50];
	v6 =	vmov v17  }
0x152: {  	v17 =	vld [tilespmem:s1+$0x7E00];
	v10 =	vmov v4  }
0x153: {  	v22 =	vld [tilespmem:s1+$0x7E10]  }
0x154: {  	s4 =	sadd.s32 $0x400, s4;
	v21 =	vld [tilespmem:s1+$0x7E20]  }
0x155: {  	(v2sf) =	vpush v19, $0x7;
	_ =	sdelay $0xc  }
0x156: {  	v2 =	vld [tilespmem:s1+$0x7E30]  }
0x157: {  	v3 =	vld [tilespmem:s1+$0x7E60]  }
0x158: {  	v4 =	vld [tilespmem:s1+$0x7E70];
	s8 =	spop (v2sf)  }
0x159: {  	v61 =	vld [tilespmem:$0x7E00];
	s19 =	sand.u32 $0xFFFFFFF0, s8  }
0x15a: {  	v8 =	vld [tilespmem:s19+$0x7E00]  }
0x15b: {  	v5 =	vld [tilespmem:s1+$0x7EA0]  }
0x15c: {  	v7 =	vld [tilespmem:s1+$0x7EB0]  }
0x15d: {  	v23 =	vld [tilespmem:s1+$0x7EE0];
	s28 =	sadd.s32 s18, s16  }
0x15e: {  	[tilespmem:$0x1FC90] =	vst v61;
	v24 =	vld [tilespmem:s1+$0x7EF0];
	[tilespmem:s23], [sflag:$0x2] =	stream.strided.gather [hbm4b:s28+s20], $0x7D00, s21, s20, $0x38  }
0x15f: {  	v17 =	vadd.f32 v17, v0;
	[tilespmem:$0x1FC80] =	vst v8  }
0x160: {  	v2 =	vadd.f32 v2, v13;
	_ =	swait.ge [sflag:s24], $0x7D00  }
0x161: {  	v14 =	vadd.f32 v22, v14;
	v1 =	vadd.f32 v1, v17;
	[sflag:s24] =	ssyncset.done $0x0  }
0x162: {  	s1 =	simm.s32 $0x0;
	v21 =	vadd.f32 v21, v16;
	v2 =	vadd.f32 v4, v2;
	[sflag:s24] =	ssyncadd.s32 $0xFFFF8300  }
0x163: {  	v12 =	vadd.f32 v12, v14;
	v62 =	vadd.f32 v9, v1;
	v0 =	vld [tilespmem:s1+$0x1C0]  }
0x164: {  	v3 =	vadd.f32 v3, v21;
	v2 =	vadd.f32 v7, v2;
	v16 =	vld [tilespmem:s1+$0x1D0]  }
0x165: {  	v11 =	vadd.f32 v11, v12;
	v4 =	vadd.f32 v6, v62;
	v17 =	vld [tilespmem:s1+$0x180]  }
0x166: {  	v3 =	vadd.f32 v5, v3;
	v2 =	vadd.f32 v24, v2;
	v21 =	vld [tilespmem:s1+$0x190]  }
0x167: {  	v63 =	vadd.f32 v10, v11;
	[tilespmem:$0x1FCA0] =	vst v4;
	v1 =	vld [tilespmem:s1+$0x140]  }
0x168: {  	v3 =	vadd.f32 v23, v3;
	[tilespmem:$0x1FCD0] =	vst v2;
	v2 =	vimm.s32 $0x7;
	v22 =	vld [tilespmem:s1+$0x150]  }
0x169: {  	[tilespmem:$0x1FCB0] =	vst v63;
	v2 =	vperm.xlane v18, v2;
	v27 =	vld [tilespmem:s1+$0x100]  }
0x16a: {  	v25 =	vimm.f32 $0.0e+00;
	[tilespmem:$0x1FCC0] =	vst v3;
	v29 =	vld [tilespmem:s1+$0x110]  }
0x16b: {  	s4 =	simm.s32 $0x400;
	v26 =	vimm.f32 $0.0e+00;
	v23 =	vimm.f32 $0.0e+00;
	v24 =	vimm.f32 $0.0e+00;
	v28 =	vld [tilespmem:s1+$0x120];
	[tilespmem:$0x1FCE0] =	vst v2  }
.LBB2_19:
0x16c: {  	p0 =	sne.s32 s4, $0x1F000;
	v2 =	vld [tilespmem:s1+$0x130]  }
0x16d: {  	v3 =	vld [tilespmem:s1+$0x160]  }
0x16e: {  	v4 =	vld [tilespmem:s1+$0x170]  }
0x16f: {  	v5 =	vld [tilespmem:s1+$0x1A0]  }
0x170: {  	v6 =	vadd.f32 v27, v23;
	v7 =	vadd.f32 v29, v25;
	v13 =	vld [tilespmem:s1+$0x1B0]  }
0x171: {  	v14 =	vadd.f32 v28, v26;
	v2 =	vadd.f32 v2, v24;
	v24 =	vld [tilespmem:s1+$0x1E0]  }
0x172: {  	v1 =	vadd.f32 v1, v6;
	v6 =	vadd.f32 v22, v7;
	v7 =	vld [tilespmem:s1+$0x1F0];
	s1 =	sshra.s32 s4, $0x2  }
0x173: {  	v3 =	vadd.f32 v3, v14;
	v27 =	vld [tilespmem:s1+$0x1C0];
	v2 =	vadd.f32 v4, v2  }
0x174: {  	v1 =	vadd.f32 v17, v1;
	v6 =	vadd.f32 v21, v6;
	v4 =	vld [tilespmem:s1+$0x1D0]  }
0x175: {  	v3 =	vadd.f32 v5, v3;
	v17 =	vld [tilespmem:s1+$0x180];
	v2 =	vadd.f32 v13, v2  }
0x176: {  	v23 =	vadd.f32 v0, v1;
	v25 =	vadd.f32 v16, v6;
	v21 =	vld [tilespmem:s1+$0x190]  }
.Ltmp8:
0x177: {  	v26 =	vadd.f32 v24, v3;
	v1 =	vld [tilespmem:s1+$0x140];
	v24 =	vadd.f32 v7, v2;
	(pc) =	sbr.rel @p0 .LBB2_19-.Ltmp8, $4  }
0x178: {  	v22 =	vld [tilespmem:s1+$0x150];
	v0 =	vmov v27  }
0x179: {  	v27 =	vld [tilespmem:s1+$0x100];
	v16 =	vmov v4  }
0x17a: {  	v29 =	vld [tilespmem:s1+$0x110]  }
0x17b: {  	s4 =	sadd.s32 $0x400, s4;
	v28 =	vld [tilespmem:s1+$0x120]  }
0x17c: {  	(v2sf) =	vpush v19, $0x8;
	_ =	sdelay $0x8  }
0x17d: {  	v2 =	vld [tilespmem:s1+$0x130]  }
0x17e: {  	v3 =	vld [tilespmem:s1+$0x160]  }
0x17f: {  	v4 =	vld [tilespmem:s1+$0x170]  }
0x180: {  	v5 =	vld [tilespmem:s1+$0x1A0]  }
0x181: {  	v6 =	vld [tilespmem:s1+$0x1B0]  }
0x182: {  	v7 =	vld [tilespmem:s1+$0x1E0]  }
0x183: {  	v31 =	vld [tilespmem:s1+$0x1F0];
	s17 =	spop (v2sf)  }
0x184: {  	v14 =	vld [tilespmem:$0x100];
	s28 =	sadd.s32 s18, s9;
	s19 =	sand.u32 $0xFFFFFFF0, s17  }
0x185: {  	v13 =	vld [tilespmem:s19+$0x100];
	[tilespmem:s22], [sflag:$0x1] =	stream.strided.gather [hbm4b:s28+s20], $0x7D00, s21, s20, $0x38  }
0x186: {  	_ =	swait.ge [sflag:s25], $0x7D00  }
0x187: {  	[sflag:s25] =	ssyncset.done $0x0  }
0x188: {  	s1 =	simm.s32 $0x0;
	v23 =	vadd.f32 v27, v23;
	[sflag:s25] =	ssyncadd.s32 $0xFFFF8300  }
0x189: {  	v27 =	vadd.f32 v29, v25;
	v25 =	vld [tilespmem:s1+$0x7EC0]  }
0x18a: {  	v26 =	vadd.f32 v28, v26;
	v1 =	vadd.f32 v1, v23;
	v28 =	vld [tilespmem:s1+$0x7ED0]  }
0x18b: {  	v2 =	vadd.f32 v2, v24;
	v22 =	vadd.f32 v22, v27;
	v27 =	vld [tilespmem:s1+$0x7E80]  }
0x18c: {  	v3 =	vadd.f32 v3, v26;
	v29 =	vld [tilespmem:s1+$0x7E90]  }
0x18d: {  	v32 =	vimm.f32 $0.0e+00;
	v63 =	vadd.f32 v17, v1;
	v2 =	vadd.f32 v4, v2;
	v1 =	vld [tilespmem:s1+$0x7E40]  }
0x18e: {  	v33 =	vimm.f32 $0.0e+00;
	v21 =	vadd.f32 v21, v22;
	v3 =	vadd.f32 v5, v3;
	v30 =	vld [tilespmem:s1+$0x7E50]  }
0x18f: {  	v17 =	vadd.f32 v0, v63;
	v0 =	vimm.s32 $0x8;
	v2 =	vadd.f32 v6, v2;
	v34 =	vld [tilespmem:s1+$0x7E00]  }
0x190: {  	v22 =	vadd.f32 v16, v21;
	v16 =	vperm.xlane v18, v0;
	v0 =	vimm.f32 $0.0e+00;
	v36 =	vld [tilespmem:s1+$0x7E10]  }
0x191: {  	s4 =	simm.s32 $0x400;
	v21 =	vadd.f32 v7, v3;
	v23 =	vadd.f32 v31, v2;
	v31 =	vimm.f32 $0.0e+00;
	v35 =	vld [tilespmem:s1+$0x7E20]  }
.LBB2_21:
0x192: {  	p0 =	sne.s32 s4, $0x1F000;
	v2 =	vld [tilespmem:s1+$0x7E30]  }
0x193: {  	v3 =	vld [tilespmem:s1+$0x7E60]  }
0x194: {  	v4 =	vld [tilespmem:s1+$0x7E70]  }
0x195: {  	v5 =	vld [tilespmem:s1+$0x7EA0]  }
0x196: {  	v0 =	vadd.f32 v34, v0;
	v6 =	vadd.f32 v36, v32;
	v7 =	vld [tilespmem:s1+$0x7EB0]  }
0x197: {  	v24 =	vadd.f32 v35, v33;
	v2 =	vadd.f32 v2, v31;
	v26 =	vld [tilespmem:s1+$0x7EE0]  }
0x198: {  	v0 =	vadd.f32 v1, v0;
	v1 =	vadd.f32 v30, v6;
	v6 =	vld [tilespmem:s1+$0x7EF0];
	s1 =	sshra.s32 s4, $0x2  }
0x199: {  	v3 =	vadd.f32 v3, v24;
	v34 =	vld [tilespmem:s1+$0x7EC0];
	v2 =	vadd.f32 v4, v2  }
0x19a: {  	v0 =	vadd.f32 v27, v0;
	v1 =	vadd.f32 v29, v1;
	v4 =	vld [tilespmem:s1+$0x7ED0]  }
0x19b: {  	v3 =	vadd.f32 v5, v3;
	v27 =	vld [tilespmem:s1+$0x7E80];
	v2 =	vadd.f32 v7, v2  }
0x19c: {  	v0 =	vadd.f32 v25, v0;
	v32 =	vadd.f32 v28, v1;
	v29 =	vld [tilespmem:s1+$0x7E90]  }
.Ltmp9:
0x19d: {  	v33 =	vadd.f32 v26, v3;
	v1 =	vld [tilespmem:s1+$0x7E40];
	v31 =	vadd.f32 v6, v2;
	(pc) =	sbr.rel @p0 .LBB2_21-.Ltmp9, $4  }
0x19e: {  	v30 =	vld [tilespmem:s1+$0x7E50];
	v25 =	vmov v34  }
0x19f: {  	v34 =	vld [tilespmem:s1+$0x7E00];
	v28 =	vmov v4  }
0x1a0: {  	v36 =	vld [tilespmem:s1+$0x7E10]  }
0x1a1: {  	s4 =	sadd.s32 $0x400, s4;
	v35 =	vld [tilespmem:s1+$0x7E20]  }
0x1a2: {  	(v2sf) =	vpush v19, $0x9;
	_ =	sdelay $0x8  }
0x1a3: {  	v2 =	vld [tilespmem:s1+$0x7E30]  }
0x1a4: {  	v3 =	vld [tilespmem:s1+$0x7E60]  }
0x1a5: {  	v4 =	vld [tilespmem:s1+$0x7E70]  }
0x1a6: {  	v5 =	vld [tilespmem:s1+$0x7EA0]  }
0x1a7: {  	v6 =	vld [tilespmem:s1+$0x7EB0]  }
0x1a8: {  	v7 =	vld [tilespmem:s1+$0x7EE0]  }
0x1a9: {  	v37 =	vld [tilespmem:s1+$0x7EF0];
	s19 =	spop (v2sf)  }
0x1aa: {  	v26 =	vld [tilespmem:$0x7E00];
	s28 =	sadd.s32 s18, s10;
	s15 =	sand.u32 $0xFFFFFFF0, s19  }
0x1ab: {  	v24 =	vld [tilespmem:s15+$0x7E00];
	[tilespmem:s23], [sflag:$0x2] =	stream.strided.gather [hbm4b:s28+s20], $0x7D00, s21, s20, $0x38  }
0x1ac: {  	_ =	swait.ge [sflag:s24], $0x7D00  }
0x1ad: {  	[sflag:s24] =	ssyncset.done $0x0  }
0x1ae: {  	s1 =	simm.s32 $0x0;
	[sflag:s24] =	ssyncadd.s32 $0xFFFF8300  }
0x1af: {  	v34 =	vadd.f32 v34, v0;
	v0 =	vld [tilespmem:s1+$0x1C0]  }
0x1b0: {  	v36 =	vadd.f32 v36, v32;
	v2 =	vadd.f32 v2, v31;
	v32 =	vld [tilespmem:s1+$0x1D0]  }
0x1b1: {  	v33 =	vadd.f32 v35, v33;
	v1 =	vadd.f32 v1, v34;
	v34 =	vld [tilespmem:s1+$0x180]  }
0x1b2: {  	v30 =	vadd.f32 v30, v36;
	v2 =	vadd.f32 v4, v2;
	v35 =	vld [tilespmem:s1+$0x190]  }
0x1b3: {  	v38 =	vimm.f32 $0.0e+00;
	v3 =	vadd.f32 v3, v33;
	v63 =	vadd.f32 v27, v1;
	v1 =	vld [tilespmem:s1+$0x140]  }
0x1b4: {  	v40 =	vimm.f32 $0.0e+00;
	v29 =	vadd.f32 v29, v30;
	v2 =	vadd.f32 v6, v2;
	v36 =	vld [tilespmem:s1+$0x150]  }
0x1b5: {  	v39 =	vimm.f32 $0.0e+00;
	v3 =	vadd.f32 v5, v3;
	v27 =	vadd.f32 v25, v63;
	v41 =	vld [tilespmem:s1+$0x100]  }
0x1b6: {  	v28 =	vadd.f32 v28, v29;
	v30 =	vadd.f32 v37, v2;
	v2 =	vimm.s32 $0x9;
	v43 =	vld [tilespmem:s1+$0x110]  }
0x1b7: {  	s11 =	smov.u32 s10;
	s4 =	simm.s32 $0x400;
	v29 =	vadd.f32 v7, v3;
	v37 =	vimm.f32 $0.0e+00;
	v25 =	vperm.xlane v18, v2;
	v42 =	vld [tilespmem:s1+$0x120]  }
.LBB2_23:
0x1b8: {  	p0 =	sne.s32 s4, $0x1F000;
	v2 =	vld [tilespmem:s1+$0x130]  }
0x1b9: {  	v3 =	vld [tilespmem:s1+$0x160]  }
0x1ba: {  	v4 =	vld [tilespmem:s1+$0x170]  }
0x1bb: {  	v5 =	vld [tilespmem:s1+$0x1A0]  }
0x1bc: {  	v6 =	vadd.f32 v41, v37;
	v7 =	vadd.f32 v43, v38;
	v31 =	vld [tilespmem:s1+$0x1B0]  }
0x1bd: {  	v33 =	vadd.f32 v42, v40;
	v2 =	vadd.f32 v2, v39;
	v39 =	vld [tilespmem:s1+$0x1E0]  }
0x1be: {  	v1 =	vadd.f32 v1, v6;
	v6 =	vadd.f32 v36, v7;
	v7 =	vld [tilespmem:s1+$0x1F0];
	s1 =	sshra.s32 s4, $0x2  }
0x1bf: {  	v3 =	vadd.f32 v3, v33;
	v41 =	vld [tilespmem:s1+$0x1C0];
	v2 =	vadd.f32 v4, v2  }
0x1c0: {  	v1 =	vadd.f32 v34, v1;
	v6 =	vadd.f32 v35, v6;
	v4 =	vld [tilespmem:s1+$0x1D0]  }
0x1c1: {  	v3 =	vadd.f32 v5, v3;
	v34 =	vld [tilespmem:s1+$0x180];
	v2 =	vadd.f32 v31, v2  }
0x1c2: {  	v37 =	vadd.f32 v0, v1;
	v38 =	vadd.f32 v32, v6;
	v35 =	vld [tilespmem:s1+$0x190]  }
.Ltmp10:
0x1c3: {  	v40 =	vadd.f32 v39, v3;
	v1 =	vld [tilespmem:s1+$0x140];
	v39 =	vadd.f32 v7, v2;
	(pc) =	sbr.rel @p0 .LBB2_23-.Ltmp10, $4  }
0x1c4: {  	v36 =	vld [tilespmem:s1+$0x150];
	v0 =	vmov v41  }
0x1c5: {  	v41 =	vld [tilespmem:s1+$0x100];
	v32 =	vmov v4  }
0x1c6: {  	v43 =	vld [tilespmem:s1+$0x110]  }
0x1c7: {  	s4 =	sadd.s32 $0x400, s4;
	v42 =	vld [tilespmem:s1+$0x120]  }
0x1c8: {  	(v2sf) =	vpush v19, $0xA;
	_ =	sdelay $0x8  }
0x1c9: {  	v2 =	vld [tilespmem:s1+$0x130]  }
0x1ca: {  	v3 =	vld [tilespmem:s1+$0x160]  }
0x1cb: {  	v4 =	vld [tilespmem:s1+$0x170]  }
0x1cc: {  	v5 =	vld [tilespmem:s1+$0x1A0]  }
0x1cd: {  	v6 =	vld [tilespmem:s1+$0x1B0]  }
0x1ce: {  	v7 =	vld [tilespmem:s1+$0x1E0]  }
0x1cf: {  	v45 =	vld [tilespmem:s1+$0x1F0];
	s15 =	rddreg [dreg:$0x8];
	s28 =	spop (v2sf)  }
0x1d0: {  	s10 =	smov.u32 s9;
	v33 =	vld [tilespmem:$0x100];
	s1 =	sadd.s32 s18, s15;
	s9 =	sand.u32 $0xFFFFFFF0, s28  }
0x1d1: {  	v31 =	vld [tilespmem:s9+$0x100];
	[tilespmem:s22], [sflag:$0x1] =	stream.strided.gather [hbm4b:s1+s20], $0x7D00, s21, s20, $0x38  }
0x1d2: {  	_ =	swait.ge [sflag:s25], $0x7D00  }
0x1d3: {  	[sflag:s25] =	ssyncset.done $0x0  }
0x1d4: {  	s4 =	simm.s32 $0x0;
	[sflag:s25] =	ssyncadd.s32 $0xFFFF8300  }
0x1d5: {  	v37 =	vadd.f32 v41, v37;
	v61 =	vadd.f32 v43, v38;
	v38 =	vld [tilespmem:s4+$0x7EC0]  }
0x1d6: {  	v40 =	vadd.f32 v42, v40;
	v42 =	vld [tilespmem:s4+$0x7ED0]  }
0x1d7: {  	v1 =	vadd.f32 v1, v37;
	v2 =	vadd.f32 v2, v39;
	v41 =	vld [tilespmem:s4+$0x7E80]  }
0x1d8: {  	v36 =	vadd.f32 v36, v61;
	v3 =	vadd.f32 v3, v40;
	v43 =	vld [tilespmem:s4+$0x7E90]  }
0x1d9: {  	v46 =	vimm.f32 $0.0e+00;
	v62 =	vadd.f32 v34, v1;
	v2 =	vadd.f32 v4, v2;
	v1 =	vld [tilespmem:s4+$0x7E40]  }
0x1da: {  	v47 =	vimm.f32 $0.0e+00;
	v63 =	vadd.f32 v35, v36;
	v3 =	vadd.f32 v5, v3;
	v44 =	vld [tilespmem:s4+$0x7E50]  }
0x1db: {  	v35 =	vadd.f32 v0, v62;
	v0 =	vimm.s32 $0xA;
	v2 =	vadd.f32 v6, v2;
	v48 =	vld [tilespmem:s4+$0x7E00]  }
0x1dc: {  	v37 =	vadd.f32 v32, v63;
	v32 =	vperm.xlane v18, v0;
	v0 =	vimm.f32 $0.0e+00;
	v50 =	vld [tilespmem:s4+$0x7E10]  }
0x1dd: {  	v34 =	vadd.f32 v7, v3;
	v36 =	vadd.f32 v45, v2;
	v45 =	vimm.f32 $0.0e+00;
	s1 =	simm.s32 $0x400;
	v49 =	vld [tilespmem:s4+$0x7E20]  }
.LBB2_25:
0x1de: {  	p0 =	sne.s32 s1, $0x1F000;
	v2 =	vld [tilespmem:s4+$0x7E30]  }
0x1df: {  	v3 =	vld [tilespmem:s4+$0x7E60]  }
0x1e0: {  	v4 =	vld [tilespmem:s4+$0x7E70]  }
0x1e1: {  	v5 =	vld [tilespmem:s4+$0x7EA0]  }
0x1e2: {  	v0 =	vadd.f32 v48, v0;
	v6 =	vadd.f32 v50, v46;
	v7 =	vld [tilespmem:s4+$0x7EB0]  }
0x1e3: {  	v39 =	vadd.f32 v49, v47;
	v2 =	vadd.f32 v2, v45;
	v40 =	vld [tilespmem:s4+$0x7EE0]  }
0x1e4: {  	v0 =	vadd.f32 v1, v0;
	v1 =	vadd.f32 v44, v6;
	v6 =	vld [tilespmem:s4+$0x7EF0];
	s4 =	sshra.s32 s1, $0x2  }
0x1e5: {  	v3 =	vadd.f32 v3, v39;
	v48 =	vld [tilespmem:s4+$0x7EC0];
	v2 =	vadd.f32 v4, v2  }
0x1e6: {  	v0 =	vadd.f32 v41, v0;
	v1 =	vadd.f32 v43, v1;
	v4 =	vld [tilespmem:s4+$0x7ED0]  }
0x1e7: {  	v3 =	vadd.f32 v5, v3;
	v41 =	vld [tilespmem:s4+$0x7E80];
	v2 =	vadd.f32 v7, v2  }
0x1e8: {  	v0 =	vadd.f32 v38, v0;
	v46 =	vadd.f32 v42, v1;
	v43 =	vld [tilespmem:s4+$0x7E90]  }
.Ltmp11:
0x1e9: {  	v47 =	vadd.f32 v40, v3;
	v1 =	vld [tilespmem:s4+$0x7E40];
	v45 =	vadd.f32 v6, v2;
	(pc) =	sbr.rel @p0 .LBB2_25-.Ltmp11, $4  }
0x1ea: {  	v44 =	vld [tilespmem:s4+$0x7E50];
	v38 =	vmov v48  }
0x1eb: {  	v48 =	vld [tilespmem:s4+$0x7E00];
	v42 =	vmov v4  }
0x1ec: {  	v50 =	vld [tilespmem:s4+$0x7E10]  }
0x1ed: {  	s1 =	sadd.s32 $0x400, s1;
	v49 =	vld [tilespmem:s4+$0x7E20]  }
0x1ee: {  	(v2sf) =	vpush v19, $0xB;
	_ =	sdelay $0x8  }
0x1ef: {  	v2 =	vld [tilespmem:s4+$0x7E30]  }
0x1f0: {  	v3 =	vld [tilespmem:s4+$0x7E60]  }
0x1f1: {  	v4 =	vld [tilespmem:s4+$0x7E70]  }
0x1f2: {  	v5 =	vld [tilespmem:s4+$0x7EA0]  }
0x1f3: {  	v6 =	vld [tilespmem:s4+$0x7EB0]  }
0x1f4: {  	v7 =	vld [tilespmem:s4+$0x7EE0]  }
0x1f5: {  	v51 =	vld [tilespmem:s4+$0x7EF0];
	s1 =	spop (v2sf)  }
0x1f6: {  	s9 =	smov.u32 s16;
	v40 =	vld [tilespmem:$0x7E00];
	s16 =	sadd.s32 s18, s12;
	s15 =	sand.u32 $0xFFFFFFF0, s1  }
0x1f7: {  	v39 =	vld [tilespmem:s15+$0x7E00];
	[tilespmem:s23], [sflag:$0x2] =	stream.strided.gather [hbm4b:s16+s20], $0x7D00, s21, s20, $0x38  }
0x1f8: {  	_ =	swait.ge [sflag:s24], $0x7D00  }
0x1f9: {  	[sflag:s24] =	ssyncset.done $0x0  }
0x1fa: {  	s15 =	simm.s32 $0x0;
	[sflag:s24] =	ssyncadd.s32 $0xFFFF8300  }
0x1fb: {  	v48 =	vadd.f32 v48, v0;
	v0 =	vld [tilespmem:s15+$0x1C0]  }
0x1fc: {  	v46 =	vadd.f32 v50, v46;
	v2 =	vadd.f32 v2, v45;
	v45 =	vld [tilespmem:s15+$0x1D0]  }
0x1fd: {  	v47 =	vadd.f32 v49, v47;
	v1 =	vadd.f32 v1, v48;
	v48 =	vld [tilespmem:s15+$0x180]  }
0x1fe: {  	v44 =	vadd.f32 v44, v46;
	v2 =	vadd.f32 v4, v2;
	v49 =	vld [tilespmem:s15+$0x190]  }
0x1ff: {  	v52 =	vimm.f32 $0.0e+00;
	v3 =	vadd.f32 v3, v47;
	v63 =	vadd.f32 v41, v1;
	v1 =	vld [tilespmem:s15+$0x140]  }
0x200: {  	v54 =	vimm.f32 $0.0e+00;
	v43 =	vadd.f32 v43, v44;
	v2 =	vadd.f32 v6, v2;
	v50 =	vld [tilespmem:s15+$0x150]  }
0x201: {  	v53 =	vimm.f32 $0.0e+00;
	v3 =	vadd.f32 v5, v3;
	v41 =	vadd.f32 v38, v63;
	v55 =	vld [tilespmem:s15+$0x100]  }
0x202: {  	v43 =	vadd.f32 v42, v43;
	v44 =	vadd.f32 v51, v2;
	v2 =	vimm.s32 $0xB;
	v57 =	vld [tilespmem:s15+$0x110]  }
0x203: {  	s4 =	simm.s32 $0x400;
	v42 =	vadd.f32 v7, v3;
	v51 =	vimm.f32 $0.0e+00;
	v38 =	vperm.xlane v18, v2;
	v56 =	vld [tilespmem:s15+$0x120]  }
.LBB2_27:
0x204: {  	p0 =	sne.s32 s4, $0x1F000;
	v2 =	vld [tilespmem:s15+$0x130]  }
0x205: {  	v3 =	vld [tilespmem:s15+$0x160]  }
0x206: {  	v4 =	vld [tilespmem:s15+$0x170]  }
0x207: {  	v5 =	vld [tilespmem:s15+$0x1A0]  }
0x208: {  	v6 =	vadd.f32 v55, v51;
	v7 =	vadd.f32 v57, v52;
	v46 =	vld [tilespmem:s15+$0x1B0]  }
0x209: {  	v47 =	vadd.f32 v56, v54;
	v2 =	vadd.f32 v2, v53;
	v53 =	vld [tilespmem:s15+$0x1E0]  }
0x20a: {  	v1 =	vadd.f32 v1, v6;
	v6 =	vadd.f32 v50, v7;
	v7 =	vld [tilespmem:s15+$0x1F0];
	s15 =	sshra.s32 s4, $0x2  }
0x20b: {  	v3 =	vadd.f32 v3, v47;
	v55 =	vld [tilespmem:s15+$0x1C0];
	v2 =	vadd.f32 v4, v2  }
0x20c: {  	v1 =	vadd.f32 v48, v1;
	v6 =	vadd.f32 v49, v6;
	v4 =	vld [tilespmem:s15+$0x1D0]  }
0x20d: {  	v3 =	vadd.f32 v5, v3;
	v48 =	vld [tilespmem:s15+$0x180];
	v2 =	vadd.f32 v46, v2  }
0x20e: {  	v51 =	vadd.f32 v0, v1;
	v52 =	vadd.f32 v45, v6;
	v49 =	vld [tilespmem:s15+$0x190]  }
.Ltmp12:
0x20f: {  	v54 =	vadd.f32 v53, v3;
	v1 =	vld [tilespmem:s15+$0x140];
	v53 =	vadd.f32 v7, v2;
	(pc) =	sbr.rel @p0 .LBB2_27-.Ltmp12, $4  }
0x210: {  	v50 =	vld [tilespmem:s15+$0x150];
	v0 =	vmov v55  }
0x211: {  	v55 =	vld [tilespmem:s15+$0x100];
	v45 =	vmov v4  }
0x212: {  	v57 =	vld [tilespmem:s15+$0x110]  }
0x213: {  	s4 =	sadd.s32 $0x400, s4;
	v56 =	vld [tilespmem:s15+$0x120]  }
0x214: {  	(v2sf) =	vpush v19, $0xC;
	_ =	sdelay $0x9  }
0x215: {  	v2 =	vld [tilespmem:s15+$0x130]  }
0x216: {  	v3 =	vld [tilespmem:s15+$0x160]  }
0x217: {  	v4 =	vld [tilespmem:s15+$0x170]  }
0x218: {  	v5 =	vld [tilespmem:s15+$0x1A0]  }
0x219: {  	v6 =	vld [tilespmem:s15+$0x1B0]  }
0x21a: {  	v7 =	vld [tilespmem:s15+$0x1E0];
	s4 =	spop (v2sf)  }
0x21b: {  	v59 =	vld [tilespmem:s15+$0x1F0];
	s16 =	sand.u32 $0xFFFFFFF0, s4  }
0x21c: {  	v46 =	vld [tilespmem:s16+$0x100];
	s16 =	sadd.s32 s18, s13  }
0x21d: {  	v47 =	vld [tilespmem:$0x100];
	[tilespmem:s22], [sflag:$0x1] =	stream.strided.gather [hbm4b:s16+s20], $0x7D00, s21, s20, $0x38  }
0x21e: {  	_ =	swait.ge [sflag:s25], $0x7D00  }
0x21f: {  	[sflag:s25] =	ssyncset.done $0x0  }
0x220: {  	v51 =	vadd.f32 v55, v51;
	s16 =	simm.s32 $0x0;
	[sflag:s25] =	ssyncadd.s32 $0xFFFF8300  }
0x221: {  	v62 =	vadd.f32 v57, v52;
	v2 =	vadd.f32 v2, v53;
	v52 =	vld [tilespmem:s16+$0x7EC0]  }
0x222: {  	v54 =	vadd.f32 v56, v54;
	v1 =	vadd.f32 v1, v51;
	v56 =	vld [tilespmem:s16+$0x7ED0]  }
0x223: {  	v2 =	vadd.f32 v4, v2;
	v57 =	vld [tilespmem:s16+$0x7E80]  }
0x224: {  	v50 =	vadd.f32 v50, v62;
	v63 =	vadd.f32 v48, v1;
	v58 =	vld [tilespmem:s16+$0x7E90]  }
0x225: {  	v3 =	vadd.f32 v3, v54;
	v2 =	vadd.f32 v6, v2;
	v1 =	vld [tilespmem:s16+$0x7E40]  }
0x226: {  	v60 =	vimm.f32 $0.0e+00;
	v49 =	vadd.f32 v49, v50;
	v48 =	vadd.f32 v0, v63;
	v0 =	vld [tilespmem:s16+$0x7E50]  }
0x227: {  	v3 =	vadd.f32 v5, v3;
	v51 =	vadd.f32 v59, v2;
	v2 =	vimm.s32 $0xC;
	v62 =	vld [tilespmem:s16+$0x7E00]  }
0x228: {  	v61 =	vimm.f32 $0.0e+00;
	v50 =	vadd.f32 v45, v49;
	v45 =	vperm.xlane v18, v2;
	v2 =	vld [tilespmem:s16+$0x7E10]  }
0x229: {  	s15 =	simm.s32 $0x400;
	v55 =	vimm.f32 $0.0e+00;
	v49 =	vadd.f32 v7, v3;
	v59 =	vimm.f32 $0.0e+00;
	v63 =	vld [tilespmem:s16+$0x7E20]  }
.LBB2_29:
0x22a: {  	p0 =	sne.s32 s15, $0x1F000;
	v3 =	vld [tilespmem:s16+$0x7E30]  }
0x22b: {  	v4 =	vld [tilespmem:s16+$0x7E60]  }
0x22c: {  	v5 =	vld [tilespmem:s16+$0x7E70]  }
0x22d: {  	v6 =	vld [tilespmem:s16+$0x7EA0]  }
0x22e: {  	v7 =	vadd.f32 v62, v55;
	v2 =	vadd.f32 v2, v60;
	v53 =	vld [tilespmem:s16+$0x7EB0]  }
0x22f: {  	v54 =	vadd.f32 v63, v61;
	v3 =	vadd.f32 v3, v59;
	v59 =	vld [tilespmem:s16+$0x7EE0]  }
0x230: {  	v1 =	vadd.f32 v1, v7;
	v0 =	vadd.f32 v0, v2;
	v2 =	vld [tilespmem:s16+$0x7EF0];
	s16 =	sshra.s32 s15, $0x2  }
0x231: {  	v4 =	vadd.f32 v4, v54;
	v7 =	vld [tilespmem:s16+$0x7EC0];
	v3 =	vadd.f32 v5, v3  }
0x232: {  	v1 =	vadd.f32 v57, v1;
	v0 =	vadd.f32 v58, v0;
	v5 =	vld [tilespmem:s16+$0x7ED0]  }
0x233: {  	v4 =	vadd.f32 v6, v4;
	v57 =	vld [tilespmem:s16+$0x7E80];
	v3 =	vadd.f32 v53, v3  }
0x234: {  	v55 =	vadd.f32 v52, v1;
	v60 =	vadd.f32 v56, v0;
	v58 =	vld [tilespmem:s16+$0x7E90]  }
.Ltmp13:
0x235: {  	v61 =	vadd.f32 v59, v4;
	v1 =	vld [tilespmem:s16+$0x7E40];
	v59 =	vadd.f32 v2, v3;
	(pc) =	sbr.rel @p0 .LBB2_29-.Ltmp13, $4  }
0x236: {  	v0 =	vld [tilespmem:s16+$0x7E50];
	v52 =	vmov v7  }
0x237: {  	v62 =	vld [tilespmem:s16+$0x7E00];
	v56 =	vmov v5  }
0x238: {  	v2 =	vld [tilespmem:s16+$0x7E10]  }
0x239: {  	s15 =	sadd.s32 $0x400, s15;
	v63 =	vld [tilespmem:s16+$0x7E20]  }
0x23a: {  	(v2sf) =	vpush v19, $0xD;
	_ =	sdelay $0x8  }
0x23b: {  	v3 =	vld [tilespmem:s16+$0x7E30]  }
0x23c: {  	v4 =	vld [tilespmem:s16+$0x7E60]  }
0x23d: {  	v5 =	vld [tilespmem:s16+$0x7E70]  }
0x23e: {  	v6 =	vld [tilespmem:s16+$0x7EA0]  }
0x23f: {  	v7 =	vld [tilespmem:s16+$0x7EB0]  }
0x240: {  	v8 =	vld [tilespmem:s16+$0x7EE0]  }
0x241: {  	v9 =	vld [tilespmem:s16+$0x7EF0];
	s15 =	spop (v2sf)  }
0x242: {  	v54 =	vld [tilespmem:$0x7E00];
	s18 =	sadd.s32 s18, s14;
	s16 =	sand.u32 $0xFFFFFFF0, s15  }
0x243: {  	v53 =	vld [tilespmem:s16+$0x7E00];
	[tilespmem:s23], [sflag:$0x2] =	stream.strided.gather [hbm4b:s18+s20], $0x7D00, s21, s20, $0x38  }
0x244: {  	_ =	swait.ge [sflag:s24], $0x7D00  }
0x245: {  	[sflag:s24] =	ssyncset.done $0x0  }
0x246: {  	v55 =	vadd.f32 v62, v55;
	s18 =	simm.s32 $0x0;
	[sflag:s24] =	ssyncadd.s32 $0xFFFF8300  }
0x247: {  	v2 =	vadd.f32 v2, v60;
	v61 =	vadd.f32 v63, v61;
	v60 =	vld [tilespmem:s18+$0x1C0]  }
0x248: {  	v1 =	vadd.f32 v1, v55;
	v3 =	vadd.f32 v3, v59;
	v55 =	vld [tilespmem:s18+$0x1D0]  }
0x249: {  	v0 =	vadd.f32 v0, v2;
	v2 =	vadd.f32 v4, v61;
	v61 =	vld [tilespmem:s18+$0x180]  }
0x24a: {  	v4 =	vadd.f32 v57, v1;
	v62 =	vld [tilespmem:s18+$0x190]  }
0x24b: {  	v3 =	vadd.f32 v5, v3;
	v0 =	vadd.f32 v58, v0;
	v1 =	vld [tilespmem:s18+$0x140]  }
0x24c: {  	v2 =	vadd.f32 v6, v2;
	v58 =	vadd.f32 v52, v4;
	v4 =	vimm.f32 $0.0e+00;
	v63 =	vld [tilespmem:s18+$0x150]  }
0x24d: {  	v3 =	vadd.f32 v7, v3;
	v59 =	vadd.f32 v56, v0;
	v0 =	vimm.s32 $0xD;
	v6 =	vld [tilespmem:s18+$0x100]  }
0x24e: {  	v56 =	vadd.f32 v8, v2;
	v52 =	vperm.xlane v18, v0;
	v2 =	vimm.f32 $0.0e+00;
	v7 =	vld [tilespmem:s18+$0x110]  }
0x24f: {  	v0 =	vimm.f32 $0.0e+00;
	v57 =	vadd.f32 v9, v3;
	v3 =	vimm.f32 $0.0e+00;
	s16 =	simm.s32 $0x400;
	v5 =	vld [tilespmem:s18+$0x120]  }
.LBB2_31:
0x250: {  	p0 =	sne.s32 s16, $0x1F000;
	v8 =	vld [tilespmem:s18+$0x130]  }
0x251: {  	v9 =	vld [tilespmem:s18+$0x160]  }
0x252: {  	v10 =	vld [tilespmem:s18+$0x170]  }
0x253: {  	v11 =	vld [tilespmem:s18+$0x1A0]  }
0x254: {  	v3 =	vadd.f32 v6, v3;
	v4 =	vadd.f32 v7, v4;
	v6 =	vld [tilespmem:s18+$0x1B0]  }
0x255: {  	v2 =	vadd.f32 v5, v2;
	v0 =	vadd.f32 v8, v0;
	v5 =	vld [tilespmem:s18+$0x1E0]  }
0x256: {  	v1 =	vadd.f32 v1, v3;
	v3 =	vadd.f32 v63, v4;
	v7 =	vld [tilespmem:s18+$0x1F0];
	s18 =	sshra.s32 s16, $0x2  }
0x257: {  	v2 =	vadd.f32 v9, v2;
	v8 =	vld [tilespmem:s18+$0x1C0];
	v0 =	vadd.f32 v10, v0  }
0x258: {  	v1 =	vadd.f32 v61, v1;
	v4 =	vadd.f32 v62, v3;
	v9 =	vld [tilespmem:s18+$0x1D0]  }
0x259: {  	v2 =	vadd.f32 v11, v2;
	v61 =	vld [tilespmem:s18+$0x180];
	v0 =	vadd.f32 v6, v0  }
0x25a: {  	v3 =	vadd.f32 v60, v1;
	v4 =	vadd.f32 v55, v4;
	v62 =	vld [tilespmem:s18+$0x190]  }
.Ltmp14:
0x25b: {  	v2 =	vadd.f32 v5, v2;
	v1 =	vld [tilespmem:s18+$0x140];
	v0 =	vadd.f32 v7, v0;
	(pc) =	sbr.rel @p0 .LBB2_31-.Ltmp14, $4  }
0x25c: {  	v63 =	vld [tilespmem:s18+$0x150];
	v60 =	vmov v8  }
0x25d: {  	v6 =	vld [tilespmem:s18+$0x100];
	v55 =	vmov v9  }
0x25e: {  	v7 =	vld [tilespmem:s18+$0x110]  }
0x25f: {  	s16 =	sadd.s32 $0x400, s16;
	v5 =	vld [tilespmem:s18+$0x120]  }
0x260: {  	v8 =	vld [tilespmem:$0x1FFB0]  }
0x261: {  	v9 =	vld [tilespmem:$0x1FFC0];
	_ =	sdelay $0x3  }
0x262: {  	v10 =	vld [tilespmem:$0x1FFE0]  }
0x263: {  	v8 =	vadd.f32 v9, v8;
	v9 =	vld [tilespmem:$0x1FFD0];
	_ =	sdelay $0x2  }
0x264: {  	v3 =	vadd.f32 v6, v3;
	v6 =	vld [tilespmem:$0x1FFA0];
	_ =	sdelay $0x1  }
0x265: {  	v9 =	vadd.f32 v10, v9;
	v10 =	vld [tilespmem:$0x1FF90];
	_ =	sdelay $0x2  }
0x266: {  	v6 =	vmul.f32 $3.125195240e-06, v6  }
0x267: {  	s16 =	sand.u32 $0xF, s31  }
0x268: {  	v11 =	vmov s16;
	v6 =	vadd.f32 $-1.362425800e+00, v6;
	v10 =	vmul.f32 $-8.999968760e-01, v10  }
0x269: {  	vm0 =	vmmov $0x1;
	vm1 =	veq.s32 v11, v15;
	v2 =	vadd.f32 v5, v2  }
0x26a: {  	v6 =	vnsel vm0, $0x0, v6;
	v5 =	vadd.f32 v9, v8;
	v9 =	vld [tilespmem:$0x1FF50];
	v8 =	vnsel vm1, $0x0, v10  }
0x26b: {  	v6 =	vadd.f32 v6, v8;
	v8 =	vld [tilespmem:$0x1FF40];
	_ =	sdelay $0x3  }
0x26c: {  	v10 =	vld [tilespmem:$0x1FF70]  }
0x26d: {  	v8 =	vadd.f32 v9, v8;
	v9 =	vld [tilespmem:$0x1FF60];
	_ =	sdelay $0x4  }
0x26e: {  	v4 =	vadd.f32 v7, v4;
	v7 =	vld [tilespmem:s18+$0x130];
	v5 =	vmul.f32 $3.125195240e-06, v5;
	v9 =	vadd.f32 v10, v9  }
0x26f: {  	v1 =	vadd.f32 v1, v3  }
0x270: {  	v3 =	vsub.f32 v6, v5;
	v5 =	vadd.f32 v9, v8;
	v8 =	vld [tilespmem:$0x1FFF0];
	_ =	sdelay $0x1  }
0x271: {  	v10 =	vld [tilespmem:$0x1FF20]  }
0x272: {  	v0 =	vadd.f32 v7, v0;
	v7 =	vld [tilespmem:$0x1FF30]  }
0x273: {  	v9 =	vld [tilespmem:$0x1FEE0]  }
0x274: {  	v3 =	vmul.f32 v3, v8;
	v8 =	vld [tilespmem:$0x1FED0]  }
0x275: {  	s2 =	sand.u32 $0xF, s2  }
0x276: {  	v11 =	vmov s2;
	v10 =	vmul.f32 $-8.999968760e-01, v10  }
0x277: {  	vm1 =	veq.s32 v11, v15  }
0x278: {  	v6 =	vnsel vm1, $0x0, v10;
	v10 =	vld [tilespmem:$0x1FF00]  }
0x279: {  	v7 =	vmul.f32 $3.125195240e-06, v7;
	v8 =	vadd.f32 v9, v8;
	v9 =	vld [tilespmem:$0x1FEF0];
	_ =	sdelay $0x1  }
0x27a: {  	v7 =	vadd.f32 $-1.362425800e+00, v7;
	_ =	sdelay $0x1  }
0x27b: {  	v7 =	vnsel vm0, $0x0, v7  }
0x27c: {  	v5 =	vmul.f32 $3.125195240e-06, v5;
	v6 =	vadd.f32 v7, v6;
	v9 =	vadd.f32 v10, v9  }
0x27d: {  	v10 =	vld [tilespmem:$0x1FEB0]  }
0x27e: {  	v5 =	vsub.f32 v6, v5;
	v6 =	vadd.f32 v9, v8;
	v9 =	vld [tilespmem:$0x1FF80];
	_ =	sdelay $0x2  }
0x27f: {  	s0 =	sand.u32 $0xF, s0  }
0x280: {  	v11 =	vmov s0;
	v7 =	vld [tilespmem:$0x1FEC0];
	v10 =	vmul.f32 $-8.999968760e-01, v10  }
0x281: {  	vm1 =	veq.s32 v11, v15;
	v5 =	vmul.f32 v5, v9;
	v9 =	vld [tilespmem:$0x1FE60]  }
0x282: {  	v8 =	vnsel vm1, $0x0, v10;
	v10 =	vld [tilespmem:$0x1FE70];
	_ =	sdelay $0x3  }
0x283: {  	v11 =	vld [tilespmem:$0x1FE90]  }
0x284: {  	v7 =	vmul.f32 $3.125195240e-06, v7;
	v9 =	vadd.f32 v10, v9;
	v10 =	vld [tilespmem:$0x1FE80];
	_ =	sdelay $0x1  }
0x285: {  	v7 =	vadd.f32 $-1.362425800e+00, v7;
	_ =	sdelay $0x1  }
0x286: {  	v3 =	vadd.f32 v3, v20;
	v7 =	vnsel vm0, $0x0, v7  }
0x287: {  	v6 =	vmul.f32 $3.125195240e-06, v6;
	v7 =	vadd.f32 v7, v8;
	v10 =	vadd.f32 v11, v10  }
0x288: {  	v3 =	vadd.f32 v5, v3  }
0x289: {  	v5 =	vsub.f32 v7, v6;
	v6 =	vadd.f32 v10, v9;
	v9 =	vld [tilespmem:$0x1FF10];
	_ =	sdelay $0x1  }
0x28a: {  	v11 =	vld [tilespmem:$0x1FE40]  }
0x28b: {  	v8 =	vld [tilespmem:$0x1FE50]  }
0x28c: {  	v10 =	vld [tilespmem:$0x1FE00]  }
0x28d: {  	v5 =	vmul.f32 v5, v9;
	v9 =	vld [tilespmem:$0x1FDF0]  }
0x28e: {  	s31 =	sand.u32 $0xF, s26  }
0x28f: {  	v20 =	vmov s31;
	v11 =	vmul.f32 $-8.999968760e-01, v11  }
0x290: {  	vm1 =	veq.s32 v20, v15  }
0x291: {  	v7 =	vnsel vm1, $0x0, v11;
	v11 =	vld [tilespmem:$0x1FE20]  }
0x292: {  	v8 =	vmul.f32 $3.125195240e-06, v8;
	v9 =	vadd.f32 v10, v9;
	v10 =	vld [tilespmem:$0x1FE10];
	_ =	sdelay $0x1  }
0x293: {  	v8 =	vadd.f32 $-1.362425800e+00, v8;
	_ =	sdelay $0x1  }
0x294: {  	v8 =	vnsel vm0, $0x0, v8  }
0x295: {  	v6 =	vmul.f32 $3.125195240e-06, v6;
	v7 =	vadd.f32 v8, v7;
	v10 =	vadd.f32 v11, v10  }
0x296: {  	v8 =	vld [tilespmem:$0x1FDE0];
	v3 =	vadd.f32 v5, v3  }
0x297: {  	v5 =	vsub.f32 v7, v6;
	v6 =	vadd.f32 v10, v9;
	v9 =	vld [tilespmem:$0x1FEA0]  }
0x298: {  	v11 =	vld [tilespmem:$0x1FDD0];
	_ =	sdelay $0x2  }
0x299: {  	v8 =	vmul.f32 $3.125195240e-06, v8;
	v10 =	vld [tilespmem:$0x1FD90]  }
0x29a: {  	s2 =	sand.u32 $0xF, s3;
	v5 =	vmul.f32 v5, v9;
	v9 =	vld [tilespmem:$0x1FD80]  }
0x29b: {  	v20 =	vmov s2;
	v8 =	vadd.f32 $-1.362425800e+00, v8;
	v11 =	vmul.f32 $-8.999968760e-01, v11  }
0x29c: {  	vm1 =	veq.s32 v20, v15  }
0x29d: {  	v8 =	vnsel vm0, $0x0, v8;
	v7 =	vnsel vm1, $0x0, v11;
	v11 =	vld [tilespmem:$0x1FDB0]  }
0x29e: {  	v7 =	vadd.f32 v8, v7;
	v8 =	vld [tilespmem:$0x1FD70]  }
0x29f: {  	v9 =	vadd.f32 v10, v9;
	v10 =	vld [tilespmem:$0x1FDA0]  }
0x2a0: {  	v12 =	vld [tilespmem:$0x1FD60];
	_ =	sdelay $0x2  }
0x2a1: {  	v8 =	vmul.f32 $3.125195240e-06, v8  }
0x2a2: {  	s3 =	sand.u32 $0xF, s5;
	v6 =	vmul.f32 $3.125195240e-06, v6;
	v10 =	vadd.f32 v11, v10  }
0x2a3: {  	v20 =	vmul.f32 $-8.999968760e-01, v12;
	v12 =	vmov s3;
	v8 =	vadd.f32 $-1.362425800e+00, v8  }
0x2a4: {  	vm1 =	veq.s32 v12, v15;
	v6 =	vsub.f32 v7, v6;
	v7 =	vadd.f32 v10, v9  }
0x2a5: {  	v3 =	vadd.f32 v5, v3;
	v5 =	vnsel vm1, $0x0, v20;
	v8 =	vnsel vm0, $0x0, v8  }
0x2a6: {  	v5 =	vadd.f32 v8, v5;
	v8 =	vld [tilespmem:$0x1FD20];
	v7 =	vmul.f32 $3.125195240e-06, v7  }
0x2a7: {  	v9 =	vld [tilespmem:$0x1FE30]  }
0x2a8: {  	v5 =	vsub.f32 v5, v7;
	v7 =	vld [tilespmem:$0x1FD10]  }
0x2a9: {  	v11 =	vld [tilespmem:s18+$0x160];
	_ =	sdelay $0x2  }
0x2aa: {  	v6 =	vmul.f32 v6, v9;
	v9 =	vld [tilespmem:$0x1FD40]  }
0x2ab: {  	v7 =	vadd.f32 v8, v7;
	v8 =	vld [tilespmem:$0x1FD30]  }
0x2ac: {  	v2 =	vadd.f32 v11, v2;
	v11 =	vld [tilespmem:$0x1FDC0]  }
0x2ad: {  	s5 =	sand.u32 $0xF, s7  }
0x2ae: {  	v10 =	vmov s5;
	v3 =	vadd.f32 v6, v3;
	v6 =	vld [tilespmem:$0x1FD00]  }
0x2af: {  	vm1 =	veq.s32 v10, v15;
	v10 =	vld [tilespmem:$0x1FCA0]  }
0x2b0: {  	v8 =	vadd.f32 v9, v8;
	v9 =	vld [tilespmem:$0x1FCF0]  }
0x2b1: {  	v5 =	vmul.f32 v5, v11;
	v11 =	vld [tilespmem:$0x1FCB0];
	_ =	sdelay $0x1  }
0x2b2: {  	v6 =	vmul.f32 $3.125195240e-06, v6;
	_ =	sdelay $0x1  }
0x2b3: {  	v6 =	vadd.f32 $-1.362425800e+00, v6;
	v9 =	vmul.f32 $-8.999968760e-01, v9  }
0x2b4: {  	v12 =	vld [tilespmem:$0x1FCD0];
	v10 =	vadd.f32 v11, v10  }
0x2b5: {  	v11 =	vld [tilespmem:$0x1FCC0];
	v7 =	vadd.f32 v8, v7;
	v6 =	vnsel vm0, $0x0, v6;
	v8 =	vnsel vm1, $0x0, v9  }
0x2b6: {  	v3 =	vadd.f32 v5, v3;
	v5 =	vadd.f32 v6, v8;
	v8 =	vld [tilespmem:$0x1FC80];
	_ =	sdelay $0x1  }
0x2b7: {  	v9 =	vld [tilespmem:$0x1FC90];
	_ =	sdelay $0x1  }
0x2b8: {  	s7 =	sand.u32 $0xF, s8;
	v6 =	vmul.f32 $3.125195240e-06, v7  }
0x2b9: {  	s8 =	sand.u32 $0xF, s17;
	v11 =	vadd.f32 v12, v11;
	v7 =	vmov s7;
	v8 =	vmul.f32 $-8.999968760e-01, v8  }
0x2ba: {  	v12 =	vmov s8;
	vm1 =	veq.s32 v7, v15;
	v5 =	vsub.f32 v5, v6  }
0x2bb: {  	v9 =	vmul.f32 $3.125195240e-06, v9;
	v6 =	vnsel vm1, $0x0, v8;
	vm1 =	veq.s32 v12, v15;
	v12 =	vld [tilespmem:$0x1FD50];
	_ =	sdelay $0x1  }
0x2bc: {  	v9 =	vadd.f32 $-1.362425800e+00, v9  }
0x2bd: {  	(v2sf) =	vpush v19, $0xE  }
0x2be: {  	v4 =	vadd.f32 v63, v4;
	v8 =	vadd.f32 v11, v10;
	v7 =	vnsel vm0, $0x0, v9  }
0x2bf: {  	v6 =	vadd.f32 v7, v6;
	v7 =	vmul.f32 $3.125195240e-06, v14;
	v5 =	vmul.f32 v5, v12  }
0x2c0: {  	v11 =	vadd.f32 v23, v21;
	v9 =	vadd.f32 v22, v17  }
0x2c1: {  	v13 =	vmul.f32 $-8.999968760e-01, v13;
	v7 =	vadd.f32 $-1.362425800e+00, v7;
	v3 =	vadd.f32 v5, v3;
	v5 =	vld [tilespmem:$0x1FCE0]  }
0x2c2: {  	v1 =	vadd.f32 v61, v1;
	v10 =	vld [tilespmem:s18+$0x170];
	v8 =	vmul.f32 $3.125195240e-06, v8;
	v9 =	vadd.f32 v11, v9  }
0x2c3: {  	v4 =	vadd.f32 v62, v4;
	v12 =	vnsel vm1, $0x0, v13;
	v7 =	vnsel vm0, $0x0, v7  }
0x2c4: {  	v11 =	vld [tilespmem:s18+$0x1A0];
	v6 =	vsub.f32 v6, v8;
	v8 =	vmul.f32 $3.125195240e-06, v9;
	v7 =	vadd.f32 v7, v12  }
0x2c5: {  	v1 =	vadd.f32 v60, v1;
	v4 =	vadd.f32 v55, v4  }
0x2c6: {  	v13 =	vld [tilespmem:s18+$0x1B0];
	v9 =	vmul.f32 $3.125195240e-06, v33;
	v5 =	vmul.f32 v6, v5;
	v6 =	vsub.f32 v7, v8  }
0x2c7: {  	v0 =	vadd.f32 v10, v0;
	v10 =	vadd.f32 v36, v34;
	v12 =	vmul.f32 $-8.999968760e-01, v31  }
0x2c8: {  	s17 =	sand.u32 $0xF, s28;
	v9 =	vadd.f32 $-1.362425800e+00, v9;
	v3 =	vadd.f32 v5, v3;
	v5 =	vmul.f32 v6, v16  }
0x2c9: {  	v2 =	vadd.f32 v11, v2;
	v11 =	vmov s17;
	v7 =	vadd.f32 v30, v29  }
0x2ca: {  	v6 =	vadd.f32 v28, v27;
	v3 =	vadd.f32 v5, v3;
	v5 =	vmul.f32 $3.125195240e-06, v26  }
0x2cb: {  	s16 =	sand.u32 $0xF, s19;
	v9 =	vnsel vm0, $0x0, v9;
	v0 =	vadd.f32 v13, v0;
	v8 =	vmul.f32 $-8.999968760e-01, v24  }
0x2cc: {  	v6 =	vadd.f32 v7, v6;
	v7 =	vmov s16;
	v5 =	vadd.f32 $-1.362425800e+00, v5  }
0x2cd: {  	v16 =	vmul.f32 $-8.999968760e-01, v53;
	vm1 =	veq.s32 v7, v15;
	v7 =	vadd.f32 v37, v35  }
0x2ce: {  	s19 =	sand.u32 $0xF, s1;
	v8 =	vnsel vm1, $0x0, v8;
	vm1 =	veq.s32 v11, v15;
	v5 =	vnsel vm0, $0x0, v5  }
0x2cf: {  	v6 =	vmul.f32 $3.125195240e-06, v6;
	v11 =	vmov s19;
	v5 =	vadd.f32 v5, v8  }
0x2d0: {  	v7 =	vadd.f32 v10, v7;
	v10 =	vadd.f32 v44, v42;
	v8 =	vnsel vm1, $0x0, v12  }
0x2d1: {  	v5 =	vsub.f32 v5, v6;
	v6 =	vadd.f32 v9, v8;
	v8 =	vmul.f32 $3.125195240e-06, v40  }
0x2d2: {  	v7 =	vmul.f32 $3.125195240e-06, v7;
	v12 =	vmul.f32 $-8.999968760e-01, v39;
	v9 =	vadd.f32 v43, v41  }
0x2d3: {  	vm1 =	veq.s32 v11, v15;
	v11 =	vmul.f32 $-8.999968760e-01, v46;
	v8 =	vadd.f32 $-1.362425800e+00, v8  }
0x2d4: {  	p0 =	seq.s32 s29, $0x2;
	s1 =	rddreg [dreg:$0xa];
	v5 =	vmul.f32 v5, v25;
	v6 =	vsub.f32 v6, v7;
	v7 =	vadd.f32 v10, v9  }
0x2d5: {  	s1 =	sadd.s32 @!p0 s30, s1;
	v9 =	vnsel vm1, $0x0, v12;
	v12 =	vmul.f32 $3.125195240e-06, v47;
	v8 =	vnsel vm0, $0x0, v8  }
0x2d6: {  	s26 =	sand.u32 $0xF, s4;
	s0 =	sshrl.u32 @!p0 s1, $0x3;
	v3 =	vadd.f32 v5, v3;
	v5 =	vmul.f32 v6, v32;
	v6 =	vadd.f32 v8, v9  }
0x2d7: {  	s28 =	spop (v2sf);
	s0 =	smul.u32 @!p0 $0x7D00, s0;
	v10 =	vmov s26;
	v8 =	vadd.f32 v50, v48;
	v9 =	vadd.f32 v51, v49  }
0x2d8: {  	s30 =	sand.u32 $0xFFFFFFF0, s28;
	v17 =	vld [tilespmem:$0x100];
	vm1 =	veq.s32 v10, v15;
	v7 =	vmul.f32 $3.125195240e-06, v7;
	v10 =	vadd.f32 $-1.362425800e+00, v12  }
0x2d9: {  	s4 =	simm.s32 @!p0 $0x80;
	s1 =	sadd.s32 @!p0 s6, s0;
	v13 =	vld [tilespmem:s30+$0x100];
	v12 =	vmul.f32 $3.125195240e-06, v54;
	v3 =	vadd.f32 v5, v3;
	v5 =	vadd.f32 v9, v8  }
0x2da: {  	s31 =	sand.u32 $0xF, s15;
	s5 =	simm.s32 @!p0 $0x400;
	s7 =	simm.s32 @!p0 $0x100;
	v10 =	vnsel vm0, $0x0, v10;
	v8 =	vld [tilespmem:s18+$0x1E0];
	v6 =	vsub.f32 v6, v7;
	v7 =	vnsel vm1, $0x0, v11  }
0x2db: {  	v14 =	vadd.f32 v57, v56;
	v9 =	vld [tilespmem:s18+$0x1F0];
	[tilespmem:s7], [sflag:$0x1] =	stream.strided.gather @!p0 [hbm4b:s1+s4], $0x7D00, s5, s4, $0x38;
	v7 =	vadd.f32 v10, v7;
	v5 =	vmul.f32 $3.125195240e-06, v5  }
0x2dc: {  	v12 =	vadd.f32 $-1.362425800e+00, v12;
	v11 =	vadd.f32 v59, v58;
	v10 =	vmov s31;
	_ =	swait.ge [sflag:s25], $0x7D00  }
0x2dd: {  	v6 =	vmul.f32 v6, v38;
	vm1 =	veq.s32 v10, v15;
	[sflag:s25] =	ssyncset.done $0x0;
	v5 =	vsub.f32 v7, v5  }
0x2de: {  	s1 =	simm.s32 $0x0;
	v11 =	vadd.f32 v14, v11;
	v10 =	vnsel vm0, $0x0, v12;
	[sflag:s25] =	ssyncadd.s32 $0xFFFF8300;
	v7 =	vnsel vm1, $0x0, v16  }
0x2df: {  	v6 =	vadd.f32 v6, v3;
	v3 =	vld [tilespmem:s1+$0x7EC0];
	v2 =	vadd.f32 v8, v2;
	v8 =	vmul.f32 v5, v45  }
0x2e0: {  	v14 =	vld [tilespmem:s1+$0x7E00];
	v7 =	vadd.f32 v10, v7;
	v10 =	vmul.f32 $3.125195240e-06, v11;
	v0 =	vadd.f32 v9, v0  }
0x2e1: {  	v1 =	vadd.f32 v4, v1;
	s2 =	sand.u32 $0xF, s28;
	v16 =	vld [tilespmem:s1+$0x7E20];
	v9 =	vadd.f32 v8, v6;
	v8 =	vmul.f32 $3.125195240e-06, v17  }
0x2e2: {  	v4 =	vmov s2;
	v5 =	vld [tilespmem:s1+$0x7ED0];
	v7 =	vsub.f32 v7, v10;
	v2 =	vadd.f32 v0, v2  }
0x2e3: {  	vm1 =	veq.s32 v4, v15;
	v11 =	vmul.f32 $-8.999968760e-01, v13;
	v6 =	vld [tilespmem:s1+$0x7E80];
	v12 =	vadd.f32 $-1.362425800e+00, v8  }
0x2e4: {  	v13 =	vimm.f32 $0.0e+00;
	v17 =	vld [tilespmem:s1+$0x7E10];
	v10 =	vmul.f32 v7, v52;
	v4 =	vadd.f32 v2, v1  }
0x2e5: {  	v7 =	vld [tilespmem:s1+$0x7E90];
	v1 =	vnsel vm1, $0x0, v11;
	v11 =	vimm.f32 $0.0e+00;
	v2 =	vnsel vm0, $0x0, v12  }
0x2e6: {  	v8 =	vld [tilespmem:s1+$0x7E40];
	v0 =	vadd.f32 v10, v9;
	v2 =	vadd.f32 v2, v1;
	v1 =	vimm.s32 $0xE  }
0x2e7: {  	s2 =	simm.s32 $0x400;
	s8 =	smov.u32 s6;
	v9 =	vld [tilespmem:s1+$0x7E50];
	v10 =	vimm.f32 $0.0e+00;
	v12 =	vimm.f32 $0.0e+00;
	v1 =	vperm.xlane v18, v1  }
.LBB2_33:
0x2e8: {  	p1 =	sne.s32 s2, $0x1F000;
	v20 =	vld [tilespmem:s1+$0x7E30]  }
0x2e9: {  	v21 =	vld [tilespmem:s1+$0x7E60]  }
0x2ea: {  	v22 =	vld [tilespmem:s1+$0x7E70]  }
0x2eb: {  	v23 =	vld [tilespmem:s1+$0x7EA0]  }
0x2ec: {  	v10 =	vadd.f32 v14, v10;
	v13 =	vadd.f32 v17, v13;
	v14 =	vld [tilespmem:s1+$0x7EB0]  }
0x2ed: {  	v11 =	vadd.f32 v16, v11;
	v12 =	vadd.f32 v20, v12;
	v16 =	vld [tilespmem:s1+$0x7EE0]  }
0x2ee: {  	v8 =	vadd.f32 v8, v10;
	v9 =	vadd.f32 v9, v13;
	v17 =	vld [tilespmem:s1+$0x7EF0];
	s1 =	sshra.s32 s2, $0x2  }
0x2ef: {  	v10 =	vadd.f32 v21, v11;
	v20 =	vld [tilespmem:s1+$0x7EC0];
	v11 =	vadd.f32 v22, v12  }
0x2f0: {  	v8 =	vadd.f32 v6, v8;
	v9 =	vadd.f32 v7, v9;
	v21 =	vld [tilespmem:s1+$0x7ED0]  }
0x2f1: {  	v12 =	vadd.f32 v23, v10;
	v6 =	vld [tilespmem:s1+$0x7E80];
	v14 =	vadd.f32 v14, v11  }
0x2f2: {  	v10 =	vadd.f32 v3, v8;
	v13 =	vadd.f32 v5, v9;
	v7 =	vld [tilespmem:s1+$0x7E90]  }
.Ltmp15:
0x2f3: {  	v11 =	vadd.f32 v16, v12;
	v8 =	vld [tilespmem:s1+$0x7E40];
	v12 =	vadd.f32 v17, v14;
	(pc) =	sbr.rel @p1 .LBB2_33-.Ltmp15, $4  }
0x2f4: {  	v9 =	vld [tilespmem:s1+$0x7E50];
	v3 =	vmov v20  }
0x2f5: {  	v14 =	vld [tilespmem:s1+$0x7E00];
	v5 =	vmov v21  }
0x2f6: {  	v17 =	vld [tilespmem:s1+$0x7E10]  }
0x2f7: {  	s2 =	sadd.s32 $0x400, s2;
	v16 =	vld [tilespmem:s1+$0x7E20]  }
0x2f8: {  	(v2sf) =	vpush v19, $0xF;
	_ =	sdelay $0x7  }
0x2f9: {  	v19 =	vld [tilespmem:s1+$0x7E30]  }
0x2fa: {  	v20 =	vld [tilespmem:s1+$0x7E60]  }
0x2fb: {  	v21 =	vld [tilespmem:s1+$0x7E70]  }
0x2fc: {  	v22 =	vld [tilespmem:s1+$0x7EA0]  }
0x2fd: {  	v10 =	vadd.f32 v14, v10;
	v14 =	vld [tilespmem:s1+$0x7EB0];
	v13 =	vadd.f32 v17, v13  }
0x2fe: {  	v49 =	vld [tilespmem:s1+$0x7EF0];
	v11 =	vadd.f32 v16, v11;
	v12 =	vadd.f32 v19, v12  }
0x2ff: {  	v16 =	vld [tilespmem:s1+$0x7EE0];
	v8 =	vadd.f32 v8, v10;
	v9 =	vadd.f32 v9, v13  }
0x300: {  	v13 =	vld [tilespmem:$0x7E00];
	v11 =	vadd.f32 v20, v11;
	v12 =	vadd.f32 v21, v12;
	s31 =	spop (v2sf)  }
0x301: {  	v6 =	vadd.f32 v6, v8;
	v7 =	vadd.f32 v7, v9;
	s2 =	sand.u32 $0xFFFFFFF0, s31  }
0x302: {  	v50 =	vadd.f32 v22, v11;
	v51 =	vadd.f32 v14, v12;
	v52 =	vld [tilespmem:s2+$0x7E00]  }
0x303: {  	v3 =	vadd.f32 v3, v6;
	v5 =	vadd.f32 v5, v7  }
0x304: {  	v53 =	vadd.f32 v16, v50;
	v54 =	vadd.f32 v49, v51  }
0x305: {  	v55 =	vmul.f32 $3.125195240e-06, v13  }
0x306: {  	v3 =	vadd.f32 v5, v3;
	v56 =	vadd.f32 v54, v53;
	s1 =	sand.u32 $0xF, s31  }
0x307: {  	v8 =	vadd.f32 $-1.362425800e+00, v55;
	v57 =	vmov s1;
	v58 =	vmul.f32 $-8.999968760e-01, v52  }
0x308: {  	v4 =	vmul.f32 $-3.125195240e-06, v4;
	s0 =	sadd.s32 @!p0 s0, s9;
	s3 =	simm.s32 @!p0 $0x7E00;
	v3 =	vadd.f32 v56, v3;
	vm1 =	veq.s32 v57, v15  }
0x309: {  	s29 =	sadd.s32 $0x1, s29;
	v60 =	vnsel vm0, $0x0, v8;
	s1 =	simm.s32 @!p0 $0x80;
	s2 =	simm.s32 @!p0 $0x400;
	v59 =	vnsel vm1, $0x0, v58  }
0x30a: {  	v2 =	vadd.f32 v4, v2;
	v3 =	vmul.f32 $-3.125195240e-06, v3;
	[tilespmem:s3], [sflag:$0x2] =	stream.strided.gather @!p0 [hbm4b:s0+s1], $0x7D00, s2, s1, $0x38;
	v61 =	vadd.f32 v60, v59;
	[tilespmem:$0xFB80] =	vst v63  }
0x30b: {  	v62 =	vimm.s32 $0xF;
	p0 =	sne.s32 s29, $0x3  }
.Ltmp16:
0x30c: {  	v1 =	vmul.f32 v1, v2;
	v2 =	vperm.xlane v18, v62;
	v3 =	vadd.f32 v3, v61;
	(pc) =	sbr.rel @p0 .LBB2_2-.Ltmp16, $3  }
0x30d: {  	_ = 	snop  }
0x30e: {  	v0 =	vadd.f32 v1, v0;
	v63 =	vmul.f32 v2, v3;
	_ =	sdelay $0x1  }
0x30f: {  	s16 =	smov.u32 s9;
	s9 =	smov.u32 s10;
	s10 =	smov.u32 s11;
	v20 =	vadd.f32 v63, v0  }
0x310: {  	_ = 	snop  }
0x311: {  	s15 =	simm.s32 $0x0;
	s0 =	rddreg [dreg:$0xb];
	s1 =	simm.s32 $0xFB00;
	[tilespmem:$0xFB00] =	vst v20  }
0x312: {  	[hbm4b:s0+s15] =	stream.linear.scatter [tilespmem:s1], [sflag:$0x3], $0x80, $0x38;
	[tilespmem:$0xFB80] =	vst v63  }
0x313: {  	s1 =	simm.s32 $0x3  }
0x314: {  	_ =	swait.ge [sflag:s1], $0x80  }
0x315: {  	s2 =	rddreg [dreg:$0xd]  }
0x316: {  	s31 =	rddreg [dreg:$0xc];
	s2 =	sadd.s32 $0x1, s2  }
0x317: {  	p0 =	sne.s32 s2, s31  }
.Ltmp17:
0x318: {  	_ = 	snop;
	(pc) =	sbr.rel @p0 .LBB2_1-.Ltmp17, $3  }
0x319: {  	_ =	sdelay $0x1  }
0x31a: {  	[sflag:s1] =	ssyncset.done $0x0  }
0x31b: {  	[sflag:s1] =	ssyncadd.s32 $0xFFFFFF80  }
0x31c: {  	_ =	sfence.sel $0x180000  }
0x31d: {  	[bflag:$0x0] =	sbarrier.arrive $0xFFFF  }
0x31e: {  	_ =	strace $0x90000047  }
0x31f: {  	s0 =	stileid.u32;
	[bflag:$0x2] =	sbarrier.arrive $0xFFFF  }
0x320: {  	p0 =	sne.s32 s0, $0x0;
	s0 =	rddreg [dreg:$0x3]  }
0x321: {  	s0 =	sadd.s32 @!p0 $0x100000, s0  }
0x322: {  	[sflag:s0] =	ssyncadd.tile.s32 @!p0 $0x1;
	_ =	shalt  }
.Lfunc_end2:
_tile_overlayer_lowered:
.L_overlay_start_2:
0x323: {  	(tag) =	ssettag $0x2  }
0x324: {  	s0 =	rddreg [dreg:$0x0];
	s2 =	stileid.u32  }
0x325: {  	s1 =	rddreg [dreg:$0x1];
	p0 =	sne.s32 s2, $0x0  }
0x326: {  	s3 =	rddreg [dreg:$0x2];
	[bflag:$0x3] =	sbarrier.arrive $0xFFFF;
	s2 =	simm.s32 @!p0 $0x1C03  }
0x327: {  	[timem:s3], [sflag:s2] =	dma.local @!p0 [hbm:s0], s1  }
0x328: {  	s0 =	simm.s32 @!p0 $0x3  }
0x329: {  	_ =	swait.ge @!p0 [sflag:s0], s1  }
0x32a: {  	s1 =	ssub.s32 @!p0 $0x0, s1;
	[sflag:s0] =	ssyncset.done @!p0 $0x0  }
0x32b: {  	[sflag:s0] =	ssyncadd.s32 @!p0 s1  }
0x32c: {  	[bflag:$0x3] =	sbarrier.arrive $0xFFFF  }
0x32d: {  	_ =	shalt  }

</sc_bundles>
